<compile_context>
chip_gen: v7x
topology: tpu7x:2x2x1
jax: 0.10.2.dev20260603
libtpu: 0.0.44.dev20260713+nightly
codegen_flags: <defaults>
</compile_context>

<pallas_src>
import functools

import jax
import jax.numpy as jnp
from jax import lax
from jax.experimental import pallas as pl
from jax.experimental.pallas import tpu as pltpu
from jax.experimental.pallas import tpu_sc as plsc

GRID_H = 1024
GRID_W = 1024
BATCH = 16384
LANES = 16

_info = plsc.get_sparse_core_info()
_NC = _info.num_cores
_NS = _info.num_subcores
_NW = _NC * _NS
_PTS = BATCH // _NW
_NVREG = _PTS // LANES
_NBLK = 8
_BV = _NVREG // _NBLK
_BIDX = 4 * _BV * LANES


def _sc_body(xy_hbm, grid_hbm, s_hbm, o_hbm, out_hbm,
             xyv, wxv, wyv, outv, sov, iall, gall,
             sem_in, sem_a, sem_b):
    wid = lax.axis_index("s") * _NC + lax.axis_index("c")
    base = wid * _PTS
    cin0 = pltpu.async_copy(xy_hbm.at[:, pl.ds(base, _PTS)], xyv, sem_in)
    cin1 = pltpu.async_copy(s_hbm, sov.at[pl.ds(0, 1)], sem_in)
    cin2 = pltpu.async_copy(o_hbm, sov.at[pl.ds(8, 1)], sem_in)
    cin0.wait()

    def compute(g, carry):
        i = pl.multiple_of(g * LANES, LANES)
        xx = xyv[0, pl.ds(i, LANES)]
        yy = xyv[1, pl.ds(i, LANES)]
        xf = jnp.minimum(jnp.maximum(xx, 0.0), 1.0) * float(GRID_W - 1)
        yf = jnp.minimum(jnp.maximum(yy, 0.0), 1.0) * float(GRID_H - 1)
        x0 = xf.astype(jnp.int32)
        y0 = yf.astype(jnp.int32)
        wxv[pl.ds(i, LANES)] = xf - x0.astype(jnp.float32)
        wyv[pl.ds(i, LANES)] = yf - y0.astype(jnp.float32)
        dx = jnp.minimum(x0 + 1, GRID_W - 1) - x0
        r0 = y0 * GRID_W + x0
        r1 = jnp.minimum(y0 + 1, GRID_H - 1) * GRID_W + x0
        q = 4 * i
        iall[pl.ds(q, LANES)] = r0
        iall[pl.ds(q + LANES, LANES)] = r0 + dx
        iall[pl.ds(q + 2 * LANES, LANES)] = r1
        iall[pl.ds(q + 3 * LANES, LANES)] = r1 + dx
        return carry

    def make_blend(so, oo):
        def blend(g, carry):
            i = pl.multiple_of(g * LANES, LANES)
            q = 4 * i
            a00 = gall[pl.ds(q, LANES)]
            a01 = gall[pl.ds(q + LANES, LANES)]
            a10 = gall[pl.ds(q + 2 * LANES, LANES)]
            a11 = gall[pl.ds(q + 3 * LANES, LANES)]
            wx = wxv[pl.ds(i, LANES)]
            wy = wyv[pl.ds(i, LANES)]
            top = a00 + wx * (a01 - a00)
            bot = a10 + wx * (a11 - a10)
            val = top + wy * (bot - top)
            outv[pl.ds(i, LANES)] = val * so + oo
            return carry

        return blend

    sems = [sem_a, sem_b]
    copies = []
    for b in range(_NBLK):
        lax.fori_loop(b * _BV, (b + 1) * _BV, compute, 0, unroll=4)
        copies.append(pltpu.async_copy(
            grid_hbm.at[iall.at[pl.ds(b * _BIDX, _BIDX)]],
            gall.at[pl.ds(b * _BIDX, _BIDX)], sems[b % 2]))

    cin1.wait()
    cin2.wait()
    sovec = sov[...]
    so = jnp.broadcast_to(sovec[0], (LANES,))
    oo = jnp.broadcast_to(sovec[8], (LANES,))
    blend = make_blend(so, oo)
    for b in range(_NBLK):
        copies[b].wait()
        lax.fori_loop(b * _BV, (b + 1) * _BV, blend, 0, unroll=4)
        if b == _NBLK // 2 - 1:
            co_a = pltpu.async_copy(outv.at[pl.ds(0, _PTS // 2)],
                                    out_hbm.at[pl.ds(base, _PTS // 2)], sem_in)
    co_a.wait()
    pltpu.sync_copy(outv.at[pl.ds(_PTS // 2, _PTS // 2)],
                    out_hbm.at[pl.ds(base + _PTS // 2, _PTS // 2)])


_bilinear_sc = functools.partial(
    pl.kernel,
    out_type=jax.ShapeDtypeStruct((BATCH,), jnp.float32),
    mesh=plsc.VectorSubcoreMesh(core_axis_name="c", subcore_axis_name="s"),
    scratch_types=[
        pltpu.VMEM((2, _PTS), jnp.float32),
        pltpu.VMEM((_PTS,), jnp.float32),
        pltpu.VMEM((_PTS,), jnp.float32),
        pltpu.VMEM((_PTS,), jnp.float32),
        pltpu.VMEM((LANES,), jnp.float32),
        pltpu.VMEM((4 * _PTS,), jnp.int32),
        pltpu.VMEM((4 * _PTS,), jnp.float32),
        pltpu.SemaphoreType.DMA,
        pltpu.SemaphoreType.DMA,
        pltpu.SemaphoreType.DMA,
    ],
)(_sc_body)


def kernel(xy, grid, scale, offset):
    xyT = xy.T
    gflat = grid.reshape(-1)
    s1 = jnp.asarray(scale, jnp.float32).reshape(1)
    o1 = jnp.asarray(offset, jnp.float32).reshape(1)
    return _bilinear_sc(xyT, gflat, s1, o1)

# --- scband reference (transcript-rebuilt; emitter-appended) ---
"""Pipeline reference for scband-physics-manifold-87411174409025 (READ-ONLY COPY).

The authoritative reference and input builder live on the scoring server;
editing this copy changes nothing except your own understanding.
"""

import jax, jax.numpy as jnp
import numpy as np

GRID_H = 1024
GRID_W = 1024
BATCH = 16384
X_MIN, X_MAX = 0.0, 1.0
Y_MIN, Y_MAX = 0.0, 1.0


def setup_inputs(seed: int = 0) -> dict:
    key = jax.random.key(seed)
    k1, k2 = jax.random.split(key)
    xy = jax.random.uniform(k1, (BATCH, 2), dtype=jnp.float32)
    grid = jax.random.normal(k2, (GRID_H, GRID_W), dtype=jnp.float32)
    scale = jnp.asarray(1.0, dtype=jnp.float32)
    offset = jnp.asarray(0.0, dtype=jnp.float32)
    return {"xy": xy, "grid": grid, "scale": scale, "offset": offset}


def _grid_sample_bilinear_border(grid, x_norm, y_norm):
    # Equivalent to F.grid_sample(mode='bilinear', padding_mode='border', align_corners=True)
    # for a single-channel (1,1,H,W) grid sampled at (batch,) points.
    H, W = grid.shape
    xf = (x_norm + 1.0) * 0.5 * (W - 1)
    yf = (y_norm + 1.0) * 0.5 * (H - 1)
    x0 = jnp.floor(xf)
    y0 = jnp.floor(yf)
    wx = xf - x0
    wy = yf - y0
    x0i = jnp.clip(x0.astype(jnp.int32), 0, W - 1)
    x1i = jnp.clip(x0i + 1, 0, W - 1)
    y0i = jnp.clip(y0.astype(jnp.int32), 0, H - 1)
    y1i = jnp.clip(y0i + 1, 0, H - 1)
    flat = grid.reshape(-1)
    g00 = jnp.take(flat, y0i * W + x0i)
    g01 = jnp.take(flat, y0i * W + x1i)
    g10 = jnp.take(flat, y1i * W + x0i)
    g11 = jnp.take(flat, y1i * W + x1i)
    top = g00 * (1.0 - wx) + g01 * wx
    bot = g10 * (1.0 - wx) + g11 * wx
    return top * (1.0 - wy) + bot * wy


def reference(xy, grid, scale, offset):
    x = xy[:, 0]
    y = xy[:, 1]
    x_norm = 2.0 * (x - X_MIN) / (X_MAX - X_MIN) - 1.0
    y_norm = 2.0 * (y - Y_MIN) / (Y_MAX - Y_MIN) - 1.0
    x_norm = jnp.clip(x_norm, -1.0, 1.0)
    y_norm = jnp.clip(y_norm, -1.0, 1.0)
    manifold_val = _grid_sample_bilinear_border(grid, x_norm, y_norm)
    return scale * manifold_val + offset

if __name__ == "__main__":
    import jax
    _d = setup_inputs()
    print(jax.jit(kernel)(*tuple(_d.values())))

</pallas_src>

<mosaic_0001>
#map = affine_map<(d0, d1) -> (0, 0)>
#map1 = affine_map<(d0, d1) -> (0)>
module attributes {stable_mosaic.version = 14 : i64} {
  func.func @_sc_body(%arg0: i32, %arg1: i32, %arg2: memref<2x16384xf32, #tpu.memory_space<hbm>>, %arg3: memref<1048576xf32, #tpu.memory_space<hbm>>, %arg4: memref<1xf32, #tpu.memory_space<hbm>>, %arg5: memref<1xf32, #tpu.memory_space<hbm>>, %arg6: memref<16384xf32, #tpu.memory_space<hbm>>, %arg7: memref<2x512xf32, #tpu.memory_space<vmem>>, %arg8: memref<512xf32, #tpu.memory_space<vmem>>, %arg9: memref<512xf32, #tpu.memory_space<vmem>>, %arg10: memref<512xf32, #tpu.memory_space<vmem>>, %arg11: memref<16xf32, #tpu.memory_space<vmem>>, %arg12: memref<2048xi32, #tpu.memory_space<vmem>>, %arg13: memref<2048xf32, #tpu.memory_space<vmem>>, %arg14: memref<!tpu.dma_semaphore, #tpu.memory_space<semaphore_mem>>, %arg15: memref<!tpu.dma_semaphore, #tpu.memory_space<semaphore_mem>>, %arg16: memref<!tpu.dma_semaphore, #tpu.memory_space<semaphore_mem>>) attributes {dimension_semantics = [#tpu.dimension_semantics<core_parallel>, #tpu.dimension_semantics<subcore_parallel>], iteration_bounds = array<i64: 2, 16>, scalar_prefetch = 0 : i64, scratch_operands = 10 : i64, tpu.core_type = #tpu.core_type<sc_vector_subcore>, window_params = [{transform_indices = #map}, {transform_indices = #map1}, {transform_indices = #map1}, {transform_indices = #map1}, {transform_indices = #map1}]} {
    %mul3A = arith.constant 2 : i32
    %mul3A_0 = arith.muli %arg1, %mul3A : i32
    %add3A = arith.addi %mul3A_0, %arg0 : i32
    %mul3A_1 = arith.constant 512 : i32
    %mul3A_2 = arith.muli %add3A, %mul3A_1 : i32
    %dma_start3A = arith.constant 0 : i32
    %dma_start3A_3 = tpu.memref_slice %arg2[%dma_start3A, %mul3A_2] : memref<2x16384xf32, #tpu.memory_space<hbm>> -> memref<2x512xf32, #tpu.memory_space<hbm>>
    %dma_start3A_4 = arith.constant 0 : i32
    %dma_start3A_5 = tpu.memref_slice %arg2[%dma_start3A_4, %mul3A_2] : memref<2x16384xf32, #tpu.memory_space<hbm>> -> memref<2x512xf32, #tpu.memory_space<hbm>>
    tpu.enqueue_dma source(%dma_start3A_5 : memref<2x512xf32, #tpu.memory_space<hbm>>) target(%arg7 : memref<2x512xf32, #tpu.memory_space<vmem>>) target_semaphore(%arg14 : memref<!tpu.dma_semaphore, #tpu.memory_space<semaphore_mem>>)
    %dma_start3A_6 = arith.constant 0 : i32
    %dma_start3A_7 = tpu.memref_slice %arg11[%dma_start3A_6] : memref<16xf32, #tpu.memory_space<vmem>> -> memref<1xf32, #tpu.memory_space<vmem>>
    %dma_start3A_8 = arith.constant 0 : i32
    %dma_start3A_9 = tpu.memref_slice %arg11[%dma_start3A_8] : memref<16xf32, #tpu.memory_space<vmem>> -> memref<1xf32, #tpu.memory_space<vmem>>
    tpu.enqueue_dma source(%arg4 : memref<1xf32, #tpu.memory_space<hbm>>) target(%dma_start3A_9 : memref<1xf32, #tpu.memory_space<vmem>>) target_semaphore(%arg14 : memref<!tpu.dma_semaphore, #tpu.memory_space<semaphore_mem>>)
    %dma_start3A_10 = arith.constant 8 : i32
    %dma_start3A_11 = tpu.memref_slice %arg11[%dma_start3A_10] : memref<16xf32, #tpu.memory_space<vmem>> -> memref<1xf32, #tpu.memory_space<vmem>>
    %dma_start3A_12 = arith.constant 8 : i32
    %dma_start3A_13 = tpu.memref_slice %arg11[%dma_start3A_12] : memref<16xf32, #tpu.memory_space<vmem>> -> memref<1xf32, #tpu.memory_space<vmem>>
    tpu.enqueue_dma source(%arg5 : memref<1xf32, #tpu.memory_space<hbm>>) target(%dma_start3A_13 : memref<1xf32, #tpu.memory_space<vmem>>) target_semaphore(%arg14 : memref<!tpu.dma_semaphore, #tpu.memory_space<semaphore_mem>>)
    %dma_wait3A = arith.constant 0 : i32
    %dma_wait3A_14 = tpu.memref_slice %arg2[%dma_wait3A, %mul3A_2] : memref<2x16384xf32, #tpu.memory_space<hbm>> -> memref<2x512xf32, #tpu.memory_space<hbm>>
    %dma_wait3A_15 = arith.constant 0 : i32
    %dma_wait3A_16 = tpu.memref_slice %arg2[%dma_wait3A_15, %mul3A_2] : memref<2x16384xf32, #tpu.memory_space<hbm>> -> memref<2x512xf32, #tpu.memory_space<hbm>>
    tpu.wait_dma2 semaphore(%arg14 : memref<!tpu.dma_semaphore, #tpu.memory_space<semaphore_mem>>) src(%dma_wait3A_16 : memref<2x512xf32, #tpu.memory_space<hbm>>) dst(%arg7 : memref<2x512xf32, #tpu.memory_space<vmem>>)
    %scan3A = arith.constant 0 : i32
    %scan3A_17 = arith.constant 0 : i32
    %mul3A_18 = arith.constant 16 : i32
    %mul3A_19 = arith.muli %scan3A_17, %mul3A_18 : i32
    %multiple_of3A = tpu.assume_multiple %mul3A_19, 16 : i32
    %get3A = arith.constant 0 : i32
    %get3A_20 = arith.index_cast %get3A : i32 to index
    %get3A_21 = arith.index_cast %multiple_of3A : i32 to index
    %get3A_22 = tpu.vector_load %arg7[%get3A_20, %get3A_21] {strides = array<i32>} : memref<2x512xf32, #tpu.memory_space<vmem>>, vector<1x16xf32>,
    %get3A_23 = vector.shape_cast %get3A_22 : vector<1x16xf32> to vector<16xf32>
    %get3A_24 = arith.constant 1 : i32
    %get3A_25 = arith.index_cast %get3A_24 : i32 to index
    %get3A_26 = arith.index_cast %multiple_of3A : i32 to index
    %get3A_27 = tpu.vector_load %arg7[%get3A_25, %get3A_26] {strides = array<i32>} : memref<2x512xf32, #tpu.memory_space<vmem>>, vector<1x16xf32>,
    %get3A_28 = vector.shape_cast %get3A_27 : vector<1x16xf32> to vector<16xf32>
    %max3A = arith.constant 0.000000e+00 : f32
    %max3A_29 = vector.broadcast %max3A : f32 to vector<16xf32>
    %max3A_30 = arith.maximumf %get3A_23, %max3A_29 : vector<16xf32>
    %min3A = arith.constant 1.000000e+00 : f32
    %min3A_31 = vector.broadcast %min3A : f32 to vector<16xf32>
    %min3A_32 = arith.minimumf %max3A_30, %min3A_31 : vector<16xf32>
    %mul3A_33 = arith.constant 1.023000e+03 : f32
    %mul3A_34 = vector.broadcast %mul3A_33 : f32 to vector<16xf32>
    %mul3A_35 = arith.mulf %min3A_32, %mul3A_34 : vector<16xf32>
    %max3A_36 = arith.constant 0.000000e+00 : f32
    %max3A_37 = vector.broadcast %max3A_36 : f32 to vector<16xf32>
    %max3A_38 = arith.maximumf %get3A_28, %max3A_37 : vector<16xf32>
    %min3A_39 = arith.constant 1.000000e+00 : f32
    %min3A_40 = vector.broadcast %min3A_39 : f32 to vector<16xf32>
    %min3A_41 = arith.minimumf %max3A_38, %min3A_40 : vector<16xf32>
    %mul3A_42 = arith.constant 1.023000e+03 : f32
    %mul3A_43 = vector.broadcast %mul3A_42 : f32 to vector<16xf32>
    %mul3A_44 = arith.mulf %min3A_41, %mul3A_43 : vector<16xf32>
    %convert_element_type3A = arith.fptosi %mul3A_35 : vector<16xf32> to vector<16xi32>
    %convert_element_type3A_45 = arith.fptosi %mul3A_44 : vector<16xf32> to vector<16xi32>
    %convert_element_type3A_46 = arith.sitofp %convert_element_type3A : vector<16xi32> to vector<16xf32>
    %sub3A = arith.subf %mul3A_35, %convert_element_type3A_46 : vector<16xf32>
    %swap3A = arith.index_cast %multiple_of3A : i32 to index
    %swap3A_47 = tpu.vector_load %arg8[%swap3A] {strides = array<i32>} : memref<512xf32, #tpu.memory_space<vmem>>, vector<16xf32>,
    %swap3A_48 = vector.shape_cast %swap3A_47 : vector<16xf32> to vector<16xf32>
    %swap3A_49 = vector.shape_cast %sub3A : vector<16xf32> to vector<16xf32>
    tpu.vector_store %arg8[%swap3A], %swap3A_49 {strides = array<i32>} : memref<512xf32, #tpu.memory_space<vmem>>, vector<16xf32>,
    %convert_element_type3A_50 = arith.sitofp %convert_element_type3A_45 : vector<16xi32> to vector<16xf32>
    %sub3A_51 = arith.subf %mul3A_44, %convert_element_type3A_50 : vector<16xf32>
    %swap3A_52 = arith.index_cast %multiple_of3A : i32 to index
    %swap3A_53 = tpu.vector_load %arg9[%swap3A_52] {strides = array<i32>} : memref<512xf32, #tpu.memory_space<vmem>>, vector<16xf32>,
    %swap3A_54 = vector.shape_cast %swap3A_53 : vector<16xf32> to vector<16xf32>
    %swap3A_55 = vector.shape_cast %sub3A_51 : vector<16xf32> to vector<16xf32>
    tpu.vector_store %arg9[%swap3A_52], %swap3A_55 {strides = array<i32>} : memref<512xf32, #tpu.memory_space<vmem>>, vector<16xf32>,
    %add3A_56 = arith.constant 1 : i32
    %add3A_57 = vector.broadcast %add3A_56 : i32 to vector<16xi32>
    %add3A_58 = arith.addi %convert_element_type3A, %add3A_57 : vector<16xi32>
    %min3A_59 = arith.constant 1023 : i32
    %min3A_60 = vector.broadcast %min3A_59 : i32 to vector<16xi32>
    %min3A_61 = arith.minsi %add3A_58, %min3A_60 : vector<16xi32>
    %sub3A_62 = arith.subi %min3A_61, %convert_element_type3A : vector<16xi32>
    %mul3A_63 = arith.constant 1024 : i32
    %mul3A_64 = vector.broadcast %mul3A_63 : i32 to vector<16xi32>
    %mul3A_65 = arith.muli %convert_element_type3A_45, %mul3A_64 : vector<16xi32>
    %add3A_66 = arith.addi %mul3A_65, %convert_element_type3A : vector<16xi32>
    %add3A_67 = arith.constant 1 : i32
    %add3A_68 = vector.broadcast %add3A_67 : i32 to vector<16xi32>
    %add3A_69 = arith.addi %convert_element_type3A_45, %add3A_68 : vector<16xi32>
    %min3A_70 = arith.constant 1023 : i32
    %min3A_71 = vector.broadcast %min3A_70 : i32 to vector<16xi32>
    %min3A_72 = arith.minsi %add3A_69, %min3A_71 : vector<16xi32>
    %mul3A_73 = arith.constant 1024 : i32
    %mul3A_74 = vector.broadcast %mul3A_73 : i32 to vector<16xi32>
    %mul3A_75 = arith.muli %min3A_72, %mul3A_74 : vector<16xi32>
    %add3A_76 = arith.addi %mul3A_75, %convert_element_type3A : vector<16xi32>
    %mul3A_77 = arith.constant 4 : i32
    %mul3A_78 = arith.muli %mul3A_77, %multiple_of3A : i32
    %swap3A_79 = arith.index_cast %mul3A_78 : i32 to index
    %swap3A_80 = tpu.vector_load %arg12[%swap3A_79] {strides = array<i32>} : memref<2048xi32, #tpu.memory_space<vmem>>, vector<16xi32>,
    %swap3A_81 = vector.shape_cast %swap3A_80 : vector<16xi32> to vector<16xi32>
    %swap3A_82 = vector.shape_cast %add3A_66 : vector<16xi32> to vector<16xi32>
    tpu.vector_store %arg12[%swap3A_79], %swap3A_82 {strides = array<i32>} : memref<2048xi32, #tpu.memory_space<vmem>>, vector<16xi32>,
    %add3A_83 = arith.addi %add3A_66, %sub3A_62 : vector<16xi32>
    %add3A_84 = arith.constant 16 : i32
    %add3A_85 = arith.addi %mul3A_78, %add3A_84 : i32
    %swap3A_86 = arith.index_cast %add3A_85 : i32 to index
    %swap3A_87 = tpu.vector_load %arg12[%swap3A_86] {strides = array<i32>} : memref<2048xi32, #tpu.memory_space<vmem>>, vector<16xi32>,
    %swap3A_88 = vector.shape_cast %swap3A_87 : vector<16xi32> to vector<16xi32>
    %swap3A_89 = vector.shape_cast %add3A_83 : vector<16xi32> to vector<16xi32>
    tpu.vector_store %arg12[%swap3A_86], %swap3A_89 {strides = array<i32>} : memref<2048xi32, #tpu.memory_space<vmem>>, vector<16xi32>,
    %add3A_90 = arith.constant 32 : i32
    %add3A_91 = arith.addi %mul3A_78, %add3A_90 : i32
    %swap3A_92 = arith.index_cast %add3A_91 : i32 to index
    %swap3A_93 = tpu.vector_load %arg12[%swap3A_92] {strides = array<i32>} : memref<2048xi32, #tpu.memory_space<vmem>>, vector<16xi32>,
    %swap3A_94 = vector.shape_cast %swap3A_93 : vector<16xi32> to vector<16xi32>
    %swap3A_95 = vector.shape_cast %add3A_76 : vector<16xi32> to vector<16xi32>
    tpu.vector_store %arg12[%swap3A_92], %swap3A_95 {strides = array<i32>} : memref<2048xi32, #tpu.memory_space<vmem>>, vector<16xi32>,
    %add3A_96 = arith.addi %add3A_76, %sub3A_62 : vector<16xi32>
    %add3A_97 = arith.constant 48 : i32
    %add3A_98 = arith.addi %mul3A_78, %add3A_97 : i32
    %swap3A_99 = arith.index_cast %add3A_98 : i32 to index
    %swap3A_100 = tpu.vector_load %arg12[%swap3A_99] {strides = array<i32>} : memref<2048xi32, #tpu.memory_space<vmem>>, vector<16xi32>,
    %swap3A_101 = vector.shape_cast %swap3A_100 : vector<16xi32> to vector<16xi32>
    %swap3A_102 = vector.shape_cast %add3A_96 : vector<16xi32> to vector<16xi32>
    tpu.vector_store %arg12[%swap3A_99], %swap3A_102 {strides = array<i32>} : memref<2048xi32, #tpu.memory_space<vmem>>, vector<16xi32>,
    %scan3A_103 = arith.constant 1 : i32
    %mul3A_104 = arith.constant 16 : i32
    %mul3A_105 = arith.muli %scan3A_103, %mul3A_104 : i32
    %multiple_of3A_106 = tpu.assume_multiple %mul3A_105, 16 : i32
    %get3A_107 = arith.constant 0 : i32
    %get3A_108 = arith.index_cast %get3A_107 : i32 to index
    %get3A_109 = arith.index_cast %multiple_of3A_106 : i32 to index
    %get3A_110 = tpu.vector_load %arg7[%get3A_108, %get3A_109] {strides = array<i32>} : memref<2x512xf32, #tpu.memory_space<vmem>>, vector<1x16xf32>,
    %get3A_111 = vector.shape_cast %get3A_110 : vector<1x16xf32> to vector<16xf32>
    %get3A_112 = arith.constant 1 : i32
    %get3A_113 = arith.index_cast %get3A_112 : i32 to index
    %get3A_114 = arith.index_cast %multiple_of3A_106 : i32 to index
    %get3A_115 = tpu.vector_load %arg7[%get3A_113, %get3A_114] {strides = array<i32>} : memref<2x512xf32, #tpu.memory_space<vmem>>, vector<1x16xf32>,
    %get3A_116 = vector.shape_cast %get3A_115 : vector<1x16xf32> to vector<16xf32>
    %max3A_117 = arith.constant 0.000000e+00 : f32
    %max3A_118 = vector.broadcast %max3A_117 : f32 to vector<16xf32>
    %max3A_119 = arith.maximumf %get3A_111, %max3A_118 : vector<16xf32>
    %min3A_120 = arith.constant 1.000000e+00 : f32
    %min3A_121 = vector.broadcast %min3A_120 : f32 to vector<16xf32>
    %min3A_122 = arith.minimumf %max3A_119, %min3A_121 : vector<16xf32>
    %mul3A_123 = arith.constant 1.023000e+03 : f32
    %mul3A_124 = vector.broadcast %mul3A_123 : f32 to vector<16xf32>
    %mul3A_125 = arith.mulf %min3A_122, %mul3A_124 : vector<16xf32>
    %max3A_126 = arith.constant 0.000000e+00 : f32
    %max3A_127 = vector.broadcast %max3A_126 : f32 to vector<16xf32>
    %max3A_128 = arith.maximumf %get3A_116, %max3A_127 : vector<16xf32>
    %min3A_129 = arith.constant 1.000000e+00 : f32
    %min3A_130 = vector.broadcast %min3A_129 : f32 to vector<16xf32>
    %min3A_131 = arith.minimumf %max3A_128, %min3A_130 : vector<16xf32>
    %mul3A_132 = arith.constant 1.023000e+03 : f32
    %mul3A_133 = vector.broadcast %mul3A_132 : f32 to vector<16xf32>
    %mul3A_134 = arith.mulf %min3A_131, %mul3A_133 : vector<16xf32>
    %convert_element_type3A_135 = arith.fptosi %mul3A_125 : vector<16xf32> to vector<16xi32>
    %convert_element_type3A_136 = arith.fptosi %mul3A_134 : vector<16xf32> to vector<16xi32>
    %convert_element_type3A_137 = arith.sitofp %convert_element_type3A_135 : vector<16xi32> to vector<16xf32>
    %sub3A_138 = arith.subf %mul3A_125, %convert_element_type3A_137 : vector<16xf32>
    %swap3A_139 = arith.index_cast %multiple_of3A_106 : i32 to index
    %swap3A_140 = tpu.vector_load %arg8[%swap3A_139] {strides = array<i32>} : memref<512xf32, #tpu.memory_space<vmem>>, vector<16xf32>,
    %swap3A_141 = vector.shape_cast %swap3A_140 : vector<16xf32> to vector<16xf32>
    %swap3A_142 = vector.shape_cast %sub3A_138 : vector<16xf32> to vector<16xf32>
    tpu.vector_store %arg8[%swap3A_139], %swap3A_142 {strides = array<i32>} : memref<512xf32, #tpu.memory_space<vmem>>, vector<16xf32>,
    %convert_element_type3A_143 = arith.sitofp %convert_element_type3A_136 : vector<16xi32> to vector<16xf32>
    %sub3A_144 = arith.subf %mul3A_134, %convert_element_type3A_143 : vector<16xf32>
    %swap3A_145 = arith.index_cast %multiple_of3A_106 : i32 to index
    %swap3A_146 = tpu.vector_load %arg9[%swap3A_145] {strides = array<i32>} : memref<512xf32, #tpu.memory_space<vmem>>, vector<16xf32>,
    %swap3A_147 = vector.shape_cast %swap3A_146 : vector<16xf32> to vector<16xf32>
    %swap3A_148 = vector.shape_cast %sub3A_144 : vector<16xf32> to vector<16xf32>
    tpu.vector_store %arg9[%swap3A_145], %swap3A_148 {strides = array<i32>} : memref<512xf32, #tpu.memory_space<vmem>>, vector<16xf32>,
    %add3A_149 = arith.constant 1 : i32
    %add3A_150 = vector.broadcast %add3A_149 : i32 to vector<16xi32>
    %add3A_151 = arith.addi %convert_element_type3A_135, %add3A_150 : vector<16xi32>
    %min3A_152 = arith.constant 1023 : i32
    %min3A_153 = vector.broadcast %min3A_152 : i32 to vector<16xi32>
    %min3A_154 = arith.minsi %add3A_151, %min3A_153 : vector<16xi32>
    %sub3A_155 = arith.subi %min3A_154, %convert_element_type3A_135 : vector<16xi32>
    %mul3A_156 = arith.constant 1024 : i32
    %mul3A_157 = vector.broadcast %mul3A_156 : i32 to vector<16xi32>
    %mul3A_158 = arith.muli %convert_element_type3A_136, %mul3A_157 : vector<16xi32>
    %add3A_159 = arith.addi %mul3A_158, %convert_element_type3A_135 : vector<16xi32>
    %add3A_160 = arith.constant 1 : i32
    %add3A_161 = vector.broadcast %add3A_160 : i32 to vector<16xi32>
    %add3A_162 = arith.addi %convert_element_type3A_136, %add3A_161 : vector<16xi32>
    %min3A_163 = arith.constant 1023 : i32
    %min3A_164 = vector.broadcast %min3A_163 : i32 to vector<16xi32>
    %min3A_165 = arith.minsi %add3A_162, %min3A_164 : vector<16xi32>
    %mul3A_166 = arith.constant 1024 : i32
    %mul3A_167 = vector.broadcast %mul3A_166 : i32 to vector<16xi32>
    %mul3A_168 = arith.muli %min3A_165, %mul3A_167 : vector<16xi32>
    %add3A_169 = arith.addi %mul3A_168, %convert_element_type3A_135 : vector<16xi32>
    %mul3A_170 = arith.constant 4 : i32
    %mul3A_171 = arith.muli %mul3A_170, %multiple_of3A_106 : i32
    %swap3A_172 = arith.index_cast %mul3A_171 : i32 to index
    %swap3A_173 = tpu.vector_load %arg12[%swap3A_172] {strides = array<i32>} : memref<2048xi32, #tpu.memory_space<vmem>>, vector<16xi32>,
    %swap3A_174 = vector.shape_cast %swap3A_173 : vector<16xi32> to vector<16xi32>
    %swap3A_175 = vector.shape_cast %add3A_159 : vector<16xi32> to vector<16xi32>
    tpu.vector_store %arg12[%swap3A_172], %swap3A_175 {strides = array<i32>} : memref<2048xi32, #tpu.memory_space<vmem>>, vector<16xi32>,
    %add3A_176 = arith.addi %add3A_159, %sub3A_155 : vector<16xi32>
    %add3A_177 = arith.constant 16 : i32
    %add3A_178 = arith.addi %mul3A_171, %add3A_177 : i32
    %swap3A_179 = arith.index_cast %add3A_178 : i32 to index
    %swap3A_180 = tpu.vector_load %arg12[%swap3A_179] {strides = array<i32>} : memref<2048xi32, #tpu.memory_space<vmem>>, vector<16xi32>,
    %swap3A_181 = vector.shape_cast %swap3A_180 : vector<16xi32> to vector<16xi32>
    %swap3A_182 = vector.shape_cast %add3A_176 : vector<16xi32> to vector<16xi32>
    tpu.vector_store %arg12[%swap3A_179], %swap3A_182 {strides = array<i32>} : memref<2048xi32, #tpu.memory_space<vmem>>, vector<16xi32>,
    %add3A_183 = arith.constant 32 : i32
    %add3A_184 = arith.addi %mul3A_171, %add3A_183 : i32
    %swap3A_185 = arith.index_cast %add3A_184 : i32 to index
    %swap3A_186 = tpu.vector_load %arg12[%swap3A_185] {strides = array<i32>} : memref<2048xi32, #tpu.memory_space<vmem>>, vector<16xi32>,
    %swap3A_187 = vector.shape_cast %swap3A_186 : vector<16xi32> to vector<16xi32>
    %swap3A_188 = vector.shape_cast %add3A_169 : vector<16xi32> to vector<16xi32>
    tpu.vector_store %arg12[%swap3A_185], %swap3A_188 {strides = array<i32>} : memref<2048xi32, #tpu.memory_space<vmem>>, vector<16xi32>,
    %add3A_189 = arith.addi %add3A_169, %sub3A_155 : vector<16xi32>
    %add3A_190 = arith.constant 48 : i32
    %add3A_191 = arith.addi %mul3A_171, %add3A_190 : i32
    %swap3A_192 = arith.index_cast %add3A_191 : i32 to index
    %swap3A_193 = tpu.vector_load %arg12[%swap3A_192] {strides = array<i32>} : memref<2048xi32, #tpu.memory_space<vmem>>, vector<16xi32>,
    %swap3A_194 = vector.shape_cast %swap3A_193 : vector<16xi32> to vector<16xi32>
    %swap3A_195 = vector.shape_cast %add3A_189 : vector<16xi32> to vector<16xi32>
    tpu.vector_store %arg12[%swap3A_192], %swap3A_195 {strides = array<i32>} : memref<2048xi32, #tpu.memory_space<vmem>>, vector<16xi32>,
    %scan3A_196 = arith.constant 2 : i32
    %mul3A_197 = arith.constant 16 : i32
    %mul3A_198 = arith.muli %scan3A_196, %mul3A_197 : i32
    %multiple_of3A_199 = tpu.assume_multiple %mul3A_198, 16 : i32
    %get3A_200 = arith.constant 0 : i32
    %get3A_201 = arith.index_cast %get3A_200 : i32 to index
    %get3A_202 = arith.index_cast %multiple_of3A_199 : i32 to index
    %get3A_203 = tpu.vector_load %arg7[%get3A_201, %get3A_202] {strides = array<i32>} : memref<2x512xf32, #tpu.memory_space<vmem>>, vector<1x16xf32>,
    %get3A_204 = vector.shape_cast %get3A_203 : vector<1x16xf32> to vector<16xf32>
    %get3A_205 = arith.constant 1 : i32
    %get3A_206 = arith.index_cast %get3A_205 : i32 to index
    %get3A_207 = arith.index_cast %multiple_of3A_199 : i32 to index
    %get3A_208 = tpu.vector_load %arg7[%get3A_206, %get3A_207] {strides = array<i32>} : memref<2x512xf32, #tpu.memory_space<vmem>>, vector<1x16xf32>,
    %get3A_209 = vector.shape_cast %get3A_208 : vector<1x16xf32> to vector<16xf32>
    %max3A_210 = arith.constant 0.000000e+00 : f32
    %max3A_211 = vector.broadcast %max3A_210 : f32 to vector<16xf32>
    %max3A_212 = arith.maximumf %get3A_204, %max3A_211 : vector<16xf32>
    %min3A_213 = arith.constant 1.000000e+00 : f32
    %min3A_214 = vector.broadcast %min3A_213 : f32 to vector<16xf32>
    %min3A_215 = arith.minimumf %max3A_212, %min3A_214 : vector<16xf32>
    %mul3A_216 = arith.constant 1.023000e+03 : f32
    %mul3A_217 = vector.broadcast %mul3A_216 : f32 to vector<16xf32>
    %mul3A_218 = arith.mulf %min3A_215, %mul3A_217 : vector<16xf32>
    %max3A_219 = arith.constant 0.000000e+00 : f32
    %max3A_220 = vector.broadcast %max3A_219 : f32 to vector<16xf32>
    %max3A_221 = arith.maximumf %get3A_209, %max3A_220 : vector<16xf32>
    %min3A_222 = arith.constant 1.000000e+00 : f32
    %min3A_223 = vector.broadcast %min3A_222 : f32 to vector<16xf32>
    %min3A_224 = arith.minimumf %max3A_221, %min3A_223 : vector<16xf32>
    %mul3A_225 = arith.constant 1.023000e+03 : f32
    %mul3A_226 = vector.broadcast %mul3A_225 : f32 to vector<16xf32>
    %mul3A_227 = arith.mulf %min3A_224, %mul3A_226 : vector<16xf32>
    %convert_element_type3A_228 = arith.fptosi %mul3A_218 : vector<16xf32> to vector<16xi32>
    %convert_element_type3A_229 = arith.fptosi %mul3A_227 : vector<16xf32> to vector<16xi32>
    %convert_element_type3A_230 = arith.sitofp %convert_element_type3A_228 : vector<16xi32> to vector<16xf32>
    %sub3A_231 = arith.subf %mul3A_218, %convert_element_type3A_230 : vector<16xf32>
    %swap3A_232 = arith.index_cast %multiple_of3A_199 : i32 to index
    %swap3A_233 = tpu.vector_load %arg8[%swap3A_232] {strides = array<i32>} : memref<512xf32, #tpu.memory_space<vmem>>, vector<16xf32>,
    %swap3A_234 = vector.shape_cast %swap3A_233 : vector<16xf32> to vector<16xf32>
    %swap3A_235 = vector.shape_cast %sub3A_231 : vector<16xf32> to vector<16xf32>
    tpu.vector_store %arg8[%swap3A_232], %swap3A_235 {strides = array<i32>} : memref<512xf32, #tpu.memory_space<vmem>>, vector<16xf32>,
    %convert_element_type3A_236 = arith.sitofp %convert_element_type3A_229 : vector<16xi32> to vector<16xf32>
    %sub3A_237 = arith.subf %mul3A_227, %convert_element_type3A_236 : vector<16xf32>
    %swap3A_238 = arith.index_cast %multiple_of3A_199 : i32 to index
    %swap3A_239 = tpu.vector_load %arg9[%swap3A_238] {strides = array<i32>} : memref<512xf32, #tpu.memory_space<vmem>>, vector<16xf32>,
    %swap3A_240 = vector.shape_cast %swap3A_239 : vector<16xf32> to vector<16xf32>
    %swap3A_241 = vector.shape_cast %sub3A_237 : vector<16xf32> to vector<16xf32>
    tpu.vector_store %arg9[%swap3A_238], %swap3A_241 {strides = array<i32>} : memref<512xf32, #tpu.memory_space<vmem>>, vector<16xf32>,
    %add3A_242 = arith.constant 1 : i32
    %add3A_243 = vector.broadcast %add3A_242 : i32 to vector<16xi32>
    %add3A_244 = arith.addi %convert_element_type3A_228, %add3A_243 : vector<16xi32>
    %min3A_245 = arith.constant 1023 : i32
    %min3A_246 = vector.broadcast %min3A_245 : i32 to vector<16xi32>
    %min3A_247 = arith.minsi %add3A_244, %min3A_246 : vector<16xi32>
    %sub3A_248 = arith.subi %min3A_247, %convert_element_type3A_228 : vector<16xi32>
    %mul3A_249 = arith.constant 1024 : i32
    %mul3A_250 = vector.broadcast %mul3A_249 : i32 to vector<16xi32>
    %mul3A_251 = arith.muli %convert_element_type3A_229, %mul3A_250 : vector<16xi32>
    %add3A_252 = arith.addi %mul3A_251, %convert_element_type3A_228 : vector<16xi32>
    %add3A_253 = arith.constant 1 : i32
    %add3A_254 = vector.broadcast %add3A_253 : i32 to vector<16xi32>
    %add3A_255 = arith.addi %convert_element_type3A_229, %add3A_254 : vector<16xi32>
    %min3A_256 = arith.constant 1023 : i32
    %min3A_257 = vector.broadcast %min3A_256 : i32 to vector<16xi32>
    %min3A_258 = arith.minsi %add3A_255, %min3A_257 : vector<16xi32>
    %mul3A_259 = arith.constant 1024 : i32
    %mul3A_260 = vector.broadcast %mul3A_259 : i32 to vector<16xi32>
    %mul3A_261 = arith.muli %min3A_258, %mul3A_260 : vector<16xi32>
    %add3A_262 = arith.addi %mul3A_261, %convert_element_type3A_228 : vector<16xi32>
    %mul3A_263 = arith.constant 4 : i32
    %mul3A_264 = arith.muli %mul3A_263, %multiple_of3A_199 : i32
    %swap3A_265 = arith.index_cast %mul3A_264 : i32 to index
    %swap3A_266 = tpu.vector_load %arg12[%swap3A_265] {strides = array<i32>} : memref<2048xi32, #tpu.memory_space<vmem>>, vector<16xi32>,
    %swap3A_267 = vector.shape_cast %swap3A_266 : vector<16xi32> to vector<16xi32>
    %swap3A_268 = vector.shape_cast %add3A_252 : vector<16xi32> to vector<16xi32>
    tpu.vector_store %arg12[%swap3A_265], %swap3A_268 {strides = array<i32>} : memref<2048xi32, #tpu.memory_space<vmem>>, vector<16xi32>,
    %add3A_269 = arith.addi %add3A_252, %sub3A_248 : vector<16xi32>
    %add3A_270 = arith.constant 16 : i32
    %add3A_271 = arith.addi %mul3A_264, %add3A_270 : i32
    %swap3A_272 = arith.index_cast %add3A_271 : i32 to index
    %swap3A_273 = tpu.vector_load %arg12[%swap3A_272] {strides = array<i32>} : memref<2048xi32, #tpu.memory_space<vmem>>, vector<16xi32>,
    %swap3A_274 = vector.shape_cast %swap3A_273 : vector<16xi32> to vector<16xi32>
    %swap3A_275 = vector.shape_cast %add3A_269 : vector<16xi32> to vector<16xi32>
    tpu.vector_store %arg12[%swap3A_272], %swap3A_275 {strides = array<i32>} : memref<2048xi32, #tpu.memory_space<vmem>>, vector<16xi32>,
    %add3A_276 = arith.constant 32 : i32
    %add3A_277 = arith.addi %mul3A_264, %add3A_276 : i32
    %swap3A_278 = arith.index_cast %add3A_277 : i32 to index
    %swap3A_279 = tpu.vector_load %arg12[%swap3A_278] {strides = array<i32>} : memref<2048xi32, #tpu.memory_space<vmem>>, vector<16xi32>,
    %swap3A_280 = vector.shape_cast %swap3A_279 : vector<16xi32> to vector<16xi32>
    %swap3A_281 = vector.shape_cast %add3A_262 : vector<16xi32> to vector<16xi32>
    tpu.vector_store %arg12[%swap3A_278], %swap3A_281 {strides = array<i32>} : memref<2048xi32, #tpu.memory_space<vmem>>, vector<16xi32>,
    %add3A_282 = arith.addi %add3A_262, %sub3A_248 : vector<16xi32>
    %add3A_283 = arith.constant 48 : i32
    %add3A_284 = arith.addi %mul3A_264, %add3A_283 : i32
    %swap3A_285 = arith.index_cast %add3A_284 : i32 to index
    %swap3A_286 = tpu.vector_load %arg12[%swap3A_285] {strides = array<i32>} : memref<2048xi32, #tpu.memory_space<vmem>>, vector<16xi32>,
    %swap3A_287 = vector.shape_cast %swap3A_286 : vector<16xi32> to vector<16xi32>
    %swap3A_288 = vector.shape_cast %add3A_282 : vector<16xi32> to vector<16xi32>
    tpu.vector_store %arg12[%swap3A_285], %swap3A_288 {strides = array<i32>} : memref<2048xi32, #tpu.memory_space<vmem>>, vector<16xi32>,
    %scan3A_289 = arith.constant 3 : i32
    %mul3A_290 = arith.constant 16 : i32
    %mul3A_291 = arith.muli %scan3A_289, %mul3A_290 : i32
    %multiple_of3A_292 = tpu.assume_multiple %mul3A_291, 16 : i32
    %get3A_293 = arith.constant 0 : i32
    %get3A_294 = arith.index_cast %get3A_293 : i32 to index
    %get3A_295 = arith.index_cast %multiple_of3A_292 : i32 to index
    %get3A_296 = tpu.vector_load %arg7[%get3A_294, %get3A_295] {strides = array<i32>} : memref<2x512xf32, #tpu.memory_space<vmem>>, vector<1x16xf32>,
    %get3A_297 = vector.shape_cast %get3A_296 : vector<1x16xf32> to vector<16xf32>
    %get3A_298 = arith.constant 1 : i32
    %get3A_299 = arith.index_cast %get3A_298 : i32 to index
    %get3A_300 = arith.index_cast %multiple_of3A_292 : i32 to index
    %get3A_301 = tpu.vector_load %arg7[%get3A_299, %get3A_300] {strides = array<i32>} : memref<2x512xf32, #tpu.memory_space<vmem>>, vector<1x16xf32>,
    %get3A_302 = vector.shape_cast %get3A_301 : vector<1x16xf32> to vector<16xf32>
    %max3A_303 = arith.constant 0.000000e+00 : f32
    %max3A_304 = vector.broadcast %max3A_303 : f32 to vector<16xf32>
    %max3A_305 = arith.maximumf %get3A_297, %max3A_304 : vector<16xf32>
    %min3A_306 = arith.constant 1.000000e+00 : f32
    %min3A_307 = vector.broadcast %min3A_306 : f32 to vector<16xf32>
    %min3A_308 = arith.minimumf %max3A_305, %min3A_307 : vector<16xf32>
    %mul3A_309 = arith.constant 1.023000e+03 : f32
    %mul3A_310 = vector.broadcast %mul3A_309 : f32 to vector<16xf32>
    %mul3A_311 = arith.mulf %min3A_308, %mul3A_310 : vector<16xf32>
    %max3A_312 = arith.constant 0.000000e+00 : f32
    %max3A_313 = vector.broadcast %max3A_312 : f32 to vector<16xf32>
    %max3A_314 = arith.maximumf %get3A_302, %max3A_313 : vector<16xf32>
    %min3A_315 = arith.constant 1.000000e+00 : f32
    %min3A_316 = vector.broadcast %min3A_315 : f32 to vector<16xf32>
    %min3A_317 = arith.minimumf %max3A_314, %min3A_316 : vector<16xf32>
    %mul3A_318 = arith.constant 1.023000e+03 : f32
    %mul3A_319 = vector.broadcast %mul3A_318 : f32 to vector<16xf32>
    %mul3A_320 = arith.mulf %min3A_317, %mul3A_319 : vector<16xf32>
    %convert_element_type3A_321 = arith.fptosi %mul3A_311 : vector<16xf32> to vector<16xi32>
    %convert_element_type3A_322 = arith.fptosi %mul3A_320 : vector<16xf32> to vector<16xi32>
    %convert_element_type3A_323 = arith.sitofp %convert_element_type3A_321 : vector<16xi32> to vector<16xf32>
    %sub3A_324 = arith.subf %mul3A_311, %convert_element_type3A_323 : vector<16xf32>
    %swap3A_325 = arith.index_cast %multiple_of3A_292 : i32 to index
    %swap3A_326 = tpu.vector_load %arg8[%swap3A_325] {strides = array<i32>} : memref<512xf32, #tpu.memory_space<vmem>>, vector<16xf32>,
    %swap3A_327 = vector.shape_cast %swap3A_326 : vector<16xf32> to vector<16xf32>
    %swap3A_328 = vector.shape_cast %sub3A_324 : vector<16xf32> to vector<16xf32>
    tpu.vector_store %arg8[%swap3A_325], %swap3A_328 {strides = array<i32>} : memref<512xf32, #tpu.memory_space<vmem>>, vector<16xf32>,
    %convert_element_type3A_329 = arith.sitofp %convert_element_type3A_322 : vector<16xi32> to vector<16xf32>
    %sub3A_330 = arith.subf %mul3A_320, %convert_element_type3A_329 : vector<16xf32>
    %swap3A_331 = arith.index_cast %multiple_of3A_292 : i32 to index
    %swap3A_332 = tpu.vector_load %arg9[%swap3A_331] {strides = array<i32>} : memref<512xf32, #tpu.memory_space<vmem>>, vector<16xf32>,
    %swap3A_333 = vector.shape_cast %swap3A_332 : vector<16xf32> to vector<16xf32>
    %swap3A_334 = vector.shape_cast %sub3A_330 : vector<16xf32> to vector<16xf32>
    tpu.vector_store %arg9[%swap3A_331], %swap3A_334 {strides = array<i32>} : memref<512xf32, #tpu.memory_space<vmem>>, vector<16xf32>,
    %add3A_335 = arith.constant 1 : i32
    %add3A_336 = vector.broadcast %add3A_335 : i32 to vector<16xi32>
    %add3A_337 = arith.addi %convert_element_type3A_321, %add3A_336 : vector<16xi32>
    %min3A_338 = arith.constant 1023 : i32
    %min3A_339 = vector.broadcast %min3A_338 : i32 to vector<16xi32>
    %min3A_340 = arith.minsi %add3A_337, %min3A_339 : vector<16xi32>
    %sub3A_341 = arith.subi %min3A_340, %convert_element_type3A_321 : vector<16xi32>
    %mul3A_342 = arith.constant 1024 : i32
    %mul3A_343 = vector.broadcast %mul3A_342 : i32 to vector<16xi32>
    %mul3A_344 = arith.muli %convert_element_type3A_322, %mul3A_343 : vector<16xi32>
    %add3A_345 = arith.addi %mul3A_344, %convert_element_type3A_321 : vector<16xi32>
    %add3A_346 = arith.constant 1 : i32
    %add3A_347 = vector.broadcast %add3A_346 : i32 to vector<16xi32>
    %add3A_348 = arith.addi %convert_element_type3A_322, %add3A_347 : vector<16xi32>
    %min3A_349 = arith.constant 1023 : i32
    %min3A_350 = vector.broadcast %min3A_349 : i32 to vector<16xi32>
    %min3A_351 = arith.minsi %add3A_348, %min3A_350 : vector<16xi32>
    %mul3A_352 = arith.constant 1024 : i32
    %mul3A_353 = vector.broadcast %mul3A_352 : i32 to vector<16xi32>
    %mul3A_354 = arith.muli %min3A_351, %mul3A_353 : vector<16xi32>
    %add3A_355 = arith.addi %mul3A_354, %convert_element_type3A_321 : vector<16xi32>
    %mul3A_356 = arith.constant 4 : i32
    %mul3A_357 = arith.muli %mul3A_356, %multiple_of3A_292 : i32
    %swap3A_358 = arith.index_cast %mul3A_357 : i32 to index
    %swap3A_359 = tpu.vector_load %arg12[%swap3A_358] {strides = array<i32>} : memref<2048xi32, #tpu.memory_space<vmem>>, vector<16xi32>,
    %swap3A_360 = vector.shape_cast %swap3A_359 : vector<16xi32> to vector<16xi32>
    %swap3A_361 = vector.shape_cast %add3A_345 : vector<16xi32> to vector<16xi32>
    tpu.vector_store %arg12[%swap3A_358], %swap3A_361 {strides = array<i32>} : memref<2048xi32, #tpu.memory_space<vmem>>, vector<16xi32>,
    %add3A_362 = arith.addi %add3A_345, %sub3A_341 : vector<16xi32>
    %add3A_363 = arith.constant 16 : i32
    %add3A_364 = arith.addi %mul3A_357, %add3A_363 : i32
    %swap3A_365 = arith.index_cast %add3A_364 : i32 to index
    %swap3A_366 = tpu.vector_load %arg12[%swap3A_365] {strides = array<i32>} : memref<2048xi32, #tpu.memory_space<vmem>>, vector<16xi32>,
    %swap3A_367 = vector.shape_cast %swap3A_366 : vector<16xi32> to vector<16xi32>
    %swap3A_368 = vector.shape_cast %add3A_362 : vector<16xi32> to vector<16xi32>
    tpu.vector_store %arg12[%swap3A_365], %swap3A_368 {strides = array<i32>} : memref<2048xi32, #tpu.memory_space<vmem>>, vector<16xi32>,
    %add3A_369 = arith.constant 32 : i32
    %add3A_370 = arith.addi %mul3A_357, %add3A_369 : i32
    %swap3A_371 = arith.index_cast %add3A_370 : i32 to index
    %swap3A_372 = tpu.vector_load %arg12[%swap3A_371] {strides = array<i32>} : memref<2048xi32, #tpu.memory_space<vmem>>, vector<16xi32>,
    %swap3A_373 = vector.shape_cast %swap3A_372 : vector<16xi32> to vector<16xi32>
    %swap3A_374 = vector.shape_cast %add3A_355 : vector<16xi32> to vector<16xi32>
    tpu.vector_store %arg12[%swap3A_371], %swap3A_374 {strides = array<i32>} : memref<2048xi32, #tpu.memory_space<vmem>>, vector<16xi32>,
    %add3A_375 = arith.addi %add3A_355, %sub3A_341 : vector<16xi32>
    %add3A_376 = arith.constant 48 : i32
    %add3A_377 = arith.addi %mul3A_357, %add3A_376 : i32
    %swap3A_378 = arith.index_cast %add3A_377 : i32 to index
    %swap3A_379 = tpu.vector_load %arg12[%swap3A_378] {strides = array<i32>} : memref<2048xi32, #tpu.memory_space<vmem>>, vector<16xi32>,
    %swap3A_380 = vector.shape_cast %swap3A_379 : vector<16xi32> to vector<16xi32>
    %swap3A_381 = vector.shape_cast %add3A_375 : vector<16xi32> to vector<16xi32>
    tpu.vector_store %arg12[%swap3A_378], %swap3A_381 {strides = array<i32>} : memref<2048xi32, #tpu.memory_space<vmem>>, vector<16xi32>,
    %scan3A_382 = arith.constant 4 : i32
    %dma_start3A_383 = arith.constant 0 : i32
    %dma_start3A_384 = tpu.memref_slice %arg13[%dma_start3A_383] : memref<2048xf32, #tpu.memory_space<vmem>> -> memref<256xf32, #tpu.memory_space<vmem>>
    %dma_start3A_385 = arith.constant 0 : i32
    %dma_start3A_386 = tpu.memref_slice %arg12[%dma_start3A_385] : memref<2048xi32, #tpu.memory_space<vmem>> -> memref<256xi32, #tpu.memory_space<vmem>>
    %dma_start3A_387 = arith.constant 0 : i32
    %dma_start3A_388 = tpu.memref_slice %arg3[%dma_start3A_387] : memref<1048576xf32, #tpu.memory_space<hbm>> -> memref<1048576xf32, #tpu.memory_space<hbm>>
    tpu.enqueue_indirect_dma source(%dma_start3A_388 : memref<1048576xf32, #tpu.memory_space<hbm>>) target(%dma_start3A_384 : memref<256xf32, #tpu.memory_space<vmem>>) offsets(%dma_start3A_386 : memref<256xi32, #tpu.memory_space<vmem>>) semaphore(%arg15 : memref<!tpu.dma_semaphore, #tpu.memory_space<semaphore_mem>>)
    %scan3A_389 = arith.constant 0 : i32
    %scan3A_390 = arith.constant 4 : i32
    %mul3A_391 = arith.constant 16 : i32
    %mul3A_392 = arith.muli %scan3A_390, %mul3A_391 : i32
    %multiple_of3A_393 = tpu.assume_multiple %mul3A_392, 16 : i32
    %get3A_394 = arith.constant 0 : i32
    %get3A_395 = arith.index_cast %get3A_394 : i32 to index
    %get3A_396 = arith.index_cast %multiple_of3A_393 : i32 to index
    %get3A_397 = tpu.vector_load %arg7[%get3A_395, %get3A_396] {strides = array<i32>} : memref<2x512xf32, #tpu.memory_space<vmem>>, vector<1x16xf32>,
    %get3A_398 = vector.shape_cast %get3A_397 : vector<1x16xf32> to vector<16xf32>
    %get3A_399 = arith.constant 1 : i32
    %get3A_400 = arith.index_cast %get3A_399 : i32 to index
    %get3A_401 = arith.index_cast %multiple_of3A_393 : i32 to index
    %get3A_402 = tpu.vector_load %arg7[%get3A_400, %get3A_401] {strides = array<i32>} : memref<2x512xf32, #tpu.memory_space<vmem>>, vector<1x16xf32>,
    %get3A_403 = vector.shape_cast %get3A_402 : vector<1x16xf32> to vector<16xf32>
    %max3A_404 = arith.constant 0.000000e+00 : f32
    %max3A_405 = vector.broadcast %max3A_404 : f32 to vector<16xf32>
    %max3A_406 = arith.maximumf %get3A_398, %max3A_405 : vector<16xf32>
    %min3A_407 = arith.constant 1.000000e+00 : f32
    %min3A_408 = vector.broadcast %min3A_407 : f32 to vector<16xf32>
    %min3A_409 = arith.minimumf %max3A_406, %min3A_408 : vector<16xf32>
    %mul3A_410 = arith.constant 1.023000e+03 : f32
    %mul3A_411 = vector.broadcast %mul3A_410 : f32 to vector<16xf32>
    %mul3A_412 = arith.mulf %min3A_409, %mul3A_411 : vector<16xf32>
    %max3A_413 = arith.constant 0.000000e+00 : f32
    %max3A_414 = vector.broadcast %max3A_413 : f32 to vector<16xf32>
    %max3A_415 = arith.maximumf %get3A_403, %max3A_414 : vector<16xf32>
    %min3A_416 = arith.constant 1.000000e+00 : f32
    %min3A_417 = vector.broadcast %min3A_416 : f32 to vector<16xf32>
    %min3A_418 = arith.minimumf %max3A_415, %min3A_417 : vector<16xf32>
    %mul3A_419 = arith.constant 1.023000e+03 : f32
    %mul3A_420 = vector.broadcast %mul3A_419 : f32 to vector<16xf32>
    %mul3A_421 = arith.mulf %min3A_418, %mul3A_420 : vector<16xf32>
    %convert_element_type3A_422 = arith.fptosi %mul3A_412 : vector<16xf32> to vector<16xi32>
    %convert_element_type3A_423 = arith.fptosi %mul3A_421 : vector<16xf32> to vector<16xi32>
    %convert_element_type3A_424 = arith.sitofp %convert_element_type3A_422 : vector<16xi32> to vector<16xf32>
    %sub3A_425 = arith.subf %mul3A_412, %convert_element_type3A_424 : vector<16xf32>
    %swap3A_426 = arith.index_cast %multiple_of3A_393 : i32 to index
    %swap3A_427 = tpu.vector_load %arg8[%swap3A_426] {strides = array<i32>} : memref<512xf32, #tpu.memory_space<vmem>>, vector<16xf32>,
    %swap3A_428 = vector.shape_cast %swap3A_427 : vector<16xf32> to vector<16xf32>
    %swap3A_429 = vector.shape_cast %sub3A_425 : vector<16xf32> to vector<16xf32>
    tpu.vector_store %arg8[%swap3A_426], %swap3A_429 {strides = array<i32>} : memref<512xf32, #tpu.memory_space<vmem>>, vector<16xf32>,
    %convert_element_type3A_430 = arith.sitofp %convert_element_type3A_423 : vector<16xi32> to vector<16xf32>
    %sub3A_431 = arith.subf %mul3A_421, %convert_element_type3A_430 : vector<16xf32>
    %swap3A_432 = arith.index_cast %multiple_of3A_393 : i32 to index
    %swap3A_433 = tpu.vector_load %arg9[%swap3A_432] {strides = array<i32>} : memref<512xf32, #tpu.memory_space<vmem>>, vector<16xf32>,
    %swap3A_434 = vector.shape_cast %swap3A_433 : vector<16xf32> to vector<16xf32>
    %swap3A_435 = vector.shape_cast %sub3A_431 : vector<16xf32> to vector<16xf32>
    tpu.vector_store %arg9[%swap3A_432], %swap3A_435 {strides = array<i32>} : memref<512xf32, #tpu.memory_space<vmem>>, vector<16xf32>,
    %add3A_436 = arith.constant 1 : i32
    %add3A_437 = vector.broadcast %add3A_436 : i32 to vector<16xi32>
    %add3A_438 = arith.addi %convert_element_type3A_422, %add3A_437 : vector<16xi32>
    %min3A_439 = arith.constant 1023 : i32
    %min3A_440 = vector.broadcast %min3A_439 : i32 to vector<16xi32>
    %min3A_441 = arith.minsi %add3A_438, %min3A_440 : vector<16xi32>
    %sub3A_442 = arith.subi %min3A_441, %convert_element_type3A_422 : vector<16xi32>
    %mul3A_443 = arith.constant 1024 : i32
    %mul3A_444 = vector.broadcast %mul3A_443 : i32 to vector<16xi32>
    %mul3A_445 = arith.muli %convert_element_type3A_423, %mul3A_444 : vector<16xi32>
    %add3A_446 = arith.addi %mul3A_445, %convert_element_type3A_422 : vector<16xi32>
    %add3A_447 = arith.constant 1 : i32
    %add3A_448 = vector.broadcast %add3A_447 : i32 to vector<16xi32>
    %add3A_449 = arith.addi %convert_element_type3A_423, %add3A_448 : vector<16xi32>
    %min3A_450 = arith.constant 1023 : i32
    %min3A_451 = vector.broadcast %min3A_450 : i32 to vector<16xi32>
    %min3A_452 = arith.minsi %add3A_449, %min3A_451 : vector<16xi32>
    %mul3A_453 = arith.constant 1024 : i32
    %mul3A_454 = vector.broadcast %mul3A_453 : i32 to vector<16xi32>
    %mul3A_455 = arith.muli %min3A_452, %mul3A_454 : vector<16xi32>
    %add3A_456 = arith.addi %mul3A_455, %convert_element_type3A_422 : vector<16xi32>
    %mul3A_457 = arith.constant 4 : i32
    %mul3A_458 = arith.muli %mul3A_457, %multiple_of3A_393 : i32
    %swap3A_459 = arith.index_cast %mul3A_458 : i32 to index
    %swap3A_460 = tpu.vector_load %arg12[%swap3A_459] {strides = array<i32>} : memref<2048xi32, #tpu.memory_space<vmem>>, vector<16xi32>,
    %swap3A_461 = vector.shape_cast %swap3A_460 : vector<16xi32> to vector<16xi32>
    %swap3A_462 = vector.shape_cast %add3A_446 : vector<16xi32> to vector<16xi32>
    tpu.vector_store %arg12[%swap3A_459], %swap3A_462 {strides = array<i32>} : memref<2048xi32, #tpu.memory_space<vmem>>, vector<16xi32>,
    %add3A_463 = arith.addi %add3A_446, %sub3A_442 : vector<16xi32>
    %add3A_464 = arith.constant 16 : i32
    %add3A_465 = arith.addi %mul3A_458, %add3A_464 : i32
    %swap3A_466 = arith.index_cast %add3A_465 : i32 to index
    %swap3A_467 = tpu.vector_load %arg12[%swap3A_466] {strides = array<i32>} : memref<2048xi32, #tpu.memory_space<vmem>>, vector<16xi32>,
    %swap3A_468 = vector.shape_cast %swap3A_467 : vector<16xi32> to vector<16xi32>
    %swap3A_469 = vector.shape_cast %add3A_463 : vector<16xi32> to vector<16xi32>
    tpu.vector_store %arg12[%swap3A_466], %swap3A_469 {strides = array<i32>} : memref<2048xi32, #tpu.memory_space<vmem>>, vector<16xi32>,
    %add3A_470 = arith.constant 32 : i32
    %add3A_471 = arith.addi %mul3A_458, %add3A_470 : i32
    %swap3A_472 = arith.index_cast %add3A_471 : i32 to index
    %swap3A_473 = tpu.vector_load %arg12[%swap3A_472] {strides = array<i32>} : memref<2048xi32, #tpu.memory_space<vmem>>, vector<16xi32>,
    %swap3A_474 = vector.shape_cast %swap3A_473 : vector<16xi32> to vector<16xi32>
    %swap3A_475 = vector.shape_cast %add3A_456 : vector<16xi32> to vector<16xi32>
    tpu.vector_store %arg12[%swap3A_472], %swap3A_475 {strides = array<i32>} : memref<2048xi32, #tpu.memory_space<vmem>>, vector<16xi32>,
    %add3A_476 = arith.addi %add3A_456, %sub3A_442 : vector<16xi32>
    %add3A_477 = arith.constant 48 : i32
    %add3A_478 = arith.addi %mul3A_458, %add3A_477 : i32
    %swap3A_479 = arith.index_cast %add3A_478 : i32 to index
    %swap3A_480 = tpu.vector_load %arg12[%swap3A_479] {strides = array<i32>} : memref<2048xi32, #tpu.memory_space<vmem>>, vector<16xi32>,
    %swap3A_481 = vector.shape_cast %swap3A_480 : vector<16xi32> to vector<16xi32>
    %swap3A_482 = vector.shape_cast %add3A_476 : vector<16xi32> to vector<16xi32>
    tpu.vector_store %arg12[%swap3A_479], %swap3A_482 {strides = array<i32>} : memref<2048xi32, #tpu.memory_space<vmem>>, vector<16xi32>,
    %scan3A_483 = arith.constant 5 : i32
    %mul3A_484 = arith.constant 16 : i32
    %mul3A_485 = arith.muli %scan3A_483, %mul3A_484 : i32
    %multiple_of3A_486 = tpu.assume_multiple %mul3A_485, 16 : i32
    %get3A_487 = arith.constant 0 : i32
    %get3A_488 = arith.index_cast %get3A_487 : i32 to index
    %get3A_489 = arith.index_cast %multiple_of3A_486 : i32 to index
    %get3A_490 = tpu.vector_load %arg7[%get3A_488, %get3A_489] {strides = array<i32>} : memref<2x512xf32, #tpu.memory_space<vmem>>, vector<1x16xf32>,
    %get3A_491 = vector.shape_cast %get3A_490 : vector<1x16xf32> to vector<16xf32>
    %get3A_492 = arith.constant 1 : i32
    %get3A_493 = arith.index_cast %get3A_492 : i32 to index
    %get3A_494 = arith.index_cast %multiple_of3A_486 : i32 to index
    %get3A_495 = tpu.vector_load %arg7[%get3A_493, %get3A_494] {strides = array<i32>} : memref<2x512xf32, #tpu.memory_space<vmem>>, vector<1x16xf32>,
    %get3A_496 = vector.shape_cast %get3A_495 : vector<1x16xf32> to vector<16xf32>
    %max3A_497 = arith.constant 0.000000e+00 : f32
    %max3A_498 = vector.broadcast %max3A_497 : f32 to vector<16xf32>
    %max3A_499 = arith.maximumf %get3A_491, %max3A_498 : vector<16xf32>
    %min3A_500 = arith.constant 1.000000e+00 : f32
    %min3A_501 = vector.broadcast %min3A_500 : f32 to vector<16xf32>
    %min3A_502 = arith.minimumf %max3A_499, %min3A_501 : vector<16xf32>
    %mul3A_503 = arith.constant 1.023000e+03 : f32
    %mul3A_504 = vector.broadcast %mul3A_503 : f32 to vector<16xf32>
    %mul3A_505 = arith.mulf %min3A_502, %mul3A_504 : vector<16xf32>
    %max3A_506 = arith.constant 0.000000e+00 : f32
    %max3A_507 = vector.broadcast %max3A_506 : f32 to vector<16xf32>
    %max3A_508 = arith.maximumf %get3A_496, %max3A_507 : vector<16xf32>
    %min3A_509 = arith.constant 1.000000e+00 : f32
    %min3A_510 = vector.broadcast %min3A_509 : f32 to vector<16xf32>
    %min3A_511 = arith.minimumf %max3A_508, %min3A_510 : vector<16xf32>
    %mul3A_512 = arith.constant 1.023000e+03 : f32
    %mul3A_513 = vector.broadcast %mul3A_512 : f32 to vector<16xf32>
    %mul3A_514 = arith.mulf %min3A_511, %mul3A_513 : vector<16xf32>
    %convert_element_type3A_515 = arith.fptosi %mul3A_505 : vector<16xf32> to vector<16xi32>
    %convert_element_type3A_516 = arith.fptosi %mul3A_514 : vector<16xf32> to vector<16xi32>
    %convert_element_type3A_517 = arith.sitofp %convert_element_type3A_515 : vector<16xi32> to vector<16xf32>
    %sub3A_518 = arith.subf %mul3A_505, %convert_element_type3A_517 : vector<16xf32>
    %swap3A_519 = arith.index_cast %multiple_of3A_486 : i32 to index
    %swap3A_520 = tpu.vector_load %arg8[%swap3A_519] {strides = array<i32>} : memref<512xf32, #tpu.memory_space<vmem>>, vector<16xf32>,
    %swap3A_521 = vector.shape_cast %swap3A_520 : vector<16xf32> to vector<16xf32>
    %swap3A_522 = vector.shape_cast %sub3A_518 : vector<16xf32> to vector<16xf32>
    tpu.vector_store %arg8[%swap3A_519], %swap3A_522 {strides = array<i32>} : memref<512xf32, #tpu.memory_space<vmem>>, vector<16xf32>,
    %convert_element_type3A_523 = arith.sitofp %convert_element_type3A_516 : vector<16xi32> to vector<16xf32>
    %sub3A_524 = arith.subf %mul3A_514, %convert_element_type3A_523 : vector<16xf32>
    %swap3A_525 = arith.index_cast %multiple_of3A_486 : i32 to index
    %swap3A_526 = tpu.vector_load %arg9[%swap3A_525] {strides = array<i32>} : memref<512xf32, #tpu.memory_space<vmem>>, vector<16xf32>,
    %swap3A_527 = vector.shape_cast %swap3A_526 : vector<16xf32> to vector<16xf32>
    %swap3A_528 = vector.shape_cast %sub3A_524 : vector<16xf32> to vector<16xf32>
    tpu.vector_store %arg9[%swap3A_525], %swap3A_528 {strides = array<i32>} : memref<512xf32, #tpu.memory_space<vmem>>, vector<16xf32>,
    %add3A_529 = arith.constant 1 : i32
    %add3A_530 = vector.broadcast %add3A_529 : i32 to vector<16xi32>
    %add3A_531 = arith.addi %convert_element_type3A_515, %add3A_530 : vector<16xi32>
    %min3A_532 = arith.constant 1023 : i32
    %min3A_533 = vector.broadcast %min3A_532 : i32 to vector<16xi32>
    %min3A_534 = arith.minsi %add3A_531, %min3A_533 : vector<16xi32>
    %sub3A_535 = arith.subi %min3A_534, %convert_element_type3A_515 : vector<16xi32>
    %mul3A_536 = arith.constant 1024 : i32
    %mul3A_537 = vector.broadcast %mul3A_536 : i32 to vector<16xi32>
    %mul3A_538 = arith.muli %convert_element_type3A_516, %mul3A_537 : vector<16xi32>
    %add3A_539 = arith.addi %mul3A_538, %convert_element_type3A_515 : vector<16xi32>
    %add3A_540 = arith.constant 1 : i32
    %add3A_541 = vector.broadcast %add3A_540 : i32 to vector<16xi32>
    %add3A_542 = arith.addi %convert_element_type3A_516, %add3A_541 : vector<16xi32>
    %min3A_543 = arith.constant 1023 : i32
    %min3A_544 = vector.broadcast %min3A_543 : i32 to vector<16xi32>
    %min3A_545 = arith.minsi %add3A_542, %min3A_544 : vector<16xi32>
    %mul3A_546 = arith.constant 1024 : i32
    %mul3A_547 = vector.broadcast %mul3A_546 : i32 to vector<16xi32>
    %mul3A_548 = arith.muli %min3A_545, %mul3A_547 : vector<16xi32>
    %add3A_549 = arith.addi %mul3A_548, %convert_element_type3A_515 : vector<16xi32>
    %mul3A_550 = arith.constant 4 : i32
    %mul3A_551 = arith.muli %mul3A_550, %multiple_of3A_486 : i32
    %swap3A_552 = arith.index_cast %mul3A_551 : i32 to index
    %swap3A_553 = tpu.vector_load %arg12[%swap3A_552] {strides = array<i32>} : memref<2048xi32, #tpu.memory_space<vmem>>, vector<16xi32>,
    %swap3A_554 = vector.shape_cast %swap3A_553 : vector<16xi32> to vector<16xi32>
    %swap3A_555 = vector.shape_cast %add3A_539 : vector<16xi32> to vector<16xi32>
    tpu.vector_store %arg12[%swap3A_552], %swap3A_555 {strides = array<i32>} : memref<2048xi32, #tpu.memory_space<vmem>>, vector<16xi32>,
    %add3A_556 = arith.addi %add3A_539, %sub3A_535 : vector<16xi32>
    %add3A_557 = arith.constant 16 : i32
    %add3A_558 = arith.addi %mul3A_551, %add3A_557 : i32
    %swap3A_559 = arith.index_cast %add3A_558 : i32 to index
    %swap3A_560 = tpu.vector_load %arg12[%swap3A_559] {strides = array<i32>} : memref<2048xi32, #tpu.memory_space<vmem>>, vector<16xi32>,
    %swap3A_561 = vector.shape_cast %swap3A_560 : vector<16xi32> to vector<16xi32>
    %swap3A_562 = vector.shape_cast %add3A_556 : vector<16xi32> to vector<16xi32>
    tpu.vector_store %arg12[%swap3A_559], %swap3A_562 {strides = array<i32>} : memref<2048xi32, #tpu.memory_space<vmem>>, vector<16xi32>,
    %add3A_563 = arith.constant 32 : i32
    %add3A_564 = arith.addi %mul3A_551, %add3A_563 : i32
    %swap3A_565 = arith.index_cast %add3A_564 : i32 to index
    %swap3A_566 = tpu.vector_load %arg12[%swap3A_565] {strides = array<i32>} : memref<2048xi32, #tpu.memory_space<vmem>>, vector<16xi32>,
    %swap3A_567 = vector.shape_cast %swap3A_566 : vector<16xi32> to vector<16xi32>
    %swap3A_568 = vector.shape_cast %add3A_549 : vector<16xi32> to vector<16xi32>
    tpu.vector_store %arg12[%swap3A_565], %swap3A_568 {strides = array<i32>} : memref<2048xi32, #tpu.memory_space<vmem>>, vector<16xi32>,
    %add3A_569 = arith.addi %add3A_549, %sub3A_535 : vector<16xi32>
    %add3A_570 = arith.constant 48 : i32
    %add3A_571 = arith.addi %mul3A_551, %add3A_570 : i32
    %swap3A_572 = arith.index_cast %add3A_571 : i32 to index
    %swap3A_573 = tpu.vector_load %arg12[%swap3A_572] {strides = array<i32>} : memref<2048xi32, #tpu.memory_space<vmem>>, vector<16xi32>,
    %swap3A_574 = vector.shape_cast %swap3A_573 : vector<16xi32> to vector<16xi32>
    %swap3A_575 = vector.shape_cast %add3A_569 : vector<16xi32> to vector<16xi32>
    tpu.vector_store %arg12[%swap3A_572], %swap3A_575 {strides = array<i32>} : memref<2048xi32, #tpu.memory_space<vmem>>, vector<16xi32>,
    %scan3A_576 = arith.constant 6 : i32
    %mul3A_577 = arith.constant 16 : i32
    %mul3A_578 = arith.muli %scan3A_576, %mul3A_577 : i32
    %multiple_of3A_579 = tpu.assume_multiple %mul3A_578, 16 : i32
    %get3A_580 = arith.constant 0 : i32
    %get3A_581 = arith.index_cast %get3A_580 : i32 to index
    %get3A_582 = arith.index_cast %multiple_of3A_579 : i32 to index
    %get3A_583 = tpu.vector_load %arg7[%get3A_581, %get3A_582] {strides = array<i32>} : memref<2x512xf32, #tpu.memory_space<vmem>>, vector<1x16xf32>,
    %get3A_584 = vector.shape_cast %get3A_583 : vector<1x16xf32> to vector<16xf32>
    %get3A_585 = arith.constant 1 : i32
    %get3A_586 = arith.index_cast %get3A_585 : i32 to index
    %get3A_587 = arith.index_cast %multiple_of3A_579 : i32 to index
    %get3A_588 = tpu.vector_load %arg7[%get3A_586, %get3A_587] {strides = array<i32>} : memref<2x512xf32, #tpu.memory_space<vmem>>, vector<1x16xf32>,
    %get3A_589 = vector.shape_cast %get3A_588 : vector<1x16xf32> to vector<16xf32>
    %max3A_590 = arith.constant 0.000000e+00 : f32
    %max3A_591 = vector.broadcast %max3A_590 : f32 to vector<16xf32>
    %max3A_592 = arith.maximumf %get3A_584, %max3A_591 : vector<16xf32>
    %min3A_593 = arith.constant 1.000000e+00 : f32
    %min3A_594 = vector.broadcast %min3A_593 : f32 to vector<16xf32>
    %min3A_595 = arith.minimumf %max3A_592, %min3A_594 : vector<16xf32>
    %mul3A_596 = arith.constant 1.023000e+03 : f32
    %mul3A_597 = vector.broadcast %mul3A_596 : f32 to vector<16xf32>
    %mul3A_598 = arith.mulf %min3A_595, %mul3A_597 : vector<16xf32>
    %max3A_599 = arith.constant 0.000000e+00 : f32
    %max3A_600 = vector.broadcast %max3A_599 : f32 to vector<16xf32>
    %max3A_601 = arith.maximumf %get3A_589, %max3A_600 : vector<16xf32>
    %min3A_602 = arith.constant 1.000000e+00 : f32
    %min3A_603 = vector.broadcast %min3A_602 : f32 to vector<16xf32>
    %min3A_604 = arith.minimumf %max3A_601, %min3A_603 : vector<16xf32>
    %mul3A_605 = arith.constant 1.023000e+03 : f32
    %mul3A_606 = vector.broadcast %mul3A_605 : f32 to vector<16xf32>
    %mul3A_607 = arith.mulf %min3A_604, %mul3A_606 : vector<16xf32>
    %convert_element_type3A_608 = arith.fptosi %mul3A_598 : vector<16xf32> to vector<16xi32>
    %convert_element_type3A_609 = arith.fptosi %mul3A_607 : vector<16xf32> to vector<16xi32>
    %convert_element_type3A_610 = arith.sitofp %convert_element_type3A_608 : vector<16xi32> to vector<16xf32>
    %sub3A_611 = arith.subf %mul3A_598, %convert_element_type3A_610 : vector<16xf32>
    %swap3A_612 = arith.index_cast %multiple_of3A_579 : i32 to index
    %swap3A_613 = tpu.vector_load %arg8[%swap3A_612] {strides = array<i32>} : memref<512xf32, #tpu.memory_space<vmem>>, vector<16xf32>,
    %swap3A_614 = vector.shape_cast %swap3A_613 : vector<16xf32> to vector<16xf32>
    %swap3A_615 = vector.shape_cast %sub3A_611 : vector<16xf32> to vector<16xf32>
    tpu.vector_store %arg8[%swap3A_612], %swap3A_615 {strides = array<i32>} : memref<512xf32, #tpu.memory_space<vmem>>, vector<16xf32>,
    %convert_element_type3A_616 = arith.sitofp %convert_element_type3A_609 : vector<16xi32> to vector<16xf32>
    %sub3A_617 = arith.subf %mul3A_607, %convert_element_type3A_616 : vector<16xf32>
    %swap3A_618 = arith.index_cast %multiple_of3A_579 : i32 to index
    %swap3A_619 = tpu.vector_load %arg9[%swap3A_618] {strides = array<i32>} : memref<512xf32, #tpu.memory_space<vmem>>, vector<16xf32>,
    %swap3A_620 = vector.shape_cast %swap3A_619 : vector<16xf32> to vector<16xf32>
    %swap3A_621 = vector.shape_cast %sub3A_617 : vector<16xf32> to vector<16xf32>
    tpu.vector_store %arg9[%swap3A_618], %swap3A_621 {strides = array<i32>} : memref<512xf32, #tpu.memory_space<vmem>>, vector<16xf32>,
    %add3A_622 = arith.constant 1 : i32
    %add3A_623 = vector.broadcast %add3A_622 : i32 to vector<16xi32>
    %add3A_624 = arith.addi %convert_element_type3A_608, %add3A_623 : vector<16xi32>
    %min3A_625 = arith.constant 1023 : i32
    %min3A_626 = vector.broadcast %min3A_625 : i32 to vector<16xi32>
    %min3A_627 = arith.minsi %add3A_624, %min3A_626 : vector<16xi32>
    %sub3A_628 = arith.subi %min3A_627, %convert_element_type3A_608 : vector<16xi32>
    %mul3A_629 = arith.constant 1024 : i32
    %mul3A_630 = vector.broadcast %mul3A_629 : i32 to vector<16xi32>
    %mul3A_631 = arith.muli %convert_element_type3A_609, %mul3A_630 : vector<16xi32>
    %add3A_632 = arith.addi %mul3A_631, %convert_element_type3A_608 : vector<16xi32>
    %add3A_633 = arith.constant 1 : i32
    %add3A_634 = vector.broadcast %add3A_633 : i32 to vector<16xi32>
    %add3A_635 = arith.addi %convert_element_type3A_609, %add3A_634 : vector<16xi32>
    %min3A_636 = arith.constant 1023 : i32
    %min3A_637 = vector.broadcast %min3A_636 : i32 to vector<16xi32>
    %min3A_638 = arith.minsi %add3A_635, %min3A_637 : vector<16xi32>
    %mul3A_639 = arith.constant 1024 : i32
    %mul3A_640 = vector.broadcast %mul3A_639 : i32 to vector<16xi32>
    %mul3A_641 = arith.muli %min3A_638, %mul3A_640 : vector<16xi32>
    %add3A_642 = arith.addi %mul3A_641, %convert_element_type3A_608 : vector<16xi32>
    %mul3A_643 = arith.constant 4 : i32
    %mul3A_644 = arith.muli %mul3A_643, %multiple_of3A_579 : i32
    %swap3A_645 = arith.index_cast %mul3A_644 : i32 to index
    %swap3A_646 = tpu.vector_load %arg12[%swap3A_645] {strides = array<i32>} : memref<2048xi32, #tpu.memory_space<vmem>>, vector<16xi32>,
    %swap3A_647 = vector.shape_cast %swap3A_646 : vector<16xi32> to vector<16xi32>
    %swap3A_648 = vector.shape_cast %add3A_632 : vector<16xi32> to vector<16xi32>
    tpu.vector_store %arg12[%swap3A_645], %swap3A_648 {strides = array<i32>} : memref<2048xi32, #tpu.memory_space<vmem>>, vector<16xi32>,
    %add3A_649 = arith.addi %add3A_632, %sub3A_628 : vector<16xi32>
    %add3A_650 = arith.constant 16 : i32
    %add3A_651 = arith.addi %mul3A_644, %add3A_650 : i32
    %swap3A_652 = arith.index_cast %add3A_651 : i32 to index
    %swap3A_653 = tpu.vector_load %arg12[%swap3A_652] {strides = array<i32>} : memref<2048xi32, #tpu.memory_space<vmem>>, vector<16xi32>,
    %swap3A_654 = vector.shape_cast %swap3A_653 : vector<16xi32> to vector<16xi32>
    %swap3A_655 = vector.shape_cast %add3A_649 : vector<16xi32> to vector<16xi32>
    tpu.vector_store %arg12[%swap3A_652], %swap3A_655 {strides = array<i32>} : memref<2048xi32, #tpu.memory_space<vmem>>, vector<16xi32>,
    %add3A_656 = arith.constant 32 : i32
    %add3A_657 = arith.addi %mul3A_644, %add3A_656 : i32
    %swap3A_658 = arith.index_cast %add3A_657 : i32 to index
    %swap3A_659 = tpu.vector_load %arg12[%swap3A_658] {strides = array<i32>} : memref<2048xi32, #tpu.memory_space<vmem>>, vector<16xi32>,
    %swap3A_660 = vector.shape_cast %swap3A_659 : vector<16xi32> to vector<16xi32>
    %swap3A_661 = vector.shape_cast %add3A_642 : vector<16xi32> to vector<16xi32>
    tpu.vector_store %arg12[%swap3A_658], %swap3A_661 {strides = array<i32>} : memref<2048xi32, #tpu.memory_space<vmem>>, vector<16xi32>,
    %add3A_662 = arith.addi %add3A_642, %sub3A_628 : vector<16xi32>
    %add3A_663 = arith.constant 48 : i32
    %add3A_664 = arith.addi %mul3A_644, %add3A_663 : i32
    %swap3A_665 = arith.index_cast %add3A_664 : i32 to index
    %swap3A_666 = tpu.vector_load %arg12[%swap3A_665] {strides = array<i32>} : memref<2048xi32, #tpu.memory_space<vmem>>, vector<16xi32>,
    %swap3A_667 = vector.shape_cast %swap3A_666 : vector<16xi32> to vector<16xi32>
    %swap3A_668 = vector.shape_cast %add3A_662 : vector<16xi32> to vector<16xi32>
    tpu.vector_store %arg12[%swap3A_665], %swap3A_668 {strides = array<i32>} : memref<2048xi32, #tpu.memory_space<vmem>>, vector<16xi32>,
    %scan3A_669 = arith.constant 7 : i32
    %mul3A_670 = arith.constant 16 : i32
    %mul3A_671 = arith.muli %scan3A_669, %mul3A_670 : i32
    %multiple_of3A_672 = tpu.assume_multiple %mul3A_671, 16 : i32
    %get3A_673 = arith.constant 0 : i32
    %get3A_674 = arith.index_cast %get3A_673 : i32 to index
    %get3A_675 = arith.index_cast %multiple_of3A_672 : i32 to index
    %get3A_676 = tpu.vector_load %arg7[%get3A_674, %get3A_675] {strides = array<i32>} : memref<2x512xf32, #tpu.memory_space<vmem>>, vector<1x16xf32>,
    %get3A_677 = vector.shape_cast %get3A_676 : vector<1x16xf32> to vector<16xf32>
    %get3A_678 = arith.constant 1 : i32
    %get3A_679 = arith.index_cast %get3A_678 : i32 to index
    %get3A_680 = arith.index_cast %multiple_of3A_672 : i32 to index
    %get3A_681 = tpu.vector_load %arg7[%get3A_679, %get3A_680] {strides = array<i32>} : memref<2x512xf32, #tpu.memory_space<vmem>>, vector<1x16xf32>,
    %get3A_682 = vector.shape_cast %get3A_681 : vector<1x16xf32> to vector<16xf32>
    %max3A_683 = arith.constant 0.000000e+00 : f32
    %max3A_684 = vector.broadcast %max3A_683 : f32 to vector<16xf32>
    %max3A_685 = arith.maximumf %get3A_677, %max3A_684 : vector<16xf32>
    %min3A_686 = arith.constant 1.000000e+00 : f32
    %min3A_687 = vector.broadcast %min3A_686 : f32 to vector<16xf32>
    %min3A_688 = arith.minimumf %max3A_685, %min3A_687 : vector<16xf32>
    %mul3A_689 = arith.constant 1.023000e+03 : f32
    %mul3A_690 = vector.broadcast %mul3A_689 : f32 to vector<16xf32>
    %mul3A_691 = arith.mulf %min3A_688, %mul3A_690 : vector<16xf32>
    %max3A_692 = arith.constant 0.000000e+00 : f32
    %max3A_693 = vector.broadcast %max3A_692 : f32 to vector<16xf32>
    %max3A_694 = arith.maximumf %get3A_682, %max3A_693 : vector<16xf32>
    %min3A_695 = arith.constant 1.000000e+00 : f32
    %min3A_696 = vector.broadcast %min3A_695 : f32 to vector<16xf32>
    %min3A_697 = arith.minimumf %max3A_694, %min3A_696 : vector<16xf32>
    %mul3A_698 = arith.constant 1.023000e+03 : f32
    %mul3A_699 = vector.broadcast %mul3A_698 : f32 to vector<16xf32>
    %mul3A_700 = arith.mulf %min3A_697, %mul3A_699 : vector<16xf32>
    %convert_element_type3A_701 = arith.fptosi %mul3A_691 : vector<16xf32> to vector<16xi32>
    %convert_element_type3A_702 = arith.fptosi %mul3A_700 : vector<16xf32> to vector<16xi32>
    %convert_element_type3A_703 = arith.sitofp %convert_element_type3A_701 : vector<16xi32> to vector<16xf32>
    %sub3A_704 = arith.subf %mul3A_691, %convert_element_type3A_703 : vector<16xf32>
    %swap3A_705 = arith.index_cast %multiple_of3A_672 : i32 to index
    %swap3A_706 = tpu.vector_load %arg8[%swap3A_705] {strides = array<i32>} : memref<512xf32, #tpu.memory_space<vmem>>, vector<16xf32>,
    %swap3A_707 = vector.shape_cast %swap3A_706 : vector<16xf32> to vector<16xf32>
    %swap3A_708 = vector.shape_cast %sub3A_704 : vector<16xf32> to vector<16xf32>
    tpu.vector_store %arg8[%swap3A_705], %swap3A_708 {strides = array<i32>} : memref<512xf32, #tpu.memory_space<vmem>>, vector<16xf32>,
    %convert_element_type3A_709 = arith.sitofp %convert_element_type3A_702 : vector<16xi32> to vector<16xf32>
    %sub3A_710 = arith.subf %mul3A_700, %convert_element_type3A_709 : vector<16xf32>
    %swap3A_711 = arith.index_cast %multiple_of3A_672 : i32 to index
    %swap3A_712 = tpu.vector_load %arg9[%swap3A_711] {strides = array<i32>} : memref<512xf32, #tpu.memory_space<vmem>>, vector<16xf32>,
    %swap3A_713 = vector.shape_cast %swap3A_712 : vector<16xf32> to vector<16xf32>
    %swap3A_714 = vector.shape_cast %sub3A_710 : vector<16xf32> to vector<16xf32>
    tpu.vector_store %arg9[%swap3A_711], %swap3A_714 {strides = array<i32>} : memref<512xf32, #tpu.memory_space<vmem>>, vector<16xf32>,
    %add3A_715 = arith.constant 1 : i32
    %add3A_716 = vector.broadcast %add3A_715 : i32 to vector<16xi32>
    %add3A_717 = arith.addi %convert_element_type3A_701, %add3A_716 : vector<16xi32>
    %min3A_718 = arith.constant 1023 : i32
    %min3A_719 = vector.broadcast %min3A_718 : i32 to vector<16xi32>
    %min3A_720 = arith.minsi %add3A_717, %min3A_719 : vector<16xi32>
    %sub3A_721 = arith.subi %min3A_720, %convert_element_type3A_701 : vector<16xi32>
    %mul3A_722 = arith.constant 1024 : i32
    %mul3A_723 = vector.broadcast %mul3A_722 : i32 to vector<16xi32>
    %mul3A_724 = arith.muli %convert_element_type3A_702, %mul3A_723 : vector<16xi32>
    %add3A_725 = arith.addi %mul3A_724, %convert_element_type3A_701 : vector<16xi32>
    %add3A_726 = arith.constant 1 : i32
    %add3A_727 = vector.broadcast %add3A_726 : i32 to vector<16xi32>
    %add3A_728 = arith.addi %convert_element_type3A_702, %add3A_727 : vector<16xi32>
    %min3A_729 = arith.constant 1023 : i32
    %min3A_730 = vector.broadcast %min3A_729 : i32 to vector<16xi32>
    %min3A_731 = arith.minsi %add3A_728, %min3A_730 : vector<16xi32>
    %mul3A_732 = arith.constant 1024 : i32
    %mul3A_733 = vector.broadcast %mul3A_732 : i32 to vector<16xi32>
    %mul3A_734 = arith.muli %min3A_731, %mul3A_733 : vector<16xi32>
    %add3A_735 = arith.addi %mul3A_734, %convert_element_type3A_701 : vector<16xi32>
    %mul3A_736 = arith.constant 4 : i32
    %mul3A_737 = arith.muli %mul3A_736, %multiple_of3A_672 : i32
    %swap3A_738 = arith.index_cast %mul3A_737 : i32 to index
    %swap3A_739 = tpu.vector_load %arg12[%swap3A_738] {strides = array<i32>} : memref<2048xi32, #tpu.memory_space<vmem>>, vector<16xi32>,
    %swap3A_740 = vector.shape_cast %swap3A_739 : vector<16xi32> to vector<16xi32>
    %swap3A_741 = vector.shape_cast %add3A_725 : vector<16xi32> to vector<16xi32>
    tpu.vector_store %arg12[%swap3A_738], %swap3A_741 {strides = array<i32>} : memref<2048xi32, #tpu.memory_space<vmem>>, vector<16xi32>,
    %add3A_742 = arith.addi %add3A_725, %sub3A_721 : vector<16xi32>
    %add3A_743 = arith.constant 16 : i32
    %add3A_744 = arith.addi %mul3A_737, %add3A_743 : i32
    %swap3A_745 = arith.index_cast %add3A_744 : i32 to index
    %swap3A_746 = tpu.vector_load %arg12[%swap3A_745] {strides = array<i32>} : memref<2048xi32, #tpu.memory_space<vmem>>, vector<16xi32>,
    %swap3A_747 = vector.shape_cast %swap3A_746 : vector<16xi32> to vector<16xi32>
    %swap3A_748 = vector.shape_cast %add3A_742 : vector<16xi32> to vector<16xi32>
    tpu.vector_store %arg12[%swap3A_745], %swap3A_748 {strides = array<i32>} : memref<2048xi32, #tpu.memory_space<vmem>>, vector<16xi32>,
    %add3A_749 = arith.constant 32 : i32
    %add3A_750 = arith.addi %mul3A_737, %add3A_749 : i32
    %swap3A_751 = arith.index_cast %add3A_750 : i32 to index
    %swap3A_752 = tpu.vector_load %arg12[%swap3A_751] {strides = array<i32>} : memref<2048xi32, #tpu.memory_space<vmem>>, vector<16xi32>,
    %swap3A_753 = vector.shape_cast %swap3A_752 : vector<16xi32> to vector<16xi32>
    %swap3A_754 = vector.shape_cast %add3A_735 : vector<16xi32> to vector<16xi32>
    tpu.vector_store %arg12[%swap3A_751], %swap3A_754 {strides = array<i32>} : memref<2048xi32, #tpu.memory_space<vmem>>, vector<16xi32>,
    %add3A_755 = arith.addi %add3A_735, %sub3A_721 : vector<16xi32>
    %add3A_756 = arith.constant 48 : i32
    %add3A_757 = arith.addi %mul3A_737, %add3A_756 : i32
    %swap3A_758 = arith.index_cast %add3A_757 : i32 to index
    %swap3A_759 = tpu.vector_load %arg12[%swap3A_758] {strides = array<i32>} : memref<2048xi32, #tpu.memory_space<vmem>>, vector<16xi32>,
    %swap3A_760 = vector.shape_cast %swap3A_759 : vector<16xi32> to vector<16xi32>
    %swap3A_761 = vector.shape_cast %add3A_755 : vector<16xi32> to vector<16xi32>
    tpu.vector_store %arg12[%swap3A_758], %swap3A_761 {strides = array<i32>} : memref<2048xi32, #tpu.memory_space<vmem>>, vector<16xi32>,
    %scan3A_762 = arith.constant 4 : i32
    %dma_start3A_763 = arith.constant 256 : i32
    %dma_start3A_764 = tpu.memref_slice %arg13[%dma_start3A_763] : memref<2048xf32, #tpu.memory_space<vmem>> -> memref<256xf32, #tpu.memory_space<vmem>>
    %dma_start3A_765 = arith.constant 256 : i32
    %dma_start3A_766 = tpu.memref_slice %arg12[%dma_start3A_765] : memref<2048xi32, #tpu.memory_space<vmem>> -> memref<256xi32, #tpu.memory_space<vmem>>
    %dma_start3A_767 = arith.constant 0 : i32
    %dma_start3A_768 = tpu.memref_slice %arg3[%dma_start3A_767] : memref<1048576xf32, #tpu.memory_space<hbm>> -> memref<1048576xf32, #tpu.memory_space<hbm>>
    tpu.enqueue_indirect_dma source(%dma_start3A_768 : memref<1048576xf32, #tpu.memory_space<hbm>>) target(%dma_start3A_764 : memref<256xf32, #tpu.memory_space<vmem>>) offsets(%dma_start3A_766 : memref<256xi32, #tpu.memory_space<vmem>>) semaphore(%arg16 : memref<!tpu.dma_semaphore, #tpu.memory_space<semaphore_mem>>)
    %scan3A_769 = arith.constant 0 : i32
    %scan3A_770 = arith.constant 8 : i32
    %mul3A_771 = arith.constant 16 : i32
    %mul3A_772 = arith.muli %scan3A_770, %mul3A_771 : i32
    %multiple_of3A_773 = tpu.assume_multiple %mul3A_772, 16 : i32
    %get3A_774 = arith.constant 0 : i32
    %get3A_775 = arith.index_cast %get3A_774 : i32 to index
    %get3A_776 = arith.index_cast %multiple_of3A_773 : i32 to index
    %get3A_777 = tpu.vector_load %arg7[%get3A_775, %get3A_776] {strides = array<i32>} : memref<2x512xf32, #tpu.memory_space<vmem>>, vector<1x16xf32>,
    %get3A_778 = vector.shape_cast %get3A_777 : vector<1x16xf32> to vector<16xf32>
    %get3A_779 = arith.constant 1 : i32
    %get3A_780 = arith.index_cast %get3A_779 : i32 to index
    %get3A_781 = arith.index_cast %multiple_of3A_773 : i32 to index
    %get3A_782 = tpu.vector_load %arg7[%get3A_780, %get3A_781] {strides = array<i32>} : memref<2x512xf32, #tpu.memory_space<vmem>>, vector<1x16xf32>,
    %get3A_783 = vector.shape_cast %get3A_782 : vector<1x16xf32> to vector<16xf32>
    %max3A_784 = arith.constant 0.000000e+00 : f32
    %max3A_785 = vector.broadcast %max3A_784 : f32 to vector<16xf32>
    %max3A_786 = arith.maximumf %get3A_778, %max3A_785 : vector<16xf32>
    %min3A_787 = arith.constant 1.000000e+00 : f32
    %min3A_788 = vector.broadcast %min3A_787 : f32 to vector<16xf32>
    %min3A_789 = arith.minimumf %max3A_786, %min3A_788 : vector<16xf32>
    %mul3A_790 = arith.constant 1.023000e+03 : f32
    %mul3A_791 = vector.broadcast %mul3A_790 : f32 to vector<16xf32>
    %mul3A_792 = arith.mulf %min3A_789, %mul3A_791 : vector<16xf32>
    %max3A_793 = arith.constant 0.000000e+00 : f32
    %max3A_794 = vector.broadcast %max3A_793 : f32 to vector<16xf32>
    %max3A_795 = arith.maximumf %get3A_783, %max3A_794 : vector<16xf32>
    %min3A_796 = arith.constant 1.000000e+00 : f32
    %min3A_797 = vector.broadcast %min3A_796 : f32 to vector<16xf32>
    %min3A_798 = arith.minimumf %max3A_795, %min3A_797 : vector<16xf32>
    %mul3A_799 = arith.constant 1.023000e+03 : f32
    %mul3A_800 = vector.broadcast %mul3A_799 : f32 to vector<16xf32>
    %mul3A_801 = arith.mulf %min3A_798, %mul3A_800 : vector<16xf32>
    %convert_element_type3A_802 = arith.fptosi %mul3A_792 : vector<16xf32> to vector<16xi32>
    %convert_element_type3A_803 = arith.fptosi %mul3A_801 : vector<16xf32> to vector<16xi32>
    %convert_element_type3A_804 = arith.sitofp %convert_element_type3A_802 : vector<16xi32> to vector<16xf32>
    %sub3A_805 = arith.subf %mul3A_792, %convert_element_type3A_804 : vector<16xf32>
    %swap3A_806 = arith.index_cast %multiple_of3A_773 : i32 to index
    %swap3A_807 = tpu.vector_load %arg8[%swap3A_806] {strides = array<i32>} : memref<512xf32, #tpu.memory_space<vmem>>, vector<16xf32>,
    %swap3A_808 = vector.shape_cast %swap3A_807 : vector<16xf32> to vector<16xf32>
    %swap3A_809 = vector.shape_cast %sub3A_805 : vector<16xf32> to vector<16xf32>
    tpu.vector_store %arg8[%swap3A_806], %swap3A_809 {strides = array<i32>} : memref<512xf32, #tpu.memory_space<vmem>>, vector<16xf32>,
    %convert_element_type3A_810 = arith.sitofp %convert_element_type3A_803 : vector<16xi32> to vector<16xf32>
    %sub3A_811 = arith.subf %mul3A_801, %convert_element_type3A_810 : vector<16xf32>
    %swap3A_812 = arith.index_cast %multiple_of3A_773 : i32 to index
    %swap3A_813 = tpu.vector_load %arg9[%swap3A_812] {strides = array<i32>} : memref<512xf32, #tpu.memory_space<vmem>>, vector<16xf32>,
    %swap3A_814 = vector.shape_cast %swap3A_813 : vector<16xf32> to vector<16xf32>
    %swap3A_815 = vector.shape_cast %sub3A_811 : vector<16xf32> to vector<16xf32>
    tpu.vector_store %arg9[%swap3A_812], %swap3A_815 {strides = array<i32>} : memref<512xf32, #tpu.memory_space<vmem>>, vector<16xf32>,
    %add3A_816 = arith.constant 1 : i32
    %add3A_817 = vector.broadcast %add3A_816 : i32 to vector<16xi32>
    %add3A_818 = arith.addi %convert_element_type3A_802, %add3A_817 : vector<16xi32>
    %min3A_819 = arith.constant 1023 : i32
    %min3A_820 = vector.broadcast %min3A_819 : i32 to vector<16xi32>
    %min3A_821 = arith.minsi %add3A_818, %min3A_820 : vector<16xi32>
    %sub3A_822 = arith.subi %min3A_821, %convert_element_type3A_802 : vector<16xi32>
    %mul3A_823 = arith.constant 1024 : i32
    %mul3A_824 = vector.broadcast %mul3A_823 : i32 to vector<16xi32>
    %mul3A_825 = arith.muli %convert_element_type3A_803, %mul3A_824 : vector<16xi32>
    %add3A_826 = arith.addi %mul3A_825, %convert_element_type3A_802 : vector<16xi32>
    %add3A_827 = arith.constant 1 : i32
    %add3A_828 = vector.broadcast %add3A_827 : i32 to vector<16xi32>
    %add3A_829 = arith.addi %convert_element_type3A_803, %add3A_828 : vector<16xi32>
    %min3A_830 = arith.constant 1023 : i32
    %min3A_831 = vector.broadcast %min3A_830 : i32 to vector<16xi32>
    %min3A_832 = arith.minsi %add3A_829, %min3A_831 : vector<16xi32>
    %mul3A_833 = arith.constant 1024 : i32
    %mul3A_834 = vector.broadcast %mul3A_833 : i32 to vector<16xi32>
    %mul3A_835 = arith.muli %min3A_832, %mul3A_834 : vector<16xi32>
    %add3A_836 = arith.addi %mul3A_835, %convert_element_type3A_802 : vector<16xi32>
    %mul3A_837 = arith.constant 4 : i32
    %mul3A_838 = arith.muli %mul3A_837, %multiple_of3A_773 : i32
    %swap3A_839 = arith.index_cast %mul3A_838 : i32 to index
    %swap3A_840 = tpu.vector_load %arg12[%swap3A_839] {strides = array<i32>} : memref<2048xi32, #tpu.memory_space<vmem>>, vector<16xi32>,
    %swap3A_841 = vector.shape_cast %swap3A_840 : vector<16xi32> to vector<16xi32>
    %swap3A_842 = vector.shape_cast %add3A_826 : vector<16xi32> to vector<16xi32>
    tpu.vector_store %arg12[%swap3A_839], %swap3A_842 {strides = array<i32>} : memref<2048xi32, #tpu.memory_space<vmem>>, vector<16xi32>,
    %add3A_843 = arith.addi %add3A_826, %sub3A_822 : vector<16xi32>
    %add3A_844 = arith.constant 16 : i32
    %add3A_845 = arith.addi %mul3A_838, %add3A_844 : i32
    %swap3A_846 = arith.index_cast %add3A_845 : i32 to index
    %swap3A_847 = tpu.vector_load %arg12[%swap3A_846] {strides = array<i32>} : memref<2048xi32, #tpu.memory_space<vmem>>, vector<16xi32>,
    %swap3A_848 = vector.shape_cast %swap3A_847 : vector<16xi32> to vector<16xi32>
    %swap3A_849 = vector.shape_cast %add3A_843 : vector<16xi32> to vector<16xi32>
    tpu.vector_store %arg12[%swap3A_846], %swap3A_849 {strides = array<i32>} : memref<2048xi32, #tpu.memory_space<vmem>>, vector<16xi32>,
    %add3A_850 = arith.constant 32 : i32
    %add3A_851 = arith.addi %mul3A_838, %add3A_850 : i32
    %swap3A_852 = arith.index_cast %add3A_851 : i32 to index
    %swap3A_853 = tpu.vector_load %arg12[%swap3A_852] {strides = array<i32>} : memref<2048xi32, #tpu.memory_space<vmem>>, vector<16xi32>,
    %swap3A_854 = vector.shape_cast %swap3A_853 : vector<16xi32> to vector<16xi32>
    %swap3A_855 = vector.shape_cast %add3A_836 : vector<16xi32> to vector<16xi32>
    tpu.vector_store %arg12[%swap3A_852], %swap3A_855 {strides = array<i32>} : memref<2048xi32, #tpu.memory_space<vmem>>, vector<16xi32>,
    %add3A_856 = arith.addi %add3A_836, %sub3A_822 : vector<16xi32>
    %add3A_857 = arith.constant 48 : i32
    %add3A_858 = arith.addi %mul3A_838, %add3A_857 : i32
    %swap3A_859 = arith.index_cast %add3A_858 : i32 to index
    %swap3A_860 = tpu.vector_load %arg12[%swap3A_859] {strides = array<i32>} : memref<2048xi32, #tpu.memory_space<vmem>>, vector<16xi32>,
    %swap3A_861 = vector.shape_cast %swap3A_860 : vector<16xi32> to vector<16xi32>
    %swap3A_862 = vector.shape_cast %add3A_856 : vector<16xi32> to vector<16xi32>
    tpu.vector_store %arg12[%swap3A_859], %swap3A_862 {strides = array<i32>} : memref<2048xi32, #tpu.memory_space<vmem>>, vector<16xi32>,
    %scan3A_863 = arith.constant 9 : i32
    %mul3A_864 = arith.constant 16 : i32
    %mul3A_865 = arith.muli %scan3A_863, %mul3A_864 : i32
    %multiple_of3A_866 = tpu.assume_multiple %mul3A_865, 16 : i32
    %get3A_867 = arith.constant 0 : i32
    %get3A_868 = arith.index_cast %get3A_867 : i32 to index
    %get3A_869 = arith.index_cast %multiple_of3A_866 : i32 to index
    %get3A_870 = tpu.vector_load %arg7[%get3A_868, %get3A_869] {strides = array<i32>} : memref<2x512xf32, #tpu.memory_space<vmem>>, vector<1x16xf32>,
    %get3A_871 = vector.shape_cast %get3A_870 : vector<1x16xf32> to vector<16xf32>
    %get3A_872 = arith.constant 1 : i32
    %get3A_873 = arith.index_cast %get3A_872 : i32 to index
    %get3A_874 = arith.index_cast %multiple_of3A_866 : i32 to index
    %get3A_875 = tpu.vector_load %arg7[%get3A_873, %get3A_874] {strides = array<i32>} : memref<2x512xf32, #tpu.memory_space<vmem>>, vector<1x16xf32>,
    %get3A_876 = vector.shape_cast %get3A_875 : vector<1x16xf32> to vector<16xf32>
    %max3A_877 = arith.constant 0.000000e+00 : f32
    %max3A_878 = vector.broadcast %max3A_877 : f32 to vector<16xf32>
    %max3A_879 = arith.maximumf %get3A_871, %max3A_878 : vector<16xf32>
    %min3A_880 = arith.constant 1.000000e+00 : f32
    %min3A_881 = vector.broadcast %min3A_880 : f32 to vector<16xf32>
    %min3A_882 = arith.minimumf %max3A_879, %min3A_881 : vector<16xf32>
    %mul3A_883 = arith.constant 1.023000e+03 : f32
    %mul3A_884 = vector.broadcast %mul3A_883 : f32 to vector<16xf32>
    %mul3A_885 = arith.mulf %min3A_882, %mul3A_884 : vector<16xf32>
    %max3A_886 = arith.constant 0.000000e+00 : f32
    %max3A_887 = vector.broadcast %max3A_886 : f32 to vector<16xf32>
    %max3A_888 = arith.maximumf %get3A_876, %max3A_887 : vector<16xf32>
    %min3A_889 = arith.constant 1.000000e+00 : f32
    %min3A_890 = vector.broadcast %min3A_889 : f32 to vector<16xf32>
    %min3A_891 = arith.minimumf %max3A_888, %min3A_890 : vector<16xf32>
    %mul3A_892 = arith.constant 1.023000e+03 : f32
    %mul3A_893 = vector.broadcast %mul3A_892 : f32 to vector<16xf32>
    %mul3A_894 = arith.mulf %min3A_891, %mul3A_893 : vector<16xf32>
    %convert_element_type3A_895 = arith.fptosi %mul3A_885 : vector<16xf32> to vector<16xi32>
    %convert_element_type3A_896 = arith.fptosi %mul3A_894 : vector<16xf32> to vector<16xi32>
    %convert_element_type3A_897 = arith.sitofp %convert_element_type3A_895 : vector<16xi32> to vector<16xf32>
    %sub3A_898 = arith.subf %mul3A_885, %convert_element_type3A_897 : vector<16xf32>
    %swap3A_899 = arith.index_cast %multiple_of3A_866 : i32 to index
    %swap3A_900 = tpu.vector_load %arg8[%swap3A_899] {strides = array<i32>} : memref<512xf32, #tpu.memory_space<vmem>>, vector<16xf32>,
    %swap3A_901 = vector.shape_cast %swap3A_900 : vector<16xf32> to vector<16xf32>
    %swap3A_902 = vector.shape_cast %sub3A_898 : vector<16xf32> to vector<16xf32>
    tpu.vector_store %arg8[%swap3A_899], %swap3A_902 {strides = array<i32>} : memref<512xf32, #tpu.memory_space<vmem>>, vector<16xf32>,
    %convert_element_type3A_903 = arith.sitofp %convert_element_type3A_896 : vector<16xi32> to vector<16xf32>
    %sub3A_904 = arith.subf %mul3A_894, %convert_element_type3A_903 : vector<16xf32>
    %swap3A_905 = arith.index_cast %multiple_of3A_866 : i32 to index
    %swap3A_906 = tpu.vector_load %arg9[%swap3A_905] {strides = array<i32>} : memref<512xf32, #tpu.memory_space<vmem>>, vector<16xf32>,
    %swap3A_907 = vector.shape_cast %swap3A_906 : vector<16xf32> to vector<16xf32>
    %swap3A_908 = vector.shape_cast %sub3A_904 : vector<16xf32> to vector<16xf32>
    tpu.vector_store %arg9[%swap3A_905], %swap3A_908 {strides = array<i32>} : memref<512xf32, #tpu.memory_space<vmem>>, vector<16xf32>,
    %add3A_909 = arith.constant 1 : i32
    %add3A_910 = vector.broadcast %add3A_909 : i32 to vector<16xi32>
    %add3A_911 = arith.addi %convert_element_type3A_895, %add3A_910 : vector<16xi32>
    %min3A_912 = arith.constant 1023 : i32
    %min3A_913 = vector.broadcast %min3A_912 : i32 to vector<16xi32>
    %min3A_914 = arith.minsi %add3A_911, %min3A_913 : vector<16xi32>
    %sub3A_915 = arith.subi %min3A_914, %convert_element_type3A_895 : vector<16xi32>
    %mul3A_916 = arith.constant 1024 : i32
    %mul3A_917 = vector.broadcast %mul3A_916 : i32 to vector<16xi32>
    %mul3A_918 = arith.muli %convert_element_type3A_896, %mul3A_917 : vector<16xi32>
    %add3A_919 = arith.addi %mul3A_918, %convert_element_type3A_895 : vector<16xi32>
    %add3A_920 = arith.constant 1 : i32
    %add3A_921 = vector.broadcast %add3A_920 : i32 to vector<16xi32>
    %add3A_922 = arith.addi %convert_element_type3A_896, %add3A_921 : vector<16xi32>
    %min3A_923 = arith.constant 1023 : i32
    %min3A_924 = vector.broadcast %min3A_923 : i32 to vector<16xi32>
    %min3A_925 = arith.minsi %add3A_922, %min3A_924 : vector<16xi32>
    %mul3A_926 = arith.constant 1024 : i32
    %mul3A_927 = vector.broadcast %mul3A_926 : i32 to vector<16xi32>
    %mul3A_928 = arith.muli %min3A_925, %mul3A_927 : vector<16xi32>
    %add3A_929 = arith.addi %mul3A_928, %convert_element_type3A_895 : vector<16xi32>
    %mul3A_930 = arith.constant 4 : i32
    %mul3A_931 = arith.muli %mul3A_930, %multiple_of3A_866 : i32
    %swap3A_932 = arith.index_cast %mul3A_931 : i32 to index
    %swap3A_933 = tpu.vector_load %arg12[%swap3A_932] {strides = array<i32>} : memref<2048xi32, #tpu.memory_space<vmem>>, vector<16xi32>,
    %swap3A_934 = vector.shape_cast %swap3A_933 : vector<16xi32> to vector<16xi32>
    %swap3A_935 = vector.shape_cast %add3A_919 : vector<16xi32> to vector<16xi32>
    tpu.vector_store %arg12[%swap3A_932], %swap3A_935 {strides = array<i32>} : memref<2048xi32, #tpu.memory_space<vmem>>, vector<16xi32>,
    %add3A_936 = arith.addi %add3A_919, %sub3A_915 : vector<16xi32>
    %add3A_937 = arith.constant 16 : i32
    %add3A_938 = arith.addi %mul3A_931, %add3A_937 : i32
    %swap3A_939 = arith.index_cast %add3A_938 : i32 to index
    %swap3A_940 = tpu.vector_load %arg12[%swap3A_939] {strides = array<i32>} : memref<2048xi32, #tpu.memory_space<vmem>>, vector<16xi32>,
    %swap3A_941 = vector.shape_cast %swap3A_940 : vector<16xi32> to vector<16xi32>
    %swap3A_942 = vector.shape_cast %add3A_936 : vector<16xi32> to vector<16xi32>
    tpu.vector_store %arg12[%swap3A_939], %swap3A_942 {strides = array<i32>} : memref<2048xi32, #tpu.memory_space<vmem>>, vector<16xi32>,
    %add3A_943 = arith.constant 32 : i32
    %add3A_944 = arith.addi %mul3A_931, %add3A_943 : i32
    %swap3A_945 = arith.index_cast %add3A_944 : i32 to index
    %swap3A_946 = tpu.vector_load %arg12[%swap3A_945] {strides = array<i32>} : memref<2048xi32, #tpu.memory_space<vmem>>, vector<16xi32>,
    %swap3A_947 = vector.shape_cast %swap3A_946 : vector<16xi32> to vector<16xi32>
    %swap3A_948 = vector.shape_cast %add3A_929 : vector<16xi32> to vector<16xi32>
    tpu.vector_store %arg12[%swap3A_945], %swap3A_948 {strides = array<i32>} : memref<2048xi32, #tpu.memory_space<vmem>>, vector<16xi32>,
    %add3A_949 = arith.addi %add3A_929, %sub3A_915 : vector<16xi32>
    %add3A_950 = arith.constant 48 : i32
    %add3A_951 = arith.addi %mul3A_931, %add3A_950 : i32
    %swap3A_952 = arith.index_cast %add3A_951 : i32 to index
    %swap3A_953 = tpu.vector_load %arg12[%swap3A_952] {strides = array<i32>} : memref<2048xi32, #tpu.memory_space<vmem>>, vector<16xi32>,
    %swap3A_954 = vector.shape_cast %swap3A_953 : vector<16xi32> to vector<16xi32>
    %swap3A_955 = vector.shape_cast %add3A_949 : vector<16xi32> to vector<16xi32>
    tpu.vector_store %arg12[%swap3A_952], %swap3A_955 {strides = array<i32>} : memref<2048xi32, #tpu.memory_space<vmem>>, vector<16xi32>,
    %scan3A_956 = arith.constant 10 : i32
    %mul3A_957 = arith.constant 16 : i32
    %mul3A_958 = arith.muli %scan3A_956, %mul3A_957 : i32
    %multiple_of3A_959 = tpu.assume_multiple %mul3A_958, 16 : i32
    %get3A_960 = arith.constant 0 : i32
    %get3A_961 = arith.index_cast %get3A_960 : i32 to index
    %get3A_962 = arith.index_cast %multiple_of3A_959 : i32 to index
    %get3A_963 = tpu.vector_load %arg7[%get3A_961, %get3A_962] {strides = array<i32>} : memref<2x512xf32, #tpu.memory_space<vmem>>, vector<1x16xf32>,
    %get3A_964 = vector.shape_cast %get3A_963 : vector<1x16xf32> to vector<16xf32>
    %get3A_965 = arith.constant 1 : i32
    %get3A_966 = arith.index_cast %get3A_965 : i32 to index
    %get3A_967 = arith.index_cast %multiple_of3A_959 : i32 to index
    %get3A_968 = tpu.vector_load %arg7[%get3A_966, %get3A_967] {strides = array<i32>} : memref<2x512xf32, #tpu.memory_space<vmem>>, vector<1x16xf32>,
    %get3A_969 = vector.shape_cast %get3A_968 : vector<1x16xf32> to vector<16xf32>
    %max3A_970 = arith.constant 0.000000e+00 : f32
    %max3A_971 = vector.broadcast %max3A_970 : f32 to vector<16xf32>
    %max3A_972 = arith.maximumf %get3A_964, %max3A_971 : vector<16xf32>
    %min3A_973 = arith.constant 1.000000e+00 : f32
    %min3A_974 = vector.broadcast %min3A_973 : f32 to vector<16xf32>
    %min3A_975 = arith.minimumf %max3A_972, %min3A_974 : vector<16xf32>
    %mul3A_976 = arith.constant 1.023000e+03 : f32
    %mul3A_977 = vector.broadcast %mul3A_976 : f32 to vector<16xf32>
    %mul3A_978 = arith.mulf %min3A_975, %mul3A_977 : vector<16xf32>
    %max3A_979 = arith.constant 0.000000e+00 : f32
    %max3A_980 = vector.broadcast %max3A_979 : f32 to vector<16xf32>
    %max3A_981 = arith.maximumf %get3A_969, %max3A_980 : vector<16xf32>
    %min3A_982 = arith.constant 1.000000e+00 : f32
    %min3A_983 = vector.broadcast %min3A_982 : f32 to vector<16xf32>
    %min3A_984 = arith.minimumf %max3A_981, %min3A_983 : vector<16xf32>
    %mul3A_985 = arith.constant 1.023000e+03 : f32
    %mul3A_986 = vector.broadcast %mul3A_985 : f32 to vector<16xf32>
    %mul3A_987 = arith.mulf %min3A_984, %mul3A_986 : vector<16xf32>
    %convert_element_type3A_988 = arith.fptosi %mul3A_978 : vector<16xf32> to vector<16xi32>
    %convert_element_type3A_989 = arith.fptosi %mul3A_987 : vector<16xf32> to vector<16xi32>
    %convert_element_type3A_990 = arith.sitofp %convert_element_type3A_988 : vector<16xi32> to vector<16xf32>
    %sub3A_991 = arith.subf %mul3A_978, %convert_element_type3A_990 : vector<16xf32>
    %swap3A_992 = arith.index_cast %multiple_of3A_959 : i32 to index
    %swap3A_993 = tpu.vector_load %arg8[%swap3A_992] {strides = array<i32>} : memref<512xf32, #tpu.memory_space<vmem>>, vector<16xf32>,
    %swap3A_994 = vector.shape_cast %swap3A_993 : vector<16xf32> to vector<16xf32>
    %swap3A_995 = vector.shape_cast %sub3A_991 : vector<16xf32> to vector<16xf32>
    tpu.vector_store %arg8[%swap3A_992], %swap3A_995 {strides = array<i32>} : memref<512xf32, #tpu.memory_space<vmem>>, vector<16xf32>,
    %convert_element_type3A_996 = arith.sitofp %convert_element_type3A_989 : vector<16xi32> to vector<16xf32>
    %sub3A_997 = arith.subf %mul3A_987, %convert_element_type3A_996 : vector<16xf32>
    %swap3A_998 = arith.index_cast %multiple_of3A_959 : i32 to index
    %swap3A_999 = tpu.vector_load %arg9[%swap3A_998] {strides = array<i32>} : memref<512xf32, #tpu.memory_space<vmem>>, vector<16xf32>,
    %swap3A_1000 = vector.shape_cast %swap3A_999 : vector<16xf32> to vector<16xf32>
    %swap3A_1001 = vector.shape_cast %sub3A_997 : vector<16xf32> to vector<16xf32>
    tpu.vector_store %arg9[%swap3A_998], %swap3A_1001 {strides = array<i32>} : memref<512xf32, #tpu.memory_space<vmem>>, vector<16xf32>,
    %add3A_1002 = arith.constant 1 : i32
    %add3A_1003 = vector.broadcast %add3A_1002 : i32 to vector<16xi32>
    %add3A_1004 = arith.addi %convert_element_type3A_988, %add3A_1003 : vector<16xi32>
    %min3A_1005 = arith.constant 1023 : i32
    %min3A_1006 = vector.broadcast %min3A_1005 : i32 to vector<16xi32>
    %min3A_1007 = arith.minsi %add3A_1004, %min3A_1006 : vector<16xi32>
    %sub3A_1008 = arith.subi %min3A_1007, %convert_element_type3A_988 : vector<16xi32>
    %mul3A_1009 = arith.constant 1024 : i32
    %mul3A_1010 = vector.broadcast %mul3A_1009 : i32 to vector<16xi32>
    %mul3A_1011 = arith.muli %convert_element_type3A_989, %mul3A_1010 : vector<16xi32>
    %add3A_1012 = arith.addi %mul3A_1011, %convert_element_type3A_988 : vector<16xi32>
    %add3A_1013 = arith.constant 1 : i32
    %add3A_1014 = vector.broadcast %add3A_1013 : i32 to vector<16xi32>
    %add3A_1015 = arith.addi %convert_element_type3A_989, %add3A_1014 : vector<16xi32>
    %min3A_1016 = arith.constant 1023 : i32
    %min3A_1017 = vector.broadcast %min3A_1016 : i32 to vector<16xi32>
    %min3A_1018 = arith.minsi %add3A_1015, %min3A_1017 : vector<16xi32>
    %mul3A_1019 = arith.constant 1024 : i32
    %mul3A_1020 = vector.broadcast %mul3A_1019 : i32 to vector<16xi32>
    %mul3A_1021 = arith.muli %min3A_1018, %mul3A_1020 : vector<16xi32>
    %add3A_1022 = arith.addi %mul3A_1021, %convert_element_type3A_988 : vector<16xi32>
    %mul3A_1023 = arith.constant 4 : i32
    %mul3A_1024 = arith.muli %mul3A_1023, %multiple_of3A_959 : i32
    %swap3A_1025 = arith.index_cast %mul3A_1024 : i32 to index
    %swap3A_1026 = tpu.vector_load %arg12[%swap3A_1025] {strides = array<i32>} : memref<2048xi32, #tpu.memory_space<vmem>>, vector<16xi32>,
    %swap3A_1027 = vector.shape_cast %swap3A_1026 : vector<16xi32> to vector<16xi32>
    %swap3A_1028 = vector.shape_cast %add3A_1012 : vector<16xi32> to vector<16xi32>
    tpu.vector_store %arg12[%swap3A_1025], %swap3A_1028 {strides = array<i32>} : memref<2048xi32, #tpu.memory_space<vmem>>, vector<16xi32>,
    %add3A_1029 = arith.addi %add3A_1012, %sub3A_1008 : vector<16xi32>
    %add3A_1030 = arith.constant 16 : i32
    %add3A_1031 = arith.addi %mul3A_1024, %add3A_1030 : i32
    %swap3A_1032 = arith.index_cast %add3A_1031 : i32 to index
    %swap3A_1033 = tpu.vector_load %arg12[%swap3A_1032] {strides = array<i32>} : memref<2048xi32, #tpu.memory_space<vmem>>, vector<16xi32>,
    %swap3A_1034 = vector.shape_cast %swap3A_1033 : vector<16xi32> to vector<16xi32>
    %swap3A_1035 = vector.shape_cast %add3A_1029 : vector<16xi32> to vector<16xi32>
    tpu.vector_store %arg12[%swap3A_1032], %swap3A_1035 {strides = array<i32>} : memref<2048xi32, #tpu.memory_space<vmem>>, vector<16xi32>,
    %add3A_1036 = arith.constant 32 : i32
    %add3A_1037 = arith.addi %mul3A_1024, %add3A_1036 : i32
    %swap3A_1038 = arith.index_cast %add3A_1037 : i32 to index
    %swap3A_1039 = tpu.vector_load %arg12[%swap3A_1038] {strides = array<i32>} : memref<2048xi32, #tpu.memory_space<vmem>>, vector<16xi32>,
    %swap3A_1040 = vector.shape_cast %swap3A_1039 : vector<16xi32> to vector<16xi32>
    %swap3A_1041 = vector.shape_cast %add3A_1022 : vector<16xi32> to vector<16xi32>
    tpu.vector_store %arg12[%swap3A_1038], %swap3A_1041 {strides = array<i32>} : memref<2048xi32, #tpu.memory_space<vmem>>, vector<16xi32>,
    %add3A_1042 = arith.addi %add3A_1022, %sub3A_1008 : vector<16xi32>
    %add3A_1043 = arith.constant 48 : i32
    %add3A_1044 = arith.addi %mul3A_1024, %add3A_1043 : i32
    %swap3A_1045 = arith.index_cast %add3A_1044 : i32 to index
    %swap3A_1046 = tpu.vector_load %arg12[%swap3A_1045] {strides = array<i32>} : memref<2048xi32, #tpu.memory_space<vmem>>, vector<16xi32>,
    %swap3A_1047 = vector.shape_cast %swap3A_1046 : vector<16xi32> to vector<16xi32>
    %swap3A_1048 = vector.shape_cast %add3A_1042 : vector<16xi32> to vector<16xi32>
    tpu.vector_store %arg12[%swap3A_1045], %swap3A_1048 {strides = array<i32>} : memref<2048xi32, #tpu.memory_space<vmem>>, vector<16xi32>,
    %scan3A_1049 = arith.constant 11 : i32
    %mul3A_1050 = arith.constant 16 : i32
    %mul3A_1051 = arith.muli %scan3A_1049, %mul3A_1050 : i32
    %multiple_of3A_1052 = tpu.assume_multiple %mul3A_1051, 16 : i32
    %get3A_1053 = arith.constant 0 : i32
    %get3A_1054 = arith.index_cast %get3A_1053 : i32 to index
    %get3A_1055 = arith.index_cast %multiple_of3A_1052 : i32 to index
    %get3A_1056 = tpu.vector_load %arg7[%get3A_1054, %get3A_1055] {strides = array<i32>} : memref<2x512xf32, #tpu.memory_space<vmem>>, vector<1x16xf32>,
    %get3A_1057 = vector.shape_cast %get3A_1056 : vector<1x16xf32> to vector<16xf32>
    %get3A_1058 = arith.constant 1 : i32
    %get3A_1059 = arith.index_cast %get3A_1058 : i32 to index
    %get3A_1060 = arith.index_cast %multiple_of3A_1052 : i32 to index
    %get3A_1061 = tpu.vector_load %arg7[%get3A_1059, %get3A_1060] {strides = array<i32>} : memref<2x512xf32, #tpu.memory_space<vmem>>, vector<1x16xf32>,
    %get3A_1062 = vector.shape_cast %get3A_1061 : vector<1x16xf32> to vector<16xf32>
    %max3A_1063 = arith.constant 0.000000e+00 : f32
    %max3A_1064 = vector.broadcast %max3A_1063 : f32 to vector<16xf32>
    %max3A_1065 = arith.maximumf %get3A_1057, %max3A_1064 : vector<16xf32>
    %min3A_1066 = arith.constant 1.000000e+00 : f32
    %min3A_1067 = vector.broadcast %min3A_1066 : f32 to vector<16xf32>
    %min3A_1068 = arith.minimumf %max3A_1065, %min3A_1067 : vector<16xf32>
    %mul3A_1069 = arith.constant 1.023000e+03 : f32
    %mul3A_1070 = vector.broadcast %mul3A_1069 : f32 to vector<16xf32>
    %mul3A_1071 = arith.mulf %min3A_1068, %mul3A_1070 : vector<16xf32>
    %max3A_1072 = arith.constant 0.000000e+00 : f32
    %max3A_1073 = vector.broadcast %max3A_1072 : f32 to vector<16xf32>
    %max3A_1074 = arith.maximumf %get3A_1062, %max3A_1073 : vector<16xf32>
    %min3A_1075 = arith.constant 1.000000e+00 : f32
    %min3A_1076 = vector.broadcast %min3A_1075 : f32 to vector<16xf32>
    %min3A_1077 = arith.minimumf %max3A_1074, %min3A_1076 : vector<16xf32>
    %mul3A_1078 = arith.constant 1.023000e+03 : f32
    %mul3A_1079 = vector.broadcast %mul3A_1078 : f32 to vector<16xf32>
    %mul3A_1080 = arith.mulf %min3A_1077, %mul3A_1079 : vector<16xf32>
    %convert_element_type3A_1081 = arith.fptosi %mul3A_1071 : vector<16xf32> to vector<16xi32>
    %convert_element_type3A_1082 = arith.fptosi %mul3A_1080 : vector<16xf32> to vector<16xi32>
    %convert_element_type3A_1083 = arith.sitofp %convert_element_type3A_1081 : vector<16xi32> to vector<16xf32>
    %sub3A_1084 = arith.subf %mul3A_1071, %convert_element_type3A_1083 : vector<16xf32>
    %swap3A_1085 = arith.index_cast %multiple_of3A_1052 : i32 to index
    %swap3A_1086 = tpu.vector_load %arg8[%swap3A_1085] {strides = array<i32>} : memref<512xf32, #tpu.memory_space<vmem>>, vector<16xf32>,
    %swap3A_1087 = vector.shape_cast %swap3A_1086 : vector<16xf32> to vector<16xf32>
    %swap3A_1088 = vector.shape_cast %sub3A_1084 : vector<16xf32> to vector<16xf32>
    tpu.vector_store %arg8[%swap3A_1085], %swap3A_1088 {strides = array<i32>} : memref<512xf32, #tpu.memory_space<vmem>>, vector<16xf32>,
    %convert_element_type3A_1089 = arith.sitofp %convert_element_type3A_1082 : vector<16xi32> to vector<16xf32>
    %sub3A_1090 = arith.subf %mul3A_1080, %convert_element_type3A_1089 : vector<16xf32>
    %swap3A_1091 = arith.index_cast %multiple_of3A_1052 : i32 to index
    %swap3A_1092 = tpu.vector_load %arg9[%swap3A_1091] {strides = array<i32>} : memref<512xf32, #tpu.memory_space<vmem>>, vector<16xf32>,
    %swap3A_1093 = vector.shape_cast %swap3A_1092 : vector<16xf32> to vector<16xf32>
    %swap3A_1094 = vector.shape_cast %sub3A_1090 : vector<16xf32> to vector<16xf32>
    tpu.vector_store %arg9[%swap3A_1091], %swap3A_1094 {strides = array<i32>} : memref<512xf32, #tpu.memory_space<vmem>>, vector<16xf32>,
    %add3A_1095 = arith.constant 1 : i32
    %add3A_1096 = vector.broadcast %add3A_1095 : i32 to vector<16xi32>
    %add3A_1097 = arith.addi %convert_element_type3A_1081, %add3A_1096 : vector<16xi32>
    %min3A_1098 = arith.constant 1023 : i32
    %min3A_1099 = vector.broadcast %min3A_1098 : i32 to vector<16xi32>
    %min3A_1100 = arith.minsi %add3A_1097, %min3A_1099 : vector<16xi32>
    %sub3A_1101 = arith.subi %min3A_1100, %convert_element_type3A_1081 : vector<16xi32>
    %mul3A_1102 = arith.constant 1024 : i32
    %mul3A_1103 = vector.broadcast %mul3A_1102 : i32 to vector<16xi32>
    %mul3A_1104 = arith.muli %convert_element_type3A_1082, %mul3A_1103 : vector<16xi32>
    %add3A_1105 = arith.addi %mul3A_1104, %convert_element_type3A_1081 : vector<16xi32>
    %add3A_1106 = arith.constant 1 : i32
    %add3A_1107 = vector.broadcast %add3A_1106 : i32 to vector<16xi32>
    %add3A_1108 = arith.addi %convert_element_type3A_1082, %add3A_1107 : vector<16xi32>
    %min3A_1109 = arith.constant 1023 : i32
    %min3A_1110 = vector.broadcast %min3A_1109 : i32 to vector<16xi32>
    %min3A_1111 = arith.minsi %add3A_1108, %min3A_1110 : vector<16xi32>
    %mul3A_1112 = arith.constant 1024 : i32
    %mul3A_1113 = vector.broadcast %mul3A_1112 : i32 to vector<16xi32>
    %mul3A_1114 = arith.muli %min3A_1111, %mul3A_1113 : vector<16xi32>
    %add3A_1115 = arith.addi %mul3A_1114, %convert_element_type3A_1081 : vector<16xi32>
    %mul3A_1116 = arith.constant 4 : i32
    %mul3A_1117 = arith.muli %mul3A_1116, %multiple_of3A_1052 : i32
    %swap3A_1118 = arith.index_cast %mul3A_1117 : i32 to index
    %swap3A_1119 = tpu.vector_load %arg12[%swap3A_1118] {strides = array<i32>} : memref<2048xi32, #tpu.memory_space<vmem>>, vector<16xi32>,
    %swap3A_1120 = vector.shape_cast %swap3A_1119 : vector<16xi32> to vector<16xi32>
    %swap3A_1121 = vector.shape_cast %add3A_1105 : vector<16xi32> to vector<16xi32>
    tpu.vector_store %arg12[%swap3A_1118], %swap3A_1121 {strides = array<i32>} : memref<2048xi32, #tpu.memory_space<vmem>>, vector<16xi32>,
    %add3A_1122 = arith.addi %add3A_1105, %sub3A_1101 : vector<16xi32>
    %add3A_1123 = arith.constant 16 : i32
    %add3A_1124 = arith.addi %mul3A_1117, %add3A_1123 : i32
    %swap3A_1125 = arith.index_cast %add3A_1124 : i32 to index
    %swap3A_1126 = tpu.vector_load %arg12[%swap3A_1125] {strides = array<i32>} : memref<2048xi32, #tpu.memory_space<vmem>>, vector<16xi32>,
    %swap3A_1127 = vector.shape_cast %swap3A_1126 : vector<16xi32> to vector<16xi32>
    %swap3A_1128 = vector.shape_cast %add3A_1122 : vector<16xi32> to vector<16xi32>
    tpu.vector_store %arg12[%swap3A_1125], %swap3A_1128 {strides = array<i32>} : memref<2048xi32, #tpu.memory_space<vmem>>, vector<16xi32>,
    %add3A_1129 = arith.constant 32 : i32
    %add3A_1130 = arith.addi %mul3A_1117, %add3A_1129 : i32
    %swap3A_1131 = arith.index_cast %add3A_1130 : i32 to index
    %swap3A_1132 = tpu.vector_load %arg12[%swap3A_1131] {strides = array<i32>} : memref<2048xi32, #tpu.memory_space<vmem>>, vector<16xi32>,
    %swap3A_1133 = vector.shape_cast %swap3A_1132 : vector<16xi32> to vector<16xi32>
    %swap3A_1134 = vector.shape_cast %add3A_1115 : vector<16xi32> to vector<16xi32>
    tpu.vector_store %arg12[%swap3A_1131], %swap3A_1134 {strides = array<i32>} : memref<2048xi32, #tpu.memory_space<vmem>>, vector<16xi32>,
    %add3A_1135 = arith.addi %add3A_1115, %sub3A_1101 : vector<16xi32>
    %add3A_1136 = arith.constant 48 : i32
    %add3A_1137 = arith.addi %mul3A_1117, %add3A_1136 : i32
    %swap3A_1138 = arith.index_cast %add3A_1137 : i32 to index
    %swap3A_1139 = tpu.vector_load %arg12[%swap3A_1138] {strides = array<i32>} : memref<2048xi32, #tpu.memory_space<vmem>>, vector<16xi32>,
    %swap3A_1140 = vector.shape_cast %swap3A_1139 : vector<16xi32> to vector<16xi32>
    %swap3A_1141 = vector.shape_cast %add3A_1135 : vector<16xi32> to vector<16xi32>
    tpu.vector_store %arg12[%swap3A_1138], %swap3A_1141 {strides = array<i32>} : memref<2048xi32, #tpu.memory_space<vmem>>, vector<16xi32>,
    %scan3A_1142 = arith.constant 4 : i32
    %dma_start3A_1143 = arith.constant 512 : i32
    %dma_start3A_1144 = tpu.memref_slice %arg13[%dma_start3A_1143] : memref<2048xf32, #tpu.memory_space<vmem>> -> memref<256xf32, #tpu.memory_space<vmem>>
    %dma_start3A_1145 = arith.constant 512 : i32
    %dma_start3A_1146 = tpu.memref_slice %arg12[%dma_start3A_1145] : memref<2048xi32, #tpu.memory_space<vmem>> -> memref<256xi32, #tpu.memory_space<vmem>>
    %dma_start3A_1147 = arith.constant 0 : i32
    %dma_start3A_1148 = tpu.memref_slice %arg3[%dma_start3A_1147] : memref<1048576xf32, #tpu.memory_space<hbm>> -> memref<1048576xf32, #tpu.memory_space<hbm>>
    tpu.enqueue_indirect_dma source(%dma_start3A_1148 : memref<1048576xf32, #tpu.memory_space<hbm>>) target(%dma_start3A_1144 : memref<256xf32, #tpu.memory_space<vmem>>) offsets(%dma_start3A_1146 : memref<256xi32, #tpu.memory_space<vmem>>) semaphore(%arg15 : memref<!tpu.dma_semaphore, #tpu.memory_space<semaphore_mem>>)
    %scan3A_1149 = arith.constant 0 : i32
    %scan3A_1150 = arith.constant 12 : i32
    %mul3A_1151 = arith.constant 16 : i32
    %mul3A_1152 = arith.muli %scan3A_1150, %mul3A_1151 : i32
    %multiple_of3A_1153 = tpu.assume_multiple %mul3A_1152, 16 : i32
    %get3A_1154 = arith.constant 0 : i32
    %get3A_1155 = arith.index_cast %get3A_1154 : i32 to index
    %get3A_1156 = arith.index_cast %multiple_of3A_1153 : i32 to index
    %get3A_1157 = tpu.vector_load %arg7[%get3A_1155, %get3A_1156] {strides = array<i32>} : memref<2x512xf32, #tpu.memory_space<vmem>>, vector<1x16xf32>,
    %get3A_1158 = vector.shape_cast %get3A_1157 : vector<1x16xf32> to vector<16xf32>
    %get3A_1159 = arith.constant 1 : i32
    %get3A_1160 = arith.index_cast %get3A_1159 : i32 to index
    %get3A_1161 = arith.index_cast %multiple_of3A_1153 : i32 to index
    %get3A_1162 = tpu.vector_load %arg7[%get3A_1160, %get3A_1161] {strides = array<i32>} : memref<2x512xf32, #tpu.memory_space<vmem>>, vector<1x16xf32>,
    %get3A_1163 = vector.shape_cast %get3A_1162 : vector<1x16xf32> to vector<16xf32>
    %max3A_1164 = arith.constant 0.000000e+00 : f32
    %max3A_1165 = vector.broadcast %max3A_1164 : f32 to vector<16xf32>
    %max3A_1166 = arith.maximumf %get3A_1158, %max3A_1165 : vector<16xf32>
    %min3A_1167 = arith.constant 1.000000e+00 : f32
    %min3A_1168 = vector.broadcast %min3A_1167 : f32 to vector<16xf32>
    %min3A_1169 = arith.minimumf %max3A_1166, %min3A_1168 : vector<16xf32>
    %mul3A_1170 = arith.constant 1.023000e+03 : f32
    %mul3A_1171 = vector.broadcast %mul3A_1170 : f32 to vector<16xf32>
    %mul3A_1172 = arith.mulf %min3A_1169, %mul3A_1171 : vector<16xf32>
    %max3A_1173 = arith.constant 0.000000e+00 : f32
    %max3A_1174 = vector.broadcast %max3A_1173 : f32 to vector<16xf32>
    %max3A_1175 = arith.maximumf %get3A_1163, %max3A_1174 : vector<16xf32>
    %min3A_1176 = arith.constant 1.000000e+00 : f32
    %min3A_1177 = vector.broadcast %min3A_1176 : f32 to vector<16xf32>
    %min3A_1178 = arith.minimumf %max3A_1175, %min3A_1177 : vector<16xf32>
    %mul3A_1179 = arith.constant 1.023000e+03 : f32
    %mul3A_1180 = vector.broadcast %mul3A_1179 : f32 to vector<16xf32>
    %mul3A_1181 = arith.mulf %min3A_1178, %mul3A_1180 : vector<16xf32>
    %convert_element_type3A_1182 = arith.fptosi %mul3A_1172 : vector<16xf32> to vector<16xi32>
    %convert_element_type3A_1183 = arith.fptosi %mul3A_1181 : vector<16xf32> to vector<16xi32>
    %convert_element_type3A_1184 = arith.sitofp %convert_element_type3A_1182 : vector<16xi32> to vector<16xf32>
    %sub3A_1185 = arith.subf %mul3A_1172, %convert_element_type3A_1184 : vector<16xf32>
    %swap3A_1186 = arith.index_cast %multiple_of3A_1153 : i32 to index
    %swap3A_1187 = tpu.vector_load %arg8[%swap3A_1186] {strides = array<i32>} : memref<512xf32, #tpu.memory_space<vmem>>, vector<16xf32>,
    %swap3A_1188 = vector.shape_cast %swap3A_1187 : vector<16xf32> to vector<16xf32>
    %swap3A_1189 = vector.shape_cast %sub3A_1185 : vector<16xf32> to vector<16xf32>
    tpu.vector_store %arg8[%swap3A_1186], %swap3A_1189 {strides = array<i32>} : memref<512xf32, #tpu.memory_space<vmem>>, vector<16xf32>,
    %convert_element_type3A_1190 = arith.sitofp %convert_element_type3A_1183 : vector<16xi32> to vector<16xf32>
    %sub3A_1191 = arith.subf %mul3A_1181, %convert_element_type3A_1190 : vector<16xf32>
    %swap3A_1192 = arith.index_cast %multiple_of3A_1153 : i32 to index
    %swap3A_1193 = tpu.vector_load %arg9[%swap3A_1192] {strides = array<i32>} : memref<512xf32, #tpu.memory_space<vmem>>, vector<16xf32>,
    %swap3A_1194 = vector.shape_cast %swap3A_1193 : vector<16xf32> to vector<16xf32>
    %swap3A_1195 = vector.shape_cast %sub3A_1191 : vector<16xf32> to vector<16xf32>
    tpu.vector_store %arg9[%swap3A_1192], %swap3A_1195 {strides = array<i32>} : memref<512xf32, #tpu.memory_space<vmem>>, vector<16xf32>,
    %add3A_1196 = arith.constant 1 : i32
    %add3A_1197 = vector.broadcast %add3A_1196 : i32 to vector<16xi32>
    %add3A_1198 = arith.addi %convert_element_type3A_1182, %add3A_1197 : vector<16xi32>
    %min3A_1199 = arith.constant 1023 : i32
    %min3A_1200 = vector.broadcast %min3A_1199 : i32 to vector<16xi32>
    %min3A_1201 = arith.minsi %add3A_1198, %min3A_1200 : vector<16xi32>
    %sub3A_1202 = arith.subi %min3A_1201, %convert_element_type3A_1182 : vector<16xi32>
    %mul3A_1203 = arith.constant 1024 : i32
    %mul3A_1204 = vector.broadcast %mul3A_1203 : i32 to vector<16xi32>
    %mul3A_1205 = arith.muli %convert_element_type3A_1183, %mul3A_1204 : vector<16xi32>
    %add3A_1206 = arith.addi %mul3A_1205, %convert_element_type3A_1182 : vector<16xi32>
    %add3A_1207 = arith.constant 1 : i32
    %add3A_1208 = vector.broadcast %add3A_1207 : i32 to vector<16xi32>
    %add3A_1209 = arith.addi %convert_element_type3A_1183, %add3A_1208 : vector<16xi32>
    %min3A_1210 = arith.constant 1023 : i32
    %min3A_1211 = vector.broadcast %min3A_1210 : i32 to vector<16xi32>
    %min3A_1212 = arith.minsi %add3A_1209, %min3A_1211 : vector<16xi32>
    %mul3A_1213 = arith.constant 1024 : i32
    %mul3A_1214 = vector.broadcast %mul3A_1213 : i32 to vector<16xi32>
    %mul3A_1215 = arith.muli %min3A_1212, %mul3A_1214 : vector<16xi32>
    %add3A_1216 = arith.addi %mul3A_1215, %convert_element_type3A_1182 : vector<16xi32>
    %mul3A_1217 = arith.constant 4 : i32
    %mul3A_1218 = arith.muli %mul3A_1217, %multiple_of3A_1153 : i32
    %swap3A_1219 = arith.index_cast %mul3A_1218 : i32 to index
    %swap3A_1220 = tpu.vector_load %arg12[%swap3A_1219] {strides = array<i32>} : memref<2048xi32, #tpu.memory_space<vmem>>, vector<16xi32>,
    %swap3A_1221 = vector.shape_cast %swap3A_1220 : vector<16xi32> to vector<16xi32>
    %swap3A_1222 = vector.shape_cast %add3A_1206 : vector<16xi32> to vector<16xi32>
    tpu.vector_store %arg12[%swap3A_1219], %swap3A_1222 {strides = array<i32>} : memref<2048xi32, #tpu.memory_space<vmem>>, vector<16xi32>,
    %add3A_1223 = arith.addi %add3A_1206, %sub3A_1202 : vector<16xi32>
    %add3A_1224 = arith.constant 16 : i32
    %add3A_1225 = arith.addi %mul3A_1218, %add3A_1224 : i32
    %swap3A_1226 = arith.index_cast %add3A_1225 : i32 to index
    %swap3A_1227 = tpu.vector_load %arg12[%swap3A_1226] {strides = array<i32>} : memref<2048xi32, #tpu.memory_space<vmem>>, vector<16xi32>,
    %swap3A_1228 = vector.shape_cast %swap3A_1227 : vector<16xi32> to vector<16xi32>
    %swap3A_1229 = vector.shape_cast %add3A_1223 : vector<16xi32> to vector<16xi32>
    tpu.vector_store %arg12[%swap3A_1226], %swap3A_1229 {strides = array<i32>} : memref<2048xi32, #tpu.memory_space<vmem>>, vector<16xi32>,
    %add3A_1230 = arith.constant 32 : i32
    %add3A_1231 = arith.addi %mul3A_1218, %add3A_1230 : i32
    %swap3A_1232 = arith.index_cast %add3A_1231 : i32 to index
    %swap3A_1233 = tpu.vector_load %arg12[%swap3A_1232] {strides = array<i32>} : memref<2048xi32, #tpu.memory_space<vmem>>, vector<16xi32>,
    %swap3A_1234 = vector.shape_cast %swap3A_1233 : vector<16xi32> to vector<16xi32>
    %swap3A_1235 = vector.shape_cast %add3A_1216 : vector<16xi32> to vector<16xi32>
    tpu.vector_store %arg12[%swap3A_1232], %swap3A_1235 {strides = array<i32>} : memref<2048xi32, #tpu.memory_space<vmem>>, vector<16xi32>,
    %add3A_1236 = arith.addi %add3A_1216, %sub3A_1202 : vector<16xi32>
    %add3A_1237 = arith.constant 48 : i32
    %add3A_1238 = arith.addi %mul3A_1218, %add3A_1237 : i32
    %swap3A_1239 = arith.index_cast %add3A_1238 : i32 to index
    %swap3A_1240 = tpu.vector_load %arg12[%swap3A_1239] {strides = array<i32>} : memref<2048xi32, #tpu.memory_space<vmem>>, vector<16xi32>,
    %swap3A_1241 = vector.shape_cast %swap3A_1240 : vector<16xi32> to vector<16xi32>
    %swap3A_1242 = vector.shape_cast %add3A_1236 : vector<16xi32> to vector<16xi32>
    tpu.vector_store %arg12[%swap3A_1239], %swap3A_1242 {strides = array<i32>} : memref<2048xi32, #tpu.memory_space<vmem>>, vector<16xi32>,
    %scan3A_1243 = arith.constant 13 : i32
    %mul3A_1244 = arith.constant 16 : i32
    %mul3A_1245 = arith.muli %scan3A_1243, %mul3A_1244 : i32
    %multiple_of3A_1246 = tpu.assume_multiple %mul3A_1245, 16 : i32
    %get3A_1247 = arith.constant 0 : i32
    %get3A_1248 = arith.index_cast %get3A_1247 : i32 to index
    %get3A_1249 = arith.index_cast %multiple_of3A_1246 : i32 to index
    %get3A_1250 = tpu.vector_load %arg7[%get3A_1248, %get3A_1249] {strides = array<i32>} : memref<2x512xf32, #tpu.memory_space<vmem>>, vector<1x16xf32>,
    %get3A_1251 = vector.shape_cast %get3A_1250 : vector<1x16xf32> to vector<16xf32>
    %get3A_1252 = arith.constant 1 : i32
    %get3A_1253 = arith.index_cast %get3A_1252 : i32 to index
    %get3A_1254 = arith.index_cast %multiple_of3A_1246 : i32 to index
    %get3A_1255 = tpu.vector_load %arg7[%get3A_1253, %get3A_1254] {strides = array<i32>} : memref<2x512xf32, #tpu.memory_space<vmem>>, vector<1x16xf32>,
    %get3A_1256 = vector.shape_cast %get3A_1255 : vector<1x16xf32> to vector<16xf32>
    %max3A_1257 = arith.constant 0.000000e+00 : f32
    %max3A_1258 = vector.broadcast %max3A_1257 : f32 to vector<16xf32>
    %max3A_1259 = arith.maximumf %get3A_1251, %max3A_1258 : vector<16xf32>
    %min3A_1260 = arith.constant 1.000000e+00 : f32
    %min3A_1261 = vector.broadcast %min3A_1260 : f32 to vector<16xf32>
    %min3A_1262 = arith.minimumf %max3A_1259, %min3A_1261 : vector<16xf32>
    %mul3A_1263 = arith.constant 1.023000e+03 : f32
    %mul3A_1264 = vector.broadcast %mul3A_1263 : f32 to vector<16xf32>
    %mul3A_1265 = arith.mulf %min3A_1262, %mul3A_1264 : vector<16xf32>
    %max3A_1266 = arith.constant 0.000000e+00 : f32
    %max3A_1267 = vector.broadcast %max3A_1266 : f32 to vector<16xf32>
    %max3A_1268 = arith.maximumf %get3A_1256, %max3A_1267 : vector<16xf32>
    %min3A_1269 = arith.constant 1.000000e+00 : f32
    %min3A_1270 = vector.broadcast %min3A_1269 : f32 to vector<16xf32>
    %min3A_1271 = arith.minimumf %max3A_1268, %min3A_1270 : vector<16xf32>
    %mul3A_1272 = arith.constant 1.023000e+03 : f32
    %mul3A_1273 = vector.broadcast %mul3A_1272 : f32 to vector<16xf32>
    %mul3A_1274 = arith.mulf %min3A_1271, %mul3A_1273 : vector<16xf32>
    %convert_element_type3A_1275 = arith.fptosi %mul3A_1265 : vector<16xf32> to vector<16xi32>
    %convert_element_type3A_1276 = arith.fptosi %mul3A_1274 : vector<16xf32> to vector<16xi32>
    %convert_element_type3A_1277 = arith.sitofp %convert_element_type3A_1275 : vector<16xi32> to vector<16xf32>
    %sub3A_1278 = arith.subf %mul3A_1265, %convert_element_type3A_1277 : vector<16xf32>
    %swap3A_1279 = arith.index_cast %multiple_of3A_1246 : i32 to index
    %swap3A_1280 = tpu.vector_load %arg8[%swap3A_1279] {strides = array<i32>} : memref<512xf32, #tpu.memory_space<vmem>>, vector<16xf32>,
    %swap3A_1281 = vector.shape_cast %swap3A_1280 : vector<16xf32> to vector<16xf32>
    %swap3A_1282 = vector.shape_cast %sub3A_1278 : vector<16xf32> to vector<16xf32>
    tpu.vector_store %arg8[%swap3A_1279], %swap3A_1282 {strides = array<i32>} : memref<512xf32, #tpu.memory_space<vmem>>, vector<16xf32>,
    %convert_element_type3A_1283 = arith.sitofp %convert_element_type3A_1276 : vector<16xi32> to vector<16xf32>
    %sub3A_1284 = arith.subf %mul3A_1274, %convert_element_type3A_1283 : vector<16xf32>
    %swap3A_1285 = arith.index_cast %multiple_of3A_1246 : i32 to index
    %swap3A_1286 = tpu.vector_load %arg9[%swap3A_1285] {strides = array<i32>} : memref<512xf32, #tpu.memory_space<vmem>>, vector<16xf32>,
    %swap3A_1287 = vector.shape_cast %swap3A_1286 : vector<16xf32> to vector<16xf32>
    %swap3A_1288 = vector.shape_cast %sub3A_1284 : vector<16xf32> to vector<16xf32>
    tpu.vector_store %arg9[%swap3A_1285], %swap3A_1288 {strides = array<i32>} : memref<512xf32, #tpu.memory_space<vmem>>, vector<16xf32>,
    %add3A_1289 = arith.constant 1 : i32
    %add3A_1290 = vector.broadcast %add3A_1289 : i32 to vector<16xi32>
    %add3A_1291 = arith.addi %convert_element_type3A_1275, %add3A_1290 : vector<16xi32>
    %min3A_1292 = arith.constant 1023 : i32
    %min3A_1293 = vector.broadcast %min3A_1292 : i32 to vector<16xi32>
    %min3A_1294 = arith.minsi %add3A_1291, %min3A_1293 : vector<16xi32>
    %sub3A_1295 = arith.subi %min3A_1294, %convert_element_type3A_1275 : vector<16xi32>
    %mul3A_1296 = arith.constant 1024 : i32
    %mul3A_1297 = vector.broadcast %mul3A_1296 : i32 to vector<16xi32>
    %mul3A_1298 = arith.muli %convert_element_type3A_1276, %mul3A_1297 : vector<16xi32>
    %add3A_1299 = arith.addi %mul3A_1298, %convert_element_type3A_1275 : vector<16xi32>
    %add3A_1300 = arith.constant 1 : i32
    %add3A_1301 = vector.broadcast %add3A_1300 : i32 to vector<16xi32>
    %add3A_1302 = arith.addi %convert_element_type3A_1276, %add3A_1301 : vector<16xi32>
    %min3A_1303 = arith.constant 1023 : i32
    %min3A_1304 = vector.broadcast %min3A_1303 : i32 to vector<16xi32>
    %min3A_1305 = arith.minsi %add3A_1302, %min3A_1304 : vector<16xi32>
    %mul3A_1306 = arith.constant 1024 : i32
    %mul3A_1307 = vector.broadcast %mul3A_1306 : i32 to vector<16xi32>
    %mul3A_1308 = arith.muli %min3A_1305, %mul3A_1307 : vector<16xi32>
    %add3A_1309 = arith.addi %mul3A_1308, %convert_element_type3A_1275 : vector<16xi32>
    %mul3A_1310 = arith.constant 4 : i32
    %mul3A_1311 = arith.muli %mul3A_1310, %multiple_of3A_1246 : i32
    %swap3A_1312 = arith.index_cast %mul3A_1311 : i32 to index
    %swap3A_1313 = tpu.vector_load %arg12[%swap3A_1312] {strides = array<i32>} : memref<2048xi32, #tpu.memory_space<vmem>>, vector<16xi32>,
    %swap3A_1314 = vector.shape_cast %swap3A_1313 : vector<16xi32> to vector<16xi32>
    %swap3A_1315 = vector.shape_cast %add3A_1299 : vector<16xi32> to vector<16xi32>
    tpu.vector_store %arg12[%swap3A_1312], %swap3A_1315 {strides = array<i32>} : memref<2048xi32, #tpu.memory_space<vmem>>, vector<16xi32>,
    %add3A_1316 = arith.addi %add3A_1299, %sub3A_1295 : vector<16xi32>
    %add3A_1317 = arith.constant 16 : i32
    %add3A_1318 = arith.addi %mul3A_1311, %add3A_1317 : i32
    %swap3A_1319 = arith.index_cast %add3A_1318 : i32 to index
    %swap3A_1320 = tpu.vector_load %arg12[%swap3A_1319] {strides = array<i32>} : memref<2048xi32, #tpu.memory_space<vmem>>, vector<16xi32>,
    %swap3A_1321 = vector.shape_cast %swap3A_1320 : vector<16xi32> to vector<16xi32>
    %swap3A_1322 = vector.shape_cast %add3A_1316 : vector<16xi32> to vector<16xi32>
    tpu.vector_store %arg12[%swap3A_1319], %swap3A_1322 {strides = array<i32>} : memref<2048xi32, #tpu.memory_space<vmem>>, vector<16xi32>,
    %add3A_1323 = arith.constant 32 : i32
    %add3A_1324 = arith.addi %mul3A_1311, %add3A_1323 : i32
    %swap3A_1325 = arith.index_cast %add3A_1324 : i32 to index
    %swap3A_1326 = tpu.vector_load %arg12[%swap3A_1325] {strides = array<i32>} : memref<2048xi32, #tpu.memory_space<vmem>>, vector<16xi32>,
    %swap3A_1327 = vector.shape_cast %swap3A_1326 : vector<16xi32> to vector<16xi32>
    %swap3A_1328 = vector.shape_cast %add3A_1309 : vector<16xi32> to vector<16xi32>
    tpu.vector_store %arg12[%swap3A_1325], %swap3A_1328 {strides = array<i32>} : memref<2048xi32, #tpu.memory_space<vmem>>, vector<16xi32>,
    %add3A_1329 = arith.addi %add3A_1309, %sub3A_1295 : vector<16xi32>
    %add3A_1330 = arith.constant 48 : i32
    %add3A_1331 = arith.addi %mul3A_1311, %add3A_1330 : i32
    %swap3A_1332 = arith.index_cast %add3A_1331 : i32 to index
    %swap3A_1333 = tpu.vector_load %arg12[%swap3A_1332] {strides = array<i32>} : memref<2048xi32, #tpu.memory_space<vmem>>, vector<16xi32>,
    %swap3A_1334 = vector.shape_cast %swap3A_1333 : vector<16xi32> to vector<16xi32>
    %swap3A_1335 = vector.shape_cast %add3A_1329 : vector<16xi32> to vector<16xi32>
    tpu.vector_store %arg12[%swap3A_1332], %swap3A_1335 {strides = array<i32>} : memref<2048xi32, #tpu.memory_space<vmem>>, vector<16xi32>,
    %scan3A_1336 = arith.constant 14 : i32
    %mul3A_1337 = arith.constant 16 : i32
    %mul3A_1338 = arith.muli %scan3A_1336, %mul3A_1337 : i32
    %multiple_of3A_1339 = tpu.assume_multiple %mul3A_1338, 16 : i32
    %get3A_1340 = arith.constant 0 : i32
    %get3A_1341 = arith.index_cast %get3A_1340 : i32 to index
    %get3A_1342 = arith.index_cast %multiple_of3A_1339 : i32 to index
    %get3A_1343 = tpu.vector_load %arg7[%get3A_1341, %get3A_1342] {strides = array<i32>} : memref<2x512xf32, #tpu.memory_space<vmem>>, vector<1x16xf32>,
    %get3A_1344 = vector.shape_cast %get3A_1343 : vector<1x16xf32> to vector<16xf32>
    %get3A_1345 = arith.constant 1 : i32
    %get3A_1346 = arith.index_cast %get3A_1345 : i32 to index
    %get3A_1347 = arith.index_cast %multiple_of3A_1339 : i32 to index
    %get3A_1348 = tpu.vector_load %arg7[%get3A_1346, %get3A_1347] {strides = array<i32>} : memref<2x512xf32, #tpu.memory_space<vmem>>, vector<1x16xf32>,
    %get3A_1349 = vector.shape_cast %get3A_1348 : vector<1x16xf32> to vector<16xf32>
    %max3A_1350 = arith.constant 0.000000e+00 : f32
    %max3A_1351 = vector.broadcast %max3A_1350 : f32 to vector<16xf32>
    %max3A_1352 = arith.maximumf %get3A_1344, %max3A_1351 : vector<16xf32>
    %min3A_1353 = arith.constant 1.000000e+00 : f32
    %min3A_1354 = vector.broadcast %min3A_1353 : f32 to vector<16xf32>
    %min3A_1355 = arith.minimumf %max3A_1352, %min3A_1354 : vector<16xf32>
    %mul3A_1356 = arith.constant 1.023000e+03 : f32
    %mul3A_1357 = vector.broadcast %mul3A_1356 : f32 to vector<16xf32>
    %mul3A_1358 = arith.mulf %min3A_1355, %mul3A_1357 : vector<16xf32>
    %max3A_1359 = arith.constant 0.000000e+00 : f32
    %max3A_1360 = vector.broadcast %max3A_1359 : f32 to vector<16xf32>
    %max3A_1361 = arith.maximumf %get3A_1349, %max3A_1360 : vector<16xf32>
    %min3A_1362 = arith.constant 1.000000e+00 : f32
    %min3A_1363 = vector.broadcast %min3A_1362 : f32 to vector<16xf32>
    %min3A_1364 = arith.minimumf %max3A_1361, %min3A_1363 : vector<16xf32>
    %mul3A_1365 = arith.constant 1.023000e+03 : f32
    %mul3A_1366 = vector.broadcast %mul3A_1365 : f32 to vector<16xf32>
    %mul3A_1367 = arith.mulf %min3A_1364, %mul3A_1366 : vector<16xf32>
    %convert_element_type3A_1368 = arith.fptosi %mul3A_1358 : vector<16xf32> to vector<16xi32>
    %convert_element_type3A_1369 = arith.fptosi %mul3A_1367 : vector<16xf32> to vector<16xi32>
    %convert_element_type3A_1370 = arith.sitofp %convert_element_type3A_1368 : vector<16xi32> to vector<16xf32>
    %sub3A_1371 = arith.subf %mul3A_1358, %convert_element_type3A_1370 : vector<16xf32>
    %swap3A_1372 = arith.index_cast %multiple_of3A_1339 : i32 to index
    %swap3A_1373 = tpu.vector_load %arg8[%swap3A_1372] {strides = array<i32>} : memref<512xf32, #tpu.memory_space<vmem>>, vector<16xf32>,
    %swap3A_1374 = vector.shape_cast %swap3A_1373 : vector<16xf32> to vector<16xf32>
    %swap3A_1375 = vector.shape_cast %sub3A_1371 : vector<16xf32> to vector<16xf32>
    tpu.vector_store %arg8[%swap3A_1372], %swap3A_1375 {strides = array<i32>} : memref<512xf32, #tpu.memory_space<vmem>>, vector<16xf32>,
    %convert_element_type3A_1376 = arith.sitofp %convert_element_type3A_1369 : vector<16xi32> to vector<16xf32>
    %sub3A_1377 = arith.subf %mul3A_1367, %convert_element_type3A_1376 : vector<16xf32>
    %swap3A_1378 = arith.index_cast %multiple_of3A_1339 : i32 to index
    %swap3A_1379 = tpu.vector_load %arg9[%swap3A_1378] {strides = array<i32>} : memref<512xf32, #tpu.memory_space<vmem>>, vector<16xf32>,
    %swap3A_1380 = vector.shape_cast %swap3A_1379 : vector<16xf32> to vector<16xf32>
    %swap3A_1381 = vector.shape_cast %sub3A_1377 : vector<16xf32> to vector<16xf32>
    tpu.vector_store %arg9[%swap3A_1378], %swap3A_1381 {strides = array<i32>} : memref<512xf32, #tpu.memory_space<vmem>>, vector<16xf32>,
    %add3A_1382 = arith.constant 1 : i32
    %add3A_1383 = vector.broadcast %add3A_1382 : i32 to vector<16xi32>
    %add3A_1384 = arith.addi %convert_element_type3A_1368, %add3A_1383 : vector<16xi32>
    %min3A_1385 = arith.constant 1023 : i32
    %min3A_1386 = vector.broadcast %min3A_1385 : i32 to vector<16xi32>
    %min3A_1387 = arith.minsi %add3A_1384, %min3A_1386 : vector<16xi32>
    %sub3A_1388 = arith.subi %min3A_1387, %convert_element_type3A_1368 : vector<16xi32>
    %mul3A_1389 = arith.constant 1024 : i32
    %mul3A_1390 = vector.broadcast %mul3A_1389 : i32 to vector<16xi32>
    %mul3A_1391 = arith.muli %convert_element_type3A_1369, %mul3A_1390 : vector<16xi32>
    %add3A_1392 = arith.addi %mul3A_1391, %convert_element_type3A_1368 : vector<16xi32>
    %add3A_1393 = arith.constant 1 : i32
    %add3A_1394 = vector.broadcast %add3A_1393 : i32 to vector<16xi32>
    %add3A_1395 = arith.addi %convert_element_type3A_1369, %add3A_1394 : vector<16xi32>
    %min3A_1396 = arith.constant 1023 : i32
    %min3A_1397 = vector.broadcast %min3A_1396 : i32 to vector<16xi32>
    %min3A_1398 = arith.minsi %add3A_1395, %min3A_1397 : vector<16xi32>
    %mul3A_1399 = arith.constant 1024 : i32
    %mul3A_1400 = vector.broadcast %mul3A_1399 : i32 to vector<16xi32>
    %mul3A_1401 = arith.muli %min3A_1398, %mul3A_1400 : vector<16xi32>
    %add3A_1402 = arith.addi %mul3A_1401, %convert_element_type3A_1368 : vector<16xi32>
    %mul3A_1403 = arith.constant 4 : i32
    %mul3A_1404 = arith.muli %mul3A_1403, %multiple_of3A_1339 : i32
    %swap3A_1405 = arith.index_cast %mul3A_1404 : i32 to index
    %swap3A_1406 = tpu.vector_load %arg12[%swap3A_1405] {strides = array<i32>} : memref<2048xi32, #tpu.memory_space<vmem>>, vector<16xi32>,
    %swap3A_1407 = vector.shape_cast %swap3A_1406 : vector<16xi32> to vector<16xi32>
    %swap3A_1408 = vector.shape_cast %add3A_1392 : vector<16xi32> to vector<16xi32>
    tpu.vector_store %arg12[%swap3A_1405], %swap3A_1408 {strides = array<i32>} : memref<2048xi32, #tpu.memory_space<vmem>>, vector<16xi32>,
    %add3A_1409 = arith.addi %add3A_1392, %sub3A_1388 : vector<16xi32>
    %add3A_1410 = arith.constant 16 : i32
    %add3A_1411 = arith.addi %mul3A_1404, %add3A_1410 : i32
    %swap3A_1412 = arith.index_cast %add3A_1411 : i32 to index
    %swap3A_1413 = tpu.vector_load %arg12[%swap3A_1412] {strides = array<i32>} : memref<2048xi32, #tpu.memory_space<vmem>>, vector<16xi32>,
    %swap3A_1414 = vector.shape_cast %swap3A_1413 : vector<16xi32> to vector<16xi32>
    %swap3A_1415 = vector.shape_cast %add3A_1409 : vector<16xi32> to vector<16xi32>
    tpu.vector_store %arg12[%swap3A_1412], %swap3A_1415 {strides = array<i32>} : memref<2048xi32, #tpu.memory_space<vmem>>, vector<16xi32>,
    %add3A_1416 = arith.constant 32 : i32
    %add3A_1417 = arith.addi %mul3A_1404, %add3A_1416 : i32
    %swap3A_1418 = arith.index_cast %add3A_1417 : i32 to index
    %swap3A_1419 = tpu.vector_load %arg12[%swap3A_1418] {strides = array<i32>} : memref<2048xi32, #tpu.memory_space<vmem>>, vector<16xi32>,
    %swap3A_1420 = vector.shape_cast %swap3A_1419 : vector<16xi32> to vector<16xi32>
    %swap3A_1421 = vector.shape_cast %add3A_1402 : vector<16xi32> to vector<16xi32>
    tpu.vector_store %arg12[%swap3A_1418], %swap3A_1421 {strides = array<i32>} : memref<2048xi32, #tpu.memory_space<vmem>>, vector<16xi32>,
    %add3A_1422 = arith.addi %add3A_1402, %sub3A_1388 : vector<16xi32>
    %add3A_1423 = arith.constant 48 : i32
    %add3A_1424 = arith.addi %mul3A_1404, %add3A_1423 : i32
    %swap3A_1425 = arith.index_cast %add3A_1424 : i32 to index
    %swap3A_1426 = tpu.vector_load %arg12[%swap3A_1425] {strides = array<i32>} : memref<2048xi32, #tpu.memory_space<vmem>>, vector<16xi32>,
    %swap3A_1427 = vector.shape_cast %swap3A_1426 : vector<16xi32> to vector<16xi32>
    %swap3A_1428 = vector.shape_cast %add3A_1422 : vector<16xi32> to vector<16xi32>
    tpu.vector_store %arg12[%swap3A_1425], %swap3A_1428 {strides = array<i32>} : memref<2048xi32, #tpu.memory_space<vmem>>, vector<16xi32>,
    %scan3A_1429 = arith.constant 15 : i32
    %mul3A_1430 = arith.constant 16 : i32
    %mul3A_1431 = arith.muli %scan3A_1429, %mul3A_1430 : i32
    %multiple_of3A_1432 = tpu.assume_multiple %mul3A_1431, 16 : i32
    %get3A_1433 = arith.constant 0 : i32
    %get3A_1434 = arith.index_cast %get3A_1433 : i32 to index
    %get3A_1435 = arith.index_cast %multiple_of3A_1432 : i32 to index
    %get3A_1436 = tpu.vector_load %arg7[%get3A_1434, %get3A_1435] {strides = array<i32>} : memref<2x512xf32, #tpu.memory_space<vmem>>, vector<1x16xf32>,
    %get3A_1437 = vector.shape_cast %get3A_1436 : vector<1x16xf32> to vector<16xf32>
    %get3A_1438 = arith.constant 1 : i32
    %get3A_1439 = arith.index_cast %get3A_1438 : i32 to index
    %get3A_1440 = arith.index_cast %multiple_of3A_1432 : i32 to index
    %get3A_1441 = tpu.vector_load %arg7[%get3A_1439, %get3A_1440] {strides = array<i32>} : memref<2x512xf32, #tpu.memory_space<vmem>>, vector<1x16xf32>,
    %get3A_1442 = vector.shape_cast %get3A_1441 : vector<1x16xf32> to vector<16xf32>
    %max3A_1443 = arith.constant 0.000000e+00 : f32
    %max3A_1444 = vector.broadcast %max3A_1443 : f32 to vector<16xf32>
    %max3A_1445 = arith.maximumf %get3A_1437, %max3A_1444 : vector<16xf32>
    %min3A_1446 = arith.constant 1.000000e+00 : f32
    %min3A_1447 = vector.broadcast %min3A_1446 : f32 to vector<16xf32>
    %min3A_1448 = arith.minimumf %max3A_1445, %min3A_1447 : vector<16xf32>
    %mul3A_1449 = arith.constant 1.023000e+03 : f32
    %mul3A_1450 = vector.broadcast %mul3A_1449 : f32 to vector<16xf32>
    %mul3A_1451 = arith.mulf %min3A_1448, %mul3A_1450 : vector<16xf32>
    %max3A_1452 = arith.constant 0.000000e+00 : f32
    %max3A_1453 = vector.broadcast %max3A_1452 : f32 to vector<16xf32>
    %max3A_1454 = arith.maximumf %get3A_1442, %max3A_1453 : vector<16xf32>
    %min3A_1455 = arith.constant 1.000000e+00 : f32
    %min3A_1456 = vector.broadcast %min3A_1455 : f32 to vector<16xf32>
    %min3A_1457 = arith.minimumf %max3A_1454, %min3A_1456 : vector<16xf32>
    %mul3A_1458 = arith.constant 1.023000e+03 : f32
    %mul3A_1459 = vector.broadcast %mul3A_1458 : f32 to vector<16xf32>
    %mul3A_1460 = arith.mulf %min3A_1457, %mul3A_1459 : vector<16xf32>
    %convert_element_type3A_1461 = arith.fptosi %mul3A_1451 : vector<16xf32> to vector<16xi32>
    %convert_element_type3A_1462 = arith.fptosi %mul3A_1460 : vector<16xf32> to vector<16xi32>
    %convert_element_type3A_1463 = arith.sitofp %convert_element_type3A_1461 : vector<16xi32> to vector<16xf32>
    %sub3A_1464 = arith.subf %mul3A_1451, %convert_element_type3A_1463 : vector<16xf32>
    %swap3A_1465 = arith.index_cast %multiple_of3A_1432 : i32 to index
    %swap3A_1466 = tpu.vector_load %arg8[%swap3A_1465] {strides = array<i32>} : memref<512xf32, #tpu.memory_space<vmem>>, vector<16xf32>,
    %swap3A_1467 = vector.shape_cast %swap3A_1466 : vector<16xf32> to vector<16xf32>
    %swap3A_1468 = vector.shape_cast %sub3A_1464 : vector<16xf32> to vector<16xf32>
    tpu.vector_store %arg8[%swap3A_1465], %swap3A_1468 {strides = array<i32>} : memref<512xf32, #tpu.memory_space<vmem>>, vector<16xf32>,
    %convert_element_type3A_1469 = arith.sitofp %convert_element_type3A_1462 : vector<16xi32> to vector<16xf32>
    %sub3A_1470 = arith.subf %mul3A_1460, %convert_element_type3A_1469 : vector<16xf32>
    %swap3A_1471 = arith.index_cast %multiple_of3A_1432 : i32 to index
    %swap3A_1472 = tpu.vector_load %arg9[%swap3A_1471] {strides = array<i32>} : memref<512xf32, #tpu.memory_space<vmem>>, vector<16xf32>,
    %swap3A_1473 = vector.shape_cast %swap3A_1472 : vector<16xf32> to vector<16xf32>
    %swap3A_1474 = vector.shape_cast %sub3A_1470 : vector<16xf32> to vector<16xf32>
    tpu.vector_store %arg9[%swap3A_1471], %swap3A_1474 {strides = array<i32>} : memref<512xf32, #tpu.memory_space<vmem>>, vector<16xf32>,
    %add3A_1475 = arith.constant 1 : i32
    %add3A_1476 = vector.broadcast %add3A_1475 : i32 to vector<16xi32>
    %add3A_1477 = arith.addi %convert_element_type3A_1461, %add3A_1476 : vector<16xi32>
    %min3A_1478 = arith.constant 1023 : i32
    %min3A_1479 = vector.broadcast %min3A_1478 : i32 to vector<16xi32>
    %min3A_1480 = arith.minsi %add3A_1477, %min3A_1479 : vector<16xi32>
    %sub3A_1481 = arith.subi %min3A_1480, %convert_element_type3A_1461 : vector<16xi32>
    %mul3A_1482 = arith.constant 1024 : i32
    %mul3A_1483 = vector.broadcast %mul3A_1482 : i32 to vector<16xi32>
    %mul3A_1484 = arith.muli %convert_element_type3A_1462, %mul3A_1483 : vector<16xi32>
    %add3A_1485 = arith.addi %mul3A_1484, %convert_element_type3A_1461 : vector<16xi32>
    %add3A_1486 = arith.constant 1 : i32
    %add3A_1487 = vector.broadcast %add3A_1486 : i32 to vector<16xi32>
    %add3A_1488 = arith.addi %convert_element_type3A_1462, %add3A_1487 : vector<16xi32>
    %min3A_1489 = arith.constant 1023 : i32
    %min3A_1490 = vector.broadcast %min3A_1489 : i32 to vector<16xi32>
    %min3A_1491 = arith.minsi %add3A_1488, %min3A_1490 : vector<16xi32>
    %mul3A_1492 = arith.constant 1024 : i32
    %mul3A_1493 = vector.broadcast %mul3A_1492 : i32 to vector<16xi32>
    %mul3A_1494 = arith.muli %min3A_1491, %mul3A_1493 : vector<16xi32>
    %add3A_1495 = arith.addi %mul3A_1494, %convert_element_type3A_1461 : vector<16xi32>
    %mul3A_1496 = arith.constant 4 : i32
    %mul3A_1497 = arith.muli %mul3A_1496, %multiple_of3A_1432 : i32
    %swap3A_1498 = arith.index_cast %mul3A_1497 : i32 to index
    %swap3A_1499 = tpu.vector_load %arg12[%swap3A_1498] {strides = array<i32>} : memref<2048xi32, #tpu.memory_space<vmem>>, vector<16xi32>,
    %swap3A_1500 = vector.shape_cast %swap3A_1499 : vector<16xi32> to vector<16xi32>
    %swap3A_1501 = vector.shape_cast %add3A_1485 : vector<16xi32> to vector<16xi32>
    tpu.vector_store %arg12[%swap3A_1498], %swap3A_1501 {strides = array<i32>} : memref<2048xi32, #tpu.memory_space<vmem>>, vector<16xi32>,
    %add3A_1502 = arith.addi %add3A_1485, %sub3A_1481 : vector<16xi32>
    %add3A_1503 = arith.constant 16 : i32
    %add3A_1504 = arith.addi %mul3A_1497, %add3A_1503 : i32
    %swap3A_1505 = arith.index_cast %add3A_1504 : i32 to index
    %swap3A_1506 = tpu.vector_load %arg12[%swap3A_1505] {strides = array<i32>} : memref<2048xi32, #tpu.memory_space<vmem>>, vector<16xi32>,
    %swap3A_1507 = vector.shape_cast %swap3A_1506 : vector<16xi32> to vector<16xi32>
    %swap3A_1508 = vector.shape_cast %add3A_1502 : vector<16xi32> to vector<16xi32>
    tpu.vector_store %arg12[%swap3A_1505], %swap3A_1508 {strides = array<i32>} : memref<2048xi32, #tpu.memory_space<vmem>>, vector<16xi32>,
    %add3A_1509 = arith.constant 32 : i32
    %add3A_1510 = arith.addi %mul3A_1497, %add3A_1509 : i32
    %swap3A_1511 = arith.index_cast %add3A_1510 : i32 to index
    %swap3A_1512 = tpu.vector_load %arg12[%swap3A_1511] {strides = array<i32>} : memref<2048xi32, #tpu.memory_space<vmem>>, vector<16xi32>,
    %swap3A_1513 = vector.shape_cast %swap3A_1512 : vector<16xi32> to vector<16xi32>
    %swap3A_1514 = vector.shape_cast %add3A_1495 : vector<16xi32> to vector<16xi32>
    tpu.vector_store %arg12[%swap3A_1511], %swap3A_1514 {strides = array<i32>} : memref<2048xi32, #tpu.memory_space<vmem>>, vector<16xi32>,
    %add3A_1515 = arith.addi %add3A_1495, %sub3A_1481 : vector<16xi32>
    %add3A_1516 = arith.constant 48 : i32
    %add3A_1517 = arith.addi %mul3A_1497, %add3A_1516 : i32
    %swap3A_1518 = arith.index_cast %add3A_1517 : i32 to index
    %swap3A_1519 = tpu.vector_load %arg12[%swap3A_1518] {strides = array<i32>} : memref<2048xi32, #tpu.memory_space<vmem>>, vector<16xi32>,
    %swap3A_1520 = vector.shape_cast %swap3A_1519 : vector<16xi32> to vector<16xi32>
    %swap3A_1521 = vector.shape_cast %add3A_1515 : vector<16xi32> to vector<16xi32>
    tpu.vector_store %arg12[%swap3A_1518], %swap3A_1521 {strides = array<i32>} : memref<2048xi32, #tpu.memory_space<vmem>>, vector<16xi32>,
    %scan3A_1522 = arith.constant 4 : i32
    %dma_start3A_1523 = arith.constant 768 : i32
    %dma_start3A_1524 = tpu.memref_slice %arg13[%dma_start3A_1523] : memref<2048xf32, #tpu.memory_space<vmem>> -> memref<256xf32, #tpu.memory_space<vmem>>
    %dma_start3A_1525 = arith.constant 768 : i32
    %dma_start3A_1526 = tpu.memref_slice %arg12[%dma_start3A_1525] : memref<2048xi32, #tpu.memory_space<vmem>> -> memref<256xi32, #tpu.memory_space<vmem>>
    %dma_start3A_1527 = arith.constant 0 : i32
    %dma_start3A_1528 = tpu.memref_slice %arg3[%dma_start3A_1527] : memref<1048576xf32, #tpu.memory_space<hbm>> -> memref<1048576xf32, #tpu.memory_space<hbm>>
    tpu.enqueue_indirect_dma source(%dma_start3A_1528 : memref<1048576xf32, #tpu.memory_space<hbm>>) target(%dma_start3A_1524 : memref<256xf32, #tpu.memory_space<vmem>>) offsets(%dma_start3A_1526 : memref<256xi32, #tpu.memory_space<vmem>>) semaphore(%arg16 : memref<!tpu.dma_semaphore, #tpu.memory_space<semaphore_mem>>)
    %scan3A_1529 = arith.constant 0 : i32
    %scan3A_1530 = arith.constant 16 : i32
    %mul3A_1531 = arith.constant 16 : i32
    %mul3A_1532 = arith.muli %scan3A_1530, %mul3A_1531 : i32
    %multiple_of3A_1533 = tpu.assume_multiple %mul3A_1532, 16 : i32
    %get3A_1534 = arith.constant 0 : i32
    %get3A_1535 = arith.index_cast %get3A_1534 : i32 to index
    %get3A_1536 = arith.index_cast %multiple_of3A_1533 : i32 to index
    %get3A_1537 = tpu.vector_load %arg7[%get3A_1535, %get3A_1536] {strides = array<i32>} : memref<2x512xf32, #tpu.memory_space<vmem>>, vector<1x16xf32>,
    %get3A_1538 = vector.shape_cast %get3A_1537 : vector<1x16xf32> to vector<16xf32>
    %get3A_1539 = arith.constant 1 : i32
    %get3A_1540 = arith.index_cast %get3A_1539 : i32 to index
    %get3A_1541 = arith.index_cast %multiple_of3A_1533 : i32 to index
    %get3A_1542 = tpu.vector_load %arg7[%get3A_1540, %get3A_1541] {strides = array<i32>} : memref<2x512xf32, #tpu.memory_space<vmem>>, vector<1x16xf32>,
    %get3A_1543 = vector.shape_cast %get3A_1542 : vector<1x16xf32> to vector<16xf32>
    %max3A_1544 = arith.constant 0.000000e+00 : f32
    %max3A_1545 = vector.broadcast %max3A_1544 : f32 to vector<16xf32>
    %max3A_1546 = arith.maximumf %get3A_1538, %max3A_1545 : vector<16xf32>
    %min3A_1547 = arith.constant 1.000000e+00 : f32
    %min3A_1548 = vector.broadcast %min3A_1547 : f32 to vector<16xf32>
    %min3A_1549 = arith.minimumf %max3A_1546, %min3A_1548 : vector<16xf32>
    %mul3A_1550 = arith.constant 1.023000e+03 : f32
    %mul3A_1551 = vector.broadcast %mul3A_1550 : f32 to vector<16xf32>
    %mul3A_1552 = arith.mulf %min3A_1549, %mul3A_1551 : vector<16xf32>
    %max3A_1553 = arith.constant 0.000000e+00 : f32
    %max3A_1554 = vector.broadcast %max3A_1553 : f32 to vector<16xf32>
    %max3A_1555 = arith.maximumf %get3A_1543, %max3A_1554 : vector<16xf32>
    %min3A_1556 = arith.constant 1.000000e+00 : f32
    %min3A_1557 = vector.broadcast %min3A_1556 : f32 to vector<16xf32>
    %min3A_1558 = arith.minimumf %max3A_1555, %min3A_1557 : vector<16xf32>
    %mul3A_1559 = arith.constant 1.023000e+03 : f32
    %mul3A_1560 = vector.broadcast %mul3A_1559 : f32 to vector<16xf32>
    %mul3A_1561 = arith.mulf %min3A_1558, %mul3A_1560 : vector<16xf32>
    %convert_element_type3A_1562 = arith.fptosi %mul3A_1552 : vector<16xf32> to vector<16xi32>
    %convert_element_type3A_1563 = arith.fptosi %mul3A_1561 : vector<16xf32> to vector<16xi32>
    %convert_element_type3A_1564 = arith.sitofp %convert_element_type3A_1562 : vector<16xi32> to vector<16xf32>
    %sub3A_1565 = arith.subf %mul3A_1552, %convert_element_type3A_1564 : vector<16xf32>
    %swap3A_1566 = arith.index_cast %multiple_of3A_1533 : i32 to index
    %swap3A_1567 = tpu.vector_load %arg8[%swap3A_1566] {strides = array<i32>} : memref<512xf32, #tpu.memory_space<vmem>>, vector<16xf32>,
    %swap3A_1568 = vector.shape_cast %swap3A_1567 : vector<16xf32> to vector<16xf32>
    %swap3A_1569 = vector.shape_cast %sub3A_1565 : vector<16xf32> to vector<16xf32>
    tpu.vector_store %arg8[%swap3A_1566], %swap3A_1569 {strides = array<i32>} : memref<512xf32, #tpu.memory_space<vmem>>, vector<16xf32>,
    %convert_element_type3A_1570 = arith.sitofp %convert_element_type3A_1563 : vector<16xi32> to vector<16xf32>
    %sub3A_1571 = arith.subf %mul3A_1561, %convert_element_type3A_1570 : vector<16xf32>
    %swap3A_1572 = arith.index_cast %multiple_of3A_1533 : i32 to index
    %swap3A_1573 = tpu.vector_load %arg9[%swap3A_1572] {strides = array<i32>} : memref<512xf32, #tpu.memory_space<vmem>>, vector<16xf32>,
    %swap3A_1574 = vector.shape_cast %swap3A_1573 : vector<16xf32> to vector<16xf32>
    %swap3A_1575 = vector.shape_cast %sub3A_1571 : vector<16xf32> to vector<16xf32>
    tpu.vector_store %arg9[%swap3A_1572], %swap3A_1575 {strides = array<i32>} : memref<512xf32, #tpu.memory_space<vmem>>, vector<16xf32>,
    %add3A_1576 = arith.constant 1 : i32
    %add3A_1577 = vector.broadcast %add3A_1576 : i32 to vector<16xi32>
    %add3A_1578 = arith.addi %convert_element_type3A_1562, %add3A_1577 : vector<16xi32>
    %min3A_1579 = arith.constant 1023 : i32
    %min3A_1580 = vector.broadcast %min3A_1579 : i32 to vector<16xi32>
    %min3A_1581 = arith.minsi %add3A_1578, %min3A_1580 : vector<16xi32>
    %sub3A_1582 = arith.subi %min3A_1581, %convert_element_type3A_1562 : vector<16xi32>
    %mul3A_1583 = arith.constant 1024 : i32
    %mul3A_1584 = vector.broadcast %mul3A_1583 : i32 to vector<16xi32>
    %mul3A_1585 = arith.muli %convert_element_type3A_1563, %mul3A_1584 : vector<16xi32>
    %add3A_1586 = arith.addi %mul3A_1585, %convert_element_type3A_1562 : vector<16xi32>
    %add3A_1587 = arith.constant 1 : i32
    %add3A_1588 = vector.broadcast %add3A_1587 : i32 to vector<16xi32>
    %add3A_1589 = arith.addi %convert_element_type3A_1563, %add3A_1588 : vector<16xi32>
    %min3A_1590 = arith.constant 1023 : i32
    %min3A_1591 = vector.broadcast %min3A_1590 : i32 to vector<16xi32>
    %min3A_1592 = arith.minsi %add3A_1589, %min3A_1591 : vector<16xi32>
    %mul3A_1593 = arith.constant 1024 : i32
    %mul3A_1594 = vector.broadcast %mul3A_1593 : i32 to vector<16xi32>
    %mul3A_1595 = arith.muli %min3A_1592, %mul3A_1594 : vector<16xi32>
    %add3A_1596 = arith.addi %mul3A_1595, %convert_element_type3A_1562 : vector<16xi32>
    %mul3A_1597 = arith.constant 4 : i32
    %mul3A_1598 = arith.muli %mul3A_1597, %multiple_of3A_1533 : i32
    %swap3A_1599 = arith.index_cast %mul3A_1598 : i32 to index
    %swap3A_1600 = tpu.vector_load %arg12[%swap3A_1599] {strides = array<i32>} : memref<2048xi32, #tpu.memory_space<vmem>>, vector<16xi32>,
    %swap3A_1601 = vector.shape_cast %swap3A_1600 : vector<16xi32> to vector<16xi32>
    %swap3A_1602 = vector.shape_cast %add3A_1586 : vector<16xi32> to vector<16xi32>
    tpu.vector_store %arg12[%swap3A_1599], %swap3A_1602 {strides = array<i32>} : memref<2048xi32, #tpu.memory_space<vmem>>, vector<16xi32>,
    %add3A_1603 = arith.addi %add3A_1586, %sub3A_1582 : vector<16xi32>
    %add3A_1604 = arith.constant 16 : i32
    %add3A_1605 = arith.addi %mul3A_1598, %add3A_1604 : i32
    %swap3A_1606 = arith.index_cast %add3A_1605 : i32 to index
    %swap3A_1607 = tpu.vector_load %arg12[%swap3A_1606] {strides = array<i32>} : memref<2048xi32, #tpu.memory_space<vmem>>, vector<16xi32>,
    %swap3A_1608 = vector.shape_cast %swap3A_1607 : vector<16xi32> to vector<16xi32>
    %swap3A_1609 = vector.shape_cast %add3A_1603 : vector<16xi32> to vector<16xi32>
    tpu.vector_store %arg12[%swap3A_1606], %swap3A_1609 {strides = array<i32>} : memref<2048xi32, #tpu.memory_space<vmem>>, vector<16xi32>,
    %add3A_1610 = arith.constant 32 : i32
    %add3A_1611 = arith.addi %mul3A_1598, %add3A_1610 : i32
    %swap3A_1612 = arith.index_cast %add3A_1611 : i32 to index
    %swap3A_1613 = tpu.vector_load %arg12[%swap3A_1612] {strides = array<i32>} : memref<2048xi32, #tpu.memory_space<vmem>>, vector<16xi32>,
    %swap3A_1614 = vector.shape_cast %swap3A_1613 : vector<16xi32> to vector<16xi32>
    %swap3A_1615 = vector.shape_cast %add3A_1596 : vector<16xi32> to vector<16xi32>
    tpu.vector_store %arg12[%swap3A_1612], %swap3A_1615 {strides = array<i32>} : memref<2048xi32, #tpu.memory_space<vmem>>, vector<16xi32>,
    %add3A_1616 = arith.addi %add3A_1596, %sub3A_1582 : vector<16xi32>
    %add3A_1617 = arith.constant 48 : i32
    %add3A_1618 = arith.addi %mul3A_1598, %add3A_1617 : i32
    %swap3A_1619 = arith.index_cast %add3A_1618 : i32 to index
    %swap3A_1620 = tpu.vector_load %arg12[%swap3A_1619] {strides = array<i32>} : memref<2048xi32, #tpu.memory_space<vmem>>, vector<16xi32>,
    %swap3A_1621 = vector.shape_cast %swap3A_1620 : vector<16xi32> to vector<16xi32>
    %swap3A_1622 = vector.shape_cast %add3A_1616 : vector<16xi32> to vector<16xi32>
    tpu.vector_store %arg12[%swap3A_1619], %swap3A_1622 {strides = array<i32>} : memref<2048xi32, #tpu.memory_space<vmem>>, vector<16xi32>,
    %scan3A_1623 = arith.constant 17 : i32
    %mul3A_1624 = arith.constant 16 : i32
    %mul3A_1625 = arith.muli %scan3A_1623, %mul3A_1624 : i32
    %multiple_of3A_1626 = tpu.assume_multiple %mul3A_1625, 16 : i32
    %get3A_1627 = arith.constant 0 : i32
    %get3A_1628 = arith.index_cast %get3A_1627 : i32 to index
    %get3A_1629 = arith.index_cast %multiple_of3A_1626 : i32 to index
    %get3A_1630 = tpu.vector_load %arg7[%get3A_1628, %get3A_1629] {strides = array<i32>} : memref<2x512xf32, #tpu.memory_space<vmem>>, vector<1x16xf32>,
    %get3A_1631 = vector.shape_cast %get3A_1630 : vector<1x16xf32> to vector<16xf32>
    %get3A_1632 = arith.constant 1 : i32
    %get3A_1633 = arith.index_cast %get3A_1632 : i32 to index
    %get3A_1634 = arith.index_cast %multiple_of3A_1626 : i32 to index
    %get3A_1635 = tpu.vector_load %arg7[%get3A_1633, %get3A_1634] {strides = array<i32>} : memref<2x512xf32, #tpu.memory_space<vmem>>, vector<1x16xf32>,
    %get3A_1636 = vector.shape_cast %get3A_1635 : vector<1x16xf32> to vector<16xf32>
    %max3A_1637 = arith.constant 0.000000e+00 : f32
    %max3A_1638 = vector.broadcast %max3A_1637 : f32 to vector<16xf32>
    %max3A_1639 = arith.maximumf %get3A_1631, %max3A_1638 : vector<16xf32>
    %min3A_1640 = arith.constant 1.000000e+00 : f32
    %min3A_1641 = vector.broadcast %min3A_1640 : f32 to vector<16xf32>
    %min3A_1642 = arith.minimumf %max3A_1639, %min3A_1641 : vector<16xf32>
    %mul3A_1643 = arith.constant 1.023000e+03 : f32
    %mul3A_1644 = vector.broadcast %mul3A_1643 : f32 to vector<16xf32>
    %mul3A_1645 = arith.mulf %min3A_1642, %mul3A_1644 : vector<16xf32>
    %max3A_1646 = arith.constant 0.000000e+00 : f32
    %max3A_1647 = vector.broadcast %max3A_1646 : f32 to vector<16xf32>
    %max3A_1648 = arith.maximumf %get3A_1636, %max3A_1647 : vector<16xf32>
    %min3A_1649 = arith.constant 1.000000e+00 : f32
    %min3A_1650 = vector.broadcast %min3A_1649 : f32 to vector<16xf32>
    %min3A_1651 = arith.minimumf %max3A_1648, %min3A_1650 : vector<16xf32>
    %mul3A_1652 = arith.constant 1.023000e+03 : f32
    %mul3A_1653 = vector.broadcast %mul3A_1652 : f32 to vector<16xf32>
    %mul3A_1654 = arith.mulf %min3A_1651, %mul3A_1653 : vector<16xf32>
    %convert_element_type3A_1655 = arith.fptosi %mul3A_1645 : vector<16xf32> to vector<16xi32>
    %convert_element_type3A_1656 = arith.fptosi %mul3A_1654 : vector<16xf32> to vector<16xi32>
    %convert_element_type3A_1657 = arith.sitofp %convert_element_type3A_1655 : vector<16xi32> to vector<16xf32>
    %sub3A_1658 = arith.subf %mul3A_1645, %convert_element_type3A_1657 : vector<16xf32>
    %swap3A_1659 = arith.index_cast %multiple_of3A_1626 : i32 to index
    %swap3A_1660 = tpu.vector_load %arg8[%swap3A_1659] {strides = array<i32>} : memref<512xf32, #tpu.memory_space<vmem>>, vector<16xf32>,
    %swap3A_1661 = vector.shape_cast %swap3A_1660 : vector<16xf32> to vector<16xf32>
    %swap3A_1662 = vector.shape_cast %sub3A_1658 : vector<16xf32> to vector<16xf32>
    tpu.vector_store %arg8[%swap3A_1659], %swap3A_1662 {strides = array<i32>} : memref<512xf32, #tpu.memory_space<vmem>>, vector<16xf32>,
    %convert_element_type3A_1663 = arith.sitofp %convert_element_type3A_1656 : vector<16xi32> to vector<16xf32>
    %sub3A_1664 = arith.subf %mul3A_1654, %convert_element_type3A_1663 : vector<16xf32>
    %swap3A_1665 = arith.index_cast %multiple_of3A_1626 : i32 to index
    %swap3A_1666 = tpu.vector_load %arg9[%swap3A_1665] {strides = array<i32>} : memref<512xf32, #tpu.memory_space<vmem>>, vector<16xf32>,
    %swap3A_1667 = vector.shape_cast %swap3A_1666 : vector<16xf32> to vector<16xf32>
    %swap3A_1668 = vector.shape_cast %sub3A_1664 : vector<16xf32> to vector<16xf32>
    tpu.vector_store %arg9[%swap3A_1665], %swap3A_1668 {strides = array<i32>} : memref<512xf32, #tpu.memory_space<vmem>>, vector<16xf32>,
    %add3A_1669 = arith.constant 1 : i32
    %add3A_1670 = vector.broadcast %add3A_1669 : i32 to vector<16xi32>
    %add3A_1671 = arith.addi %convert_element_type3A_1655, %add3A_1670 : vector<16xi32>
    %min3A_1672 = arith.constant 1023 : i32
    %min3A_1673 = vector.broadcast %min3A_1672 : i32 to vector<16xi32>
    %min3A_1674 = arith.minsi %add3A_1671, %min3A_1673 : vector<16xi32>
    %sub3A_1675 = arith.subi %min3A_1674, %convert_element_type3A_1655 : vector<16xi32>
    %mul3A_1676 = arith.constant 1024 : i32
    %mul3A_1677 = vector.broadcast %mul3A_1676 : i32 to vector<16xi32>
    %mul3A_1678 = arith.muli %convert_element_type3A_1656, %mul3A_1677 : vector<16xi32>
    %add3A_1679 = arith.addi %mul3A_1678, %convert_element_type3A_1655 : vector<16xi32>
    %add3A_1680 = arith.constant 1 : i32
    %add3A_1681 = vector.broadcast %add3A_1680 : i32 to vector<16xi32>
    %add3A_1682 = arith.addi %convert_element_type3A_1656, %add3A_1681 : vector<16xi32>
    %min3A_1683 = arith.constant 1023 : i32
    %min3A_1684 = vector.broadcast %min3A_1683 : i32 to vector<16xi32>
    %min3A_1685 = arith.minsi %add3A_1682, %min3A_1684 : vector<16xi32>
    %mul3A_1686 = arith.constant 1024 : i32
    %mul3A_1687 = vector.broadcast %mul3A_1686 : i32 to vector<16xi32>
    %mul3A_1688 = arith.muli %min3A_1685, %mul3A_1687 : vector<16xi32>
    %add3A_1689 = arith.addi %mul3A_1688, %convert_element_type3A_1655 : vector<16xi32>
    %mul3A_1690 = arith.constant 4 : i32
    %mul3A_1691 = arith.muli %mul3A_1690, %multiple_of3A_1626 : i32
    %swap3A_1692 = arith.index_cast %mul3A_1691 : i32 to index
    %swap3A_1693 = tpu.vector_load %arg12[%swap3A_1692] {strides = array<i32>} : memref<2048xi32, #tpu.memory_space<vmem>>, vector<16xi32>,
    %swap3A_1694 = vector.shape_cast %swap3A_1693 : vector<16xi32> to vector<16xi32>
    %swap3A_1695 = vector.shape_cast %add3A_1679 : vector<16xi32> to vector<16xi32>
    tpu.vector_store %arg12[%swap3A_1692], %swap3A_1695 {strides = array<i32>} : memref<2048xi32, #tpu.memory_space<vmem>>, vector<16xi32>,
    %add3A_1696 = arith.addi %add3A_1679, %sub3A_1675 : vector<16xi32>
    %add3A_1697 = arith.constant 16 : i32
    %add3A_1698 = arith.addi %mul3A_1691, %add3A_1697 : i32
    %swap3A_1699 = arith.index_cast %add3A_1698 : i32 to index
    %swap3A_1700 = tpu.vector_load %arg12[%swap3A_1699] {strides = array<i32>} : memref<2048xi32, #tpu.memory_space<vmem>>, vector<16xi32>,
    %swap3A_1701 = vector.shape_cast %swap3A_1700 : vector<16xi32> to vector<16xi32>
    %swap3A_1702 = vector.shape_cast %add3A_1696 : vector<16xi32> to vector<16xi32>
    tpu.vector_store %arg12[%swap3A_1699], %swap3A_1702 {strides = array<i32>} : memref<2048xi32, #tpu.memory_space<vmem>>, vector<16xi32>,
    %add3A_1703 = arith.constant 32 : i32
    %add3A_1704 = arith.addi %mul3A_1691, %add3A_1703 : i32
    %swap3A_1705 = arith.index_cast %add3A_1704 : i32 to index
    %swap3A_1706 = tpu.vector_load %arg12[%swap3A_1705] {strides = array<i32>} : memref<2048xi32, #tpu.memory_space<vmem>>, vector<16xi32>,
    %swap3A_1707 = vector.shape_cast %swap3A_1706 : vector<16xi32> to vector<16xi32>
    %swap3A_1708 = vector.shape_cast %add3A_1689 : vector<16xi32> to vector<16xi32>
    tpu.vector_store %arg12[%swap3A_1705], %swap3A_1708 {strides = array<i32>} : memref<2048xi32, #tpu.memory_space<vmem>>, vector<16xi32>,
    %add3A_1709 = arith.addi %add3A_1689, %sub3A_1675 : vector<16xi32>
    %add3A_1710 = arith.constant 48 : i32
    %add3A_1711 = arith.addi %mul3A_1691, %add3A_1710 : i32
    %swap3A_1712 = arith.index_cast %add3A_1711 : i32 to index
    %swap3A_1713 = tpu.vector_load %arg12[%swap3A_1712] {strides = array<i32>} : memref<2048xi32, #tpu.memory_space<vmem>>, vector<16xi32>,
    %swap3A_1714 = vector.shape_cast %swap3A_1713 : vector<16xi32> to vector<16xi32>
    %swap3A_1715 = vector.shape_cast %add3A_1709 : vector<16xi32> to vector<16xi32>
    tpu.vector_store %arg12[%swap3A_1712], %swap3A_1715 {strides = array<i32>} : memref<2048xi32, #tpu.memory_space<vmem>>, vector<16xi32>,
    %scan3A_1716 = arith.constant 18 : i32
    %mul3A_1717 = arith.constant 16 : i32
    %mul3A_1718 = arith.muli %scan3A_1716, %mul3A_1717 : i32
    %multiple_of3A_1719 = tpu.assume_multiple %mul3A_1718, 16 : i32
    %get3A_1720 = arith.constant 0 : i32
    %get3A_1721 = arith.index_cast %get3A_1720 : i32 to index
    %get3A_1722 = arith.index_cast %multiple_of3A_1719 : i32 to index
    %get3A_1723 = tpu.vector_load %arg7[%get3A_1721, %get3A_1722] {strides = array<i32>} : memref<2x512xf32, #tpu.memory_space<vmem>>, vector<1x16xf32>,
    %get3A_1724 = vector.shape_cast %get3A_1723 : vector<1x16xf32> to vector<16xf32>
    %get3A_1725 = arith.constant 1 : i32
    %get3A_1726 = arith.index_cast %get3A_1725 : i32 to index
    %get3A_1727 = arith.index_cast %multiple_of3A_1719 : i32 to index
    %get3A_1728 = tpu.vector_load %arg7[%get3A_1726, %get3A_1727] {strides = array<i32>} : memref<2x512xf32, #tpu.memory_space<vmem>>, vector<1x16xf32>,
    %get3A_1729 = vector.shape_cast %get3A_1728 : vector<1x16xf32> to vector<16xf32>
    %max3A_1730 = arith.constant 0.000000e+00 : f32
    %max3A_1731 = vector.broadcast %max3A_1730 : f32 to vector<16xf32>
    %max3A_1732 = arith.maximumf %get3A_1724, %max3A_1731 : vector<16xf32>
    %min3A_1733 = arith.constant 1.000000e+00 : f32
    %min3A_1734 = vector.broadcast %min3A_1733 : f32 to vector<16xf32>
    %min3A_1735 = arith.minimumf %max3A_1732, %min3A_1734 : vector<16xf32>
    %mul3A_1736 = arith.constant 1.023000e+03 : f32
    %mul3A_1737 = vector.broadcast %mul3A_1736 : f32 to vector<16xf32>
    %mul3A_1738 = arith.mulf %min3A_1735, %mul3A_1737 : vector<16xf32>
    %max3A_1739 = arith.constant 0.000000e+00 : f32
    %max3A_1740 = vector.broadcast %max3A_1739 : f32 to vector<16xf32>
    %max3A_1741 = arith.maximumf %get3A_1729, %max3A_1740 : vector<16xf32>
    %min3A_1742 = arith.constant 1.000000e+00 : f32
    %min3A_1743 = vector.broadcast %min3A_1742 : f32 to vector<16xf32>
    %min3A_1744 = arith.minimumf %max3A_1741, %min3A_1743 : vector<16xf32>
    %mul3A_1745 = arith.constant 1.023000e+03 : f32
    %mul3A_1746 = vector.broadcast %mul3A_1745 : f32 to vector<16xf32>
    %mul3A_1747 = arith.mulf %min3A_1744, %mul3A_1746 : vector<16xf32>
    %convert_element_type3A_1748 = arith.fptosi %mul3A_1738 : vector<16xf32> to vector<16xi32>
    %convert_element_type3A_1749 = arith.fptosi %mul3A_1747 : vector<16xf32> to vector<16xi32>
    %convert_element_type3A_1750 = arith.sitofp %convert_element_type3A_1748 : vector<16xi32> to vector<16xf32>
    %sub3A_1751 = arith.subf %mul3A_1738, %convert_element_type3A_1750 : vector<16xf32>
    %swap3A_1752 = arith.index_cast %multiple_of3A_1719 : i32 to index
    %swap3A_1753 = tpu.vector_load %arg8[%swap3A_1752] {strides = array<i32>} : memref<512xf32, #tpu.memory_space<vmem>>, vector<16xf32>,
    %swap3A_1754 = vector.shape_cast %swap3A_1753 : vector<16xf32> to vector<16xf32>
    %swap3A_1755 = vector.shape_cast %sub3A_1751 : vector<16xf32> to vector<16xf32>
    tpu.vector_store %arg8[%swap3A_1752], %swap3A_1755 {strides = array<i32>} : memref<512xf32, #tpu.memory_space<vmem>>, vector<16xf32>,
    %convert_element_type3A_1756 = arith.sitofp %convert_element_type3A_1749 : vector<16xi32> to vector<16xf32>
    %sub3A_1757 = arith.subf %mul3A_1747, %convert_element_type3A_1756 : vector<16xf32>
    %swap3A_1758 = arith.index_cast %multiple_of3A_1719 : i32 to index
    %swap3A_1759 = tpu.vector_load %arg9[%swap3A_1758] {strides = array<i32>} : memref<512xf32, #tpu.memory_space<vmem>>, vector<16xf32>,
    %swap3A_1760 = vector.shape_cast %swap3A_1759 : vector<16xf32> to vector<16xf32>
    %swap3A_1761 = vector.shape_cast %sub3A_1757 : vector<16xf32> to vector<16xf32>
    tpu.vector_store %arg9[%swap3A_1758], %swap3A_1761 {strides = array<i32>} : memref<512xf32, #tpu.memory_space<vmem>>, vector<16xf32>,
    %add3A_1762 = arith.constant 1 : i32
    %add3A_1763 = vector.broadcast %add3A_1762 : i32 to vector<16xi32>
    %add3A_1764 = arith.addi %convert_element_type3A_1748, %add3A_1763 : vector<16xi32>
    %min3A_1765 = arith.constant 1023 : i32
    %min3A_1766 = vector.broadcast %min3A_1765 : i32 to vector<16xi32>
    %min3A_1767 = arith.minsi %add3A_1764, %min3A_1766 : vector<16xi32>
    %sub3A_1768 = arith.subi %min3A_1767, %convert_element_type3A_1748 : vector<16xi32>
    %mul3A_1769 = arith.constant 1024 : i32
    %mul3A_1770 = vector.broadcast %mul3A_1769 : i32 to vector<16xi32>
    %mul3A_1771 = arith.muli %convert_element_type3A_1749, %mul3A_1770 : vector<16xi32>
    %add3A_1772 = arith.addi %mul3A_1771, %convert_element_type3A_1748 : vector<16xi32>
    %add3A_1773 = arith.constant 1 : i32
    %add3A_1774 = vector.broadcast %add3A_1773 : i32 to vector<16xi32>
    %add3A_1775 = arith.addi %convert_element_type3A_1749, %add3A_1774 : vector<16xi32>
    %min3A_1776 = arith.constant 1023 : i32
    %min3A_1777 = vector.broadcast %min3A_1776 : i32 to vector<16xi32>
    %min3A_1778 = arith.minsi %add3A_1775, %min3A_1777 : vector<16xi32>
    %mul3A_1779 = arith.constant 1024 : i32
    %mul3A_1780 = vector.broadcast %mul3A_1779 : i32 to vector<16xi32>
    %mul3A_1781 = arith.muli %min3A_1778, %mul3A_1780 : vector<16xi32>
    %add3A_1782 = arith.addi %mul3A_1781, %convert_element_type3A_1748 : vector<16xi32>
    %mul3A_1783 = arith.constant 4 : i32
    %mul3A_1784 = arith.muli %mul3A_1783, %multiple_of3A_1719 : i32
    %swap3A_1785 = arith.index_cast %mul3A_1784 : i32 to index
    %swap3A_1786 = tpu.vector_load %arg12[%swap3A_1785] {strides = array<i32>} : memref<2048xi32, #tpu.memory_space<vmem>>, vector<16xi32>,
    %swap3A_1787 = vector.shape_cast %swap3A_1786 : vector<16xi32> to vector<16xi32>
    %swap3A_1788 = vector.shape_cast %add3A_1772 : vector<16xi32> to vector<16xi32>
    tpu.vector_store %arg12[%swap3A_1785], %swap3A_1788 {strides = array<i32>} : memref<2048xi32, #tpu.memory_space<vmem>>, vector<16xi32>,
    %add3A_1789 = arith.addi %add3A_1772, %sub3A_1768 : vector<16xi32>
    %add3A_1790 = arith.constant 16 : i32
    %add3A_1791 = arith.addi %mul3A_1784, %add3A_1790 : i32
    %swap3A_1792 = arith.index_cast %add3A_1791 : i32 to index
    %swap3A_1793 = tpu.vector_load %arg12[%swap3A_1792] {strides = array<i32>} : memref<2048xi32, #tpu.memory_space<vmem>>, vector<16xi32>,
    %swap3A_1794 = vector.shape_cast %swap3A_1793 : vector<16xi32> to vector<16xi32>
    %swap3A_1795 = vector.shape_cast %add3A_1789 : vector<16xi32> to vector<16xi32>
    tpu.vector_store %arg12[%swap3A_1792], %swap3A_1795 {strides = array<i32>} : memref<2048xi32, #tpu.memory_space<vmem>>, vector<16xi32>,
    %add3A_1796 = arith.constant 32 : i32
    %add3A_1797 = arith.addi %mul3A_1784, %add3A_1796 : i32
    %swap3A_1798 = arith.index_cast %add3A_1797 : i32 to index
    %swap3A_1799 = tpu.vector_load %arg12[%swap3A_1798] {strides = array<i32>} : memref<2048xi32, #tpu.memory_space<vmem>>, vector<16xi32>,
    %swap3A_1800 = vector.shape_cast %swap3A_1799 : vector<16xi32> to vector<16xi32>
    %swap3A_1801 = vector.shape_cast %add3A_1782 : vector<16xi32> to vector<16xi32>
    tpu.vector_store %arg12[%swap3A_1798], %swap3A_1801 {strides = array<i32>} : memref<2048xi32, #tpu.memory_space<vmem>>, vector<16xi32>,
    %add3A_1802 = arith.addi %add3A_1782, %sub3A_1768 : vector<16xi32>
    %add3A_1803 = arith.constant 48 : i32
    %add3A_1804 = arith.addi %mul3A_1784, %add3A_1803 : i32
    %swap3A_1805 = arith.index_cast %add3A_1804 : i32 to index
    %swap3A_1806 = tpu.vector_load %arg12[%swap3A_1805] {strides = array<i32>} : memref<2048xi32, #tpu.memory_space<vmem>>, vector<16xi32>,
    %swap3A_1807 = vector.shape_cast %swap3A_1806 : vector<16xi32> to vector<16xi32>
    %swap3A_1808 = vector.shape_cast %add3A_1802 : vector<16xi32> to vector<16xi32>
    tpu.vector_store %arg12[%swap3A_1805], %swap3A_1808 {strides = array<i32>} : memref<2048xi32, #tpu.memory_space<vmem>>, vector<16xi32>,
    %scan3A_1809 = arith.constant 19 : i32
    %mul3A_1810 = arith.constant 16 : i32
    %mul3A_1811 = arith.muli %scan3A_1809, %mul3A_1810 : i32
    %multiple_of3A_1812 = tpu.assume_multiple %mul3A_1811, 16 : i32
    %get3A_1813 = arith.constant 0 : i32
    %get3A_1814 = arith.index_cast %get3A_1813 : i32 to index
    %get3A_1815 = arith.index_cast %multiple_of3A_1812 : i32 to index
    %get3A_1816 = tpu.vector_load %arg7[%get3A_1814, %get3A_1815] {strides = array<i32>} : memref<2x512xf32, #tpu.memory_space<vmem>>, vector<1x16xf32>,
    %get3A_1817 = vector.shape_cast %get3A_1816 : vector<1x16xf32> to vector<16xf32>
    %get3A_1818 = arith.constant 1 : i32
    %get3A_1819 = arith.index_cast %get3A_1818 : i32 to index
    %get3A_1820 = arith.index_cast %multiple_of3A_1812 : i32 to index
    %get3A_1821 = tpu.vector_load %arg7[%get3A_1819, %get3A_1820] {strides = array<i32>} : memref<2x512xf32, #tpu.memory_space<vmem>>, vector<1x16xf32>,
    %get3A_1822 = vector.shape_cast %get3A_1821 : vector<1x16xf32> to vector<16xf32>
    %max3A_1823 = arith.constant 0.000000e+00 : f32
    %max3A_1824 = vector.broadcast %max3A_1823 : f32 to vector<16xf32>
    %max3A_1825 = arith.maximumf %get3A_1817, %max3A_1824 : vector<16xf32>
    %min3A_1826 = arith.constant 1.000000e+00 : f32
    %min3A_1827 = vector.broadcast %min3A_1826 : f32 to vector<16xf32>
    %min3A_1828 = arith.minimumf %max3A_1825, %min3A_1827 : vector<16xf32>
    %mul3A_1829 = arith.constant 1.023000e+03 : f32
    %mul3A_1830 = vector.broadcast %mul3A_1829 : f32 to vector<16xf32>
    %mul3A_1831 = arith.mulf %min3A_1828, %mul3A_1830 : vector<16xf32>
    %max3A_1832 = arith.constant 0.000000e+00 : f32
    %max3A_1833 = vector.broadcast %max3A_1832 : f32 to vector<16xf32>
    %max3A_1834 = arith.maximumf %get3A_1822, %max3A_1833 : vector<16xf32>
    %min3A_1835 = arith.constant 1.000000e+00 : f32
    %min3A_1836 = vector.broadcast %min3A_1835 : f32 to vector<16xf32>
    %min3A_1837 = arith.minimumf %max3A_1834, %min3A_1836 : vector<16xf32>
    %mul3A_1838 = arith.constant 1.023000e+03 : f32
    %mul3A_1839 = vector.broadcast %mul3A_1838 : f32 to vector<16xf32>
    %mul3A_1840 = arith.mulf %min3A_1837, %mul3A_1839 : vector<16xf32>
    %convert_element_type3A_1841 = arith.fptosi %mul3A_1831 : vector<16xf32> to vector<16xi32>
    %convert_element_type3A_1842 = arith.fptosi %mul3A_1840 : vector<16xf32> to vector<16xi32>
    %convert_element_type3A_1843 = arith.sitofp %convert_element_type3A_1841 : vector<16xi32> to vector<16xf32>
    %sub3A_1844 = arith.subf %mul3A_1831, %convert_element_type3A_1843 : vector<16xf32>
    %swap3A_1845 = arith.index_cast %multiple_of3A_1812 : i32 to index
    %swap3A_1846 = tpu.vector_load %arg8[%swap3A_1845] {strides = array<i32>} : memref<512xf32, #tpu.memory_space<vmem>>, vector<16xf32>,
    %swap3A_1847 = vector.shape_cast %swap3A_1846 : vector<16xf32> to vector<16xf32>
    %swap3A_1848 = vector.shape_cast %sub3A_1844 : vector<16xf32> to vector<16xf32>
    tpu.vector_store %arg8[%swap3A_1845], %swap3A_1848 {strides = array<i32>} : memref<512xf32, #tpu.memory_space<vmem>>, vector<16xf32>,
    %convert_element_type3A_1849 = arith.sitofp %convert_element_type3A_1842 : vector<16xi32> to vector<16xf32>
    %sub3A_1850 = arith.subf %mul3A_1840, %convert_element_type3A_1849 : vector<16xf32>
    %swap3A_1851 = arith.index_cast %multiple_of3A_1812 : i32 to index
    %swap3A_1852 = tpu.vector_load %arg9[%swap3A_1851] {strides = array<i32>} : memref<512xf32, #tpu.memory_space<vmem>>, vector<16xf32>,
    %swap3A_1853 = vector.shape_cast %swap3A_1852 : vector<16xf32> to vector<16xf32>
    %swap3A_1854 = vector.shape_cast %sub3A_1850 : vector<16xf32> to vector<16xf32>
    tpu.vector_store %arg9[%swap3A_1851], %swap3A_1854 {strides = array<i32>} : memref<512xf32, #tpu.memory_space<vmem>>, vector<16xf32>,
    %add3A_1855 = arith.constant 1 : i32
    %add3A_1856 = vector.broadcast %add3A_1855 : i32 to vector<16xi32>
    %add3A_1857 = arith.addi %convert_element_type3A_1841, %add3A_1856 : vector<16xi32>
    %min3A_1858 = arith.constant 1023 : i32
    %min3A_1859 = vector.broadcast %min3A_1858 : i32 to vector<16xi32>
    %min3A_1860 = arith.minsi %add3A_1857, %min3A_1859 : vector<16xi32>
    %sub3A_1861 = arith.subi %min3A_1860, %convert_element_type3A_1841 : vector<16xi32>
    %mul3A_1862 = arith.constant 1024 : i32
    %mul3A_1863 = vector.broadcast %mul3A_1862 : i32 to vector<16xi32>
    %mul3A_1864 = arith.muli %convert_element_type3A_1842, %mul3A_1863 : vector<16xi32>
    %add3A_1865 = arith.addi %mul3A_1864, %convert_element_type3A_1841 : vector<16xi32>
    %add3A_1866 = arith.constant 1 : i32
    %add3A_1867 = vector.broadcast %add3A_1866 : i32 to vector<16xi32>
    %add3A_1868 = arith.addi %convert_element_type3A_1842, %add3A_1867 : vector<16xi32>
    %min3A_1869 = arith.constant 1023 : i32
    %min3A_1870 = vector.broadcast %min3A_1869 : i32 to vector<16xi32>
    %min3A_1871 = arith.minsi %add3A_1868, %min3A_1870 : vector<16xi32>
    %mul3A_1872 = arith.constant 1024 : i32
    %mul3A_1873 = vector.broadcast %mul3A_1872 : i32 to vector<16xi32>
    %mul3A_1874 = arith.muli %min3A_1871, %mul3A_1873 : vector<16xi32>
    %add3A_1875 = arith.addi %mul3A_1874, %convert_element_type3A_1841 : vector<16xi32>
    %mul3A_1876 = arith.constant 4 : i32
    %mul3A_1877 = arith.muli %mul3A_1876, %multiple_of3A_1812 : i32
    %swap3A_1878 = arith.index_cast %mul3A_1877 : i32 to index
    %swap3A_1879 = tpu.vector_load %arg12[%swap3A_1878] {strides = array<i32>} : memref<2048xi32, #tpu.memory_space<vmem>>, vector<16xi32>,
    %swap3A_1880 = vector.shape_cast %swap3A_1879 : vector<16xi32> to vector<16xi32>
    %swap3A_1881 = vector.shape_cast %add3A_1865 : vector<16xi32> to vector<16xi32>
    tpu.vector_store %arg12[%swap3A_1878], %swap3A_1881 {strides = array<i32>} : memref<2048xi32, #tpu.memory_space<vmem>>, vector<16xi32>,
    %add3A_1882 = arith.addi %add3A_1865, %sub3A_1861 : vector<16xi32>
    %add3A_1883 = arith.constant 16 : i32
    %add3A_1884 = arith.addi %mul3A_1877, %add3A_1883 : i32
    %swap3A_1885 = arith.index_cast %add3A_1884 : i32 to index
    %swap3A_1886 = tpu.vector_load %arg12[%swap3A_1885] {strides = array<i32>} : memref<2048xi32, #tpu.memory_space<vmem>>, vector<16xi32>,
    %swap3A_1887 = vector.shape_cast %swap3A_1886 : vector<16xi32> to vector<16xi32>
    %swap3A_1888 = vector.shape_cast %add3A_1882 : vector<16xi32> to vector<16xi32>
    tpu.vector_store %arg12[%swap3A_1885], %swap3A_1888 {strides = array<i32>} : memref<2048xi32, #tpu.memory_space<vmem>>, vector<16xi32>,
    %add3A_1889 = arith.constant 32 : i32
    %add3A_1890 = arith.addi %mul3A_1877, %add3A_1889 : i32
    %swap3A_1891 = arith.index_cast %add3A_1890 : i32 to index
    %swap3A_1892 = tpu.vector_load %arg12[%swap3A_1891] {strides = array<i32>} : memref<2048xi32, #tpu.memory_space<vmem>>, vector<16xi32>,
    %swap3A_1893 = vector.shape_cast %swap3A_1892 : vector<16xi32> to vector<16xi32>
    %swap3A_1894 = vector.shape_cast %add3A_1875 : vector<16xi32> to vector<16xi32>
    tpu.vector_store %arg12[%swap3A_1891], %swap3A_1894 {strides = array<i32>} : memref<2048xi32, #tpu.memory_space<vmem>>, vector<16xi32>,
    %add3A_1895 = arith.addi %add3A_1875, %sub3A_1861 : vector<16xi32>
    %add3A_1896 = arith.constant 48 : i32
    %add3A_1897 = arith.addi %mul3A_1877, %add3A_1896 : i32
    %swap3A_1898 = arith.index_cast %add3A_1897 : i32 to index
    %swap3A_1899 = tpu.vector_load %arg12[%swap3A_1898] {strides = array<i32>} : memref<2048xi32, #tpu.memory_space<vmem>>, vector<16xi32>,
    %swap3A_1900 = vector.shape_cast %swap3A_1899 : vector<16xi32> to vector<16xi32>
    %swap3A_1901 = vector.shape_cast %add3A_1895 : vector<16xi32> to vector<16xi32>
    tpu.vector_store %arg12[%swap3A_1898], %swap3A_1901 {strides = array<i32>} : memref<2048xi32, #tpu.memory_space<vmem>>, vector<16xi32>,
    %scan3A_1902 = arith.constant 4 : i32
    %dma_start3A_1903 = arith.constant 1024 : i32
    %dma_start3A_1904 = tpu.memref_slice %arg13[%dma_start3A_1903] : memref<2048xf32, #tpu.memory_space<vmem>> -> memref<256xf32, #tpu.memory_space<vmem>>
    %dma_start3A_1905 = arith.constant 1024 : i32
    %dma_start3A_1906 = tpu.memref_slice %arg12[%dma_start3A_1905] : memref<2048xi32, #tpu.memory_space<vmem>> -> memref<256xi32, #tpu.memory_space<vmem>>
    %dma_start3A_1907 = arith.constant 0 : i32
    %dma_start3A_1908 = tpu.memref_slice %arg3[%dma_start3A_1907] : memref<1048576xf32, #tpu.memory_space<hbm>> -> memref<1048576xf32, #tpu.memory_space<hbm>>
    tpu.enqueue_indirect_dma source(%dma_start3A_1908 : memref<1048576xf32, #tpu.memory_space<hbm>>) target(%dma_start3A_1904 : memref<256xf32, #tpu.memory_space<vmem>>) offsets(%dma_start3A_1906 : memref<256xi32, #tpu.memory_space<vmem>>) semaphore(%arg15 : memref<!tpu.dma_semaphore, #tpu.memory_space<semaphore_mem>>)
    %scan3A_1909 = arith.constant 0 : i32
    %scan3A_1910 = arith.constant 20 : i32
    %mul3A_1911 = arith.constant 16 : i32
    %mul3A_1912 = arith.muli %scan3A_1910, %mul3A_1911 : i32
    %multiple_of3A_1913 = tpu.assume_multiple %mul3A_1912, 16 : i32
    %get3A_1914 = arith.constant 0 : i32
    %get3A_1915 = arith.index_cast %get3A_1914 : i32 to index
    %get3A_1916 = arith.index_cast %multiple_of3A_1913 : i32 to index
    %get3A_1917 = tpu.vector_load %arg7[%get3A_1915, %get3A_1916] {strides = array<i32>} : memref<2x512xf32, #tpu.memory_space<vmem>>, vector<1x16xf32>,
    %get3A_1918 = vector.shape_cast %get3A_1917 : vector<1x16xf32> to vector<16xf32>
    %get3A_1919 = arith.constant 1 : i32
    %get3A_1920 = arith.index_cast %get3A_1919 : i32 to index
    %get3A_1921 = arith.index_cast %multiple_of3A_1913 : i32 to index
    %get3A_1922 = tpu.vector_load %arg7[%get3A_1920, %get3A_1921] {strides = array<i32>} : memref<2x512xf32, #tpu.memory_space<vmem>>, vector<1x16xf32>,
    %get3A_1923 = vector.shape_cast %get3A_1922 : vector<1x16xf32> to vector<16xf32>
    %max3A_1924 = arith.constant 0.000000e+00 : f32
    %max3A_1925 = vector.broadcast %max3A_1924 : f32 to vector<16xf32>
    %max3A_1926 = arith.maximumf %get3A_1918, %max3A_1925 : vector<16xf32>
    %min3A_1927 = arith.constant 1.000000e+00 : f32
    %min3A_1928 = vector.broadcast %min3A_1927 : f32 to vector<16xf32>
    %min3A_1929 = arith.minimumf %max3A_1926, %min3A_1928 : vector<16xf32>
    %mul3A_1930 = arith.constant 1.023000e+03 : f32
    %mul3A_1931 = vector.broadcast %mul3A_1930 : f32 to vector<16xf32>
    %mul3A_1932 = arith.mulf %min3A_1929, %mul3A_1931 : vector<16xf32>
    %max3A_1933 = arith.constant 0.000000e+00 : f32
    %max3A_1934 = vector.broadcast %max3A_1933 : f32 to vector<16xf32>
    %max3A_1935 = arith.maximumf %get3A_1923, %max3A_1934 : vector<16xf32>
    %min3A_1936 = arith.constant 1.000000e+00 : f32
    %min3A_1937 = vector.broadcast %min3A_1936 : f32 to vector<16xf32>
    %min3A_1938 = arith.minimumf %max3A_1935, %min3A_1937 : vector<16xf32>
    %mul3A_1939 = arith.constant 1.023000e+03 : f32
    %mul3A_1940 = vector.broadcast %mul3A_1939 : f32 to vector<16xf32>
    %mul3A_1941 = arith.mulf %min3A_1938, %mul3A_1940 : vector<16xf32>
    %convert_element_type3A_1942 = arith.fptosi %mul3A_1932 : vector<16xf32> to vector<16xi32>
    %convert_element_type3A_1943 = arith.fptosi %mul3A_1941 : vector<16xf32> to vector<16xi32>
    %convert_element_type3A_1944 = arith.sitofp %convert_element_type3A_1942 : vector<16xi32> to vector<16xf32>
    %sub3A_1945 = arith.subf %mul3A_1932, %convert_element_type3A_1944 : vector<16xf32>
    %swap3A_1946 = arith.index_cast %multiple_of3A_1913 : i32 to index
    %swap3A_1947 = tpu.vector_load %arg8[%swap3A_1946] {strides = array<i32>} : memref<512xf32, #tpu.memory_space<vmem>>, vector<16xf32>,
    %swap3A_1948 = vector.shape_cast %swap3A_1947 : vector<16xf32> to vector<16xf32>
    %swap3A_1949 = vector.shape_cast %sub3A_1945 : vector<16xf32> to vector<16xf32>
    tpu.vector_store %arg8[%swap3A_1946], %swap3A_1949 {strides = array<i32>} : memref<512xf32, #tpu.memory_space<vmem>>, vector<16xf32>,
    %convert_element_type3A_1950 = arith.sitofp %convert_element_type3A_1943 : vector<16xi32> to vector<16xf32>
    %sub3A_1951 = arith.subf %mul3A_1941, %convert_element_type3A_1950 : vector<16xf32>
    %swap3A_1952 = arith.index_cast %multiple_of3A_1913 : i32 to index
    %swap3A_1953 = tpu.vector_load %arg9[%swap3A_1952] {strides = array<i32>} : memref<512xf32, #tpu.memory_space<vmem>>, vector<16xf32>,
    %swap3A_1954 = vector.shape_cast %swap3A_1953 : vector<16xf32> to vector<16xf32>
    %swap3A_1955 = vector.shape_cast %sub3A_1951 : vector<16xf32> to vector<16xf32>
    tpu.vector_store %arg9[%swap3A_1952], %swap3A_1955 {strides = array<i32>} : memref<512xf32, #tpu.memory_space<vmem>>, vector<16xf32>,
    %add3A_1956 = arith.constant 1 : i32
    %add3A_1957 = vector.broadcast %add3A_1956 : i32 to vector<16xi32>
    %add3A_1958 = arith.addi %convert_element_type3A_1942, %add3A_1957 : vector<16xi32>
    %min3A_1959 = arith.constant 1023 : i32
    %min3A_1960 = vector.broadcast %min3A_1959 : i32 to vector<16xi32>
    %min3A_1961 = arith.minsi %add3A_1958, %min3A_1960 : vector<16xi32>
    %sub3A_1962 = arith.subi %min3A_1961, %convert_element_type3A_1942 : vector<16xi32>
    %mul3A_1963 = arith.constant 1024 : i32
    %mul3A_1964 = vector.broadcast %mul3A_1963 : i32 to vector<16xi32>
    %mul3A_1965 = arith.muli %convert_element_type3A_1943, %mul3A_1964 : vector<16xi32>
    %add3A_1966 = arith.addi %mul3A_1965, %convert_element_type3A_1942 : vector<16xi32>
    %add3A_1967 = arith.constant 1 : i32
    %add3A_1968 = vector.broadcast %add3A_1967 : i32 to vector<16xi32>
    %add3A_1969 = arith.addi %convert_element_type3A_1943, %add3A_1968 : vector<16xi32>
    %min3A_1970 = arith.constant 1023 : i32
    %min3A_1971 = vector.broadcast %min3A_1970 : i32 to vector<16xi32>
    %min3A_1972 = arith.minsi %add3A_1969, %min3A_1971 : vector<16xi32>
    %mul3A_1973 = arith.constant 1024 : i32
    %mul3A_1974 = vector.broadcast %mul3A_1973 : i32 to vector<16xi32>
    %mul3A_1975 = arith.muli %min3A_1972, %mul3A_1974 : vector<16xi32>
    %add3A_1976 = arith.addi %mul3A_1975, %convert_element_type3A_1942 : vector<16xi32>
    %mul3A_1977 = arith.constant 4 : i32
    %mul3A_1978 = arith.muli %mul3A_1977, %multiple_of3A_1913 : i32
    %swap3A_1979 = arith.index_cast %mul3A_1978 : i32 to index
    %swap3A_1980 = tpu.vector_load %arg12[%swap3A_1979] {strides = array<i32>} : memref<2048xi32, #tpu.memory_space<vmem>>, vector<16xi32>,
    %swap3A_1981 = vector.shape_cast %swap3A_1980 : vector<16xi32> to vector<16xi32>
    %swap3A_1982 = vector.shape_cast %add3A_1966 : vector<16xi32> to vector<16xi32>
    tpu.vector_store %arg12[%swap3A_1979], %swap3A_1982 {strides = array<i32>} : memref<2048xi32, #tpu.memory_space<vmem>>, vector<16xi32>,
    %add3A_1983 = arith.addi %add3A_1966, %sub3A_1962 : vector<16xi32>
    %add3A_1984 = arith.constant 16 : i32
    %add3A_1985 = arith.addi %mul3A_1978, %add3A_1984 : i32
    %swap3A_1986 = arith.index_cast %add3A_1985 : i32 to index
    %swap3A_1987 = tpu.vector_load %arg12[%swap3A_1986] {strides = array<i32>} : memref<2048xi32, #tpu.memory_space<vmem>>, vector<16xi32>,
    %swap3A_1988 = vector.shape_cast %swap3A_1987 : vector<16xi32> to vector<16xi32>
    %swap3A_1989 = vector.shape_cast %add3A_1983 : vector<16xi32> to vector<16xi32>
    tpu.vector_store %arg12[%swap3A_1986], %swap3A_1989 {strides = array<i32>} : memref<2048xi32, #tpu.memory_space<vmem>>, vector<16xi32>,
    %add3A_1990 = arith.constant 32 : i32
    %add3A_1991 = arith.addi %mul3A_1978, %add3A_1990 : i32
    %swap3A_1992 = arith.index_cast %add3A_1991 : i32 to index
    %swap3A_1993 = tpu.vector_load %arg12[%swap3A_1992] {strides = array<i32>} : memref<2048xi32, #tpu.memory_space<vmem>>, vector<16xi32>,
    %swap3A_1994 = vector.shape_cast %swap3A_1993 : vector<16xi32> to vector<16xi32>
    %swap3A_1995 = vector.shape_cast %add3A_1976 : vector<16xi32> to vector<16xi32>
    tpu.vector_store %arg12[%swap3A_1992], %swap3A_1995 {strides = array<i32>} : memref<2048xi32, #tpu.memory_space<vmem>>, vector<16xi32>,
    %add3A_1996 = arith.addi %add3A_1976, %sub3A_1962 : vector<16xi32>
    %add3A_1997 = arith.constant 48 : i32
    %add3A_1998 = arith.addi %mul3A_1978, %add3A_1997 : i32
    %swap3A_1999 = arith.index_cast %add3A_1998 : i32 to index
    %swap3A_2000 = tpu.vector_load %arg12[%swap3A_1999] {strides = array<i32>} : memref<2048xi32, #tpu.memory_space<vmem>>, vector<16xi32>,
    %swap3A_2001 = vector.shape_cast %swap3A_2000 : vector<16xi32> to vector<16xi32>
    %swap3A_2002 = vector.shape_cast %add3A_1996 : vector<16xi32> to vector<16xi32>
    tpu.vector_store %arg12[%swap3A_1999], %swap3A_2002 {strides = array<i32>} : memref<2048xi32, #tpu.memory_space<vmem>>, vector<16xi32>,
    %scan3A_2003 = arith.constant 21 : i32
    %mul3A_2004 = arith.constant 16 : i32
    %mul3A_2005 = arith.muli %scan3A_2003, %mul3A_2004 : i32
    %multiple_of3A_2006 = tpu.assume_multiple %mul3A_2005, 16 : i32
    %get3A_2007 = arith.constant 0 : i32
    %get3A_2008 = arith.index_cast %get3A_2007 : i32 to index
    %get3A_2009 = arith.index_cast %multiple_of3A_2006 : i32 to index
    %get3A_2010 = tpu.vector_load %arg7[%get3A_2008, %get3A_2009] {strides = array<i32>} : memref<2x512xf32, #tpu.memory_space<vmem>>, vector<1x16xf32>,
    %get3A_2011 = vector.shape_cast %get3A_2010 : vector<1x16xf32> to vector<16xf32>
    %get3A_2012 = arith.constant 1 : i32
    %get3A_2013 = arith.index_cast %get3A_2012 : i32 to index
    %get3A_2014 = arith.index_cast %multiple_of3A_2006 : i32 to index
    %get3A_2015 = tpu.vector_load %arg7[%get3A_2013, %get3A_2014] {strides = array<i32>} : memref<2x512xf32, #tpu.memory_space<vmem>>, vector<1x16xf32>,
    %get3A_2016 = vector.shape_cast %get3A_2015 : vector<1x16xf32> to vector<16xf32>
    %max3A_2017 = arith.constant 0.000000e+00 : f32
    %max3A_2018 = vector.broadcast %max3A_2017 : f32 to vector<16xf32>
    %max3A_2019 = arith.maximumf %get3A_2011, %max3A_2018 : vector<16xf32>
    %min3A_2020 = arith.constant 1.000000e+00 : f32
    %min3A_2021 = vector.broadcast %min3A_2020 : f32 to vector<16xf32>
    %min3A_2022 = arith.minimumf %max3A_2019, %min3A_2021 : vector<16xf32>
    %mul3A_2023 = arith.constant 1.023000e+03 : f32
    %mul3A_2024 = vector.broadcast %mul3A_2023 : f32 to vector<16xf32>
    %mul3A_2025 = arith.mulf %min3A_2022, %mul3A_2024 : vector<16xf32>
    %max3A_2026 = arith.constant 0.000000e+00 : f32
    %max3A_2027 = vector.broadcast %max3A_2026 : f32 to vector<16xf32>
    %max3A_2028 = arith.maximumf %get3A_2016, %max3A_2027 : vector<16xf32>
    %min3A_2029 = arith.constant 1.000000e+00 : f32
    %min3A_2030 = vector.broadcast %min3A_2029 : f32 to vector<16xf32>
    %min3A_2031 = arith.minimumf %max3A_2028, %min3A_2030 : vector<16xf32>
    %mul3A_2032 = arith.constant 1.023000e+03 : f32
    %mul3A_2033 = vector.broadcast %mul3A_2032 : f32 to vector<16xf32>
    %mul3A_2034 = arith.mulf %min3A_2031, %mul3A_2033 : vector<16xf32>
    %convert_element_type3A_2035 = arith.fptosi %mul3A_2025 : vector<16xf32> to vector<16xi32>
    %convert_element_type3A_2036 = arith.fptosi %mul3A_2034 : vector<16xf32> to vector<16xi32>
    %convert_element_type3A_2037 = arith.sitofp %convert_element_type3A_2035 : vector<16xi32> to vector<16xf32>
    %sub3A_2038 = arith.subf %mul3A_2025, %convert_element_type3A_2037 : vector<16xf32>
    %swap3A_2039 = arith.index_cast %multiple_of3A_2006 : i32 to index
    %swap3A_2040 = tpu.vector_load %arg8[%swap3A_2039] {strides = array<i32>} : memref<512xf32, #tpu.memory_space<vmem>>, vector<16xf32>,
    %swap3A_2041 = vector.shape_cast %swap3A_2040 : vector<16xf32> to vector<16xf32>
    %swap3A_2042 = vector.shape_cast %sub3A_2038 : vector<16xf32> to vector<16xf32>
    tpu.vector_store %arg8[%swap3A_2039], %swap3A_2042 {strides = array<i32>} : memref<512xf32, #tpu.memory_space<vmem>>, vector<16xf32>,
    %convert_element_type3A_2043 = arith.sitofp %convert_element_type3A_2036 : vector<16xi32> to vector<16xf32>
    %sub3A_2044 = arith.subf %mul3A_2034, %convert_element_type3A_2043 : vector<16xf32>
    %swap3A_2045 = arith.index_cast %multiple_of3A_2006 : i32 to index
    %swap3A_2046 = tpu.vector_load %arg9[%swap3A_2045] {strides = array<i32>} : memref<512xf32, #tpu.memory_space<vmem>>, vector<16xf32>,
    %swap3A_2047 = vector.shape_cast %swap3A_2046 : vector<16xf32> to vector<16xf32>
    %swap3A_2048 = vector.shape_cast %sub3A_2044 : vector<16xf32> to vector<16xf32>
    tpu.vector_store %arg9[%swap3A_2045], %swap3A_2048 {strides = array<i32>} : memref<512xf32, #tpu.memory_space<vmem>>, vector<16xf32>,
    %add3A_2049 = arith.constant 1 : i32
    %add3A_2050 = vector.broadcast %add3A_2049 : i32 to vector<16xi32>
    %add3A_2051 = arith.addi %convert_element_type3A_2035, %add3A_2050 : vector<16xi32>
    %min3A_2052 = arith.constant 1023 : i32
    %min3A_2053 = vector.broadcast %min3A_2052 : i32 to vector<16xi32>
    %min3A_2054 = arith.minsi %add3A_2051, %min3A_2053 : vector<16xi32>
    %sub3A_2055 = arith.subi %min3A_2054, %convert_element_type3A_2035 : vector<16xi32>
    %mul3A_2056 = arith.constant 1024 : i32
    %mul3A_2057 = vector.broadcast %mul3A_2056 : i32 to vector<16xi32>
    %mul3A_2058 = arith.muli %convert_element_type3A_2036, %mul3A_2057 : vector<16xi32>
    %add3A_2059 = arith.addi %mul3A_2058, %convert_element_type3A_2035 : vector<16xi32>
    %add3A_2060 = arith.constant 1 : i32
    %add3A_2061 = vector.broadcast %add3A_2060 : i32 to vector<16xi32>
    %add3A_2062 = arith.addi %convert_element_type3A_2036, %add3A_2061 : vector<16xi32>
    %min3A_2063 = arith.constant 1023 : i32
    %min3A_2064 = vector.broadcast %min3A_2063 : i32 to vector<16xi32>
    %min3A_2065 = arith.minsi %add3A_2062, %min3A_2064 : vector<16xi32>
    %mul3A_2066 = arith.constant 1024 : i32
    %mul3A_2067 = vector.broadcast %mul3A_2066 : i32 to vector<16xi32>
    %mul3A_2068 = arith.muli %min3A_2065, %mul3A_2067 : vector<16xi32>
    %add3A_2069 = arith.addi %mul3A_2068, %convert_element_type3A_2035 : vector<16xi32>
    %mul3A_2070 = arith.constant 4 : i32
    %mul3A_2071 = arith.muli %mul3A_2070, %multiple_of3A_2006 : i32
    %swap3A_2072 = arith.index_cast %mul3A_2071 : i32 to index
    %swap3A_2073 = tpu.vector_load %arg12[%swap3A_2072] {strides = array<i32>} : memref<2048xi32, #tpu.memory_space<vmem>>, vector<16xi32>,
    %swap3A_2074 = vector.shape_cast %swap3A_2073 : vector<16xi32> to vector<16xi32>
    %swap3A_2075 = vector.shape_cast %add3A_2059 : vector<16xi32> to vector<16xi32>
    tpu.vector_store %arg12[%swap3A_2072], %swap3A_2075 {strides = array<i32>} : memref<2048xi32, #tpu.memory_space<vmem>>, vector<16xi32>,
    %add3A_2076 = arith.addi %add3A_2059, %sub3A_2055 : vector<16xi32>
    %add3A_2077 = arith.constant 16 : i32
    %add3A_2078 = arith.addi %mul3A_2071, %add3A_2077 : i32
    %swap3A_2079 = arith.index_cast %add3A_2078 : i32 to index
    %swap3A_2080 = tpu.vector_load %arg12[%swap3A_2079] {strides = array<i32>} : memref<2048xi32, #tpu.memory_space<vmem>>, vector<16xi32>,
    %swap3A_2081 = vector.shape_cast %swap3A_2080 : vector<16xi32> to vector<16xi32>
    %swap3A_2082 = vector.shape_cast %add3A_2076 : vector<16xi32> to vector<16xi32>
    tpu.vector_store %arg12[%swap3A_2079], %swap3A_2082 {strides = array<i32>} : memref<2048xi32, #tpu.memory_space<vmem>>, vector<16xi32>,
    %add3A_2083 = arith.constant 32 : i32
    %add3A_2084 = arith.addi %mul3A_2071, %add3A_2083 : i32
    %swap3A_2085 = arith.index_cast %add3A_2084 : i32 to index
    %swap3A_2086 = tpu.vector_load %arg12[%swap3A_2085] {strides = array<i32>} : memref<2048xi32, #tpu.memory_space<vmem>>, vector<16xi32>,
    %swap3A_2087 = vector.shape_cast %swap3A_2086 : vector<16xi32> to vector<16xi32>
    %swap3A_2088 = vector.shape_cast %add3A_2069 : vector<16xi32> to vector<16xi32>
    tpu.vector_store %arg12[%swap3A_2085], %swap3A_2088 {strides = array<i32>} : memref<2048xi32, #tpu.memory_space<vmem>>, vector<16xi32>,
    %add3A_2089 = arith.addi %add3A_2069, %sub3A_2055 : vector<16xi32>
    %add3A_2090 = arith.constant 48 : i32
    %add3A_2091 = arith.addi %mul3A_2071, %add3A_2090 : i32
    %swap3A_2092 = arith.index_cast %add3A_2091 : i32 to index
    %swap3A_2093 = tpu.vector_load %arg12[%swap3A_2092] {strides = array<i32>} : memref<2048xi32, #tpu.memory_space<vmem>>, vector<16xi32>,
    %swap3A_2094 = vector.shape_cast %swap3A_2093 : vector<16xi32> to vector<16xi32>
    %swap3A_2095 = vector.shape_cast %add3A_2089 : vector<16xi32> to vector<16xi32>
    tpu.vector_store %arg12[%swap3A_2092], %swap3A_2095 {strides = array<i32>} : memref<2048xi32, #tpu.memory_space<vmem>>, vector<16xi32>,
    %scan3A_2096 = arith.constant 22 : i32
    %mul3A_2097 = arith.constant 16 : i32
    %mul3A_2098 = arith.muli %scan3A_2096, %mul3A_2097 : i32
    %multiple_of3A_2099 = tpu.assume_multiple %mul3A_2098, 16 : i32
    %get3A_2100 = arith.constant 0 : i32
    %get3A_2101 = arith.index_cast %get3A_2100 : i32 to index
    %get3A_2102 = arith.index_cast %multiple_of3A_2099 : i32 to index
    %get3A_2103 = tpu.vector_load %arg7[%get3A_2101, %get3A_2102] {strides = array<i32>} : memref<2x512xf32, #tpu.memory_space<vmem>>, vector<1x16xf32>,
    %get3A_2104 = vector.shape_cast %get3A_2103 : vector<1x16xf32> to vector<16xf32>
    %get3A_2105 = arith.constant 1 : i32
    %get3A_2106 = arith.index_cast %get3A_2105 : i32 to index
    %get3A_2107 = arith.index_cast %multiple_of3A_2099 : i32 to index
    %get3A_2108 = tpu.vector_load %arg7[%get3A_2106, %get3A_2107] {strides = array<i32>} : memref<2x512xf32, #tpu.memory_space<vmem>>, vector<1x16xf32>,
    %get3A_2109 = vector.shape_cast %get3A_2108 : vector<1x16xf32> to vector<16xf32>
    %max3A_2110 = arith.constant 0.000000e+00 : f32
    %max3A_2111 = vector.broadcast %max3A_2110 : f32 to vector<16xf32>
    %max3A_2112 = arith.maximumf %get3A_2104, %max3A_2111 : vector<16xf32>
    %min3A_2113 = arith.constant 1.000000e+00 : f32
    %min3A_2114 = vector.broadcast %min3A_2113 : f32 to vector<16xf32>
    %min3A_2115 = arith.minimumf %max3A_2112, %min3A_2114 : vector<16xf32>
    %mul3A_2116 = arith.constant 1.023000e+03 : f32
    %mul3A_2117 = vector.broadcast %mul3A_2116 : f32 to vector<16xf32>
    %mul3A_2118 = arith.mulf %min3A_2115, %mul3A_2117 : vector<16xf32>
    %max3A_2119 = arith.constant 0.000000e+00 : f32
    %max3A_2120 = vector.broadcast %max3A_2119 : f32 to vector<16xf32>
    %max3A_2121 = arith.maximumf %get3A_2109, %max3A_2120 : vector<16xf32>
    %min3A_2122 = arith.constant 1.000000e+00 : f32
    %min3A_2123 = vector.broadcast %min3A_2122 : f32 to vector<16xf32>
    %min3A_2124 = arith.minimumf %max3A_2121, %min3A_2123 : vector<16xf32>
    %mul3A_2125 = arith.constant 1.023000e+03 : f32
    %mul3A_2126 = vector.broadcast %mul3A_2125 : f32 to vector<16xf32>
    %mul3A_2127 = arith.mulf %min3A_2124, %mul3A_2126 : vector<16xf32>
    %convert_element_type3A_2128 = arith.fptosi %mul3A_2118 : vector<16xf32> to vector<16xi32>
    %convert_element_type3A_2129 = arith.fptosi %mul3A_2127 : vector<16xf32> to vector<16xi32>
    %convert_element_type3A_2130 = arith.sitofp %convert_element_type3A_2128 : vector<16xi32> to vector<16xf32>
    %sub3A_2131 = arith.subf %mul3A_2118, %convert_element_type3A_2130 : vector<16xf32>
    %swap3A_2132 = arith.index_cast %multiple_of3A_2099 : i32 to index
    %swap3A_2133 = tpu.vector_load %arg8[%swap3A_2132] {strides = array<i32>} : memref<512xf32, #tpu.memory_space<vmem>>, vector<16xf32>,
    %swap3A_2134 = vector.shape_cast %swap3A_2133 : vector<16xf32> to vector<16xf32>
    %swap3A_2135 = vector.shape_cast %sub3A_2131 : vector<16xf32> to vector<16xf32>
    tpu.vector_store %arg8[%swap3A_2132], %swap3A_2135 {strides = array<i32>} : memref<512xf32, #tpu.memory_space<vmem>>, vector<16xf32>,
    %convert_element_type3A_2136 = arith.sitofp %convert_element_type3A_2129 : vector<16xi32> to vector<16xf32>
    %sub3A_2137 = arith.subf %mul3A_2127, %convert_element_type3A_2136 : vector<16xf32>
    %swap3A_2138 = arith.index_cast %multiple_of3A_2099 : i32 to index
    %swap3A_2139 = tpu.vector_load %arg9[%swap3A_2138] {strides = array<i32>} : memref<512xf32, #tpu.memory_space<vmem>>, vector<16xf32>,
    %swap3A_2140 = vector.shape_cast %swap3A_2139 : vector<16xf32> to vector<16xf32>
    %swap3A_2141 = vector.shape_cast %sub3A_2137 : vector<16xf32> to vector<16xf32>
    tpu.vector_store %arg9[%swap3A_2138], %swap3A_2141 {strides = array<i32>} : memref<512xf32, #tpu.memory_space<vmem>>, vector<16xf32>,
    %add3A_2142 = arith.constant 1 : i32
    %add3A_2143 = vector.broadcast %add3A_2142 : i32 to vector<16xi32>
    %add3A_2144 = arith.addi %convert_element_type3A_2128, %add3A_2143 : vector<16xi32>
    %min3A_2145 = arith.constant 1023 : i32
    %min3A_2146 = vector.broadcast %min3A_2145 : i32 to vector<16xi32>
    %min3A_2147 = arith.minsi %add3A_2144, %min3A_2146 : vector<16xi32>
    %sub3A_2148 = arith.subi %min3A_2147, %convert_element_type3A_2128 : vector<16xi32>
    %mul3A_2149 = arith.constant 1024 : i32
    %mul3A_2150 = vector.broadcast %mul3A_2149 : i32 to vector<16xi32>
    %mul3A_2151 = arith.muli %convert_element_type3A_2129, %mul3A_2150 : vector<16xi32>
    %add3A_2152 = arith.addi %mul3A_2151, %convert_element_type3A_2128 : vector<16xi32>
    %add3A_2153 = arith.constant 1 : i32
    %add3A_2154 = vector.broadcast %add3A_2153 : i32 to vector<16xi32>
    %add3A_2155 = arith.addi %convert_element_type3A_2129, %add3A_2154 : vector<16xi32>
    %min3A_2156 = arith.constant 1023 : i32
    %min3A_2157 = vector.broadcast %min3A_2156 : i32 to vector<16xi32>
    %min3A_2158 = arith.minsi %add3A_2155, %min3A_2157 : vector<16xi32>
    %mul3A_2159 = arith.constant 1024 : i32
    %mul3A_2160 = vector.broadcast %mul3A_2159 : i32 to vector<16xi32>
    %mul3A_2161 = arith.muli %min3A_2158, %mul3A_2160 : vector<16xi32>
    %add3A_2162 = arith.addi %mul3A_2161, %convert_element_type3A_2128 : vector<16xi32>
    %mul3A_2163 = arith.constant 4 : i32
    %mul3A_2164 = arith.muli %mul3A_2163, %multiple_of3A_2099 : i32
    %swap3A_2165 = arith.index_cast %mul3A_2164 : i32 to index
    %swap3A_2166 = tpu.vector_load %arg12[%swap3A_2165] {strides = array<i32>} : memref<2048xi32, #tpu.memory_space<vmem>>, vector<16xi32>,
    %swap3A_2167 = vector.shape_cast %swap3A_2166 : vector<16xi32> to vector<16xi32>
    %swap3A_2168 = vector.shape_cast %add3A_2152 : vector<16xi32> to vector<16xi32>
    tpu.vector_store %arg12[%swap3A_2165], %swap3A_2168 {strides = array<i32>} : memref<2048xi32, #tpu.memory_space<vmem>>, vector<16xi32>,
    %add3A_2169 = arith.addi %add3A_2152, %sub3A_2148 : vector<16xi32>
    %add3A_2170 = arith.constant 16 : i32
    %add3A_2171 = arith.addi %mul3A_2164, %add3A_2170 : i32
    %swap3A_2172 = arith.index_cast %add3A_2171 : i32 to index
    %swap3A_2173 = tpu.vector_load %arg12[%swap3A_2172] {strides = array<i32>} : memref<2048xi32, #tpu.memory_space<vmem>>, vector<16xi32>,
    %swap3A_2174 = vector.shape_cast %swap3A_2173 : vector<16xi32> to vector<16xi32>
    %swap3A_2175 = vector.shape_cast %add3A_2169 : vector<16xi32> to vector<16xi32>
    tpu.vector_store %arg12[%swap3A_2172], %swap3A_2175 {strides = array<i32>} : memref<2048xi32, #tpu.memory_space<vmem>>, vector<16xi32>,
    %add3A_2176 = arith.constant 32 : i32
    %add3A_2177 = arith.addi %mul3A_2164, %add3A_2176 : i32
    %swap3A_2178 = arith.index_cast %add3A_2177 : i32 to index
    %swap3A_2179 = tpu.vector_load %arg12[%swap3A_2178] {strides = array<i32>} : memref<2048xi32, #tpu.memory_space<vmem>>, vector<16xi32>,
    %swap3A_2180 = vector.shape_cast %swap3A_2179 : vector<16xi32> to vector<16xi32>
    %swap3A_2181 = vector.shape_cast %add3A_2162 : vector<16xi32> to vector<16xi32>
    tpu.vector_store %arg12[%swap3A_2178], %swap3A_2181 {strides = array<i32>} : memref<2048xi32, #tpu.memory_space<vmem>>, vector<16xi32>,
    %add3A_2182 = arith.addi %add3A_2162, %sub3A_2148 : vector<16xi32>
    %add3A_2183 = arith.constant 48 : i32
    %add3A_2184 = arith.addi %mul3A_2164, %add3A_2183 : i32
    %swap3A_2185 = arith.index_cast %add3A_2184 : i32 to index
    %swap3A_2186 = tpu.vector_load %arg12[%swap3A_2185] {strides = array<i32>} : memref<2048xi32, #tpu.memory_space<vmem>>, vector<16xi32>,
    %swap3A_2187 = vector.shape_cast %swap3A_2186 : vector<16xi32> to vector<16xi32>
    %swap3A_2188 = vector.shape_cast %add3A_2182 : vector<16xi32> to vector<16xi32>
    tpu.vector_store %arg12[%swap3A_2185], %swap3A_2188 {strides = array<i32>} : memref<2048xi32, #tpu.memory_space<vmem>>, vector<16xi32>,
    %scan3A_2189 = arith.constant 23 : i32
    %mul3A_2190 = arith.constant 16 : i32
    %mul3A_2191 = arith.muli %scan3A_2189, %mul3A_2190 : i32
    %multiple_of3A_2192 = tpu.assume_multiple %mul3A_2191, 16 : i32
    %get3A_2193 = arith.constant 0 : i32
    %get3A_2194 = arith.index_cast %get3A_2193 : i32 to index
    %get3A_2195 = arith.index_cast %multiple_of3A_2192 : i32 to index
    %get3A_2196 = tpu.vector_load %arg7[%get3A_2194, %get3A_2195] {strides = array<i32>} : memref<2x512xf32, #tpu.memory_space<vmem>>, vector<1x16xf32>,
    %get3A_2197 = vector.shape_cast %get3A_2196 : vector<1x16xf32> to vector<16xf32>
    %get3A_2198 = arith.constant 1 : i32
    %get3A_2199 = arith.index_cast %get3A_2198 : i32 to index
    %get3A_2200 = arith.index_cast %multiple_of3A_2192 : i32 to index
    %get3A_2201 = tpu.vector_load %arg7[%get3A_2199, %get3A_2200] {strides = array<i32>} : memref<2x512xf32, #tpu.memory_space<vmem>>, vector<1x16xf32>,
    %get3A_2202 = vector.shape_cast %get3A_2201 : vector<1x16xf32> to vector<16xf32>
    %max3A_2203 = arith.constant 0.000000e+00 : f32
    %max3A_2204 = vector.broadcast %max3A_2203 : f32 to vector<16xf32>
    %max3A_2205 = arith.maximumf %get3A_2197, %max3A_2204 : vector<16xf32>
    %min3A_2206 = arith.constant 1.000000e+00 : f32
    %min3A_2207 = vector.broadcast %min3A_2206 : f32 to vector<16xf32>
    %min3A_2208 = arith.minimumf %max3A_2205, %min3A_2207 : vector<16xf32>
    %mul3A_2209 = arith.constant 1.023000e+03 : f32
    %mul3A_2210 = vector.broadcast %mul3A_2209 : f32 to vector<16xf32>
    %mul3A_2211 = arith.mulf %min3A_2208, %mul3A_2210 : vector<16xf32>
    %max3A_2212 = arith.constant 0.000000e+00 : f32
    %max3A_2213 = vector.broadcast %max3A_2212 : f32 to vector<16xf32>
    %max3A_2214 = arith.maximumf %get3A_2202, %max3A_2213 : vector<16xf32>
    %min3A_2215 = arith.constant 1.000000e+00 : f32
    %min3A_2216 = vector.broadcast %min3A_2215 : f32 to vector<16xf32>
    %min3A_2217 = arith.minimumf %max3A_2214, %min3A_2216 : vector<16xf32>
    %mul3A_2218 = arith.constant 1.023000e+03 : f32
    %mul3A_2219 = vector.broadcast %mul3A_2218 : f32 to vector<16xf32>
    %mul3A_2220 = arith.mulf %min3A_2217, %mul3A_2219 : vector<16xf32>
    %convert_element_type3A_2221 = arith.fptosi %mul3A_2211 : vector<16xf32> to vector<16xi32>
    %convert_element_type3A_2222 = arith.fptosi %mul3A_2220 : vector<16xf32> to vector<16xi32>
    %convert_element_type3A_2223 = arith.sitofp %convert_element_type3A_2221 : vector<16xi32> to vector<16xf32>
    %sub3A_2224 = arith.subf %mul3A_2211, %convert_element_type3A_2223 : vector<16xf32>
    %swap3A_2225 = arith.index_cast %multiple_of3A_2192 : i32 to index
    %swap3A_2226 = tpu.vector_load %arg8[%swap3A_2225] {strides = array<i32>} : memref<512xf32, #tpu.memory_space<vmem>>, vector<16xf32>,
    %swap3A_2227 = vector.shape_cast %swap3A_2226 : vector<16xf32> to vector<16xf32>
    %swap3A_2228 = vector.shape_cast %sub3A_2224 : vector<16xf32> to vector<16xf32>
    tpu.vector_store %arg8[%swap3A_2225], %swap3A_2228 {strides = array<i32>} : memref<512xf32, #tpu.memory_space<vmem>>, vector<16xf32>,
    %convert_element_type3A_2229 = arith.sitofp %convert_element_type3A_2222 : vector<16xi32> to vector<16xf32>
    %sub3A_2230 = arith.subf %mul3A_2220, %convert_element_type3A_2229 : vector<16xf32>
    %swap3A_2231 = arith.index_cast %multiple_of3A_2192 : i32 to index
    %swap3A_2232 = tpu.vector_load %arg9[%swap3A_2231] {strides = array<i32>} : memref<512xf32, #tpu.memory_space<vmem>>, vector<16xf32>,
    %swap3A_2233 = vector.shape_cast %swap3A_2232 : vector<16xf32> to vector<16xf32>
    %swap3A_2234 = vector.shape_cast %sub3A_2230 : vector<16xf32> to vector<16xf32>
    tpu.vector_store %arg9[%swap3A_2231], %swap3A_2234 {strides = array<i32>} : memref<512xf32, #tpu.memory_space<vmem>>, vector<16xf32>,
    %add3A_2235 = arith.constant 1 : i32
    %add3A_2236 = vector.broadcast %add3A_2235 : i32 to vector<16xi32>
    %add3A_2237 = arith.addi %convert_element_type3A_2221, %add3A_2236 : vector<16xi32>
    %min3A_2238 = arith.constant 1023 : i32
    %min3A_2239 = vector.broadcast %min3A_2238 : i32 to vector<16xi32>
    %min3A_2240 = arith.minsi %add3A_2237, %min3A_2239 : vector<16xi32>
    %sub3A_2241 = arith.subi %min3A_2240, %convert_element_type3A_2221 : vector<16xi32>
    %mul3A_2242 = arith.constant 1024 : i32
    %mul3A_2243 = vector.broadcast %mul3A_2242 : i32 to vector<16xi32>
    %mul3A_2244 = arith.muli %convert_element_type3A_2222, %mul3A_2243 : vector<16xi32>
    %add3A_2245 = arith.addi %mul3A_2244, %convert_element_type3A_2221 : vector<16xi32>
    %add3A_2246 = arith.constant 1 : i32
    %add3A_2247 = vector.broadcast %add3A_2246 : i32 to vector<16xi32>
    %add3A_2248 = arith.addi %convert_element_type3A_2222, %add3A_2247 : vector<16xi32>
    %min3A_2249 = arith.constant 1023 : i32
    %min3A_2250 = vector.broadcast %min3A_2249 : i32 to vector<16xi32>
    %min3A_2251 = arith.minsi %add3A_2248, %min3A_2250 : vector<16xi32>
    %mul3A_2252 = arith.constant 1024 : i32
    %mul3A_2253 = vector.broadcast %mul3A_2252 : i32 to vector<16xi32>
    %mul3A_2254 = arith.muli %min3A_2251, %mul3A_2253 : vector<16xi32>
    %add3A_2255 = arith.addi %mul3A_2254, %convert_element_type3A_2221 : vector<16xi32>
    %mul3A_2256 = arith.constant 4 : i32
    %mul3A_2257 = arith.muli %mul3A_2256, %multiple_of3A_2192 : i32
    %swap3A_2258 = arith.index_cast %mul3A_2257 : i32 to index
    %swap3A_2259 = tpu.vector_load %arg12[%swap3A_2258] {strides = array<i32>} : memref<2048xi32, #tpu.memory_space<vmem>>, vector<16xi32>,
    %swap3A_2260 = vector.shape_cast %swap3A_2259 : vector<16xi32> to vector<16xi32>
    %swap3A_2261 = vector.shape_cast %add3A_2245 : vector<16xi32> to vector<16xi32>
    tpu.vector_store %arg12[%swap3A_2258], %swap3A_2261 {strides = array<i32>} : memref<2048xi32, #tpu.memory_space<vmem>>, vector<16xi32>,
    %add3A_2262 = arith.addi %add3A_2245, %sub3A_2241 : vector<16xi32>
    %add3A_2263 = arith.constant 16 : i32
    %add3A_2264 = arith.addi %mul3A_2257, %add3A_2263 : i32
    %swap3A_2265 = arith.index_cast %add3A_2264 : i32 to index
    %swap3A_2266 = tpu.vector_load %arg12[%swap3A_2265] {strides = array<i32>} : memref<2048xi32, #tpu.memory_space<vmem>>, vector<16xi32>,
    %swap3A_2267 = vector.shape_cast %swap3A_2266 : vector<16xi32> to vector<16xi32>
    %swap3A_2268 = vector.shape_cast %add3A_2262 : vector<16xi32> to vector<16xi32>
    tpu.vector_store %arg12[%swap3A_2265], %swap3A_2268 {strides = array<i32>} : memref<2048xi32, #tpu.memory_space<vmem>>, vector<16xi32>,
    %add3A_2269 = arith.constant 32 : i32
    %add3A_2270 = arith.addi %mul3A_2257, %add3A_2269 : i32
    %swap3A_2271 = arith.index_cast %add3A_2270 : i32 to index
    %swap3A_2272 = tpu.vector_load %arg12[%swap3A_2271] {strides = array<i32>} : memref<2048xi32, #tpu.memory_space<vmem>>, vector<16xi32>,
    %swap3A_2273 = vector.shape_cast %swap3A_2272 : vector<16xi32> to vector<16xi32>
    %swap3A_2274 = vector.shape_cast %add3A_2255 : vector<16xi32> to vector<16xi32>
    tpu.vector_store %arg12[%swap3A_2271], %swap3A_2274 {strides = array<i32>} : memref<2048xi32, #tpu.memory_space<vmem>>, vector<16xi32>,
    %add3A_2275 = arith.addi %add3A_2255, %sub3A_2241 : vector<16xi32>
    %add3A_2276 = arith.constant 48 : i32
    %add3A_2277 = arith.addi %mul3A_2257, %add3A_2276 : i32
    %swap3A_2278 = arith.index_cast %add3A_2277 : i32 to index
    %swap3A_2279 = tpu.vector_load %arg12[%swap3A_2278] {strides = array<i32>} : memref<2048xi32, #tpu.memory_space<vmem>>, vector<16xi32>,
    %swap3A_2280 = vector.shape_cast %swap3A_2279 : vector<16xi32> to vector<16xi32>
    %swap3A_2281 = vector.shape_cast %add3A_2275 : vector<16xi32> to vector<16xi32>
    tpu.vector_store %arg12[%swap3A_2278], %swap3A_2281 {strides = array<i32>} : memref<2048xi32, #tpu.memory_space<vmem>>, vector<16xi32>,
    %scan3A_2282 = arith.constant 4 : i32
    %dma_start3A_2283 = arith.constant 1280 : i32
    %dma_start3A_2284 = tpu.memref_slice %arg13[%dma_start3A_2283] : memref<2048xf32, #tpu.memory_space<vmem>> -> memref<256xf32, #tpu.memory_space<vmem>>
    %dma_start3A_2285 = arith.constant 1280 : i32
    %dma_start3A_2286 = tpu.memref_slice %arg12[%dma_start3A_2285] : memref<2048xi32, #tpu.memory_space<vmem>> -> memref<256xi32, #tpu.memory_space<vmem>>
    %dma_start3A_2287 = arith.constant 0 : i32
    %dma_start3A_2288 = tpu.memref_slice %arg3[%dma_start3A_2287] : memref<1048576xf32, #tpu.memory_space<hbm>> -> memref<1048576xf32, #tpu.memory_space<hbm>>
    tpu.enqueue_indirect_dma source(%dma_start3A_2288 : memref<1048576xf32, #tpu.memory_space<hbm>>) target(%dma_start3A_2284 : memref<256xf32, #tpu.memory_space<vmem>>) offsets(%dma_start3A_2286 : memref<256xi32, #tpu.memory_space<vmem>>) semaphore(%arg16 : memref<!tpu.dma_semaphore, #tpu.memory_space<semaphore_mem>>)
    %scan3A_2289 = arith.constant 0 : i32
    %scan3A_2290 = arith.constant 24 : i32
    %mul3A_2291 = arith.constant 16 : i32
    %mul3A_2292 = arith.muli %scan3A_2290, %mul3A_2291 : i32
    %multiple_of3A_2293 = tpu.assume_multiple %mul3A_2292, 16 : i32
    %get3A_2294 = arith.constant 0 : i32
    %get3A_2295 = arith.index_cast %get3A_2294 : i32 to index
    %get3A_2296 = arith.index_cast %multiple_of3A_2293 : i32 to index
    %get3A_2297 = tpu.vector_load %arg7[%get3A_2295, %get3A_2296] {strides = array<i32>} : memref<2x512xf32, #tpu.memory_space<vmem>>, vector<1x16xf32>,
    %get3A_2298 = vector.shape_cast %get3A_2297 : vector<1x16xf32> to vector<16xf32>
    %get3A_2299 = arith.constant 1 : i32
    %get3A_2300 = arith.index_cast %get3A_2299 : i32 to index
    %get3A_2301 = arith.index_cast %multiple_of3A_2293 : i32 to index
    %get3A_2302 = tpu.vector_load %arg7[%get3A_2300, %get3A_2301] {strides = array<i32>} : memref<2x512xf32, #tpu.memory_space<vmem>>, vector<1x16xf32>,
    %get3A_2303 = vector.shape_cast %get3A_2302 : vector<1x16xf32> to vector<16xf32>
    %max3A_2304 = arith.constant 0.000000e+00 : f32
    %max3A_2305 = vector.broadcast %max3A_2304 : f32 to vector<16xf32>
    %max3A_2306 = arith.maximumf %get3A_2298, %max3A_2305 : vector<16xf32>
    %min3A_2307 = arith.constant 1.000000e+00 : f32
    %min3A_2308 = vector.broadcast %min3A_2307 : f32 to vector<16xf32>
    %min3A_2309 = arith.minimumf %max3A_2306, %min3A_2308 : vector<16xf32>
    %mul3A_2310 = arith.constant 1.023000e+03 : f32
    %mul3A_2311 = vector.broadcast %mul3A_2310 : f32 to vector<16xf32>
    %mul3A_2312 = arith.mulf %min3A_2309, %mul3A_2311 : vector<16xf32>
    %max3A_2313 = arith.constant 0.000000e+00 : f32
    %max3A_2314 = vector.broadcast %max3A_2313 : f32 to vector<16xf32>
    %max3A_2315 = arith.maximumf %get3A_2303, %max3A_2314 : vector<16xf32>
    %min3A_2316 = arith.constant 1.000000e+00 : f32
    %min3A_2317 = vector.broadcast %min3A_2316 : f32 to vector<16xf32>
    %min3A_2318 = arith.minimumf %max3A_2315, %min3A_2317 : vector<16xf32>
    %mul3A_2319 = arith.constant 1.023000e+03 : f32
    %mul3A_2320 = vector.broadcast %mul3A_2319 : f32 to vector<16xf32>
    %mul3A_2321 = arith.mulf %min3A_2318, %mul3A_2320 : vector<16xf32>
    %convert_element_type3A_2322 = arith.fptosi %mul3A_2312 : vector<16xf32> to vector<16xi32>
    %convert_element_type3A_2323 = arith.fptosi %mul3A_2321 : vector<16xf32> to vector<16xi32>
    %convert_element_type3A_2324 = arith.sitofp %convert_element_type3A_2322 : vector<16xi32> to vector<16xf32>
    %sub3A_2325 = arith.subf %mul3A_2312, %convert_element_type3A_2324 : vector<16xf32>
    %swap3A_2326 = arith.index_cast %multiple_of3A_2293 : i32 to index
    %swap3A_2327 = tpu.vector_load %arg8[%swap3A_2326] {strides = array<i32>} : memref<512xf32, #tpu.memory_space<vmem>>, vector<16xf32>,
    %swap3A_2328 = vector.shape_cast %swap3A_2327 : vector<16xf32> to vector<16xf32>
    %swap3A_2329 = vector.shape_cast %sub3A_2325 : vector<16xf32> to vector<16xf32>
    tpu.vector_store %arg8[%swap3A_2326], %swap3A_2329 {strides = array<i32>} : memref<512xf32, #tpu.memory_space<vmem>>, vector<16xf32>,
    %convert_element_type3A_2330 = arith.sitofp %convert_element_type3A_2323 : vector<16xi32> to vector<16xf32>
    %sub3A_2331 = arith.subf %mul3A_2321, %convert_element_type3A_2330 : vector<16xf32>
    %swap3A_2332 = arith.index_cast %multiple_of3A_2293 : i32 to index
    %swap3A_2333 = tpu.vector_load %arg9[%swap3A_2332] {strides = array<i32>} : memref<512xf32, #tpu.memory_space<vmem>>, vector<16xf32>,
    %swap3A_2334 = vector.shape_cast %swap3A_2333 : vector<16xf32> to vector<16xf32>
    %swap3A_2335 = vector.shape_cast %sub3A_2331 : vector<16xf32> to vector<16xf32>
    tpu.vector_store %arg9[%swap3A_2332], %swap3A_2335 {strides = array<i32>} : memref<512xf32, #tpu.memory_space<vmem>>, vector<16xf32>,
    %add3A_2336 = arith.constant 1 : i32
    %add3A_2337 = vector.broadcast %add3A_2336 : i32 to vector<16xi32>
    %add3A_2338 = arith.addi %convert_element_type3A_2322, %add3A_2337 : vector<16xi32>
    %min3A_2339 = arith.constant 1023 : i32
    %min3A_2340 = vector.broadcast %min3A_2339 : i32 to vector<16xi32>
    %min3A_2341 = arith.minsi %add3A_2338, %min3A_2340 : vector<16xi32>
    %sub3A_2342 = arith.subi %min3A_2341, %convert_element_type3A_2322 : vector<16xi32>
    %mul3A_2343 = arith.constant 1024 : i32
    %mul3A_2344 = vector.broadcast %mul3A_2343 : i32 to vector<16xi32>
    %mul3A_2345 = arith.muli %convert_element_type3A_2323, %mul3A_2344 : vector<16xi32>
    %add3A_2346 = arith.addi %mul3A_2345, %convert_element_type3A_2322 : vector<16xi32>
    %add3A_2347 = arith.constant 1 : i32
    %add3A_2348 = vector.broadcast %add3A_2347 : i32 to vector<16xi32>
    %add3A_2349 = arith.addi %convert_element_type3A_2323, %add3A_2348 : vector<16xi32>
    %min3A_2350 = arith.constant 1023 : i32
    %min3A_2351 = vector.broadcast %min3A_2350 : i32 to vector<16xi32>
    %min3A_2352 = arith.minsi %add3A_2349, %min3A_2351 : vector<16xi32>
    %mul3A_2353 = arith.constant 1024 : i32
    %mul3A_2354 = vector.broadcast %mul3A_2353 : i32 to vector<16xi32>
    %mul3A_2355 = arith.muli %min3A_2352, %mul3A_2354 : vector<16xi32>
    %add3A_2356 = arith.addi %mul3A_2355, %convert_element_type3A_2322 : vector<16xi32>
    %mul3A_2357 = arith.constant 4 : i32
    %mul3A_2358 = arith.muli %mul3A_2357, %multiple_of3A_2293 : i32
    %swap3A_2359 = arith.index_cast %mul3A_2358 : i32 to index
    %swap3A_2360 = tpu.vector_load %arg12[%swap3A_2359] {strides = array<i32>} : memref<2048xi32, #tpu.memory_space<vmem>>, vector<16xi32>,
    %swap3A_2361 = vector.shape_cast %swap3A_2360 : vector<16xi32> to vector<16xi32>
    %swap3A_2362 = vector.shape_cast %add3A_2346 : vector<16xi32> to vector<16xi32>
    tpu.vector_store %arg12[%swap3A_2359], %swap3A_2362 {strides = array<i32>} : memref<2048xi32, #tpu.memory_space<vmem>>, vector<16xi32>,
    %add3A_2363 = arith.addi %add3A_2346, %sub3A_2342 : vector<16xi32>
    %add3A_2364 = arith.constant 16 : i32
    %add3A_2365 = arith.addi %mul3A_2358, %add3A_2364 : i32
    %swap3A_2366 = arith.index_cast %add3A_2365 : i32 to index
    %swap3A_2367 = tpu.vector_load %arg12[%swap3A_2366] {strides = array<i32>} : memref<2048xi32, #tpu.memory_space<vmem>>, vector<16xi32>,
    %swap3A_2368 = vector.shape_cast %swap3A_2367 : vector<16xi32> to vector<16xi32>
    %swap3A_2369 = vector.shape_cast %add3A_2363 : vector<16xi32> to vector<16xi32>
    tpu.vector_store %arg12[%swap3A_2366], %swap3A_2369 {strides = array<i32>} : memref<2048xi32, #tpu.memory_space<vmem>>, vector<16xi32>,
    %add3A_2370 = arith.constant 32 : i32
    %add3A_2371 = arith.addi %mul3A_2358, %add3A_2370 : i32
    %swap3A_2372 = arith.index_cast %add3A_2371 : i32 to index
    %swap3A_2373 = tpu.vector_load %arg12[%swap3A_2372] {strides = array<i32>} : memref<2048xi32, #tpu.memory_space<vmem>>, vector<16xi32>,
    %swap3A_2374 = vector.shape_cast %swap3A_2373 : vector<16xi32> to vector<16xi32>
    %swap3A_2375 = vector.shape_cast %add3A_2356 : vector<16xi32> to vector<16xi32>
    tpu.vector_store %arg12[%swap3A_2372], %swap3A_2375 {strides = array<i32>} : memref<2048xi32, #tpu.memory_space<vmem>>, vector<16xi32>,
    %add3A_2376 = arith.addi %add3A_2356, %sub3A_2342 : vector<16xi32>
    %add3A_2377 = arith.constant 48 : i32
    %add3A_2378 = arith.addi %mul3A_2358, %add3A_2377 : i32
    %swap3A_2379 = arith.index_cast %add3A_2378 : i32 to index
    %swap3A_2380 = tpu.vector_load %arg12[%swap3A_2379] {strides = array<i32>} : memref<2048xi32, #tpu.memory_space<vmem>>, vector<16xi32>,
    %swap3A_2381 = vector.shape_cast %swap3A_2380 : vector<16xi32> to vector<16xi32>
    %swap3A_2382 = vector.shape_cast %add3A_2376 : vector<16xi32> to vector<16xi32>
    tpu.vector_store %arg12[%swap3A_2379], %swap3A_2382 {strides = array<i32>} : memref<2048xi32, #tpu.memory_space<vmem>>, vector<16xi32>,
    %scan3A_2383 = arith.constant 25 : i32
    %mul3A_2384 = arith.constant 16 : i32
    %mul3A_2385 = arith.muli %scan3A_2383, %mul3A_2384 : i32
    %multiple_of3A_2386 = tpu.assume_multiple %mul3A_2385, 16 : i32
    %get3A_2387 = arith.constant 0 : i32
    %get3A_2388 = arith.index_cast %get3A_2387 : i32 to index
    %get3A_2389 = arith.index_cast %multiple_of3A_2386 : i32 to index
    %get3A_2390 = tpu.vector_load %arg7[%get3A_2388, %get3A_2389] {strides = array<i32>} : memref<2x512xf32, #tpu.memory_space<vmem>>, vector<1x16xf32>,
    %get3A_2391 = vector.shape_cast %get3A_2390 : vector<1x16xf32> to vector<16xf32>
    %get3A_2392 = arith.constant 1 : i32
    %get3A_2393 = arith.index_cast %get3A_2392 : i32 to index
    %get3A_2394 = arith.index_cast %multiple_of3A_2386 : i32 to index
    %get3A_2395 = tpu.vector_load %arg7[%get3A_2393, %get3A_2394] {strides = array<i32>} : memref<2x512xf32, #tpu.memory_space<vmem>>, vector<1x16xf32>,
    %get3A_2396 = vector.shape_cast %get3A_2395 : vector<1x16xf32> to vector<16xf32>
    %max3A_2397 = arith.constant 0.000000e+00 : f32
    %max3A_2398 = vector.broadcast %max3A_2397 : f32 to vector<16xf32>
    %max3A_2399 = arith.maximumf %get3A_2391, %max3A_2398 : vector<16xf32>
    %min3A_2400 = arith.constant 1.000000e+00 : f32
    %min3A_2401 = vector.broadcast %min3A_2400 : f32 to vector<16xf32>
    %min3A_2402 = arith.minimumf %max3A_2399, %min3A_2401 : vector<16xf32>
    %mul3A_2403 = arith.constant 1.023000e+03 : f32
    %mul3A_2404 = vector.broadcast %mul3A_2403 : f32 to vector<16xf32>
    %mul3A_2405 = arith.mulf %min3A_2402, %mul3A_2404 : vector<16xf32>
    %max3A_2406 = arith.constant 0.000000e+00 : f32
    %max3A_2407 = vector.broadcast %max3A_2406 : f32 to vector<16xf32>
    %max3A_2408 = arith.maximumf %get3A_2396, %max3A_2407 : vector<16xf32>
    %min3A_2409 = arith.constant 1.000000e+00 : f32
    %min3A_2410 = vector.broadcast %min3A_2409 : f32 to vector<16xf32>
    %min3A_2411 = arith.minimumf %max3A_2408, %min3A_2410 : vector<16xf32>
    %mul3A_2412 = arith.constant 1.023000e+03 : f32
    %mul3A_2413 = vector.broadcast %mul3A_2412 : f32 to vector<16xf32>
    %mul3A_2414 = arith.mulf %min3A_2411, %mul3A_2413 : vector<16xf32>
    %convert_element_type3A_2415 = arith.fptosi %mul3A_2405 : vector<16xf32> to vector<16xi32>
    %convert_element_type3A_2416 = arith.fptosi %mul3A_2414 : vector<16xf32> to vector<16xi32>
    %convert_element_type3A_2417 = arith.sitofp %convert_element_type3A_2415 : vector<16xi32> to vector<16xf32>
    %sub3A_2418 = arith.subf %mul3A_2405, %convert_element_type3A_2417 : vector<16xf32>
    %swap3A_2419 = arith.index_cast %multiple_of3A_2386 : i32 to index
    %swap3A_2420 = tpu.vector_load %arg8[%swap3A_2419] {strides = array<i32>} : memref<512xf32, #tpu.memory_space<vmem>>, vector<16xf32>,
    %swap3A_2421 = vector.shape_cast %swap3A_2420 : vector<16xf32> to vector<16xf32>
    %swap3A_2422 = vector.shape_cast %sub3A_2418 : vector<16xf32> to vector<16xf32>
    tpu.vector_store %arg8[%swap3A_2419], %swap3A_2422 {strides = array<i32>} : memref<512xf32, #tpu.memory_space<vmem>>, vector<16xf32>,
    %convert_element_type3A_2423 = arith.sitofp %convert_element_type3A_2416 : vector<16xi32> to vector<16xf32>
    %sub3A_2424 = arith.subf %mul3A_2414, %convert_element_type3A_2423 : vector<16xf32>
    %swap3A_2425 = arith.index_cast %multiple_of3A_2386 : i32 to index
    %swap3A_2426 = tpu.vector_load %arg9[%swap3A_2425] {strides = array<i32>} : memref<512xf32, #tpu.memory_space<vmem>>, vector<16xf32>,
    %swap3A_2427 = vector.shape_cast %swap3A_2426 : vector<16xf32> to vector<16xf32>
    %swap3A_2428 = vector.shape_cast %sub3A_2424 : vector<16xf32> to vector<16xf32>
    tpu.vector_store %arg9[%swap3A_2425], %swap3A_2428 {strides = array<i32>} : memref<512xf32, #tpu.memory_space<vmem>>, vector<16xf32>,
    %add3A_2429 = arith.constant 1 : i32
    %add3A_2430 = vector.broadcast %add3A_2429 : i32 to vector<16xi32>
    %add3A_2431 = arith.addi %convert_element_type3A_2415, %add3A_2430 : vector<16xi32>
    %min3A_2432 = arith.constant 1023 : i32
    %min3A_2433 = vector.broadcast %min3A_2432 : i32 to vector<16xi32>
    %min3A_2434 = arith.minsi %add3A_2431, %min3A_2433 : vector<16xi32>
    %sub3A_2435 = arith.subi %min3A_2434, %convert_element_type3A_2415 : vector<16xi32>
    %mul3A_2436 = arith.constant 1024 : i32
    %mul3A_2437 = vector.broadcast %mul3A_2436 : i32 to vector<16xi32>
    %mul3A_2438 = arith.muli %convert_element_type3A_2416, %mul3A_2437 : vector<16xi32>
    %add3A_2439 = arith.addi %mul3A_2438, %convert_element_type3A_2415 : vector<16xi32>
    %add3A_2440 = arith.constant 1 : i32
    %add3A_2441 = vector.broadcast %add3A_2440 : i32 to vector<16xi32>
    %add3A_2442 = arith.addi %convert_element_type3A_2416, %add3A_2441 : vector<16xi32>
    %min3A_2443 = arith.constant 1023 : i32
    %min3A_2444 = vector.broadcast %min3A_2443 : i32 to vector<16xi32>
    %min3A_2445 = arith.minsi %add3A_2442, %min3A_2444 : vector<16xi32>
    %mul3A_2446 = arith.constant 1024 : i32
    %mul3A_2447 = vector.broadcast %mul3A_2446 : i32 to vector<16xi32>
    %mul3A_2448 = arith.muli %min3A_2445, %mul3A_2447 : vector<16xi32>
    %add3A_2449 = arith.addi %mul3A_2448, %convert_element_type3A_2415 : vector<16xi32>
    %mul3A_2450 = arith.constant 4 : i32
    %mul3A_2451 = arith.muli %mul3A_2450, %multiple_of3A_2386 : i32
    %swap3A_2452 = arith.index_cast %mul3A_2451 : i32 to index
    %swap3A_2453 = tpu.vector_load %arg12[%swap3A_2452] {strides = array<i32>} : memref<2048xi32, #tpu.memory_space<vmem>>, vector<16xi32>,
    %swap3A_2454 = vector.shape_cast %swap3A_2453 : vector<16xi32> to vector<16xi32>
    %swap3A_2455 = vector.shape_cast %add3A_2439 : vector<16xi32> to vector<16xi32>
    tpu.vector_store %arg12[%swap3A_2452], %swap3A_2455 {strides = array<i32>} : memref<2048xi32, #tpu.memory_space<vmem>>, vector<16xi32>,
    %add3A_2456 = arith.addi %add3A_2439, %sub3A_2435 : vector<16xi32>
    %add3A_2457 = arith.constant 16 : i32
    %add3A_2458 = arith.addi %mul3A_2451, %add3A_2457 : i32
    %swap3A_2459 = arith.index_cast %add3A_2458 : i32 to index
    %swap3A_2460 = tpu.vector_load %arg12[%swap3A_2459] {strides = array<i32>} : memref<2048xi32, #tpu.memory_space<vmem>>, vector<16xi32>,
    %swap3A_2461 = vector.shape_cast %swap3A_2460 : vector<16xi32> to vector<16xi32>
    %swap3A_2462 = vector.shape_cast %add3A_2456 : vector<16xi32> to vector<16xi32>
    tpu.vector_store %arg12[%swap3A_2459], %swap3A_2462 {strides = array<i32>} : memref<2048xi32, #tpu.memory_space<vmem>>, vector<16xi32>,
    %add3A_2463 = arith.constant 32 : i32
    %add3A_2464 = arith.addi %mul3A_2451, %add3A_2463 : i32
    %swap3A_2465 = arith.index_cast %add3A_2464 : i32 to index
    %swap3A_2466 = tpu.vector_load %arg12[%swap3A_2465] {strides = array<i32>} : memref<2048xi32, #tpu.memory_space<vmem>>, vector<16xi32>,
    %swap3A_2467 = vector.shape_cast %swap3A_2466 : vector<16xi32> to vector<16xi32>
    %swap3A_2468 = vector.shape_cast %add3A_2449 : vector<16xi32> to vector<16xi32>
    tpu.vector_store %arg12[%swap3A_2465], %swap3A_2468 {strides = array<i32>} : memref<2048xi32, #tpu.memory_space<vmem>>, vector<16xi32>,
    %add3A_2469 = arith.addi %add3A_2449, %sub3A_2435 : vector<16xi32>
    %add3A_2470 = arith.constant 48 : i32
    %add3A_2471 = arith.addi %mul3A_2451, %add3A_2470 : i32
    %swap3A_2472 = arith.index_cast %add3A_2471 : i32 to index
    %swap3A_2473 = tpu.vector_load %arg12[%swap3A_2472] {strides = array<i32>} : memref<2048xi32, #tpu.memory_space<vmem>>, vector<16xi32>,
    %swap3A_2474 = vector.shape_cast %swap3A_2473 : vector<16xi32> to vector<16xi32>
    %swap3A_2475 = vector.shape_cast %add3A_2469 : vector<16xi32> to vector<16xi32>
    tpu.vector_store %arg12[%swap3A_2472], %swap3A_2475 {strides = array<i32>} : memref<2048xi32, #tpu.memory_space<vmem>>, vector<16xi32>,
    %scan3A_2476 = arith.constant 26 : i32
    %mul3A_2477 = arith.constant 16 : i32
    %mul3A_2478 = arith.muli %scan3A_2476, %mul3A_2477 : i32
    %multiple_of3A_2479 = tpu.assume_multiple %mul3A_2478, 16 : i32
    %get3A_2480 = arith.constant 0 : i32
    %get3A_2481 = arith.index_cast %get3A_2480 : i32 to index
    %get3A_2482 = arith.index_cast %multiple_of3A_2479 : i32 to index
    %get3A_2483 = tpu.vector_load %arg7[%get3A_2481, %get3A_2482] {strides = array<i32>} : memref<2x512xf32, #tpu.memory_space<vmem>>, vector<1x16xf32>,
    %get3A_2484 = vector.shape_cast %get3A_2483 : vector<1x16xf32> to vector<16xf32>
    %get3A_2485 = arith.constant 1 : i32
    %get3A_2486 = arith.index_cast %get3A_2485 : i32 to index
    %get3A_2487 = arith.index_cast %multiple_of3A_2479 : i32 to index
    %get3A_2488 = tpu.vector_load %arg7[%get3A_2486, %get3A_2487] {strides = array<i32>} : memref<2x512xf32, #tpu.memory_space<vmem>>, vector<1x16xf32>,
    %get3A_2489 = vector.shape_cast %get3A_2488 : vector<1x16xf32> to vector<16xf32>
    %max3A_2490 = arith.constant 0.000000e+00 : f32
    %max3A_2491 = vector.broadcast %max3A_2490 : f32 to vector<16xf32>
    %max3A_2492 = arith.maximumf %get3A_2484, %max3A_2491 : vector<16xf32>
    %min3A_2493 = arith.constant 1.000000e+00 : f32
    %min3A_2494 = vector.broadcast %min3A_2493 : f32 to vector<16xf32>
    %min3A_2495 = arith.minimumf %max3A_2492, %min3A_2494 : vector<16xf32>
    %mul3A_2496 = arith.constant 1.023000e+03 : f32
    %mul3A_2497 = vector.broadcast %mul3A_2496 : f32 to vector<16xf32>
    %mul3A_2498 = arith.mulf %min3A_2495, %mul3A_2497 : vector<16xf32>
    %max3A_2499 = arith.constant 0.000000e+00 : f32
    %max3A_2500 = vector.broadcast %max3A_2499 : f32 to vector<16xf32>
    %max3A_2501 = arith.maximumf %get3A_2489, %max3A_2500 : vector<16xf32>
    %min3A_2502 = arith.constant 1.000000e+00 : f32
    %min3A_2503 = vector.broadcast %min3A_2502 : f32 to vector<16xf32>
    %min3A_2504 = arith.minimumf %max3A_2501, %min3A_2503 : vector<16xf32>
    %mul3A_2505 = arith.constant 1.023000e+03 : f32
    %mul3A_2506 = vector.broadcast %mul3A_2505 : f32 to vector<16xf32>
    %mul3A_2507 = arith.mulf %min3A_2504, %mul3A_2506 : vector<16xf32>
    %convert_element_type3A_2508 = arith.fptosi %mul3A_2498 : vector<16xf32> to vector<16xi32>
    %convert_element_type3A_2509 = arith.fptosi %mul3A_2507 : vector<16xf32> to vector<16xi32>
    %convert_element_type3A_2510 = arith.sitofp %convert_element_type3A_2508 : vector<16xi32> to vector<16xf32>
    %sub3A_2511 = arith.subf %mul3A_2498, %convert_element_type3A_2510 : vector<16xf32>
    %swap3A_2512 = arith.index_cast %multiple_of3A_2479 : i32 to index
    %swap3A_2513 = tpu.vector_load %arg8[%swap3A_2512] {strides = array<i32>} : memref<512xf32, #tpu.memory_space<vmem>>, vector<16xf32>,
    %swap3A_2514 = vector.shape_cast %swap3A_2513 : vector<16xf32> to vector<16xf32>
    %swap3A_2515 = vector.shape_cast %sub3A_2511 : vector<16xf32> to vector<16xf32>
    tpu.vector_store %arg8[%swap3A_2512], %swap3A_2515 {strides = array<i32>} : memref<512xf32, #tpu.memory_space<vmem>>, vector<16xf32>,
    %convert_element_type3A_2516 = arith.sitofp %convert_element_type3A_2509 : vector<16xi32> to vector<16xf32>
    %sub3A_2517 = arith.subf %mul3A_2507, %convert_element_type3A_2516 : vector<16xf32>
    %swap3A_2518 = arith.index_cast %multiple_of3A_2479 : i32 to index
    %swap3A_2519 = tpu.vector_load %arg9[%swap3A_2518] {strides = array<i32>} : memref<512xf32, #tpu.memory_space<vmem>>, vector<16xf32>,
    %swap3A_2520 = vector.shape_cast %swap3A_2519 : vector<16xf32> to vector<16xf32>
    %swap3A_2521 = vector.shape_cast %sub3A_2517 : vector<16xf32> to vector<16xf32>
    tpu.vector_store %arg9[%swap3A_2518], %swap3A_2521 {strides = array<i32>} : memref<512xf32, #tpu.memory_space<vmem>>, vector<16xf32>,
    %add3A_2522 = arith.constant 1 : i32
    %add3A_2523 = vector.broadcast %add3A_2522 : i32 to vector<16xi32>
    %add3A_2524 = arith.addi %convert_element_type3A_2508, %add3A_2523 : vector<16xi32>
    %min3A_2525 = arith.constant 1023 : i32
    %min3A_2526 = vector.broadcast %min3A_2525 : i32 to vector<16xi32>
    %min3A_2527 = arith.minsi %add3A_2524, %min3A_2526 : vector<16xi32>
    %sub3A_2528 = arith.subi %min3A_2527, %convert_element_type3A_2508 : vector<16xi32>
    %mul3A_2529 = arith.constant 1024 : i32
    %mul3A_2530 = vector.broadcast %mul3A_2529 : i32 to vector<16xi32>
    %mul3A_2531 = arith.muli %convert_element_type3A_2509, %mul3A_2530 : vector<16xi32>
    %add3A_2532 = arith.addi %mul3A_2531, %convert_element_type3A_2508 : vector<16xi32>
    %add3A_2533 = arith.constant 1 : i32
    %add3A_2534 = vector.broadcast %add3A_2533 : i32 to vector<16xi32>
    %add3A_2535 = arith.addi %convert_element_type3A_2509, %add3A_2534 : vector<16xi32>
    %min3A_2536 = arith.constant 1023 : i32
    %min3A_2537 = vector.broadcast %min3A_2536 : i32 to vector<16xi32>
    %min3A_2538 = arith.minsi %add3A_2535, %min3A_2537 : vector<16xi32>
    %mul3A_2539 = arith.constant 1024 : i32
    %mul3A_2540 = vector.broadcast %mul3A_2539 : i32 to vector<16xi32>
    %mul3A_2541 = arith.muli %min3A_2538, %mul3A_2540 : vector<16xi32>
    %add3A_2542 = arith.addi %mul3A_2541, %convert_element_type3A_2508 : vector<16xi32>
    %mul3A_2543 = arith.constant 4 : i32
    %mul3A_2544 = arith.muli %mul3A_2543, %multiple_of3A_2479 : i32
    %swap3A_2545 = arith.index_cast %mul3A_2544 : i32 to index
    %swap3A_2546 = tpu.vector_load %arg12[%swap3A_2545] {strides = array<i32>} : memref<2048xi32, #tpu.memory_space<vmem>>, vector<16xi32>,
    %swap3A_2547 = vector.shape_cast %swap3A_2546 : vector<16xi32> to vector<16xi32>
    %swap3A_2548 = vector.shape_cast %add3A_2532 : vector<16xi32> to vector<16xi32>
    tpu.vector_store %arg12[%swap3A_2545], %swap3A_2548 {strides = array<i32>} : memref<2048xi32, #tpu.memory_space<vmem>>, vector<16xi32>,
    %add3A_2549 = arith.addi %add3A_2532, %sub3A_2528 : vector<16xi32>
    %add3A_2550 = arith.constant 16 : i32
    %add3A_2551 = arith.addi %mul3A_2544, %add3A_2550 : i32
    %swap3A_2552 = arith.index_cast %add3A_2551 : i32 to index
    %swap3A_2553 = tpu.vector_load %arg12[%swap3A_2552] {strides = array<i32>} : memref<2048xi32, #tpu.memory_space<vmem>>, vector<16xi32>,
    %swap3A_2554 = vector.shape_cast %swap3A_2553 : vector<16xi32> to vector<16xi32>
    %swap3A_2555 = vector.shape_cast %add3A_2549 : vector<16xi32> to vector<16xi32>
    tpu.vector_store %arg12[%swap3A_2552], %swap3A_2555 {strides = array<i32>} : memref<2048xi32, #tpu.memory_space<vmem>>, vector<16xi32>,
    %add3A_2556 = arith.constant 32 : i32
    %add3A_2557 = arith.addi %mul3A_2544, %add3A_2556 : i32
    %swap3A_2558 = arith.index_cast %add3A_2557 : i32 to index
    %swap3A_2559 = tpu.vector_load %arg12[%swap3A_2558] {strides = array<i32>} : memref<2048xi32, #tpu.memory_space<vmem>>, vector<16xi32>,
    %swap3A_2560 = vector.shape_cast %swap3A_2559 : vector<16xi32> to vector<16xi32>
    %swap3A_2561 = vector.shape_cast %add3A_2542 : vector<16xi32> to vector<16xi32>
    tpu.vector_store %arg12[%swap3A_2558], %swap3A_2561 {strides = array<i32>} : memref<2048xi32, #tpu.memory_space<vmem>>, vector<16xi32>,
    %add3A_2562 = arith.addi %add3A_2542, %sub3A_2528 : vector<16xi32>
    %add3A_2563 = arith.constant 48 : i32
    %add3A_2564 = arith.addi %mul3A_2544, %add3A_2563 : i32
    %swap3A_2565 = arith.index_cast %add3A_2564 : i32 to index
    %swap3A_2566 = tpu.vector_load %arg12[%swap3A_2565] {strides = array<i32>} : memref<2048xi32, #tpu.memory_space<vmem>>, vector<16xi32>,
    %swap3A_2567 = vector.shape_cast %swap3A_2566 : vector<16xi32> to vector<16xi32>
    %swap3A_2568 = vector.shape_cast %add3A_2562 : vector<16xi32> to vector<16xi32>
    tpu.vector_store %arg12[%swap3A_2565], %swap3A_2568 {strides = array<i32>} : memref<2048xi32, #tpu.memory_space<vmem>>, vector<16xi32>,
    %scan3A_2569 = arith.constant 27 : i32
    %mul3A_2570 = arith.constant 16 : i32
    %mul3A_2571 = arith.muli %scan3A_2569, %mul3A_2570 : i32
    %multiple_of3A_2572 = tpu.assume_multiple %mul3A_2571, 16 : i32
    %get3A_2573 = arith.constant 0 : i32
    %get3A_2574 = arith.index_cast %get3A_2573 : i32 to index
    %get3A_2575 = arith.index_cast %multiple_of3A_2572 : i32 to index
    %get3A_2576 = tpu.vector_load %arg7[%get3A_2574, %get3A_2575] {strides = array<i32>} : memref<2x512xf32, #tpu.memory_space<vmem>>, vector<1x16xf32>,
    %get3A_2577 = vector.shape_cast %get3A_2576 : vector<1x16xf32> to vector<16xf32>
    %get3A_2578 = arith.constant 1 : i32
    %get3A_2579 = arith.index_cast %get3A_2578 : i32 to index
    %get3A_2580 = arith.index_cast %multiple_of3A_2572 : i32 to index
    %get3A_2581 = tpu.vector_load %arg7[%get3A_2579, %get3A_2580] {strides = array<i32>} : memref<2x512xf32, #tpu.memory_space<vmem>>, vector<1x16xf32>,
    %get3A_2582 = vector.shape_cast %get3A_2581 : vector<1x16xf32> to vector<16xf32>
    %max3A_2583 = arith.constant 0.000000e+00 : f32
    %max3A_2584 = vector.broadcast %max3A_2583 : f32 to vector<16xf32>
    %max3A_2585 = arith.maximumf %get3A_2577, %max3A_2584 : vector<16xf32>
    %min3A_2586 = arith.constant 1.000000e+00 : f32
    %min3A_2587 = vector.broadcast %min3A_2586 : f32 to vector<16xf32>
    %min3A_2588 = arith.minimumf %max3A_2585, %min3A_2587 : vector<16xf32>
    %mul3A_2589 = arith.constant 1.023000e+03 : f32
    %mul3A_2590 = vector.broadcast %mul3A_2589 : f32 to vector<16xf32>
    %mul3A_2591 = arith.mulf %min3A_2588, %mul3A_2590 : vector<16xf32>
    %max3A_2592 = arith.constant 0.000000e+00 : f32
    %max3A_2593 = vector.broadcast %max3A_2592 : f32 to vector<16xf32>
    %max3A_2594 = arith.maximumf %get3A_2582, %max3A_2593 : vector<16xf32>
    %min3A_2595 = arith.constant 1.000000e+00 : f32
    %min3A_2596 = vector.broadcast %min3A_2595 : f32 to vector<16xf32>
    %min3A_2597 = arith.minimumf %max3A_2594, %min3A_2596 : vector<16xf32>
    %mul3A_2598 = arith.constant 1.023000e+03 : f32
    %mul3A_2599 = vector.broadcast %mul3A_2598 : f32 to vector<16xf32>
    %mul3A_2600 = arith.mulf %min3A_2597, %mul3A_2599 : vector<16xf32>
    %convert_element_type3A_2601 = arith.fptosi %mul3A_2591 : vector<16xf32> to vector<16xi32>
    %convert_element_type3A_2602 = arith.fptosi %mul3A_2600 : vector<16xf32> to vector<16xi32>
    %convert_element_type3A_2603 = arith.sitofp %convert_element_type3A_2601 : vector<16xi32> to vector<16xf32>
    %sub3A_2604 = arith.subf %mul3A_2591, %convert_element_type3A_2603 : vector<16xf32>
    %swap3A_2605 = arith.index_cast %multiple_of3A_2572 : i32 to index
    %swap3A_2606 = tpu.vector_load %arg8[%swap3A_2605] {strides = array<i32>} : memref<512xf32, #tpu.memory_space<vmem>>, vector<16xf32>,
    %swap3A_2607 = vector.shape_cast %swap3A_2606 : vector<16xf32> to vector<16xf32>
    %swap3A_2608 = vector.shape_cast %sub3A_2604 : vector<16xf32> to vector<16xf32>
    tpu.vector_store %arg8[%swap3A_2605], %swap3A_2608 {strides = array<i32>} : memref<512xf32, #tpu.memory_space<vmem>>, vector<16xf32>,
    %convert_element_type3A_2609 = arith.sitofp %convert_element_type3A_2602 : vector<16xi32> to vector<16xf32>
    %sub3A_2610 = arith.subf %mul3A_2600, %convert_element_type3A_2609 : vector<16xf32>
    %swap3A_2611 = arith.index_cast %multiple_of3A_2572 : i32 to index
    %swap3A_2612 = tpu.vector_load %arg9[%swap3A_2611] {strides = array<i32>} : memref<512xf32, #tpu.memory_space<vmem>>, vector<16xf32>,
    %swap3A_2613 = vector.shape_cast %swap3A_2612 : vector<16xf32> to vector<16xf32>
    %swap3A_2614 = vector.shape_cast %sub3A_2610 : vector<16xf32> to vector<16xf32>
    tpu.vector_store %arg9[%swap3A_2611], %swap3A_2614 {strides = array<i32>} : memref<512xf32, #tpu.memory_space<vmem>>, vector<16xf32>,
    %add3A_2615 = arith.constant 1 : i32
    %add3A_2616 = vector.broadcast %add3A_2615 : i32 to vector<16xi32>
    %add3A_2617 = arith.addi %convert_element_type3A_2601, %add3A_2616 : vector<16xi32>
    %min3A_2618 = arith.constant 1023 : i32
    %min3A_2619 = vector.broadcast %min3A_2618 : i32 to vector<16xi32>
    %min3A_2620 = arith.minsi %add3A_2617, %min3A_2619 : vector<16xi32>
    %sub3A_2621 = arith.subi %min3A_2620, %convert_element_type3A_2601 : vector<16xi32>
    %mul3A_2622 = arith.constant 1024 : i32
    %mul3A_2623 = vector.broadcast %mul3A_2622 : i32 to vector<16xi32>
    %mul3A_2624 = arith.muli %convert_element_type3A_2602, %mul3A_2623 : vector<16xi32>
    %add3A_2625 = arith.addi %mul3A_2624, %convert_element_type3A_2601 : vector<16xi32>
    %add3A_2626 = arith.constant 1 : i32
    %add3A_2627 = vector.broadcast %add3A_2626 : i32 to vector<16xi32>
    %add3A_2628 = arith.addi %convert_element_type3A_2602, %add3A_2627 : vector<16xi32>
    %min3A_2629 = arith.constant 1023 : i32
    %min3A_2630 = vector.broadcast %min3A_2629 : i32 to vector<16xi32>
    %min3A_2631 = arith.minsi %add3A_2628, %min3A_2630 : vector<16xi32>
    %mul3A_2632 = arith.constant 1024 : i32
    %mul3A_2633 = vector.broadcast %mul3A_2632 : i32 to vector<16xi32>
    %mul3A_2634 = arith.muli %min3A_2631, %mul3A_2633 : vector<16xi32>
    %add3A_2635 = arith.addi %mul3A_2634, %convert_element_type3A_2601 : vector<16xi32>
    %mul3A_2636 = arith.constant 4 : i32
    %mul3A_2637 = arith.muli %mul3A_2636, %multiple_of3A_2572 : i32
    %swap3A_2638 = arith.index_cast %mul3A_2637 : i32 to index
    %swap3A_2639 = tpu.vector_load %arg12[%swap3A_2638] {strides = array<i32>} : memref<2048xi32, #tpu.memory_space<vmem>>, vector<16xi32>,
    %swap3A_2640 = vector.shape_cast %swap3A_2639 : vector<16xi32> to vector<16xi32>
    %swap3A_2641 = vector.shape_cast %add3A_2625 : vector<16xi32> to vector<16xi32>
    tpu.vector_store %arg12[%swap3A_2638], %swap3A_2641 {strides = array<i32>} : memref<2048xi32, #tpu.memory_space<vmem>>, vector<16xi32>,
    %add3A_2642 = arith.addi %add3A_2625, %sub3A_2621 : vector<16xi32>
    %add3A_2643 = arith.constant 16 : i32
    %add3A_2644 = arith.addi %mul3A_2637, %add3A_2643 : i32
    %swap3A_2645 = arith.index_cast %add3A_2644 : i32 to index
    %swap3A_2646 = tpu.vector_load %arg12[%swap3A_2645] {strides = array<i32>} : memref<2048xi32, #tpu.memory_space<vmem>>, vector<16xi32>,
    %swap3A_2647 = vector.shape_cast %swap3A_2646 : vector<16xi32> to vector<16xi32>
    %swap3A_2648 = vector.shape_cast %add3A_2642 : vector<16xi32> to vector<16xi32>
    tpu.vector_store %arg12[%swap3A_2645], %swap3A_2648 {strides = array<i32>} : memref<2048xi32, #tpu.memory_space<vmem>>, vector<16xi32>,
    %add3A_2649 = arith.constant 32 : i32
    %add3A_2650 = arith.addi %mul3A_2637, %add3A_2649 : i32
    %swap3A_2651 = arith.index_cast %add3A_2650 : i32 to index
    %swap3A_2652 = tpu.vector_load %arg12[%swap3A_2651] {strides = array<i32>} : memref<2048xi32, #tpu.memory_space<vmem>>, vector<16xi32>,
    %swap3A_2653 = vector.shape_cast %swap3A_2652 : vector<16xi32> to vector<16xi32>
    %swap3A_2654 = vector.shape_cast %add3A_2635 : vector<16xi32> to vector<16xi32>
    tpu.vector_store %arg12[%swap3A_2651], %swap3A_2654 {strides = array<i32>} : memref<2048xi32, #tpu.memory_space<vmem>>, vector<16xi32>,
    %add3A_2655 = arith.addi %add3A_2635, %sub3A_2621 : vector<16xi32>
    %add3A_2656 = arith.constant 48 : i32
    %add3A_2657 = arith.addi %mul3A_2637, %add3A_2656 : i32
    %swap3A_2658 = arith.index_cast %add3A_2657 : i32 to index
    %swap3A_2659 = tpu.vector_load %arg12[%swap3A_2658] {strides = array<i32>} : memref<2048xi32, #tpu.memory_space<vmem>>, vector<16xi32>,
    %swap3A_2660 = vector.shape_cast %swap3A_2659 : vector<16xi32> to vector<16xi32>
    %swap3A_2661 = vector.shape_cast %add3A_2655 : vector<16xi32> to vector<16xi32>
    tpu.vector_store %arg12[%swap3A_2658], %swap3A_2661 {strides = array<i32>} : memref<2048xi32, #tpu.memory_space<vmem>>, vector<16xi32>,
    %scan3A_2662 = arith.constant 4 : i32
    %dma_start3A_2663 = arith.constant 1536 : i32
    %dma_start3A_2664 = tpu.memref_slice %arg13[%dma_start3A_2663] : memref<2048xf32, #tpu.memory_space<vmem>> -> memref<256xf32, #tpu.memory_space<vmem>>
    %dma_start3A_2665 = arith.constant 1536 : i32
    %dma_start3A_2666 = tpu.memref_slice %arg12[%dma_start3A_2665] : memref<2048xi32, #tpu.memory_space<vmem>> -> memref<256xi32, #tpu.memory_space<vmem>>
    %dma_start3A_2667 = arith.constant 0 : i32
    %dma_start3A_2668 = tpu.memref_slice %arg3[%dma_start3A_2667] : memref<1048576xf32, #tpu.memory_space<hbm>> -> memref<1048576xf32, #tpu.memory_space<hbm>>
    tpu.enqueue_indirect_dma source(%dma_start3A_2668 : memref<1048576xf32, #tpu.memory_space<hbm>>) target(%dma_start3A_2664 : memref<256xf32, #tpu.memory_space<vmem>>) offsets(%dma_start3A_2666 : memref<256xi32, #tpu.memory_space<vmem>>) semaphore(%arg15 : memref<!tpu.dma_semaphore, #tpu.memory_space<semaphore_mem>>)
    %scan3A_2669 = arith.constant 0 : i32
    %scan3A_2670 = arith.constant 28 : i32
    %mul3A_2671 = arith.constant 16 : i32
    %mul3A_2672 = arith.muli %scan3A_2670, %mul3A_2671 : i32
    %multiple_of3A_2673 = tpu.assume_multiple %mul3A_2672, 16 : i32
    %get3A_2674 = arith.constant 0 : i32
    %get3A_2675 = arith.index_cast %get3A_2674 : i32 to index
    %get3A_2676 = arith.index_cast %multiple_of3A_2673 : i32 to index
    %get3A_2677 = tpu.vector_load %arg7[%get3A_2675, %get3A_2676] {strides = array<i32>} : memref<2x512xf32, #tpu.memory_space<vmem>>, vector<1x16xf32>,
    %get3A_2678 = vector.shape_cast %get3A_2677 : vector<1x16xf32> to vector<16xf32>
    %get3A_2679 = arith.constant 1 : i32
    %get3A_2680 = arith.index_cast %get3A_2679 : i32 to index
    %get3A_2681 = arith.index_cast %multiple_of3A_2673 : i32 to index
    %get3A_2682 = tpu.vector_load %arg7[%get3A_2680, %get3A_2681] {strides = array<i32>} : memref<2x512xf32, #tpu.memory_space<vmem>>, vector<1x16xf32>,
    %get3A_2683 = vector.shape_cast %get3A_2682 : vector<1x16xf32> to vector<16xf32>
    %max3A_2684 = arith.constant 0.000000e+00 : f32
    %max3A_2685 = vector.broadcast %max3A_2684 : f32 to vector<16xf32>
    %max3A_2686 = arith.maximumf %get3A_2678, %max3A_2685 : vector<16xf32>
    %min3A_2687 = arith.constant 1.000000e+00 : f32
    %min3A_2688 = vector.broadcast %min3A_2687 : f32 to vector<16xf32>
    %min3A_2689 = arith.minimumf %max3A_2686, %min3A_2688 : vector<16xf32>
    %mul3A_2690 = arith.constant 1.023000e+03 : f32
    %mul3A_2691 = vector.broadcast %mul3A_2690 : f32 to vector<16xf32>
    %mul3A_2692 = arith.mulf %min3A_2689, %mul3A_2691 : vector<16xf32>
    %max3A_2693 = arith.constant 0.000000e+00 : f32
    %max3A_2694 = vector.broadcast %max3A_2693 : f32 to vector<16xf32>
    %max3A_2695 = arith.maximumf %get3A_2683, %max3A_2694 : vector<16xf32>
    %min3A_2696 = arith.constant 1.000000e+00 : f32
    %min3A_2697 = vector.broadcast %min3A_2696 : f32 to vector<16xf32>
    %min3A_2698 = arith.minimumf %max3A_2695, %min3A_2697 : vector<16xf32>
    %mul3A_2699 = arith.constant 1.023000e+03 : f32
    %mul3A_2700 = vector.broadcast %mul3A_2699 : f32 to vector<16xf32>
    %mul3A_2701 = arith.mulf %min3A_2698, %mul3A_2700 : vector<16xf32>
    %convert_element_type3A_2702 = arith.fptosi %mul3A_2692 : vector<16xf32> to vector<16xi32>
    %convert_element_type3A_2703 = arith.fptosi %mul3A_2701 : vector<16xf32> to vector<16xi32>
    %convert_element_type3A_2704 = arith.sitofp %convert_element_type3A_2702 : vector<16xi32> to vector<16xf32>
    %sub3A_2705 = arith.subf %mul3A_2692, %convert_element_type3A_2704 : vector<16xf32>
    %swap3A_2706 = arith.index_cast %multiple_of3A_2673 : i32 to index
    %swap3A_2707 = tpu.vector_load %arg8[%swap3A_2706] {strides = array<i32>} : memref<512xf32, #tpu.memory_space<vmem>>, vector<16xf32>,
    %swap3A_2708 = vector.shape_cast %swap3A_2707 : vector<16xf32> to vector<16xf32>
    %swap3A_2709 = vector.shape_cast %sub3A_2705 : vector<16xf32> to vector<16xf32>
    tpu.vector_store %arg8[%swap3A_2706], %swap3A_2709 {strides = array<i32>} : memref<512xf32, #tpu.memory_space<vmem>>, vector<16xf32>,
    %convert_element_type3A_2710 = arith.sitofp %convert_element_type3A_2703 : vector<16xi32> to vector<16xf32>
    %sub3A_2711 = arith.subf %mul3A_2701, %convert_element_type3A_2710 : vector<16xf32>
    %swap3A_2712 = arith.index_cast %multiple_of3A_2673 : i32 to index
    %swap3A_2713 = tpu.vector_load %arg9[%swap3A_2712] {strides = array<i32>} : memref<512xf32, #tpu.memory_space<vmem>>, vector<16xf32>,
    %swap3A_2714 = vector.shape_cast %swap3A_2713 : vector<16xf32> to vector<16xf32>
    %swap3A_2715 = vector.shape_cast %sub3A_2711 : vector<16xf32> to vector<16xf32>
    tpu.vector_store %arg9[%swap3A_2712], %swap3A_2715 {strides = array<i32>} : memref<512xf32, #tpu.memory_space<vmem>>, vector<16xf32>,
    %add3A_2716 = arith.constant 1 : i32
    %add3A_2717 = vector.broadcast %add3A_2716 : i32 to vector<16xi32>
    %add3A_2718 = arith.addi %convert_element_type3A_2702, %add3A_2717 : vector<16xi32>
    %min3A_2719 = arith.constant 1023 : i32
    %min3A_2720 = vector.broadcast %min3A_2719 : i32 to vector<16xi32>
    %min3A_2721 = arith.minsi %add3A_2718, %min3A_2720 : vector<16xi32>
    %sub3A_2722 = arith.subi %min3A_2721, %convert_element_type3A_2702 : vector<16xi32>
    %mul3A_2723 = arith.constant 1024 : i32
    %mul3A_2724 = vector.broadcast %mul3A_2723 : i32 to vector<16xi32>
    %mul3A_2725 = arith.muli %convert_element_type3A_2703, %mul3A_2724 : vector<16xi32>
    %add3A_2726 = arith.addi %mul3A_2725, %convert_element_type3A_2702 : vector<16xi32>
    %add3A_2727 = arith.constant 1 : i32
    %add3A_2728 = vector.broadcast %add3A_2727 : i32 to vector<16xi32>
    %add3A_2729 = arith.addi %convert_element_type3A_2703, %add3A_2728 : vector<16xi32>
    %min3A_2730 = arith.constant 1023 : i32
    %min3A_2731 = vector.broadcast %min3A_2730 : i32 to vector<16xi32>
    %min3A_2732 = arith.minsi %add3A_2729, %min3A_2731 : vector<16xi32>
    %mul3A_2733 = arith.constant 1024 : i32
    %mul3A_2734 = vector.broadcast %mul3A_2733 : i32 to vector<16xi32>
    %mul3A_2735 = arith.muli %min3A_2732, %mul3A_2734 : vector<16xi32>
    %add3A_2736 = arith.addi %mul3A_2735, %convert_element_type3A_2702 : vector<16xi32>
    %mul3A_2737 = arith.constant 4 : i32
    %mul3A_2738 = arith.muli %mul3A_2737, %multiple_of3A_2673 : i32
    %swap3A_2739 = arith.index_cast %mul3A_2738 : i32 to index
    %swap3A_2740 = tpu.vector_load %arg12[%swap3A_2739] {strides = array<i32>} : memref<2048xi32, #tpu.memory_space<vmem>>, vector<16xi32>,
    %swap3A_2741 = vector.shape_cast %swap3A_2740 : vector<16xi32> to vector<16xi32>
    %swap3A_2742 = vector.shape_cast %add3A_2726 : vector<16xi32> to vector<16xi32>
    tpu.vector_store %arg12[%swap3A_2739], %swap3A_2742 {strides = array<i32>} : memref<2048xi32, #tpu.memory_space<vmem>>, vector<16xi32>,
    %add3A_2743 = arith.addi %add3A_2726, %sub3A_2722 : vector<16xi32>
    %add3A_2744 = arith.constant 16 : i32
    %add3A_2745 = arith.addi %mul3A_2738, %add3A_2744 : i32
    %swap3A_2746 = arith.index_cast %add3A_2745 : i32 to index
    %swap3A_2747 = tpu.vector_load %arg12[%swap3A_2746] {strides = array<i32>} : memref<2048xi32, #tpu.memory_space<vmem>>, vector<16xi32>,
    %swap3A_2748 = vector.shape_cast %swap3A_2747 : vector<16xi32> to vector<16xi32>
    %swap3A_2749 = vector.shape_cast %add3A_2743 : vector<16xi32> to vector<16xi32>
    tpu.vector_store %arg12[%swap3A_2746], %swap3A_2749 {strides = array<i32>} : memref<2048xi32, #tpu.memory_space<vmem>>, vector<16xi32>,
    %add3A_2750 = arith.constant 32 : i32
    %add3A_2751 = arith.addi %mul3A_2738, %add3A_2750 : i32
    %swap3A_2752 = arith.index_cast %add3A_2751 : i32 to index
    %swap3A_2753 = tpu.vector_load %arg12[%swap3A_2752] {strides = array<i32>} : memref<2048xi32, #tpu.memory_space<vmem>>, vector<16xi32>,
    %swap3A_2754 = vector.shape_cast %swap3A_2753 : vector<16xi32> to vector<16xi32>
    %swap3A_2755 = vector.shape_cast %add3A_2736 : vector<16xi32> to vector<16xi32>
    tpu.vector_store %arg12[%swap3A_2752], %swap3A_2755 {strides = array<i32>} : memref<2048xi32, #tpu.memory_space<vmem>>, vector<16xi32>,
    %add3A_2756 = arith.addi %add3A_2736, %sub3A_2722 : vector<16xi32>
    %add3A_2757 = arith.constant 48 : i32
    %add3A_2758 = arith.addi %mul3A_2738, %add3A_2757 : i32
    %swap3A_2759 = arith.index_cast %add3A_2758 : i32 to index
    %swap3A_2760 = tpu.vector_load %arg12[%swap3A_2759] {strides = array<i32>} : memref<2048xi32, #tpu.memory_space<vmem>>, vector<16xi32>,
    %swap3A_2761 = vector.shape_cast %swap3A_2760 : vector<16xi32> to vector<16xi32>
    %swap3A_2762 = vector.shape_cast %add3A_2756 : vector<16xi32> to vector<16xi32>
    tpu.vector_store %arg12[%swap3A_2759], %swap3A_2762 {strides = array<i32>} : memref<2048xi32, #tpu.memory_space<vmem>>, vector<16xi32>,
    %scan3A_2763 = arith.constant 29 : i32
    %mul3A_2764 = arith.constant 16 : i32
    %mul3A_2765 = arith.muli %scan3A_2763, %mul3A_2764 : i32
    %multiple_of3A_2766 = tpu.assume_multiple %mul3A_2765, 16 : i32
    %get3A_2767 = arith.constant 0 : i32
    %get3A_2768 = arith.index_cast %get3A_2767 : i32 to index
    %get3A_2769 = arith.index_cast %multiple_of3A_2766 : i32 to index
    %get3A_2770 = tpu.vector_load %arg7[%get3A_2768, %get3A_2769] {strides = array<i32>} : memref<2x512xf32, #tpu.memory_space<vmem>>, vector<1x16xf32>,
    %get3A_2771 = vector.shape_cast %get3A_2770 : vector<1x16xf32> to vector<16xf32>
    %get3A_2772 = arith.constant 1 : i32
    %get3A_2773 = arith.index_cast %get3A_2772 : i32 to index
    %get3A_2774 = arith.index_cast %multiple_of3A_2766 : i32 to index
    %get3A_2775 = tpu.vector_load %arg7[%get3A_2773, %get3A_2774] {strides = array<i32>} : memref<2x512xf32, #tpu.memory_space<vmem>>, vector<1x16xf32>,
    %get3A_2776 = vector.shape_cast %get3A_2775 : vector<1x16xf32> to vector<16xf32>
    %max3A_2777 = arith.constant 0.000000e+00 : f32
    %max3A_2778 = vector.broadcast %max3A_2777 : f32 to vector<16xf32>
    %max3A_2779 = arith.maximumf %get3A_2771, %max3A_2778 : vector<16xf32>
    %min3A_2780 = arith.constant 1.000000e+00 : f32
    %min3A_2781 = vector.broadcast %min3A_2780 : f32 to vector<16xf32>
    %min3A_2782 = arith.minimumf %max3A_2779, %min3A_2781 : vector<16xf32>
    %mul3A_2783 = arith.constant 1.023000e+03 : f32
    %mul3A_2784 = vector.broadcast %mul3A_2783 : f32 to vector<16xf32>
    %mul3A_2785 = arith.mulf %min3A_2782, %mul3A_2784 : vector<16xf32>
    %max3A_2786 = arith.constant 0.000000e+00 : f32
    %max3A_2787 = vector.broadcast %max3A_2786 : f32 to vector<16xf32>
    %max3A_2788 = arith.maximumf %get3A_2776, %max3A_2787 : vector<16xf32>
    %min3A_2789 = arith.constant 1.000000e+00 : f32
    %min3A_2790 = vector.broadcast %min3A_2789 : f32 to vector<16xf32>
    %min3A_2791 = arith.minimumf %max3A_2788, %min3A_2790 : vector<16xf32>
    %mul3A_2792 = arith.constant 1.023000e+03 : f32
    %mul3A_2793 = vector.broadcast %mul3A_2792 : f32 to vector<16xf32>
    %mul3A_2794 = arith.mulf %min3A_2791, %mul3A_2793 : vector<16xf32>
    %convert_element_type3A_2795 = arith.fptosi %mul3A_2785 : vector<16xf32> to vector<16xi32>
    %convert_element_type3A_2796 = arith.fptosi %mul3A_2794 : vector<16xf32> to vector<16xi32>
    %convert_element_type3A_2797 = arith.sitofp %convert_element_type3A_2795 : vector<16xi32> to vector<16xf32>
    %sub3A_2798 = arith.subf %mul3A_2785, %convert_element_type3A_2797 : vector<16xf32>
    %swap3A_2799 = arith.index_cast %multiple_of3A_2766 : i32 to index
    %swap3A_2800 = tpu.vector_load %arg8[%swap3A_2799] {strides = array<i32>} : memref<512xf32, #tpu.memory_space<vmem>>, vector<16xf32>,
    %swap3A_2801 = vector.shape_cast %swap3A_2800 : vector<16xf32> to vector<16xf32>
    %swap3A_2802 = vector.shape_cast %sub3A_2798 : vector<16xf32> to vector<16xf32>
    tpu.vector_store %arg8[%swap3A_2799], %swap3A_2802 {strides = array<i32>} : memref<512xf32, #tpu.memory_space<vmem>>, vector<16xf32>,
    %convert_element_type3A_2803 = arith.sitofp %convert_element_type3A_2796 : vector<16xi32> to vector<16xf32>
    %sub3A_2804 = arith.subf %mul3A_2794, %convert_element_type3A_2803 : vector<16xf32>
    %swap3A_2805 = arith.index_cast %multiple_of3A_2766 : i32 to index
    %swap3A_2806 = tpu.vector_load %arg9[%swap3A_2805] {strides = array<i32>} : memref<512xf32, #tpu.memory_space<vmem>>, vector<16xf32>,
    %swap3A_2807 = vector.shape_cast %swap3A_2806 : vector<16xf32> to vector<16xf32>
    %swap3A_2808 = vector.shape_cast %sub3A_2804 : vector<16xf32> to vector<16xf32>
    tpu.vector_store %arg9[%swap3A_2805], %swap3A_2808 {strides = array<i32>} : memref<512xf32, #tpu.memory_space<vmem>>, vector<16xf32>,
    %add3A_2809 = arith.constant 1 : i32
    %add3A_2810 = vector.broadcast %add3A_2809 : i32 to vector<16xi32>
    %add3A_2811 = arith.addi %convert_element_type3A_2795, %add3A_2810 : vector<16xi32>
    %min3A_2812 = arith.constant 1023 : i32
    %min3A_2813 = vector.broadcast %min3A_2812 : i32 to vector<16xi32>
    %min3A_2814 = arith.minsi %add3A_2811, %min3A_2813 : vector<16xi32>
    %sub3A_2815 = arith.subi %min3A_2814, %convert_element_type3A_2795 : vector<16xi32>
    %mul3A_2816 = arith.constant 1024 : i32
    %mul3A_2817 = vector.broadcast %mul3A_2816 : i32 to vector<16xi32>
    %mul3A_2818 = arith.muli %convert_element_type3A_2796, %mul3A_2817 : vector<16xi32>
    %add3A_2819 = arith.addi %mul3A_2818, %convert_element_type3A_2795 : vector<16xi32>
    %add3A_2820 = arith.constant 1 : i32
    %add3A_2821 = vector.broadcast %add3A_2820 : i32 to vector<16xi32>
    %add3A_2822 = arith.addi %convert_element_type3A_2796, %add3A_2821 : vector<16xi32>
    %min3A_2823 = arith.constant 1023 : i32
    %min3A_2824 = vector.broadcast %min3A_2823 : i32 to vector<16xi32>
    %min3A_2825 = arith.minsi %add3A_2822, %min3A_2824 : vector<16xi32>
    %mul3A_2826 = arith.constant 1024 : i32
    %mul3A_2827 = vector.broadcast %mul3A_2826 : i32 to vector<16xi32>
    %mul3A_2828 = arith.muli %min3A_2825, %mul3A_2827 : vector<16xi32>
    %add3A_2829 = arith.addi %mul3A_2828, %convert_element_type3A_2795 : vector<16xi32>
    %mul3A_2830 = arith.constant 4 : i32
    %mul3A_2831 = arith.muli %mul3A_2830, %multiple_of3A_2766 : i32
    %swap3A_2832 = arith.index_cast %mul3A_2831 : i32 to index
    %swap3A_2833 = tpu.vector_load %arg12[%swap3A_2832] {strides = array<i32>} : memref<2048xi32, #tpu.memory_space<vmem>>, vector<16xi32>,
    %swap3A_2834 = vector.shape_cast %swap3A_2833 : vector<16xi32> to vector<16xi32>
    %swap3A_2835 = vector.shape_cast %add3A_2819 : vector<16xi32> to vector<16xi32>
    tpu.vector_store %arg12[%swap3A_2832], %swap3A_2835 {strides = array<i32>} : memref<2048xi32, #tpu.memory_space<vmem>>, vector<16xi32>,
    %add3A_2836 = arith.addi %add3A_2819, %sub3A_2815 : vector<16xi32>
    %add3A_2837 = arith.constant 16 : i32
    %add3A_2838 = arith.addi %mul3A_2831, %add3A_2837 : i32
    %swap3A_2839 = arith.index_cast %add3A_2838 : i32 to index
    %swap3A_2840 = tpu.vector_load %arg12[%swap3A_2839] {strides = array<i32>} : memref<2048xi32, #tpu.memory_space<vmem>>, vector<16xi32>,
    %swap3A_2841 = vector.shape_cast %swap3A_2840 : vector<16xi32> to vector<16xi32>
    %swap3A_2842 = vector.shape_cast %add3A_2836 : vector<16xi32> to vector<16xi32>
    tpu.vector_store %arg12[%swap3A_2839], %swap3A_2842 {strides = array<i32>} : memref<2048xi32, #tpu.memory_space<vmem>>, vector<16xi32>,
    %add3A_2843 = arith.constant 32 : i32
    %add3A_2844 = arith.addi %mul3A_2831, %add3A_2843 : i32
    %swap3A_2845 = arith.index_cast %add3A_2844 : i32 to index
    %swap3A_2846 = tpu.vector_load %arg12[%swap3A_2845] {strides = array<i32>} : memref<2048xi32, #tpu.memory_space<vmem>>, vector<16xi32>,
    %swap3A_2847 = vector.shape_cast %swap3A_2846 : vector<16xi32> to vector<16xi32>
    %swap3A_2848 = vector.shape_cast %add3A_2829 : vector<16xi32> to vector<16xi32>
    tpu.vector_store %arg12[%swap3A_2845], %swap3A_2848 {strides = array<i32>} : memref<2048xi32, #tpu.memory_space<vmem>>, vector<16xi32>,
    %add3A_2849 = arith.addi %add3A_2829, %sub3A_2815 : vector<16xi32>
    %add3A_2850 = arith.constant 48 : i32
    %add3A_2851 = arith.addi %mul3A_2831, %add3A_2850 : i32
    %swap3A_2852 = arith.index_cast %add3A_2851 : i32 to index
    %swap3A_2853 = tpu.vector_load %arg12[%swap3A_2852] {strides = array<i32>} : memref<2048xi32, #tpu.memory_space<vmem>>, vector<16xi32>,
    %swap3A_2854 = vector.shape_cast %swap3A_2853 : vector<16xi32> to vector<16xi32>
    %swap3A_2855 = vector.shape_cast %add3A_2849 : vector<16xi32> to vector<16xi32>
    tpu.vector_store %arg12[%swap3A_2852], %swap3A_2855 {strides = array<i32>} : memref<2048xi32, #tpu.memory_space<vmem>>, vector<16xi32>,
    %scan3A_2856 = arith.constant 30 : i32
    %mul3A_2857 = arith.constant 16 : i32
    %mul3A_2858 = arith.muli %scan3A_2856, %mul3A_2857 : i32
    %multiple_of3A_2859 = tpu.assume_multiple %mul3A_2858, 16 : i32
    %get3A_2860 = arith.constant 0 : i32
    %get3A_2861 = arith.index_cast %get3A_2860 : i32 to index
    %get3A_2862 = arith.index_cast %multiple_of3A_2859 : i32 to index
    %get3A_2863 = tpu.vector_load %arg7[%get3A_2861, %get3A_2862] {strides = array<i32>} : memref<2x512xf32, #tpu.memory_space<vmem>>, vector<1x16xf32>,
    %get3A_2864 = vector.shape_cast %get3A_2863 : vector<1x16xf32> to vector<16xf32>
    %get3A_2865 = arith.constant 1 : i32
    %get3A_2866 = arith.index_cast %get3A_2865 : i32 to index
    %get3A_2867 = arith.index_cast %multiple_of3A_2859 : i32 to index
    %get3A_2868 = tpu.vector_load %arg7[%get3A_2866, %get3A_2867] {strides = array<i32>} : memref<2x512xf32, #tpu.memory_space<vmem>>, vector<1x16xf32>,
    %get3A_2869 = vector.shape_cast %get3A_2868 : vector<1x16xf32> to vector<16xf32>
    %max3A_2870 = arith.constant 0.000000e+00 : f32
    %max3A_2871 = vector.broadcast %max3A_2870 : f32 to vector<16xf32>
    %max3A_2872 = arith.maximumf %get3A_2864, %max3A_2871 : vector<16xf32>
    %min3A_2873 = arith.constant 1.000000e+00 : f32
    %min3A_2874 = vector.broadcast %min3A_2873 : f32 to vector<16xf32>
    %min3A_2875 = arith.minimumf %max3A_2872, %min3A_2874 : vector<16xf32>
    %mul3A_2876 = arith.constant 1.023000e+03 : f32
    %mul3A_2877 = vector.broadcast %mul3A_2876 : f32 to vector<16xf32>
    %mul3A_2878 = arith.mulf %min3A_2875, %mul3A_2877 : vector<16xf32>
    %max3A_2879 = arith.constant 0.000000e+00 : f32
    %max3A_2880 = vector.broadcast %max3A_2879 : f32 to vector<16xf32>
    %max3A_2881 = arith.maximumf %get3A_2869, %max3A_2880 : vector<16xf32>
    %min3A_2882 = arith.constant 1.000000e+00 : f32
    %min3A_2883 = vector.broadcast %min3A_2882 : f32 to vector<16xf32>
    %min3A_2884 = arith.minimumf %max3A_2881, %min3A_2883 : vector<16xf32>
    %mul3A_2885 = arith.constant 1.023000e+03 : f32
    %mul3A_2886 = vector.broadcast %mul3A_2885 : f32 to vector<16xf32>
    %mul3A_2887 = arith.mulf %min3A_2884, %mul3A_2886 : vector<16xf32>
    %convert_element_type3A_2888 = arith.fptosi %mul3A_2878 : vector<16xf32> to vector<16xi32>
    %convert_element_type3A_2889 = arith.fptosi %mul3A_2887 : vector<16xf32> to vector<16xi32>
    %convert_element_type3A_2890 = arith.sitofp %convert_element_type3A_2888 : vector<16xi32> to vector<16xf32>
    %sub3A_2891 = arith.subf %mul3A_2878, %convert_element_type3A_2890 : vector<16xf32>
    %swap3A_2892 = arith.index_cast %multiple_of3A_2859 : i32 to index
    %swap3A_2893 = tpu.vector_load %arg8[%swap3A_2892] {strides = array<i32>} : memref<512xf32, #tpu.memory_space<vmem>>, vector<16xf32>,
    %swap3A_2894 = vector.shape_cast %swap3A_2893 : vector<16xf32> to vector<16xf32>
    %swap3A_2895 = vector.shape_cast %sub3A_2891 : vector<16xf32> to vector<16xf32>
    tpu.vector_store %arg8[%swap3A_2892], %swap3A_2895 {strides = array<i32>} : memref<512xf32, #tpu.memory_space<vmem>>, vector<16xf32>,
    %convert_element_type3A_2896 = arith.sitofp %convert_element_type3A_2889 : vector<16xi32> to vector<16xf32>
    %sub3A_2897 = arith.subf %mul3A_2887, %convert_element_type3A_2896 : vector<16xf32>
    %swap3A_2898 = arith.index_cast %multiple_of3A_2859 : i32 to index
    %swap3A_2899 = tpu.vector_load %arg9[%swap3A_2898] {strides = array<i32>} : memref<512xf32, #tpu.memory_space<vmem>>, vector<16xf32>,
    %swap3A_2900 = vector.shape_cast %swap3A_2899 : vector<16xf32> to vector<16xf32>
    %swap3A_2901 = vector.shape_cast %sub3A_2897 : vector<16xf32> to vector<16xf32>
    tpu.vector_store %arg9[%swap3A_2898], %swap3A_2901 {strides = array<i32>} : memref<512xf32, #tpu.memory_space<vmem>>, vector<16xf32>,
    %add3A_2902 = arith.constant 1 : i32
    %add3A_2903 = vector.broadcast %add3A_2902 : i32 to vector<16xi32>
    %add3A_2904 = arith.addi %convert_element_type3A_2888, %add3A_2903 : vector<16xi32>
    %min3A_2905 = arith.constant 1023 : i32
    %min3A_2906 = vector.broadcast %min3A_2905 : i32 to vector<16xi32>
    %min3A_2907 = arith.minsi %add3A_2904, %min3A_2906 : vector<16xi32>
    %sub3A_2908 = arith.subi %min3A_2907, %convert_element_type3A_2888 : vector<16xi32>
    %mul3A_2909 = arith.constant 1024 : i32
    %mul3A_2910 = vector.broadcast %mul3A_2909 : i32 to vector<16xi32>
    %mul3A_2911 = arith.muli %convert_element_type3A_2889, %mul3A_2910 : vector<16xi32>
    %add3A_2912 = arith.addi %mul3A_2911, %convert_element_type3A_2888 : vector<16xi32>
    %add3A_2913 = arith.constant 1 : i32
    %add3A_2914 = vector.broadcast %add3A_2913 : i32 to vector<16xi32>
    %add3A_2915 = arith.addi %convert_element_type3A_2889, %add3A_2914 : vector<16xi32>
    %min3A_2916 = arith.constant 1023 : i32
    %min3A_2917 = vector.broadcast %min3A_2916 : i32 to vector<16xi32>
    %min3A_2918 = arith.minsi %add3A_2915, %min3A_2917 : vector<16xi32>
    %mul3A_2919 = arith.constant 1024 : i32
    %mul3A_2920 = vector.broadcast %mul3A_2919 : i32 to vector<16xi32>
    %mul3A_2921 = arith.muli %min3A_2918, %mul3A_2920 : vector<16xi32>
    %add3A_2922 = arith.addi %mul3A_2921, %convert_element_type3A_2888 : vector<16xi32>
    %mul3A_2923 = arith.constant 4 : i32
    %mul3A_2924 = arith.muli %mul3A_2923, %multiple_of3A_2859 : i32
    %swap3A_2925 = arith.index_cast %mul3A_2924 : i32 to index
    %swap3A_2926 = tpu.vector_load %arg12[%swap3A_2925] {strides = array<i32>} : memref<2048xi32, #tpu.memory_space<vmem>>, vector<16xi32>,
    %swap3A_2927 = vector.shape_cast %swap3A_2926 : vector<16xi32> to vector<16xi32>
    %swap3A_2928 = vector.shape_cast %add3A_2912 : vector<16xi32> to vector<16xi32>
    tpu.vector_store %arg12[%swap3A_2925], %swap3A_2928 {strides = array<i32>} : memref<2048xi32, #tpu.memory_space<vmem>>, vector<16xi32>,
    %add3A_2929 = arith.addi %add3A_2912, %sub3A_2908 : vector<16xi32>
    %add3A_2930 = arith.constant 16 : i32
    %add3A_2931 = arith.addi %mul3A_2924, %add3A_2930 : i32
    %swap3A_2932 = arith.index_cast %add3A_2931 : i32 to index
    %swap3A_2933 = tpu.vector_load %arg12[%swap3A_2932] {strides = array<i32>} : memref<2048xi32, #tpu.memory_space<vmem>>, vector<16xi32>,
    %swap3A_2934 = vector.shape_cast %swap3A_2933 : vector<16xi32> to vector<16xi32>
    %swap3A_2935 = vector.shape_cast %add3A_2929 : vector<16xi32> to vector<16xi32>
    tpu.vector_store %arg12[%swap3A_2932], %swap3A_2935 {strides = array<i32>} : memref<2048xi32, #tpu.memory_space<vmem>>, vector<16xi32>,
    %add3A_2936 = arith.constant 32 : i32
    %add3A_2937 = arith.addi %mul3A_2924, %add3A_2936 : i32
    %swap3A_2938 = arith.index_cast %add3A_2937 : i32 to index
    %swap3A_2939 = tpu.vector_load %arg12[%swap3A_2938] {strides = array<i32>} : memref<2048xi32, #tpu.memory_space<vmem>>, vector<16xi32>,
    %swap3A_2940 = vector.shape_cast %swap3A_2939 : vector<16xi32> to vector<16xi32>
    %swap3A_2941 = vector.shape_cast %add3A_2922 : vector<16xi32> to vector<16xi32>
    tpu.vector_store %arg12[%swap3A_2938], %swap3A_2941 {strides = array<i32>} : memref<2048xi32, #tpu.memory_space<vmem>>, vector<16xi32>,
    %add3A_2942 = arith.addi %add3A_2922, %sub3A_2908 : vector<16xi32>
    %add3A_2943 = arith.constant 48 : i32
    %add3A_2944 = arith.addi %mul3A_2924, %add3A_2943 : i32
    %swap3A_2945 = arith.index_cast %add3A_2944 : i32 to index
    %swap3A_2946 = tpu.vector_load %arg12[%swap3A_2945] {strides = array<i32>} : memref<2048xi32, #tpu.memory_space<vmem>>, vector<16xi32>,
    %swap3A_2947 = vector.shape_cast %swap3A_2946 : vector<16xi32> to vector<16xi32>
    %swap3A_2948 = vector.shape_cast %add3A_2942 : vector<16xi32> to vector<16xi32>
    tpu.vector_store %arg12[%swap3A_2945], %swap3A_2948 {strides = array<i32>} : memref<2048xi32, #tpu.memory_space<vmem>>, vector<16xi32>,
    %scan3A_2949 = arith.constant 31 : i32
    %mul3A_2950 = arith.constant 16 : i32
    %mul3A_2951 = arith.muli %scan3A_2949, %mul3A_2950 : i32
    %multiple_of3A_2952 = tpu.assume_multiple %mul3A_2951, 16 : i32
    %get3A_2953 = arith.constant 0 : i32
    %get3A_2954 = arith.index_cast %get3A_2953 : i32 to index
    %get3A_2955 = arith.index_cast %multiple_of3A_2952 : i32 to index
    %get3A_2956 = tpu.vector_load %arg7[%get3A_2954, %get3A_2955] {strides = array<i32>} : memref<2x512xf32, #tpu.memory_space<vmem>>, vector<1x16xf32>,
    %get3A_2957 = vector.shape_cast %get3A_2956 : vector<1x16xf32> to vector<16xf32>
    %get3A_2958 = arith.constant 1 : i32
    %get3A_2959 = arith.index_cast %get3A_2958 : i32 to index
    %get3A_2960 = arith.index_cast %multiple_of3A_2952 : i32 to index
    %get3A_2961 = tpu.vector_load %arg7[%get3A_2959, %get3A_2960] {strides = array<i32>} : memref<2x512xf32, #tpu.memory_space<vmem>>, vector<1x16xf32>,
    %get3A_2962 = vector.shape_cast %get3A_2961 : vector<1x16xf32> to vector<16xf32>
    %max3A_2963 = arith.constant 0.000000e+00 : f32
    %max3A_2964 = vector.broadcast %max3A_2963 : f32 to vector<16xf32>
    %max3A_2965 = arith.maximumf %get3A_2957, %max3A_2964 : vector<16xf32>
    %min3A_2966 = arith.constant 1.000000e+00 : f32
    %min3A_2967 = vector.broadcast %min3A_2966 : f32 to vector<16xf32>
    %min3A_2968 = arith.minimumf %max3A_2965, %min3A_2967 : vector<16xf32>
    %mul3A_2969 = arith.constant 1.023000e+03 : f32
    %mul3A_2970 = vector.broadcast %mul3A_2969 : f32 to vector<16xf32>
    %mul3A_2971 = arith.mulf %min3A_2968, %mul3A_2970 : vector<16xf32>
    %max3A_2972 = arith.constant 0.000000e+00 : f32
    %max3A_2973 = vector.broadcast %max3A_2972 : f32 to vector<16xf32>
    %max3A_2974 = arith.maximumf %get3A_2962, %max3A_2973 : vector<16xf32>
    %min3A_2975 = arith.constant 1.000000e+00 : f32
    %min3A_2976 = vector.broadcast %min3A_2975 : f32 to vector<16xf32>
    %min3A_2977 = arith.minimumf %max3A_2974, %min3A_2976 : vector<16xf32>
    %mul3A_2978 = arith.constant 1.023000e+03 : f32
    %mul3A_2979 = vector.broadcast %mul3A_2978 : f32 to vector<16xf32>
    %mul3A_2980 = arith.mulf %min3A_2977, %mul3A_2979 : vector<16xf32>
    %convert_element_type3A_2981 = arith.fptosi %mul3A_2971 : vector<16xf32> to vector<16xi32>
    %convert_element_type3A_2982 = arith.fptosi %mul3A_2980 : vector<16xf32> to vector<16xi32>
    %convert_element_type3A_2983 = arith.sitofp %convert_element_type3A_2981 : vector<16xi32> to vector<16xf32>
    %sub3A_2984 = arith.subf %mul3A_2971, %convert_element_type3A_2983 : vector<16xf32>
    %swap3A_2985 = arith.index_cast %multiple_of3A_2952 : i32 to index
    %swap3A_2986 = tpu.vector_load %arg8[%swap3A_2985] {strides = array<i32>} : memref<512xf32, #tpu.memory_space<vmem>>, vector<16xf32>,
    %swap3A_2987 = vector.shape_cast %swap3A_2986 : vector<16xf32> to vector<16xf32>
    %swap3A_2988 = vector.shape_cast %sub3A_2984 : vector<16xf32> to vector<16xf32>
    tpu.vector_store %arg8[%swap3A_2985], %swap3A_2988 {strides = array<i32>} : memref<512xf32, #tpu.memory_space<vmem>>, vector<16xf32>,
    %convert_element_type3A_2989 = arith.sitofp %convert_element_type3A_2982 : vector<16xi32> to vector<16xf32>
    %sub3A_2990 = arith.subf %mul3A_2980, %convert_element_type3A_2989 : vector<16xf32>
    %swap3A_2991 = arith.index_cast %multiple_of3A_2952 : i32 to index
    %swap3A_2992 = tpu.vector_load %arg9[%swap3A_2991] {strides = array<i32>} : memref<512xf32, #tpu.memory_space<vmem>>, vector<16xf32>,
    %swap3A_2993 = vector.shape_cast %swap3A_2992 : vector<16xf32> to vector<16xf32>
    %swap3A_2994 = vector.shape_cast %sub3A_2990 : vector<16xf32> to vector<16xf32>
    tpu.vector_store %arg9[%swap3A_2991], %swap3A_2994 {strides = array<i32>} : memref<512xf32, #tpu.memory_space<vmem>>, vector<16xf32>,
    %add3A_2995 = arith.constant 1 : i32
    %add3A_2996 = vector.broadcast %add3A_2995 : i32 to vector<16xi32>
    %add3A_2997 = arith.addi %convert_element_type3A_2981, %add3A_2996 : vector<16xi32>
    %min3A_2998 = arith.constant 1023 : i32
    %min3A_2999 = vector.broadcast %min3A_2998 : i32 to vector<16xi32>
    %min3A_3000 = arith.minsi %add3A_2997, %min3A_2999 : vector<16xi32>
    %sub3A_3001 = arith.subi %min3A_3000, %convert_element_type3A_2981 : vector<16xi32>
    %mul3A_3002 = arith.constant 1024 : i32
    %mul3A_3003 = vector.broadcast %mul3A_3002 : i32 to vector<16xi32>
    %mul3A_3004 = arith.muli %convert_element_type3A_2982, %mul3A_3003 : vector<16xi32>
    %add3A_3005 = arith.addi %mul3A_3004, %convert_element_type3A_2981 : vector<16xi32>
    %add3A_3006 = arith.constant 1 : i32
    %add3A_3007 = vector.broadcast %add3A_3006 : i32 to vector<16xi32>
    %add3A_3008 = arith.addi %convert_element_type3A_2982, %add3A_3007 : vector<16xi32>
    %min3A_3009 = arith.constant 1023 : i32
    %min3A_3010 = vector.broadcast %min3A_3009 : i32 to vector<16xi32>
    %min3A_3011 = arith.minsi %add3A_3008, %min3A_3010 : vector<16xi32>
    %mul3A_3012 = arith.constant 1024 : i32
    %mul3A_3013 = vector.broadcast %mul3A_3012 : i32 to vector<16xi32>
    %mul3A_3014 = arith.muli %min3A_3011, %mul3A_3013 : vector<16xi32>
    %add3A_3015 = arith.addi %mul3A_3014, %convert_element_type3A_2981 : vector<16xi32>
    %mul3A_3016 = arith.constant 4 : i32
    %mul3A_3017 = arith.muli %mul3A_3016, %multiple_of3A_2952 : i32
    %swap3A_3018 = arith.index_cast %mul3A_3017 : i32 to index
    %swap3A_3019 = tpu.vector_load %arg12[%swap3A_3018] {strides = array<i32>} : memref<2048xi32, #tpu.memory_space<vmem>>, vector<16xi32>,
    %swap3A_3020 = vector.shape_cast %swap3A_3019 : vector<16xi32> to vector<16xi32>
    %swap3A_3021 = vector.shape_cast %add3A_3005 : vector<16xi32> to vector<16xi32>
    tpu.vector_store %arg12[%swap3A_3018], %swap3A_3021 {strides = array<i32>} : memref<2048xi32, #tpu.memory_space<vmem>>, vector<16xi32>,
    %add3A_3022 = arith.addi %add3A_3005, %sub3A_3001 : vector<16xi32>
    %add3A_3023 = arith.constant 16 : i32
    %add3A_3024 = arith.addi %mul3A_3017, %add3A_3023 : i32
    %swap3A_3025 = arith.index_cast %add3A_3024 : i32 to index
    %swap3A_3026 = tpu.vector_load %arg12[%swap3A_3025] {strides = array<i32>} : memref<2048xi32, #tpu.memory_space<vmem>>, vector<16xi32>,
    %swap3A_3027 = vector.shape_cast %swap3A_3026 : vector<16xi32> to vector<16xi32>
    %swap3A_3028 = vector.shape_cast %add3A_3022 : vector<16xi32> to vector<16xi32>
    tpu.vector_store %arg12[%swap3A_3025], %swap3A_3028 {strides = array<i32>} : memref<2048xi32, #tpu.memory_space<vmem>>, vector<16xi32>,
    %add3A_3029 = arith.constant 32 : i32
    %add3A_3030 = arith.addi %mul3A_3017, %add3A_3029 : i32
    %swap3A_3031 = arith.index_cast %add3A_3030 : i32 to index
    %swap3A_3032 = tpu.vector_load %arg12[%swap3A_3031] {strides = array<i32>} : memref<2048xi32, #tpu.memory_space<vmem>>, vector<16xi32>,
    %swap3A_3033 = vector.shape_cast %swap3A_3032 : vector<16xi32> to vector<16xi32>
    %swap3A_3034 = vector.shape_cast %add3A_3015 : vector<16xi32> to vector<16xi32>
    tpu.vector_store %arg12[%swap3A_3031], %swap3A_3034 {strides = array<i32>} : memref<2048xi32, #tpu.memory_space<vmem>>, vector<16xi32>,
    %add3A_3035 = arith.addi %add3A_3015, %sub3A_3001 : vector<16xi32>
    %add3A_3036 = arith.constant 48 : i32
    %add3A_3037 = arith.addi %mul3A_3017, %add3A_3036 : i32
    %swap3A_3038 = arith.index_cast %add3A_3037 : i32 to index
    %swap3A_3039 = tpu.vector_load %arg12[%swap3A_3038] {strides = array<i32>} : memref<2048xi32, #tpu.memory_space<vmem>>, vector<16xi32>,
    %swap3A_3040 = vector.shape_cast %swap3A_3039 : vector<16xi32> to vector<16xi32>
    %swap3A_3041 = vector.shape_cast %add3A_3035 : vector<16xi32> to vector<16xi32>
    tpu.vector_store %arg12[%swap3A_3038], %swap3A_3041 {strides = array<i32>} : memref<2048xi32, #tpu.memory_space<vmem>>, vector<16xi32>,
    %scan3A_3042 = arith.constant 4 : i32
    %dma_start3A_3043 = arith.constant 1792 : i32
    %dma_start3A_3044 = tpu.memref_slice %arg13[%dma_start3A_3043] : memref<2048xf32, #tpu.memory_space<vmem>> -> memref<256xf32, #tpu.memory_space<vmem>>
    %dma_start3A_3045 = arith.constant 1792 : i32
    %dma_start3A_3046 = tpu.memref_slice %arg12[%dma_start3A_3045] : memref<2048xi32, #tpu.memory_space<vmem>> -> memref<256xi32, #tpu.memory_space<vmem>>
    %dma_start3A_3047 = arith.constant 0 : i32
    %dma_start3A_3048 = tpu.memref_slice %arg3[%dma_start3A_3047] : memref<1048576xf32, #tpu.memory_space<hbm>> -> memref<1048576xf32, #tpu.memory_space<hbm>>
    tpu.enqueue_indirect_dma source(%dma_start3A_3048 : memref<1048576xf32, #tpu.memory_space<hbm>>) target(%dma_start3A_3044 : memref<256xf32, #tpu.memory_space<vmem>>) offsets(%dma_start3A_3046 : memref<256xi32, #tpu.memory_space<vmem>>) semaphore(%arg16 : memref<!tpu.dma_semaphore, #tpu.memory_space<semaphore_mem>>)
    %dma_wait3A_3049 = arith.constant 0 : i32
    %dma_wait3A_3050 = tpu.memref_slice %arg11[%dma_wait3A_3049] : memref<16xf32, #tpu.memory_space<vmem>> -> memref<1xf32, #tpu.memory_space<vmem>>
    %dma_wait3A_3051 = arith.constant 0 : i32
    %dma_wait3A_3052 = tpu.memref_slice %arg11[%dma_wait3A_3051] : memref<16xf32, #tpu.memory_space<vmem>> -> memref<1xf32, #tpu.memory_space<vmem>>
    tpu.wait_dma2 semaphore(%arg14 : memref<!tpu.dma_semaphore, #tpu.memory_space<semaphore_mem>>) src(%arg4 : memref<1xf32, #tpu.memory_space<hbm>>) dst(%dma_wait3A_3052 : memref<1xf32, #tpu.memory_space<vmem>>)
    %dma_wait3A_3053 = arith.constant 8 : i32
    %dma_wait3A_3054 = tpu.memref_slice %arg11[%dma_wait3A_3053] : memref<16xf32, #tpu.memory_space<vmem>> -> memref<1xf32, #tpu.memory_space<vmem>>
    %dma_wait3A_3055 = arith.constant 8 : i32
    %dma_wait3A_3056 = tpu.memref_slice %arg11[%dma_wait3A_3055] : memref<16xf32, #tpu.memory_space<vmem>> -> memref<1xf32, #tpu.memory_space<vmem>>
    tpu.wait_dma2 semaphore(%arg14 : memref<!tpu.dma_semaphore, #tpu.memory_space<semaphore_mem>>) src(%arg5 : memref<1xf32, #tpu.memory_space<hbm>>) dst(%dma_wait3A_3056 : memref<1xf32, #tpu.memory_space<vmem>>)
    %get3A_3057 = arith.constant 0 : index
    %get3A_3058 = tpu.vector_load %arg11[%get3A_3057] {strides = array<i32>} : memref<16xf32, #tpu.memory_space<vmem>>, vector<16xf32>,
    %get3A_3059 = vector.shape_cast %get3A_3058 : vector<16xf32> to vector<16xf32>
    %slice3A = vector.extract_strided_slice %get3A_3059 {offsets = [0], sizes = [1], strides = [1]} : vector<16xf32> to vector<1xf32>
    %squeeze3A = vector.extract %slice3A[0] : f32 from vector<1xf32>
    %broadcast_in_dim3A = vector.broadcast %squeeze3A : f32 to vector<16xf32>
    %slice3A_3060 = vector.extract_strided_slice %get3A_3059 {offsets = [8], sizes = [1], strides = [1]} : vector<16xf32> to vector<1xf32>
    %squeeze3A_3061 = vector.extract %slice3A_3060[0] : f32 from vector<1xf32>
    %broadcast_in_dim3A_3062 = vector.broadcast %squeeze3A_3061 : f32 to vector<16xf32>
    %dma_wait3A_3063 = arith.constant 0 : i32
    %dma_wait3A_3064 = tpu.memref_slice %arg13[%dma_wait3A_3063] : memref<2048xf32, #tpu.memory_space<vmem>> -> memref<256xf32, #tpu.memory_space<vmem>>
    %dma_wait3A_3065 = arith.constant 0 : i32
    %dma_wait3A_3066 = tpu.memref_slice %arg12[%dma_wait3A_3065] : memref<2048xi32, #tpu.memory_space<vmem>> -> memref<256xi32, #tpu.memory_space<vmem>>
    %dma_wait3A_3067 = arith.constant 0 : i32
    %dma_wait3A_3068 = tpu.memref_slice %arg3[%dma_wait3A_3067] : memref<1048576xf32, #tpu.memory_space<hbm>> -> memref<1048576xf32, #tpu.memory_space<hbm>>
    tpu.wait_indirect_dma semaphore(%arg15 : memref<!tpu.dma_semaphore, #tpu.memory_space<semaphore_mem>>) src(%dma_wait3A_3068 : memref<1048576xf32, #tpu.memory_space<hbm>>) dst(%dma_wait3A_3064 : memref<256xf32, #tpu.memory_space<vmem>>)
    %scan3A_3069 = arith.constant 0 : i32
    %scan3A_3070 = arith.constant 0 : i32
    %mul3A_3071 = arith.constant 16 : i32
    %mul3A_3072 = arith.muli %scan3A_3070, %mul3A_3071 : i32
    %multiple_of3A_3073 = tpu.assume_multiple %mul3A_3072, 16 : i32
    %mul3A_3074 = arith.constant 4 : i32
    %mul3A_3075 = arith.muli %mul3A_3074, %multiple_of3A_3073 : i32
    %get3A_3076 = arith.index_cast %mul3A_3075 : i32 to index
    %get3A_3077 = tpu.vector_load %arg13[%get3A_3076] {strides = array<i32>} : memref<2048xf32, #tpu.memory_space<vmem>>, vector<16xf32>,
    %get3A_3078 = vector.shape_cast %get3A_3077 : vector<16xf32> to vector<16xf32>
    %add3A_3079 = arith.constant 16 : i32
    %add3A_3080 = arith.addi %mul3A_3075, %add3A_3079 : i32
    %get3A_3081 = arith.index_cast %add3A_3080 : i32 to index
    %get3A_3082 = tpu.vector_load %arg13[%get3A_3081] {strides = array<i32>} : memref<2048xf32, #tpu.memory_space<vmem>>, vector<16xf32>,
    %get3A_3083 = vector.shape_cast %get3A_3082 : vector<16xf32> to vector<16xf32>
    %add3A_3084 = arith.constant 32 : i32
    %add3A_3085 = arith.addi %mul3A_3075, %add3A_3084 : i32
    %get3A_3086 = arith.index_cast %add3A_3085 : i32 to index
    %get3A_3087 = tpu.vector_load %arg13[%get3A_3086] {strides = array<i32>} : memref<2048xf32, #tpu.memory_space<vmem>>, vector<16xf32>,
    %get3A_3088 = vector.shape_cast %get3A_3087 : vector<16xf32> to vector<16xf32>
    %add3A_3089 = arith.constant 48 : i32
    %add3A_3090 = arith.addi %mul3A_3075, %add3A_3089 : i32
    %get3A_3091 = arith.index_cast %add3A_3090 : i32 to index
    %get3A_3092 = tpu.vector_load %arg13[%get3A_3091] {strides = array<i32>} : memref<2048xf32, #tpu.memory_space<vmem>>, vector<16xf32>,
    %get3A_3093 = vector.shape_cast %get3A_3092 : vector<16xf32> to vector<16xf32>
    %get3A_3094 = arith.index_cast %multiple_of3A_3073 : i32 to index
    %get3A_3095 = tpu.vector_load %arg8[%get3A_3094] {strides = array<i32>} : memref<512xf32, #tpu.memory_space<vmem>>, vector<16xf32>,
    %get3A_3096 = vector.shape_cast %get3A_3095 : vector<16xf32> to vector<16xf32>
    %get3A_3097 = arith.index_cast %multiple_of3A_3073 : i32 to index
    %get3A_3098 = tpu.vector_load %arg9[%get3A_3097] {strides = array<i32>} : memref<512xf32, #tpu.memory_space<vmem>>, vector<16xf32>,
    %get3A_3099 = vector.shape_cast %get3A_3098 : vector<16xf32> to vector<16xf32>
    %sub3A_3100 = arith.subf %get3A_3083, %get3A_3078 : vector<16xf32>
    %mul3A_3101 = arith.mulf %get3A_3096, %sub3A_3100 : vector<16xf32>
    %add3A_3102 = arith.addf %get3A_3078, %mul3A_3101 : vector<16xf32>
    %sub3A_3103 = arith.subf %get3A_3093, %get3A_3088 : vector<16xf32>
    %mul3A_3104 = arith.mulf %get3A_3096, %sub3A_3103 : vector<16xf32>
    %add3A_3105 = arith.addf %get3A_3088, %mul3A_3104 : vector<16xf32>
    %sub3A_3106 = arith.subf %add3A_3105, %add3A_3102 : vector<16xf32>
    %mul3A_3107 = arith.mulf %get3A_3099, %sub3A_3106 : vector<16xf32>
    %add3A_3108 = arith.addf %add3A_3102, %mul3A_3107 : vector<16xf32>
    %mul3A_3109 = arith.mulf %add3A_3108, %broadcast_in_dim3A : vector<16xf32>
    %add3A_3110 = arith.addf %mul3A_3109, %broadcast_in_dim3A_3062 : vector<16xf32>
    %swap3A_3111 = arith.index_cast %multiple_of3A_3073 : i32 to index
    %swap3A_3112 = tpu.vector_load %arg10[%swap3A_3111] {strides = array<i32>} : memref<512xf32, #tpu.memory_space<vmem>>, vector<16xf32>,
    %swap3A_3113 = vector.shape_cast %swap3A_3112 : vector<16xf32> to vector<16xf32>
    %swap3A_3114 = vector.shape_cast %add3A_3110 : vector<16xf32> to vector<16xf32>
    tpu.vector_store %arg10[%swap3A_3111], %swap3A_3114 {strides = array<i32>} : memref<512xf32, #tpu.memory_space<vmem>>, vector<16xf32>,
    %scan3A_3115 = arith.constant 1 : i32
    %mul3A_3116 = arith.constant 16 : i32
    %mul3A_3117 = arith.muli %scan3A_3115, %mul3A_3116 : i32
    %multiple_of3A_3118 = tpu.assume_multiple %mul3A_3117, 16 : i32
    %mul3A_3119 = arith.constant 4 : i32
    %mul3A_3120 = arith.muli %mul3A_3119, %multiple_of3A_3118 : i32
    %get3A_3121 = arith.index_cast %mul3A_3120 : i32 to index
    %get3A_3122 = tpu.vector_load %arg13[%get3A_3121] {strides = array<i32>} : memref<2048xf32, #tpu.memory_space<vmem>>, vector<16xf32>,
    %get3A_3123 = vector.shape_cast %get3A_3122 : vector<16xf32> to vector<16xf32>
    %add3A_3124 = arith.constant 16 : i32
    %add3A_3125 = arith.addi %mul3A_3120, %add3A_3124 : i32
    %get3A_3126 = arith.index_cast %add3A_3125 : i32 to index
    %get3A_3127 = tpu.vector_load %arg13[%get3A_3126] {strides = array<i32>} : memref<2048xf32, #tpu.memory_space<vmem>>, vector<16xf32>,
    %get3A_3128 = vector.shape_cast %get3A_3127 : vector<16xf32> to vector<16xf32>
    %add3A_3129 = arith.constant 32 : i32
    %add3A_3130 = arith.addi %mul3A_3120, %add3A_3129 : i32
    %get3A_3131 = arith.index_cast %add3A_3130 : i32 to index
    %get3A_3132 = tpu.vector_load %arg13[%get3A_3131] {strides = array<i32>} : memref<2048xf32, #tpu.memory_space<vmem>>, vector<16xf32>,
    %get3A_3133 = vector.shape_cast %get3A_3132 : vector<16xf32> to vector<16xf32>
    %add3A_3134 = arith.constant 48 : i32
    %add3A_3135 = arith.addi %mul3A_3120, %add3A_3134 : i32
    %get3A_3136 = arith.index_cast %add3A_3135 : i32 to index
    %get3A_3137 = tpu.vector_load %arg13[%get3A_3136] {strides = array<i32>} : memref<2048xf32, #tpu.memory_space<vmem>>, vector<16xf32>,
    %get3A_3138 = vector.shape_cast %get3A_3137 : vector<16xf32> to vector<16xf32>
    %get3A_3139 = arith.index_cast %multiple_of3A_3118 : i32 to index
    %get3A_3140 = tpu.vector_load %arg8[%get3A_3139] {strides = array<i32>} : memref<512xf32, #tpu.memory_space<vmem>>, vector<16xf32>,
    %get3A_3141 = vector.shape_cast %get3A_3140 : vector<16xf32> to vector<16xf32>
    %get3A_3142 = arith.index_cast %multiple_of3A_3118 : i32 to index
    %get3A_3143 = tpu.vector_load %arg9[%get3A_3142] {strides = array<i32>} : memref<512xf32, #tpu.memory_space<vmem>>, vector<16xf32>,
    %get3A_3144 = vector.shape_cast %get3A_3143 : vector<16xf32> to vector<16xf32>
    %sub3A_3145 = arith.subf %get3A_3128, %get3A_3123 : vector<16xf32>
    %mul3A_3146 = arith.mulf %get3A_3141, %sub3A_3145 : vector<16xf32>
    %add3A_3147 = arith.addf %get3A_3123, %mul3A_3146 : vector<16xf32>
    %sub3A_3148 = arith.subf %get3A_3138, %get3A_3133 : vector<16xf32>
    %mul3A_3149 = arith.mulf %get3A_3141, %sub3A_3148 : vector<16xf32>
    %add3A_3150 = arith.addf %get3A_3133, %mul3A_3149 : vector<16xf32>
    %sub3A_3151 = arith.subf %add3A_3150, %add3A_3147 : vector<16xf32>
    %mul3A_3152 = arith.mulf %get3A_3144, %sub3A_3151 : vector<16xf32>
    %add3A_3153 = arith.addf %add3A_3147, %mul3A_3152 : vector<16xf32>
    %mul3A_3154 = arith.mulf %add3A_3153, %broadcast_in_dim3A : vector<16xf32>
    %add3A_3155 = arith.addf %mul3A_3154, %broadcast_in_dim3A_3062 : vector<16xf32>
    %swap3A_3156 = arith.index_cast %multiple_of3A_3118 : i32 to index
    %swap3A_3157 = tpu.vector_load %arg10[%swap3A_3156] {strides = array<i32>} : memref<512xf32, #tpu.memory_space<vmem>>, vector<16xf32>,
    %swap3A_3158 = vector.shape_cast %swap3A_3157 : vector<16xf32> to vector<16xf32>
    %swap3A_3159 = vector.shape_cast %add3A_3155 : vector<16xf32> to vector<16xf32>
    tpu.vector_store %arg10[%swap3A_3156], %swap3A_3159 {strides = array<i32>} : memref<512xf32, #tpu.memory_space<vmem>>, vector<16xf32>,
    %scan3A_3160 = arith.constant 2 : i32
    %mul3A_3161 = arith.constant 16 : i32
    %mul3A_3162 = arith.muli %scan3A_3160, %mul3A_3161 : i32
    %multiple_of3A_3163 = tpu.assume_multiple %mul3A_3162, 16 : i32
    %mul3A_3164 = arith.constant 4 : i32
    %mul3A_3165 = arith.muli %mul3A_3164, %multiple_of3A_3163 : i32
    %get3A_3166 = arith.index_cast %mul3A_3165 : i32 to index
    %get3A_3167 = tpu.vector_load %arg13[%get3A_3166] {strides = array<i32>} : memref<2048xf32, #tpu.memory_space<vmem>>, vector<16xf32>,
    %get3A_3168 = vector.shape_cast %get3A_3167 : vector<16xf32> to vector<16xf32>
    %add3A_3169 = arith.constant 16 : i32
    %add3A_3170 = arith.addi %mul3A_3165, %add3A_3169 : i32
    %get3A_3171 = arith.index_cast %add3A_3170 : i32 to index
    %get3A_3172 = tpu.vector_load %arg13[%get3A_3171] {strides = array<i32>} : memref<2048xf32, #tpu.memory_space<vmem>>, vector<16xf32>,
    %get3A_3173 = vector.shape_cast %get3A_3172 : vector<16xf32> to vector<16xf32>
    %add3A_3174 = arith.constant 32 : i32
    %add3A_3175 = arith.addi %mul3A_3165, %add3A_3174 : i32
    %get3A_3176 = arith.index_cast %add3A_3175 : i32 to index
    %get3A_3177 = tpu.vector_load %arg13[%get3A_3176] {strides = array<i32>} : memref<2048xf32, #tpu.memory_space<vmem>>, vector<16xf32>,
    %get3A_3178 = vector.shape_cast %get3A_3177 : vector<16xf32> to vector<16xf32>
    %add3A_3179 = arith.constant 48 : i32
    %add3A_3180 = arith.addi %mul3A_3165, %add3A_3179 : i32
    %get3A_3181 = arith.index_cast %add3A_3180 : i32 to index
    %get3A_3182 = tpu.vector_load %arg13[%get3A_3181] {strides = array<i32>} : memref<2048xf32, #tpu.memory_space<vmem>>, vector<16xf32>,
    %get3A_3183 = vector.shape_cast %get3A_3182 : vector<16xf32> to vector<16xf32>
    %get3A_3184 = arith.index_cast %multiple_of3A_3163 : i32 to index
    %get3A_3185 = tpu.vector_load %arg8[%get3A_3184] {strides = array<i32>} : memref<512xf32, #tpu.memory_space<vmem>>, vector<16xf32>,
    %get3A_3186 = vector.shape_cast %get3A_3185 : vector<16xf32> to vector<16xf32>
    %get3A_3187 = arith.index_cast %multiple_of3A_3163 : i32 to index
    %get3A_3188 = tpu.vector_load %arg9[%get3A_3187] {strides = array<i32>} : memref<512xf32, #tpu.memory_space<vmem>>, vector<16xf32>,
    %get3A_3189 = vector.shape_cast %get3A_3188 : vector<16xf32> to vector<16xf32>
    %sub3A_3190 = arith.subf %get3A_3173, %get3A_3168 : vector<16xf32>
    %mul3A_3191 = arith.mulf %get3A_3186, %sub3A_3190 : vector<16xf32>
    %add3A_3192 = arith.addf %get3A_3168, %mul3A_3191 : vector<16xf32>
    %sub3A_3193 = arith.subf %get3A_3183, %get3A_3178 : vector<16xf32>
    %mul3A_3194 = arith.mulf %get3A_3186, %sub3A_3193 : vector<16xf32>
    %add3A_3195 = arith.addf %get3A_3178, %mul3A_3194 : vector<16xf32>
    %sub3A_3196 = arith.subf %add3A_3195, %add3A_3192 : vector<16xf32>
    %mul3A_3197 = arith.mulf %get3A_3189, %sub3A_3196 : vector<16xf32>
    %add3A_3198 = arith.addf %add3A_3192, %mul3A_3197 : vector<16xf32>
    %mul3A_3199 = arith.mulf %add3A_3198, %broadcast_in_dim3A : vector<16xf32>
    %add3A_3200 = arith.addf %mul3A_3199, %broadcast_in_dim3A_3062 : vector<16xf32>
    %swap3A_3201 = arith.index_cast %multiple_of3A_3163 : i32 to index
    %swap3A_3202 = tpu.vector_load %arg10[%swap3A_3201] {strides = array<i32>} : memref<512xf32, #tpu.memory_space<vmem>>, vector<16xf32>,
    %swap3A_3203 = vector.shape_cast %swap3A_3202 : vector<16xf32> to vector<16xf32>
    %swap3A_3204 = vector.shape_cast %add3A_3200 : vector<16xf32> to vector<16xf32>
    tpu.vector_store %arg10[%swap3A_3201], %swap3A_3204 {strides = array<i32>} : memref<512xf32, #tpu.memory_space<vmem>>, vector<16xf32>,
    %scan3A_3205 = arith.constant 3 : i32
    %mul3A_3206 = arith.constant 16 : i32
    %mul3A_3207 = arith.muli %scan3A_3205, %mul3A_3206 : i32
    %multiple_of3A_3208 = tpu.assume_multiple %mul3A_3207, 16 : i32
    %mul3A_3209 = arith.constant 4 : i32
    %mul3A_3210 = arith.muli %mul3A_3209, %multiple_of3A_3208 : i32
    %get3A_3211 = arith.index_cast %mul3A_3210 : i32 to index
    %get3A_3212 = tpu.vector_load %arg13[%get3A_3211] {strides = array<i32>} : memref<2048xf32, #tpu.memory_space<vmem>>, vector<16xf32>,
    %get3A_3213 = vector.shape_cast %get3A_3212 : vector<16xf32> to vector<16xf32>
    %add3A_3214 = arith.constant 16 : i32
    %add3A_3215 = arith.addi %mul3A_3210, %add3A_3214 : i32
    %get3A_3216 = arith.index_cast %add3A_3215 : i32 to index
    %get3A_3217 = tpu.vector_load %arg13[%get3A_3216] {strides = array<i32>} : memref<2048xf32, #tpu.memory_space<vmem>>, vector<16xf32>,
    %get3A_3218 = vector.shape_cast %get3A_3217 : vector<16xf32> to vector<16xf32>
    %add3A_3219 = arith.constant 32 : i32
    %add3A_3220 = arith.addi %mul3A_3210, %add3A_3219 : i32
    %get3A_3221 = arith.index_cast %add3A_3220 : i32 to index
    %get3A_3222 = tpu.vector_load %arg13[%get3A_3221] {strides = array<i32>} : memref<2048xf32, #tpu.memory_space<vmem>>, vector<16xf32>,
    %get3A_3223 = vector.shape_cast %get3A_3222 : vector<16xf32> to vector<16xf32>
    %add3A_3224 = arith.constant 48 : i32
    %add3A_3225 = arith.addi %mul3A_3210, %add3A_3224 : i32
    %get3A_3226 = arith.index_cast %add3A_3225 : i32 to index
    %get3A_3227 = tpu.vector_load %arg13[%get3A_3226] {strides = array<i32>} : memref<2048xf32, #tpu.memory_space<vmem>>, vector<16xf32>,
    %get3A_3228 = vector.shape_cast %get3A_3227 : vector<16xf32> to vector<16xf32>
    %get3A_3229 = arith.index_cast %multiple_of3A_3208 : i32 to index
    %get3A_3230 = tpu.vector_load %arg8[%get3A_3229] {strides = array<i32>} : memref<512xf32, #tpu.memory_space<vmem>>, vector<16xf32>,
    %get3A_3231 = vector.shape_cast %get3A_3230 : vector<16xf32> to vector<16xf32>
    %get3A_3232 = arith.index_cast %multiple_of3A_3208 : i32 to index
    %get3A_3233 = tpu.vector_load %arg9[%get3A_3232] {strides = array<i32>} : memref<512xf32, #tpu.memory_space<vmem>>, vector<16xf32>,
    %get3A_3234 = vector.shape_cast %get3A_3233 : vector<16xf32> to vector<16xf32>
    %sub3A_3235 = arith.subf %get3A_3218, %get3A_3213 : vector<16xf32>
    %mul3A_3236 = arith.mulf %get3A_3231, %sub3A_3235 : vector<16xf32>
    %add3A_3237 = arith.addf %get3A_3213, %mul3A_3236 : vector<16xf32>
    %sub3A_3238 = arith.subf %get3A_3228, %get3A_3223 : vector<16xf32>
    %mul3A_3239 = arith.mulf %get3A_3231, %sub3A_3238 : vector<16xf32>
    %add3A_3240 = arith.addf %get3A_3223, %mul3A_3239 : vector<16xf32>
    %sub3A_3241 = arith.subf %add3A_3240, %add3A_3237 : vector<16xf32>
    %mul3A_3242 = arith.mulf %get3A_3234, %sub3A_3241 : vector<16xf32>
    %add3A_3243 = arith.addf %add3A_3237, %mul3A_3242 : vector<16xf32>
    %mul3A_3244 = arith.mulf %add3A_3243, %broadcast_in_dim3A : vector<16xf32>
    %add3A_3245 = arith.addf %mul3A_3244, %broadcast_in_dim3A_3062 : vector<16xf32>
    %swap3A_3246 = arith.index_cast %multiple_of3A_3208 : i32 to index
    %swap3A_3247 = tpu.vector_load %arg10[%swap3A_3246] {strides = array<i32>} : memref<512xf32, #tpu.memory_space<vmem>>, vector<16xf32>,
    %swap3A_3248 = vector.shape_cast %swap3A_3247 : vector<16xf32> to vector<16xf32>
    %swap3A_3249 = vector.shape_cast %add3A_3245 : vector<16xf32> to vector<16xf32>
    tpu.vector_store %arg10[%swap3A_3246], %swap3A_3249 {strides = array<i32>} : memref<512xf32, #tpu.memory_space<vmem>>, vector<16xf32>,
    %scan3A_3250 = arith.constant 4 : i32
    %dma_wait3A_3251 = arith.constant 256 : i32
    %dma_wait3A_3252 = tpu.memref_slice %arg13[%dma_wait3A_3251] : memref<2048xf32, #tpu.memory_space<vmem>> -> memref<256xf32, #tpu.memory_space<vmem>>
    %dma_wait3A_3253 = arith.constant 256 : i32
    %dma_wait3A_3254 = tpu.memref_slice %arg12[%dma_wait3A_3253] : memref<2048xi32, #tpu.memory_space<vmem>> -> memref<256xi32, #tpu.memory_space<vmem>>
    %dma_wait3A_3255 = arith.constant 0 : i32
    %dma_wait3A_3256 = tpu.memref_slice %arg3[%dma_wait3A_3255] : memref<1048576xf32, #tpu.memory_space<hbm>> -> memref<1048576xf32, #tpu.memory_space<hbm>>
    tpu.wait_indirect_dma semaphore(%arg16 : memref<!tpu.dma_semaphore, #tpu.memory_space<semaphore_mem>>) src(%dma_wait3A_3256 : memref<1048576xf32, #tpu.memory_space<hbm>>) dst(%dma_wait3A_3252 : memref<256xf32, #tpu.memory_space<vmem>>)
    %scan3A_3257 = arith.constant 0 : i32
    %scan3A_3258 = arith.constant 4 : i32
    %mul3A_3259 = arith.constant 16 : i32
    %mul3A_3260 = arith.muli %scan3A_3258, %mul3A_3259 : i32
    %multiple_of3A_3261 = tpu.assume_multiple %mul3A_3260, 16 : i32
    %mul3A_3262 = arith.constant 4 : i32
    %mul3A_3263 = arith.muli %mul3A_3262, %multiple_of3A_3261 : i32
    %get3A_3264 = arith.index_cast %mul3A_3263 : i32 to index
    %get3A_3265 = tpu.vector_load %arg13[%get3A_3264] {strides = array<i32>} : memref<2048xf32, #tpu.memory_space<vmem>>, vector<16xf32>,
    %get3A_3266 = vector.shape_cast %get3A_3265 : vector<16xf32> to vector<16xf32>
    %add3A_3267 = arith.constant 16 : i32
    %add3A_3268 = arith.addi %mul3A_3263, %add3A_3267 : i32
    %get3A_3269 = arith.index_cast %add3A_3268 : i32 to index
    %get3A_3270 = tpu.vector_load %arg13[%get3A_3269] {strides = array<i32>} : memref<2048xf32, #tpu.memory_space<vmem>>, vector<16xf32>,
    %get3A_3271 = vector.shape_cast %get3A_3270 : vector<16xf32> to vector<16xf32>
    %add3A_3272 = arith.constant 32 : i32
    %add3A_3273 = arith.addi %mul3A_3263, %add3A_3272 : i32
    %get3A_3274 = arith.index_cast %add3A_3273 : i32 to index
    %get3A_3275 = tpu.vector_load %arg13[%get3A_3274] {strides = array<i32>} : memref<2048xf32, #tpu.memory_space<vmem>>, vector<16xf32>,
    %get3A_3276 = vector.shape_cast %get3A_3275 : vector<16xf32> to vector<16xf32>
    %add3A_3277 = arith.constant 48 : i32
    %add3A_3278 = arith.addi %mul3A_3263, %add3A_3277 : i32
    %get3A_3279 = arith.index_cast %add3A_3278 : i32 to index
    %get3A_3280 = tpu.vector_load %arg13[%get3A_3279] {strides = array<i32>} : memref<2048xf32, #tpu.memory_space<vmem>>, vector<16xf32>,
    %get3A_3281 = vector.shape_cast %get3A_3280 : vector<16xf32> to vector<16xf32>
    %get3A_3282 = arith.index_cast %multiple_of3A_3261 : i32 to index
    %get3A_3283 = tpu.vector_load %arg8[%get3A_3282] {strides = array<i32>} : memref<512xf32, #tpu.memory_space<vmem>>, vector<16xf32>,
    %get3A_3284 = vector.shape_cast %get3A_3283 : vector<16xf32> to vector<16xf32>
    %get3A_3285 = arith.index_cast %multiple_of3A_3261 : i32 to index
    %get3A_3286 = tpu.vector_load %arg9[%get3A_3285] {strides = array<i32>} : memref<512xf32, #tpu.memory_space<vmem>>, vector<16xf32>,
    %get3A_3287 = vector.shape_cast %get3A_3286 : vector<16xf32> to vector<16xf32>
    %sub3A_3288 = arith.subf %get3A_3271, %get3A_3266 : vector<16xf32>
    %mul3A_3289 = arith.mulf %get3A_3284, %sub3A_3288 : vector<16xf32>
    %add3A_3290 = arith.addf %get3A_3266, %mul3A_3289 : vector<16xf32>
    %sub3A_3291 = arith.subf %get3A_3281, %get3A_3276 : vector<16xf32>
    %mul3A_3292 = arith.mulf %get3A_3284, %sub3A_3291 : vector<16xf32>
    %add3A_3293 = arith.addf %get3A_3276, %mul3A_3292 : vector<16xf32>
    %sub3A_3294 = arith.subf %add3A_3293, %add3A_3290 : vector<16xf32>
    %mul3A_3295 = arith.mulf %get3A_3287, %sub3A_3294 : vector<16xf32>
    %add3A_3296 = arith.addf %add3A_3290, %mul3A_3295 : vector<16xf32>
    %mul3A_3297 = arith.mulf %add3A_3296, %broadcast_in_dim3A : vector<16xf32>
    %add3A_3298 = arith.addf %mul3A_3297, %broadcast_in_dim3A_3062 : vector<16xf32>
    %swap3A_3299 = arith.index_cast %multiple_of3A_3261 : i32 to index
    %swap3A_3300 = tpu.vector_load %arg10[%swap3A_3299] {strides = array<i32>} : memref<512xf32, #tpu.memory_space<vmem>>, vector<16xf32>,
    %swap3A_3301 = vector.shape_cast %swap3A_3300 : vector<16xf32> to vector<16xf32>
    %swap3A_3302 = vector.shape_cast %add3A_3298 : vector<16xf32> to vector<16xf32>
    tpu.vector_store %arg10[%swap3A_3299], %swap3A_3302 {strides = array<i32>} : memref<512xf32, #tpu.memory_space<vmem>>, vector<16xf32>,
    %scan3A_3303 = arith.constant 5 : i32
    %mul3A_3304 = arith.constant 16 : i32
    %mul3A_3305 = arith.muli %scan3A_3303, %mul3A_3304 : i32
    %multiple_of3A_3306 = tpu.assume_multiple %mul3A_3305, 16 : i32
    %mul3A_3307 = arith.constant 4 : i32
    %mul3A_3308 = arith.muli %mul3A_3307, %multiple_of3A_3306 : i32
    %get3A_3309 = arith.index_cast %mul3A_3308 : i32 to index
    %get3A_3310 = tpu.vector_load %arg13[%get3A_3309] {strides = array<i32>} : memref<2048xf32, #tpu.memory_space<vmem>>, vector<16xf32>,
    %get3A_3311 = vector.shape_cast %get3A_3310 : vector<16xf32> to vector<16xf32>
    %add3A_3312 = arith.constant 16 : i32
    %add3A_3313 = arith.addi %mul3A_3308, %add3A_3312 : i32
    %get3A_3314 = arith.index_cast %add3A_3313 : i32 to index
    %get3A_3315 = tpu.vector_load %arg13[%get3A_3314] {strides = array<i32>} : memref<2048xf32, #tpu.memory_space<vmem>>, vector<16xf32>,
    %get3A_3316 = vector.shape_cast %get3A_3315 : vector<16xf32> to vector<16xf32>
    %add3A_3317 = arith.constant 32 : i32
    %add3A_3318 = arith.addi %mul3A_3308, %add3A_3317 : i32
    %get3A_3319 = arith.index_cast %add3A_3318 : i32 to index
    %get3A_3320 = tpu.vector_load %arg13[%get3A_3319] {strides = array<i32>} : memref<2048xf32, #tpu.memory_space<vmem>>, vector<16xf32>,
    %get3A_3321 = vector.shape_cast %get3A_3320 : vector<16xf32> to vector<16xf32>
    %add3A_3322 = arith.constant 48 : i32
    %add3A_3323 = arith.addi %mul3A_3308, %add3A_3322 : i32
    %get3A_3324 = arith.index_cast %add3A_3323 : i32 to index
    %get3A_3325 = tpu.vector_load %arg13[%get3A_3324] {strides = array<i32>} : memref<2048xf32, #tpu.memory_space<vmem>>, vector<16xf32>,
    %get3A_3326 = vector.shape_cast %get3A_3325 : vector<16xf32> to vector<16xf32>
    %get3A_3327 = arith.index_cast %multiple_of3A_3306 : i32 to index
    %get3A_3328 = tpu.vector_load %arg8[%get3A_3327] {strides = array<i32>} : memref<512xf32, #tpu.memory_space<vmem>>, vector<16xf32>,
    %get3A_3329 = vector.shape_cast %get3A_3328 : vector<16xf32> to vector<16xf32>
    %get3A_3330 = arith.index_cast %multiple_of3A_3306 : i32 to index
    %get3A_3331 = tpu.vector_load %arg9[%get3A_3330] {strides = array<i32>} : memref<512xf32, #tpu.memory_space<vmem>>, vector<16xf32>,
    %get3A_3332 = vector.shape_cast %get3A_3331 : vector<16xf32> to vector<16xf32>
    %sub3A_3333 = arith.subf %get3A_3316, %get3A_3311 : vector<16xf32>
    %mul3A_3334 = arith.mulf %get3A_3329, %sub3A_3333 : vector<16xf32>
    %add3A_3335 = arith.addf %get3A_3311, %mul3A_3334 : vector<16xf32>
    %sub3A_3336 = arith.subf %get3A_3326, %get3A_3321 : vector<16xf32>
    %mul3A_3337 = arith.mulf %get3A_3329, %sub3A_3336 : vector<16xf32>
    %add3A_3338 = arith.addf %get3A_3321, %mul3A_3337 : vector<16xf32>
    %sub3A_3339 = arith.subf %add3A_3338, %add3A_3335 : vector<16xf32>
    %mul3A_3340 = arith.mulf %get3A_3332, %sub3A_3339 : vector<16xf32>
    %add3A_3341 = arith.addf %add3A_3335, %mul3A_3340 : vector<16xf32>
    %mul3A_3342 = arith.mulf %add3A_3341, %broadcast_in_dim3A : vector<16xf32>
    %add3A_3343 = arith.addf %mul3A_3342, %broadcast_in_dim3A_3062 : vector<16xf32>
    %swap3A_3344 = arith.index_cast %multiple_of3A_3306 : i32 to index
    %swap3A_3345 = tpu.vector_load %arg10[%swap3A_3344] {strides = array<i32>} : memref<512xf32, #tpu.memory_space<vmem>>, vector<16xf32>,
    %swap3A_3346 = vector.shape_cast %swap3A_3345 : vector<16xf32> to vector<16xf32>
    %swap3A_3347 = vector.shape_cast %add3A_3343 : vector<16xf32> to vector<16xf32>
    tpu.vector_store %arg10[%swap3A_3344], %swap3A_3347 {strides = array<i32>} : memref<512xf32, #tpu.memory_space<vmem>>, vector<16xf32>,
    %scan3A_3348 = arith.constant 6 : i32
    %mul3A_3349 = arith.constant 16 : i32
    %mul3A_3350 = arith.muli %scan3A_3348, %mul3A_3349 : i32
    %multiple_of3A_3351 = tpu.assume_multiple %mul3A_3350, 16 : i32
    %mul3A_3352 = arith.constant 4 : i32
    %mul3A_3353 = arith.muli %mul3A_3352, %multiple_of3A_3351 : i32
    %get3A_3354 = arith.index_cast %mul3A_3353 : i32 to index
    %get3A_3355 = tpu.vector_load %arg13[%get3A_3354] {strides = array<i32>} : memref<2048xf32, #tpu.memory_space<vmem>>, vector<16xf32>,
    %get3A_3356 = vector.shape_cast %get3A_3355 : vector<16xf32> to vector<16xf32>
    %add3A_3357 = arith.constant 16 : i32
    %add3A_3358 = arith.addi %mul3A_3353, %add3A_3357 : i32
    %get3A_3359 = arith.index_cast %add3A_3358 : i32 to index
    %get3A_3360 = tpu.vector_load %arg13[%get3A_3359] {strides = array<i32>} : memref<2048xf32, #tpu.memory_space<vmem>>, vector<16xf32>,
    %get3A_3361 = vector.shape_cast %get3A_3360 : vector<16xf32> to vector<16xf32>
    %add3A_3362 = arith.constant 32 : i32
    %add3A_3363 = arith.addi %mul3A_3353, %add3A_3362 : i32
    %get3A_3364 = arith.index_cast %add3A_3363 : i32 to index
    %get3A_3365 = tpu.vector_load %arg13[%get3A_3364] {strides = array<i32>} : memref<2048xf32, #tpu.memory_space<vmem>>, vector<16xf32>,
    %get3A_3366 = vector.shape_cast %get3A_3365 : vector<16xf32> to vector<16xf32>
    %add3A_3367 = arith.constant 48 : i32
    %add3A_3368 = arith.addi %mul3A_3353, %add3A_3367 : i32
    %get3A_3369 = arith.index_cast %add3A_3368 : i32 to index
    %get3A_3370 = tpu.vector_load %arg13[%get3A_3369] {strides = array<i32>} : memref<2048xf32, #tpu.memory_space<vmem>>, vector<16xf32>,
    %get3A_3371 = vector.shape_cast %get3A_3370 : vector<16xf32> to vector<16xf32>
    %get3A_3372 = arith.index_cast %multiple_of3A_3351 : i32 to index
    %get3A_3373 = tpu.vector_load %arg8[%get3A_3372] {strides = array<i32>} : memref<512xf32, #tpu.memory_space<vmem>>, vector<16xf32>,
    %get3A_3374 = vector.shape_cast %get3A_3373 : vector<16xf32> to vector<16xf32>
    %get3A_3375 = arith.index_cast %multiple_of3A_3351 : i32 to index
    %get3A_3376 = tpu.vector_load %arg9[%get3A_3375] {strides = array<i32>} : memref<512xf32, #tpu.memory_space<vmem>>, vector<16xf32>,
    %get3A_3377 = vector.shape_cast %get3A_3376 : vector<16xf32> to vector<16xf32>
    %sub3A_3378 = arith.subf %get3A_3361, %get3A_3356 : vector<16xf32>
    %mul3A_3379 = arith.mulf %get3A_3374, %sub3A_3378 : vector<16xf32>
    %add3A_3380 = arith.addf %get3A_3356, %mul3A_3379 : vector<16xf32>
    %sub3A_3381 = arith.subf %get3A_3371, %get3A_3366 : vector<16xf32>
    %mul3A_3382 = arith.mulf %get3A_3374, %sub3A_3381 : vector<16xf32>
    %add3A_3383 = arith.addf %get3A_3366, %mul3A_3382 : vector<16xf32>
    %sub3A_3384 = arith.subf %add3A_3383, %add3A_3380 : vector<16xf32>
    %mul3A_3385 = arith.mulf %get3A_3377, %sub3A_3384 : vector<16xf32>
    %add3A_3386 = arith.addf %add3A_3380, %mul3A_3385 : vector<16xf32>
    %mul3A_3387 = arith.mulf %add3A_3386, %broadcast_in_dim3A : vector<16xf32>
    %add3A_3388 = arith.addf %mul3A_3387, %broadcast_in_dim3A_3062 : vector<16xf32>
    %swap3A_3389 = arith.index_cast %multiple_of3A_3351 : i32 to index
    %swap3A_3390 = tpu.vector_load %arg10[%swap3A_3389] {strides = array<i32>} : memref<512xf32, #tpu.memory_space<vmem>>, vector<16xf32>,
    %swap3A_3391 = vector.shape_cast %swap3A_3390 : vector<16xf32> to vector<16xf32>
    %swap3A_3392 = vector.shape_cast %add3A_3388 : vector<16xf32> to vector<16xf32>
    tpu.vector_store %arg10[%swap3A_3389], %swap3A_3392 {strides = array<i32>} : memref<512xf32, #tpu.memory_space<vmem>>, vector<16xf32>,
    %scan3A_3393 = arith.constant 7 : i32
    %mul3A_3394 = arith.constant 16 : i32
    %mul3A_3395 = arith.muli %scan3A_3393, %mul3A_3394 : i32
    %multiple_of3A_3396 = tpu.assume_multiple %mul3A_3395, 16 : i32
    %mul3A_3397 = arith.constant 4 : i32
    %mul3A_3398 = arith.muli %mul3A_3397, %multiple_of3A_3396 : i32
    %get3A_3399 = arith.index_cast %mul3A_3398 : i32 to index
    %get3A_3400 = tpu.vector_load %arg13[%get3A_3399] {strides = array<i32>} : memref<2048xf32, #tpu.memory_space<vmem>>, vector<16xf32>,
    %get3A_3401 = vector.shape_cast %get3A_3400 : vector<16xf32> to vector<16xf32>
    %add3A_3402 = arith.constant 16 : i32
    %add3A_3403 = arith.addi %mul3A_3398, %add3A_3402 : i32
    %get3A_3404 = arith.index_cast %add3A_3403 : i32 to index
    %get3A_3405 = tpu.vector_load %arg13[%get3A_3404] {strides = array<i32>} : memref<2048xf32, #tpu.memory_space<vmem>>, vector<16xf32>,
    %get3A_3406 = vector.shape_cast %get3A_3405 : vector<16xf32> to vector<16xf32>
    %add3A_3407 = arith.constant 32 : i32
    %add3A_3408 = arith.addi %mul3A_3398, %add3A_3407 : i32
    %get3A_3409 = arith.index_cast %add3A_3408 : i32 to index
    %get3A_3410 = tpu.vector_load %arg13[%get3A_3409] {strides = array<i32>} : memref<2048xf32, #tpu.memory_space<vmem>>, vector<16xf32>,
    %get3A_3411 = vector.shape_cast %get3A_3410 : vector<16xf32> to vector<16xf32>
    %add3A_3412 = arith.constant 48 : i32
    %add3A_3413 = arith.addi %mul3A_3398, %add3A_3412 : i32
    %get3A_3414 = arith.index_cast %add3A_3413 : i32 to index
    %get3A_3415 = tpu.vector_load %arg13[%get3A_3414] {strides = array<i32>} : memref<2048xf32, #tpu.memory_space<vmem>>, vector<16xf32>,
    %get3A_3416 = vector.shape_cast %get3A_3415 : vector<16xf32> to vector<16xf32>
    %get3A_3417 = arith.index_cast %multiple_of3A_3396 : i32 to index
    %get3A_3418 = tpu.vector_load %arg8[%get3A_3417] {strides = array<i32>} : memref<512xf32, #tpu.memory_space<vmem>>, vector<16xf32>,
    %get3A_3419 = vector.shape_cast %get3A_3418 : vector<16xf32> to vector<16xf32>
    %get3A_3420 = arith.index_cast %multiple_of3A_3396 : i32 to index
    %get3A_3421 = tpu.vector_load %arg9[%get3A_3420] {strides = array<i32>} : memref<512xf32, #tpu.memory_space<vmem>>, vector<16xf32>,
    %get3A_3422 = vector.shape_cast %get3A_3421 : vector<16xf32> to vector<16xf32>
    %sub3A_3423 = arith.subf %get3A_3406, %get3A_3401 : vector<16xf32>
    %mul3A_3424 = arith.mulf %get3A_3419, %sub3A_3423 : vector<16xf32>
    %add3A_3425 = arith.addf %get3A_3401, %mul3A_3424 : vector<16xf32>
    %sub3A_3426 = arith.subf %get3A_3416, %get3A_3411 : vector<16xf32>
    %mul3A_3427 = arith.mulf %get3A_3419, %sub3A_3426 : vector<16xf32>
    %add3A_3428 = arith.addf %get3A_3411, %mul3A_3427 : vector<16xf32>
    %sub3A_3429 = arith.subf %add3A_3428, %add3A_3425 : vector<16xf32>
    %mul3A_3430 = arith.mulf %get3A_3422, %sub3A_3429 : vector<16xf32>
    %add3A_3431 = arith.addf %add3A_3425, %mul3A_3430 : vector<16xf32>
    %mul3A_3432 = arith.mulf %add3A_3431, %broadcast_in_dim3A : vector<16xf32>
    %add3A_3433 = arith.addf %mul3A_3432, %broadcast_in_dim3A_3062 : vector<16xf32>
    %swap3A_3434 = arith.index_cast %multiple_of3A_3396 : i32 to index
    %swap3A_3435 = tpu.vector_load %arg10[%swap3A_3434] {strides = array<i32>} : memref<512xf32, #tpu.memory_space<vmem>>, vector<16xf32>,
    %swap3A_3436 = vector.shape_cast %swap3A_3435 : vector<16xf32> to vector<16xf32>
    %swap3A_3437 = vector.shape_cast %add3A_3433 : vector<16xf32> to vector<16xf32>
    tpu.vector_store %arg10[%swap3A_3434], %swap3A_3437 {strides = array<i32>} : memref<512xf32, #tpu.memory_space<vmem>>, vector<16xf32>,
    %scan3A_3438 = arith.constant 4 : i32
    %dma_wait3A_3439 = arith.constant 512 : i32
    %dma_wait3A_3440 = tpu.memref_slice %arg13[%dma_wait3A_3439] : memref<2048xf32, #tpu.memory_space<vmem>> -> memref<256xf32, #tpu.memory_space<vmem>>
    %dma_wait3A_3441 = arith.constant 512 : i32
    %dma_wait3A_3442 = tpu.memref_slice %arg12[%dma_wait3A_3441] : memref<2048xi32, #tpu.memory_space<vmem>> -> memref<256xi32, #tpu.memory_space<vmem>>
    %dma_wait3A_3443 = arith.constant 0 : i32
    %dma_wait3A_3444 = tpu.memref_slice %arg3[%dma_wait3A_3443] : memref<1048576xf32, #tpu.memory_space<hbm>> -> memref<1048576xf32, #tpu.memory_space<hbm>>
    tpu.wait_indirect_dma semaphore(%arg15 : memref<!tpu.dma_semaphore, #tpu.memory_space<semaphore_mem>>) src(%dma_wait3A_3444 : memref<1048576xf32, #tpu.memory_space<hbm>>) dst(%dma_wait3A_3440 : memref<256xf32, #tpu.memory_space<vmem>>)
    %scan3A_3445 = arith.constant 0 : i32
    %scan3A_3446 = arith.constant 8 : i32
    %mul3A_3447 = arith.constant 16 : i32
    %mul3A_3448 = arith.muli %scan3A_3446, %mul3A_3447 : i32
    %multiple_of3A_3449 = tpu.assume_multiple %mul3A_3448, 16 : i32
    %mul3A_3450 = arith.constant 4 : i32
    %mul3A_3451 = arith.muli %mul3A_3450, %multiple_of3A_3449 : i32
    %get3A_3452 = arith.index_cast %mul3A_3451 : i32 to index
    %get3A_3453 = tpu.vector_load %arg13[%get3A_3452] {strides = array<i32>} : memref<2048xf32, #tpu.memory_space<vmem>>, vector<16xf32>,
    %get3A_3454 = vector.shape_cast %get3A_3453 : vector<16xf32> to vector<16xf32>
    %add3A_3455 = arith.constant 16 : i32
    %add3A_3456 = arith.addi %mul3A_3451, %add3A_3455 : i32
    %get3A_3457 = arith.index_cast %add3A_3456 : i32 to index
    %get3A_3458 = tpu.vector_load %arg13[%get3A_3457] {strides = array<i32>} : memref<2048xf32, #tpu.memory_space<vmem>>, vector<16xf32>,
    %get3A_3459 = vector.shape_cast %get3A_3458 : vector<16xf32> to vector<16xf32>
    %add3A_3460 = arith.constant 32 : i32
    %add3A_3461 = arith.addi %mul3A_3451, %add3A_3460 : i32
    %get3A_3462 = arith.index_cast %add3A_3461 : i32 to index
    %get3A_3463 = tpu.vector_load %arg13[%get3A_3462] {strides = array<i32>} : memref<2048xf32, #tpu.memory_space<vmem>>, vector<16xf32>,
    %get3A_3464 = vector.shape_cast %get3A_3463 : vector<16xf32> to vector<16xf32>
    %add3A_3465 = arith.constant 48 : i32
    %add3A_3466 = arith.addi %mul3A_3451, %add3A_3465 : i32
    %get3A_3467 = arith.index_cast %add3A_3466 : i32 to index
    %get3A_3468 = tpu.vector_load %arg13[%get3A_3467] {strides = array<i32>} : memref<2048xf32, #tpu.memory_space<vmem>>, vector<16xf32>,
    %get3A_3469 = vector.shape_cast %get3A_3468 : vector<16xf32> to vector<16xf32>
    %get3A_3470 = arith.index_cast %multiple_of3A_3449 : i32 to index
    %get3A_3471 = tpu.vector_load %arg8[%get3A_3470] {strides = array<i32>} : memref<512xf32, #tpu.memory_space<vmem>>, vector<16xf32>,
    %get3A_3472 = vector.shape_cast %get3A_3471 : vector<16xf32> to vector<16xf32>
    %get3A_3473 = arith.index_cast %multiple_of3A_3449 : i32 to index
    %get3A_3474 = tpu.vector_load %arg9[%get3A_3473] {strides = array<i32>} : memref<512xf32, #tpu.memory_space<vmem>>, vector<16xf32>,
    %get3A_3475 = vector.shape_cast %get3A_3474 : vector<16xf32> to vector<16xf32>
    %sub3A_3476 = arith.subf %get3A_3459, %get3A_3454 : vector<16xf32>
    %mul3A_3477 = arith.mulf %get3A_3472, %sub3A_3476 : vector<16xf32>
    %add3A_3478 = arith.addf %get3A_3454, %mul3A_3477 : vector<16xf32>
    %sub3A_3479 = arith.subf %get3A_3469, %get3A_3464 : vector<16xf32>
    %mul3A_3480 = arith.mulf %get3A_3472, %sub3A_3479 : vector<16xf32>
    %add3A_3481 = arith.addf %get3A_3464, %mul3A_3480 : vector<16xf32>
    %sub3A_3482 = arith.subf %add3A_3481, %add3A_3478 : vector<16xf32>
    %mul3A_3483 = arith.mulf %get3A_3475, %sub3A_3482 : vector<16xf32>
    %add3A_3484 = arith.addf %add3A_3478, %mul3A_3483 : vector<16xf32>
    %mul3A_3485 = arith.mulf %add3A_3484, %broadcast_in_dim3A : vector<16xf32>
    %add3A_3486 = arith.addf %mul3A_3485, %broadcast_in_dim3A_3062 : vector<16xf32>
    %swap3A_3487 = arith.index_cast %multiple_of3A_3449 : i32 to index
    %swap3A_3488 = tpu.vector_load %arg10[%swap3A_3487] {strides = array<i32>} : memref<512xf32, #tpu.memory_space<vmem>>, vector<16xf32>,
    %swap3A_3489 = vector.shape_cast %swap3A_3488 : vector<16xf32> to vector<16xf32>
    %swap3A_3490 = vector.shape_cast %add3A_3486 : vector<16xf32> to vector<16xf32>
    tpu.vector_store %arg10[%swap3A_3487], %swap3A_3490 {strides = array<i32>} : memref<512xf32, #tpu.memory_space<vmem>>, vector<16xf32>,
    %scan3A_3491 = arith.constant 9 : i32
    %mul3A_3492 = arith.constant 16 : i32
    %mul3A_3493 = arith.muli %scan3A_3491, %mul3A_3492 : i32
    %multiple_of3A_3494 = tpu.assume_multiple %mul3A_3493, 16 : i32
    %mul3A_3495 = arith.constant 4 : i32
    %mul3A_3496 = arith.muli %mul3A_3495, %multiple_of3A_3494 : i32
    %get3A_3497 = arith.index_cast %mul3A_3496 : i32 to index
    %get3A_3498 = tpu.vector_load %arg13[%get3A_3497] {strides = array<i32>} : memref<2048xf32, #tpu.memory_space<vmem>>, vector<16xf32>,
    %get3A_3499 = vector.shape_cast %get3A_3498 : vector<16xf32> to vector<16xf32>
    %add3A_3500 = arith.constant 16 : i32
    %add3A_3501 = arith.addi %mul3A_3496, %add3A_3500 : i32
    %get3A_3502 = arith.index_cast %add3A_3501 : i32 to index
    %get3A_3503 = tpu.vector_load %arg13[%get3A_3502] {strides = array<i32>} : memref<2048xf32, #tpu.memory_space<vmem>>, vector<16xf32>,
    %get3A_3504 = vector.shape_cast %get3A_3503 : vector<16xf32> to vector<16xf32>
    %add3A_3505 = arith.constant 32 : i32
    %add3A_3506 = arith.addi %mul3A_3496, %add3A_3505 : i32
    %get3A_3507 = arith.index_cast %add3A_3506 : i32 to index
    %get3A_3508 = tpu.vector_load %arg13[%get3A_3507] {strides = array<i32>} : memref<2048xf32, #tpu.memory_space<vmem>>, vector<16xf32>,
    %get3A_3509 = vector.shape_cast %get3A_3508 : vector<16xf32> to vector<16xf32>
    %add3A_3510 = arith.constant 48 : i32
    %add3A_3511 = arith.addi %mul3A_3496, %add3A_3510 : i32
    %get3A_3512 = arith.index_cast %add3A_3511 : i32 to index
    %get3A_3513 = tpu.vector_load %arg13[%get3A_3512] {strides = array<i32>} : memref<2048xf32, #tpu.memory_space<vmem>>, vector<16xf32>,
    %get3A_3514 = vector.shape_cast %get3A_3513 : vector<16xf32> to vector<16xf32>
    %get3A_3515 = arith.index_cast %multiple_of3A_3494 : i32 to index
    %get3A_3516 = tpu.vector_load %arg8[%get3A_3515] {strides = array<i32>} : memref<512xf32, #tpu.memory_space<vmem>>, vector<16xf32>,
    %get3A_3517 = vector.shape_cast %get3A_3516 : vector<16xf32> to vector<16xf32>
    %get3A_3518 = arith.index_cast %multiple_of3A_3494 : i32 to index
    %get3A_3519 = tpu.vector_load %arg9[%get3A_3518] {strides = array<i32>} : memref<512xf32, #tpu.memory_space<vmem>>, vector<16xf32>,
    %get3A_3520 = vector.shape_cast %get3A_3519 : vector<16xf32> to vector<16xf32>
    %sub3A_3521 = arith.subf %get3A_3504, %get3A_3499 : vector<16xf32>
    %mul3A_3522 = arith.mulf %get3A_3517, %sub3A_3521 : vector<16xf32>
    %add3A_3523 = arith.addf %get3A_3499, %mul3A_3522 : vector<16xf32>
    %sub3A_3524 = arith.subf %get3A_3514, %get3A_3509 : vector<16xf32>
    %mul3A_3525 = arith.mulf %get3A_3517, %sub3A_3524 : vector<16xf32>
    %add3A_3526 = arith.addf %get3A_3509, %mul3A_3525 : vector<16xf32>
    %sub3A_3527 = arith.subf %add3A_3526, %add3A_3523 : vector<16xf32>
    %mul3A_3528 = arith.mulf %get3A_3520, %sub3A_3527 : vector<16xf32>
    %add3A_3529 = arith.addf %add3A_3523, %mul3A_3528 : vector<16xf32>
    %mul3A_3530 = arith.mulf %add3A_3529, %broadcast_in_dim3A : vector<16xf32>
    %add3A_3531 = arith.addf %mul3A_3530, %broadcast_in_dim3A_3062 : vector<16xf32>
    %swap3A_3532 = arith.index_cast %multiple_of3A_3494 : i32 to index
    %swap3A_3533 = tpu.vector_load %arg10[%swap3A_3532] {strides = array<i32>} : memref<512xf32, #tpu.memory_space<vmem>>, vector<16xf32>,
    %swap3A_3534 = vector.shape_cast %swap3A_3533 : vector<16xf32> to vector<16xf32>
    %swap3A_3535 = vector.shape_cast %add3A_3531 : vector<16xf32> to vector<16xf32>
    tpu.vector_store %arg10[%swap3A_3532], %swap3A_3535 {strides = array<i32>} : memref<512xf32, #tpu.memory_space<vmem>>, vector<16xf32>,
    %scan3A_3536 = arith.constant 10 : i32
    %mul3A_3537 = arith.constant 16 : i32
    %mul3A_3538 = arith.muli %scan3A_3536, %mul3A_3537 : i32
    %multiple_of3A_3539 = tpu.assume_multiple %mul3A_3538, 16 : i32
    %mul3A_3540 = arith.constant 4 : i32
    %mul3A_3541 = arith.muli %mul3A_3540, %multiple_of3A_3539 : i32
    %get3A_3542 = arith.index_cast %mul3A_3541 : i32 to index
    %get3A_3543 = tpu.vector_load %arg13[%get3A_3542] {strides = array<i32>} : memref<2048xf32, #tpu.memory_space<vmem>>, vector<16xf32>,
    %get3A_3544 = vector.shape_cast %get3A_3543 : vector<16xf32> to vector<16xf32>
    %add3A_3545 = arith.constant 16 : i32
    %add3A_3546 = arith.addi %mul3A_3541, %add3A_3545 : i32
    %get3A_3547 = arith.index_cast %add3A_3546 : i32 to index
    %get3A_3548 = tpu.vector_load %arg13[%get3A_3547] {strides = array<i32>} : memref<2048xf32, #tpu.memory_space<vmem>>, vector<16xf32>,
    %get3A_3549 = vector.shape_cast %get3A_3548 : vector<16xf32> to vector<16xf32>
    %add3A_3550 = arith.constant 32 : i32
    %add3A_3551 = arith.addi %mul3A_3541, %add3A_3550 : i32
    %get3A_3552 = arith.index_cast %add3A_3551 : i32 to index
    %get3A_3553 = tpu.vector_load %arg13[%get3A_3552] {strides = array<i32>} : memref<2048xf32, #tpu.memory_space<vmem>>, vector<16xf32>,
    %get3A_3554 = vector.shape_cast %get3A_3553 : vector<16xf32> to vector<16xf32>
    %add3A_3555 = arith.constant 48 : i32
    %add3A_3556 = arith.addi %mul3A_3541, %add3A_3555 : i32
    %get3A_3557 = arith.index_cast %add3A_3556 : i32 to index
    %get3A_3558 = tpu.vector_load %arg13[%get3A_3557] {strides = array<i32>} : memref<2048xf32, #tpu.memory_space<vmem>>, vector<16xf32>,
    %get3A_3559 = vector.shape_cast %get3A_3558 : vector<16xf32> to vector<16xf32>
    %get3A_3560 = arith.index_cast %multiple_of3A_3539 : i32 to index
    %get3A_3561 = tpu.vector_load %arg8[%get3A_3560] {strides = array<i32>} : memref<512xf32, #tpu.memory_space<vmem>>, vector<16xf32>,
    %get3A_3562 = vector.shape_cast %get3A_3561 : vector<16xf32> to vector<16xf32>
    %get3A_3563 = arith.index_cast %multiple_of3A_3539 : i32 to index
    %get3A_3564 = tpu.vector_load %arg9[%get3A_3563] {strides = array<i32>} : memref<512xf32, #tpu.memory_space<vmem>>, vector<16xf32>,
    %get3A_3565 = vector.shape_cast %get3A_3564 : vector<16xf32> to vector<16xf32>
    %sub3A_3566 = arith.subf %get3A_3549, %get3A_3544 : vector<16xf32>
    %mul3A_3567 = arith.mulf %get3A_3562, %sub3A_3566 : vector<16xf32>
    %add3A_3568 = arith.addf %get3A_3544, %mul3A_3567 : vector<16xf32>
    %sub3A_3569 = arith.subf %get3A_3559, %get3A_3554 : vector<16xf32>
    %mul3A_3570 = arith.mulf %get3A_3562, %sub3A_3569 : vector<16xf32>
    %add3A_3571 = arith.addf %get3A_3554, %mul3A_3570 : vector<16xf32>
    %sub3A_3572 = arith.subf %add3A_3571, %add3A_3568 : vector<16xf32>
    %mul3A_3573 = arith.mulf %get3A_3565, %sub3A_3572 : vector<16xf32>
    %add3A_3574 = arith.addf %add3A_3568, %mul3A_3573 : vector<16xf32>
    %mul3A_3575 = arith.mulf %add3A_3574, %broadcast_in_dim3A : vector<16xf32>
    %add3A_3576 = arith.addf %mul3A_3575, %broadcast_in_dim3A_3062 : vector<16xf32>
    %swap3A_3577 = arith.index_cast %multiple_of3A_3539 : i32 to index
    %swap3A_3578 = tpu.vector_load %arg10[%swap3A_3577] {strides = array<i32>} : memref<512xf32, #tpu.memory_space<vmem>>, vector<16xf32>,
    %swap3A_3579 = vector.shape_cast %swap3A_3578 : vector<16xf32> to vector<16xf32>
    %swap3A_3580 = vector.shape_cast %add3A_3576 : vector<16xf32> to vector<16xf32>
    tpu.vector_store %arg10[%swap3A_3577], %swap3A_3580 {strides = array<i32>} : memref<512xf32, #tpu.memory_space<vmem>>, vector<16xf32>,
    %scan3A_3581 = arith.constant 11 : i32
    %mul3A_3582 = arith.constant 16 : i32
    %mul3A_3583 = arith.muli %scan3A_3581, %mul3A_3582 : i32
    %multiple_of3A_3584 = tpu.assume_multiple %mul3A_3583, 16 : i32
    %mul3A_3585 = arith.constant 4 : i32
    %mul3A_3586 = arith.muli %mul3A_3585, %multiple_of3A_3584 : i32
    %get3A_3587 = arith.index_cast %mul3A_3586 : i32 to index
    %get3A_3588 = tpu.vector_load %arg13[%get3A_3587] {strides = array<i32>} : memref<2048xf32, #tpu.memory_space<vmem>>, vector<16xf32>,
    %get3A_3589 = vector.shape_cast %get3A_3588 : vector<16xf32> to vector<16xf32>
    %add3A_3590 = arith.constant 16 : i32
    %add3A_3591 = arith.addi %mul3A_3586, %add3A_3590 : i32
    %get3A_3592 = arith.index_cast %add3A_3591 : i32 to index
    %get3A_3593 = tpu.vector_load %arg13[%get3A_3592] {strides = array<i32>} : memref<2048xf32, #tpu.memory_space<vmem>>, vector<16xf32>,
    %get3A_3594 = vector.shape_cast %get3A_3593 : vector<16xf32> to vector<16xf32>
    %add3A_3595 = arith.constant 32 : i32
    %add3A_3596 = arith.addi %mul3A_3586, %add3A_3595 : i32
    %get3A_3597 = arith.index_cast %add3A_3596 : i32 to index
    %get3A_3598 = tpu.vector_load %arg13[%get3A_3597] {strides = array<i32>} : memref<2048xf32, #tpu.memory_space<vmem>>, vector<16xf32>,
    %get3A_3599 = vector.shape_cast %get3A_3598 : vector<16xf32> to vector<16xf32>
    %add3A_3600 = arith.constant 48 : i32
    %add3A_3601 = arith.addi %mul3A_3586, %add3A_3600 : i32
    %get3A_3602 = arith.index_cast %add3A_3601 : i32 to index
    %get3A_3603 = tpu.vector_load %arg13[%get3A_3602] {strides = array<i32>} : memref<2048xf32, #tpu.memory_space<vmem>>, vector<16xf32>,
    %get3A_3604 = vector.shape_cast %get3A_3603 : vector<16xf32> to vector<16xf32>
    %get3A_3605 = arith.index_cast %multiple_of3A_3584 : i32 to index
    %get3A_3606 = tpu.vector_load %arg8[%get3A_3605] {strides = array<i32>} : memref<512xf32, #tpu.memory_space<vmem>>, vector<16xf32>,
    %get3A_3607 = vector.shape_cast %get3A_3606 : vector<16xf32> to vector<16xf32>
    %get3A_3608 = arith.index_cast %multiple_of3A_3584 : i32 to index
    %get3A_3609 = tpu.vector_load %arg9[%get3A_3608] {strides = array<i32>} : memref<512xf32, #tpu.memory_space<vmem>>, vector<16xf32>,
    %get3A_3610 = vector.shape_cast %get3A_3609 : vector<16xf32> to vector<16xf32>
    %sub3A_3611 = arith.subf %get3A_3594, %get3A_3589 : vector<16xf32>
    %mul3A_3612 = arith.mulf %get3A_3607, %sub3A_3611 : vector<16xf32>
    %add3A_3613 = arith.addf %get3A_3589, %mul3A_3612 : vector<16xf32>
    %sub3A_3614 = arith.subf %get3A_3604, %get3A_3599 : vector<16xf32>
    %mul3A_3615 = arith.mulf %get3A_3607, %sub3A_3614 : vector<16xf32>
    %add3A_3616 = arith.addf %get3A_3599, %mul3A_3615 : vector<16xf32>
    %sub3A_3617 = arith.subf %add3A_3616, %add3A_3613 : vector<16xf32>
    %mul3A_3618 = arith.mulf %get3A_3610, %sub3A_3617 : vector<16xf32>
    %add3A_3619 = arith.addf %add3A_3613, %mul3A_3618 : vector<16xf32>
    %mul3A_3620 = arith.mulf %add3A_3619, %broadcast_in_dim3A : vector<16xf32>
    %add3A_3621 = arith.addf %mul3A_3620, %broadcast_in_dim3A_3062 : vector<16xf32>
    %swap3A_3622 = arith.index_cast %multiple_of3A_3584 : i32 to index
    %swap3A_3623 = tpu.vector_load %arg10[%swap3A_3622] {strides = array<i32>} : memref<512xf32, #tpu.memory_space<vmem>>, vector<16xf32>,
    %swap3A_3624 = vector.shape_cast %swap3A_3623 : vector<16xf32> to vector<16xf32>
    %swap3A_3625 = vector.shape_cast %add3A_3621 : vector<16xf32> to vector<16xf32>
    tpu.vector_store %arg10[%swap3A_3622], %swap3A_3625 {strides = array<i32>} : memref<512xf32, #tpu.memory_space<vmem>>, vector<16xf32>,
    %scan3A_3626 = arith.constant 4 : i32
    %dma_wait3A_3627 = arith.constant 768 : i32
    %dma_wait3A_3628 = tpu.memref_slice %arg13[%dma_wait3A_3627] : memref<2048xf32, #tpu.memory_space<vmem>> -> memref<256xf32, #tpu.memory_space<vmem>>
    %dma_wait3A_3629 = arith.constant 768 : i32
    %dma_wait3A_3630 = tpu.memref_slice %arg12[%dma_wait3A_3629] : memref<2048xi32, #tpu.memory_space<vmem>> -> memref<256xi32, #tpu.memory_space<vmem>>
    %dma_wait3A_3631 = arith.constant 0 : i32
    %dma_wait3A_3632 = tpu.memref_slice %arg3[%dma_wait3A_3631] : memref<1048576xf32, #tpu.memory_space<hbm>> -> memref<1048576xf32, #tpu.memory_space<hbm>>
    tpu.wait_indirect_dma semaphore(%arg16 : memref<!tpu.dma_semaphore, #tpu.memory_space<semaphore_mem>>) src(%dma_wait3A_3632 : memref<1048576xf32, #tpu.memory_space<hbm>>) dst(%dma_wait3A_3628 : memref<256xf32, #tpu.memory_space<vmem>>)
    %scan3A_3633 = arith.constant 0 : i32
    %scan3A_3634 = arith.constant 12 : i32
    %mul3A_3635 = arith.constant 16 : i32
    %mul3A_3636 = arith.muli %scan3A_3634, %mul3A_3635 : i32
    %multiple_of3A_3637 = tpu.assume_multiple %mul3A_3636, 16 : i32
    %mul3A_3638 = arith.constant 4 : i32
    %mul3A_3639 = arith.muli %mul3A_3638, %multiple_of3A_3637 : i32
    %get3A_3640 = arith.index_cast %mul3A_3639 : i32 to index
    %get3A_3641 = tpu.vector_load %arg13[%get3A_3640] {strides = array<i32>} : memref<2048xf32, #tpu.memory_space<vmem>>, vector<16xf32>,
    %get3A_3642 = vector.shape_cast %get3A_3641 : vector<16xf32> to vector<16xf32>
    %add3A_3643 = arith.constant 16 : i32
    %add3A_3644 = arith.addi %mul3A_3639, %add3A_3643 : i32
    %get3A_3645 = arith.index_cast %add3A_3644 : i32 to index
    %get3A_3646 = tpu.vector_load %arg13[%get3A_3645] {strides = array<i32>} : memref<2048xf32, #tpu.memory_space<vmem>>, vector<16xf32>,
    %get3A_3647 = vector.shape_cast %get3A_3646 : vector<16xf32> to vector<16xf32>
    %add3A_3648 = arith.constant 32 : i32
    %add3A_3649 = arith.addi %mul3A_3639, %add3A_3648 : i32
    %get3A_3650 = arith.index_cast %add3A_3649 : i32 to index
    %get3A_3651 = tpu.vector_load %arg13[%get3A_3650] {strides = array<i32>} : memref<2048xf32, #tpu.memory_space<vmem>>, vector<16xf32>,
    %get3A_3652 = vector.shape_cast %get3A_3651 : vector<16xf32> to vector<16xf32>
    %add3A_3653 = arith.constant 48 : i32
    %add3A_3654 = arith.addi %mul3A_3639, %add3A_3653 : i32
    %get3A_3655 = arith.index_cast %add3A_3654 : i32 to index
    %get3A_3656 = tpu.vector_load %arg13[%get3A_3655] {strides = array<i32>} : memref<2048xf32, #tpu.memory_space<vmem>>, vector<16xf32>,
    %get3A_3657 = vector.shape_cast %get3A_3656 : vector<16xf32> to vector<16xf32>
    %get3A_3658 = arith.index_cast %multiple_of3A_3637 : i32 to index
    %get3A_3659 = tpu.vector_load %arg8[%get3A_3658] {strides = array<i32>} : memref<512xf32, #tpu.memory_space<vmem>>, vector<16xf32>,
    %get3A_3660 = vector.shape_cast %get3A_3659 : vector<16xf32> to vector<16xf32>
    %get3A_3661 = arith.index_cast %multiple_of3A_3637 : i32 to index
    %get3A_3662 = tpu.vector_load %arg9[%get3A_3661] {strides = array<i32>} : memref<512xf32, #tpu.memory_space<vmem>>, vector<16xf32>,
    %get3A_3663 = vector.shape_cast %get3A_3662 : vector<16xf32> to vector<16xf32>
    %sub3A_3664 = arith.subf %get3A_3647, %get3A_3642 : vector<16xf32>
    %mul3A_3665 = arith.mulf %get3A_3660, %sub3A_3664 : vector<16xf32>
    %add3A_3666 = arith.addf %get3A_3642, %mul3A_3665 : vector<16xf32>
    %sub3A_3667 = arith.subf %get3A_3657, %get3A_3652 : vector<16xf32>
    %mul3A_3668 = arith.mulf %get3A_3660, %sub3A_3667 : vector<16xf32>
    %add3A_3669 = arith.addf %get3A_3652, %mul3A_3668 : vector<16xf32>
    %sub3A_3670 = arith.subf %add3A_3669, %add3A_3666 : vector<16xf32>
    %mul3A_3671 = arith.mulf %get3A_3663, %sub3A_3670 : vector<16xf32>
    %add3A_3672 = arith.addf %add3A_3666, %mul3A_3671 : vector<16xf32>
    %mul3A_3673 = arith.mulf %add3A_3672, %broadcast_in_dim3A : vector<16xf32>
    %add3A_3674 = arith.addf %mul3A_3673, %broadcast_in_dim3A_3062 : vector<16xf32>
    %swap3A_3675 = arith.index_cast %multiple_of3A_3637 : i32 to index
    %swap3A_3676 = tpu.vector_load %arg10[%swap3A_3675] {strides = array<i32>} : memref<512xf32, #tpu.memory_space<vmem>>, vector<16xf32>,
    %swap3A_3677 = vector.shape_cast %swap3A_3676 : vector<16xf32> to vector<16xf32>
    %swap3A_3678 = vector.shape_cast %add3A_3674 : vector<16xf32> to vector<16xf32>
    tpu.vector_store %arg10[%swap3A_3675], %swap3A_3678 {strides = array<i32>} : memref<512xf32, #tpu.memory_space<vmem>>, vector<16xf32>,
    %scan3A_3679 = arith.constant 13 : i32
    %mul3A_3680 = arith.constant 16 : i32
    %mul3A_3681 = arith.muli %scan3A_3679, %mul3A_3680 : i32
    %multiple_of3A_3682 = tpu.assume_multiple %mul3A_3681, 16 : i32
    %mul3A_3683 = arith.constant 4 : i32
    %mul3A_3684 = arith.muli %mul3A_3683, %multiple_of3A_3682 : i32
    %get3A_3685 = arith.index_cast %mul3A_3684 : i32 to index
    %get3A_3686 = tpu.vector_load %arg13[%get3A_3685] {strides = array<i32>} : memref<2048xf32, #tpu.memory_space<vmem>>, vector<16xf32>,
    %get3A_3687 = vector.shape_cast %get3A_3686 : vector<16xf32> to vector<16xf32>
    %add3A_3688 = arith.constant 16 : i32
    %add3A_3689 = arith.addi %mul3A_3684, %add3A_3688 : i32
    %get3A_3690 = arith.index_cast %add3A_3689 : i32 to index
    %get3A_3691 = tpu.vector_load %arg13[%get3A_3690] {strides = array<i32>} : memref<2048xf32, #tpu.memory_space<vmem>>, vector<16xf32>,
    %get3A_3692 = vector.shape_cast %get3A_3691 : vector<16xf32> to vector<16xf32>
    %add3A_3693 = arith.constant 32 : i32
    %add3A_3694 = arith.addi %mul3A_3684, %add3A_3693 : i32
    %get3A_3695 = arith.index_cast %add3A_3694 : i32 to index
    %get3A_3696 = tpu.vector_load %arg13[%get3A_3695] {strides = array<i32>} : memref<2048xf32, #tpu.memory_space<vmem>>, vector<16xf32>,
    %get3A_3697 = vector.shape_cast %get3A_3696 : vector<16xf32> to vector<16xf32>
    %add3A_3698 = arith.constant 48 : i32
    %add3A_3699 = arith.addi %mul3A_3684, %add3A_3698 : i32
    %get3A_3700 = arith.index_cast %add3A_3699 : i32 to index
    %get3A_3701 = tpu.vector_load %arg13[%get3A_3700] {strides = array<i32>} : memref<2048xf32, #tpu.memory_space<vmem>>, vector<16xf32>,
    %get3A_3702 = vector.shape_cast %get3A_3701 : vector<16xf32> to vector<16xf32>
    %get3A_3703 = arith.index_cast %multiple_of3A_3682 : i32 to index
    %get3A_3704 = tpu.vector_load %arg8[%get3A_3703] {strides = array<i32>} : memref<512xf32, #tpu.memory_space<vmem>>, vector<16xf32>,
    %get3A_3705 = vector.shape_cast %get3A_3704 : vector<16xf32> to vector<16xf32>
    %get3A_3706 = arith.index_cast %multiple_of3A_3682 : i32 to index
    %get3A_3707 = tpu.vector_load %arg9[%get3A_3706] {strides = array<i32>} : memref<512xf32, #tpu.memory_space<vmem>>, vector<16xf32>,
    %get3A_3708 = vector.shape_cast %get3A_3707 : vector<16xf32> to vector<16xf32>
    %sub3A_3709 = arith.subf %get3A_3692, %get3A_3687 : vector<16xf32>
    %mul3A_3710 = arith.mulf %get3A_3705, %sub3A_3709 : vector<16xf32>
    %add3A_3711 = arith.addf %get3A_3687, %mul3A_3710 : vector<16xf32>
    %sub3A_3712 = arith.subf %get3A_3702, %get3A_3697 : vector<16xf32>
    %mul3A_3713 = arith.mulf %get3A_3705, %sub3A_3712 : vector<16xf32>
    %add3A_3714 = arith.addf %get3A_3697, %mul3A_3713 : vector<16xf32>
    %sub3A_3715 = arith.subf %add3A_3714, %add3A_3711 : vector<16xf32>
    %mul3A_3716 = arith.mulf %get3A_3708, %sub3A_3715 : vector<16xf32>
    %add3A_3717 = arith.addf %add3A_3711, %mul3A_3716 : vector<16xf32>
    %mul3A_3718 = arith.mulf %add3A_3717, %broadcast_in_dim3A : vector<16xf32>
    %add3A_3719 = arith.addf %mul3A_3718, %broadcast_in_dim3A_3062 : vector<16xf32>
    %swap3A_3720 = arith.index_cast %multiple_of3A_3682 : i32 to index
    %swap3A_3721 = tpu.vector_load %arg10[%swap3A_3720] {strides = array<i32>} : memref<512xf32, #tpu.memory_space<vmem>>, vector<16xf32>,
    %swap3A_3722 = vector.shape_cast %swap3A_3721 : vector<16xf32> to vector<16xf32>
    %swap3A_3723 = vector.shape_cast %add3A_3719 : vector<16xf32> to vector<16xf32>
    tpu.vector_store %arg10[%swap3A_3720], %swap3A_3723 {strides = array<i32>} : memref<512xf32, #tpu.memory_space<vmem>>, vector<16xf32>,
    %scan3A_3724 = arith.constant 14 : i32
    %mul3A_3725 = arith.constant 16 : i32
    %mul3A_3726 = arith.muli %scan3A_3724, %mul3A_3725 : i32
    %multiple_of3A_3727 = tpu.assume_multiple %mul3A_3726, 16 : i32
    %mul3A_3728 = arith.constant 4 : i32
    %mul3A_3729 = arith.muli %mul3A_3728, %multiple_of3A_3727 : i32
    %get3A_3730 = arith.index_cast %mul3A_3729 : i32 to index
    %get3A_3731 = tpu.vector_load %arg13[%get3A_3730] {strides = array<i32>} : memref<2048xf32, #tpu.memory_space<vmem>>, vector<16xf32>,
    %get3A_3732 = vector.shape_cast %get3A_3731 : vector<16xf32> to vector<16xf32>
    %add3A_3733 = arith.constant 16 : i32
    %add3A_3734 = arith.addi %mul3A_3729, %add3A_3733 : i32
    %get3A_3735 = arith.index_cast %add3A_3734 : i32 to index
    %get3A_3736 = tpu.vector_load %arg13[%get3A_3735] {strides = array<i32>} : memref<2048xf32, #tpu.memory_space<vmem>>, vector<16xf32>,
    %get3A_3737 = vector.shape_cast %get3A_3736 : vector<16xf32> to vector<16xf32>
    %add3A_3738 = arith.constant 32 : i32
    %add3A_3739 = arith.addi %mul3A_3729, %add3A_3738 : i32
    %get3A_3740 = arith.index_cast %add3A_3739 : i32 to index
    %get3A_3741 = tpu.vector_load %arg13[%get3A_3740] {strides = array<i32>} : memref<2048xf32, #tpu.memory_space<vmem>>, vector<16xf32>,
    %get3A_3742 = vector.shape_cast %get3A_3741 : vector<16xf32> to vector<16xf32>
    %add3A_3743 = arith.constant 48 : i32
    %add3A_3744 = arith.addi %mul3A_3729, %add3A_3743 : i32
    %get3A_3745 = arith.index_cast %add3A_3744 : i32 to index
    %get3A_3746 = tpu.vector_load %arg13[%get3A_3745] {strides = array<i32>} : memref<2048xf32, #tpu.memory_space<vmem>>, vector<16xf32>,
    %get3A_3747 = vector.shape_cast %get3A_3746 : vector<16xf32> to vector<16xf32>
    %get3A_3748 = arith.index_cast %multiple_of3A_3727 : i32 to index
    %get3A_3749 = tpu.vector_load %arg8[%get3A_3748] {strides = array<i32>} : memref<512xf32, #tpu.memory_space<vmem>>, vector<16xf32>,
    %get3A_3750 = vector.shape_cast %get3A_3749 : vector<16xf32> to vector<16xf32>
    %get3A_3751 = arith.index_cast %multiple_of3A_3727 : i32 to index
    %get3A_3752 = tpu.vector_load %arg9[%get3A_3751] {strides = array<i32>} : memref<512xf32, #tpu.memory_space<vmem>>, vector<16xf32>,
    %get3A_3753 = vector.shape_cast %get3A_3752 : vector<16xf32> to vector<16xf32>
    %sub3A_3754 = arith.subf %get3A_3737, %get3A_3732 : vector<16xf32>
    %mul3A_3755 = arith.mulf %get3A_3750, %sub3A_3754 : vector<16xf32>
    %add3A_3756 = arith.addf %get3A_3732, %mul3A_3755 : vector<16xf32>
    %sub3A_3757 = arith.subf %get3A_3747, %get3A_3742 : vector<16xf32>
    %mul3A_3758 = arith.mulf %get3A_3750, %sub3A_3757 : vector<16xf32>
    %add3A_3759 = arith.addf %get3A_3742, %mul3A_3758 : vector<16xf32>
    %sub3A_3760 = arith.subf %add3A_3759, %add3A_3756 : vector<16xf32>
    %mul3A_3761 = arith.mulf %get3A_3753, %sub3A_3760 : vector<16xf32>
    %add3A_3762 = arith.addf %add3A_3756, %mul3A_3761 : vector<16xf32>
    %mul3A_3763 = arith.mulf %add3A_3762, %broadcast_in_dim3A : vector<16xf32>
    %add3A_3764 = arith.addf %mul3A_3763, %broadcast_in_dim3A_3062 : vector<16xf32>
    %swap3A_3765 = arith.index_cast %multiple_of3A_3727 : i32 to index
    %swap3A_3766 = tpu.vector_load %arg10[%swap3A_3765] {strides = array<i32>} : memref<512xf32, #tpu.memory_space<vmem>>, vector<16xf32>,
    %swap3A_3767 = vector.shape_cast %swap3A_3766 : vector<16xf32> to vector<16xf32>
    %swap3A_3768 = vector.shape_cast %add3A_3764 : vector<16xf32> to vector<16xf32>
    tpu.vector_store %arg10[%swap3A_3765], %swap3A_3768 {strides = array<i32>} : memref<512xf32, #tpu.memory_space<vmem>>, vector<16xf32>,
    %scan3A_3769 = arith.constant 15 : i32
    %mul3A_3770 = arith.constant 16 : i32
    %mul3A_3771 = arith.muli %scan3A_3769, %mul3A_3770 : i32
    %multiple_of3A_3772 = tpu.assume_multiple %mul3A_3771, 16 : i32
    %mul3A_3773 = arith.constant 4 : i32
    %mul3A_3774 = arith.muli %mul3A_3773, %multiple_of3A_3772 : i32
    %get3A_3775 = arith.index_cast %mul3A_3774 : i32 to index
    %get3A_3776 = tpu.vector_load %arg13[%get3A_3775] {strides = array<i32>} : memref<2048xf32, #tpu.memory_space<vmem>>, vector<16xf32>,
    %get3A_3777 = vector.shape_cast %get3A_3776 : vector<16xf32> to vector<16xf32>
    %add3A_3778 = arith.constant 16 : i32
    %add3A_3779 = arith.addi %mul3A_3774, %add3A_3778 : i32
    %get3A_3780 = arith.index_cast %add3A_3779 : i32 to index
    %get3A_3781 = tpu.vector_load %arg13[%get3A_3780] {strides = array<i32>} : memref<2048xf32, #tpu.memory_space<vmem>>, vector<16xf32>,
    %get3A_3782 = vector.shape_cast %get3A_3781 : vector<16xf32> to vector<16xf32>
    %add3A_3783 = arith.constant 32 : i32
    %add3A_3784 = arith.addi %mul3A_3774, %add3A_3783 : i32
    %get3A_3785 = arith.index_cast %add3A_3784 : i32 to index
    %get3A_3786 = tpu.vector_load %arg13[%get3A_3785] {strides = array<i32>} : memref<2048xf32, #tpu.memory_space<vmem>>, vector<16xf32>,
    %get3A_3787 = vector.shape_cast %get3A_3786 : vector<16xf32> to vector<16xf32>
    %add3A_3788 = arith.constant 48 : i32
    %add3A_3789 = arith.addi %mul3A_3774, %add3A_3788 : i32
    %get3A_3790 = arith.index_cast %add3A_3789 : i32 to index
    %get3A_3791 = tpu.vector_load %arg13[%get3A_3790] {strides = array<i32>} : memref<2048xf32, #tpu.memory_space<vmem>>, vector<16xf32>,
    %get3A_3792 = vector.shape_cast %get3A_3791 : vector<16xf32> to vector<16xf32>
    %get3A_3793 = arith.index_cast %multiple_of3A_3772 : i32 to index
    %get3A_3794 = tpu.vector_load %arg8[%get3A_3793] {strides = array<i32>} : memref<512xf32, #tpu.memory_space<vmem>>, vector<16xf32>,
    %get3A_3795 = vector.shape_cast %get3A_3794 : vector<16xf32> to vector<16xf32>
    %get3A_3796 = arith.index_cast %multiple_of3A_3772 : i32 to index
    %get3A_3797 = tpu.vector_load %arg9[%get3A_3796] {strides = array<i32>} : memref<512xf32, #tpu.memory_space<vmem>>, vector<16xf32>,
    %get3A_3798 = vector.shape_cast %get3A_3797 : vector<16xf32> to vector<16xf32>
    %sub3A_3799 = arith.subf %get3A_3782, %get3A_3777 : vector<16xf32>
    %mul3A_3800 = arith.mulf %get3A_3795, %sub3A_3799 : vector<16xf32>
    %add3A_3801 = arith.addf %get3A_3777, %mul3A_3800 : vector<16xf32>
    %sub3A_3802 = arith.subf %get3A_3792, %get3A_3787 : vector<16xf32>
    %mul3A_3803 = arith.mulf %get3A_3795, %sub3A_3802 : vector<16xf32>
    %add3A_3804 = arith.addf %get3A_3787, %mul3A_3803 : vector<16xf32>
    %sub3A_3805 = arith.subf %add3A_3804, %add3A_3801 : vector<16xf32>
    %mul3A_3806 = arith.mulf %get3A_3798, %sub3A_3805 : vector<16xf32>
    %add3A_3807 = arith.addf %add3A_3801, %mul3A_3806 : vector<16xf32>
    %mul3A_3808 = arith.mulf %add3A_3807, %broadcast_in_dim3A : vector<16xf32>
    %add3A_3809 = arith.addf %mul3A_3808, %broadcast_in_dim3A_3062 : vector<16xf32>
    %swap3A_3810 = arith.index_cast %multiple_of3A_3772 : i32 to index
    %swap3A_3811 = tpu.vector_load %arg10[%swap3A_3810] {strides = array<i32>} : memref<512xf32, #tpu.memory_space<vmem>>, vector<16xf32>,
    %swap3A_3812 = vector.shape_cast %swap3A_3811 : vector<16xf32> to vector<16xf32>
    %swap3A_3813 = vector.shape_cast %add3A_3809 : vector<16xf32> to vector<16xf32>
    tpu.vector_store %arg10[%swap3A_3810], %swap3A_3813 {strides = array<i32>} : memref<512xf32, #tpu.memory_space<vmem>>, vector<16xf32>,
    %scan3A_3814 = arith.constant 4 : i32
    %dma_start3A_3815 = arith.constant 0 : i32
    %dma_start3A_3816 = tpu.memref_slice %arg10[%dma_start3A_3815] : memref<512xf32, #tpu.memory_space<vmem>> -> memref<256xf32, #tpu.memory_space<vmem>>
    %dma_start3A_3817 = tpu.memref_slice %arg6[%mul3A_2] : memref<16384xf32, #tpu.memory_space<hbm>> -> memref<256xf32, #tpu.memory_space<hbm>>
    %dma_start3A_3818 = tpu.memref_slice %arg6[%mul3A_2] : memref<16384xf32, #tpu.memory_space<hbm>> -> memref<256xf32, #tpu.memory_space<hbm>>
    %dma_start3A_3819 = arith.constant 0 : i32
    %dma_start3A_3820 = tpu.memref_slice %arg10[%dma_start3A_3819] : memref<512xf32, #tpu.memory_space<vmem>> -> memref<256xf32, #tpu.memory_space<vmem>>
    tpu.enqueue_dma source(%dma_start3A_3820 : memref<256xf32, #tpu.memory_space<vmem>>) target(%dma_start3A_3818 : memref<256xf32, #tpu.memory_space<hbm>>) target_semaphore(%arg14 : memref<!tpu.dma_semaphore, #tpu.memory_space<semaphore_mem>>)
    %dma_wait3A_3821 = arith.constant 1024 : i32
    %dma_wait3A_3822 = tpu.memref_slice %arg13[%dma_wait3A_3821] : memref<2048xf32, #tpu.memory_space<vmem>> -> memref<256xf32, #tpu.memory_space<vmem>>
    %dma_wait3A_3823 = arith.constant 1024 : i32
    %dma_wait3A_3824 = tpu.memref_slice %arg12[%dma_wait3A_3823] : memref<2048xi32, #tpu.memory_space<vmem>> -> memref<256xi32, #tpu.memory_space<vmem>>
    %dma_wait3A_3825 = arith.constant 0 : i32
    %dma_wait3A_3826 = tpu.memref_slice %arg3[%dma_wait3A_3825] : memref<1048576xf32, #tpu.memory_space<hbm>> -> memref<1048576xf32, #tpu.memory_space<hbm>>
    tpu.wait_indirect_dma semaphore(%arg15 : memref<!tpu.dma_semaphore, #tpu.memory_space<semaphore_mem>>) src(%dma_wait3A_3826 : memref<1048576xf32, #tpu.memory_space<hbm>>) dst(%dma_wait3A_3822 : memref<256xf32, #tpu.memory_space<vmem>>)
    %scan3A_3827 = arith.constant 0 : i32
    %scan3A_3828 = arith.constant 16 : i32
    %mul3A_3829 = arith.constant 16 : i32
    %mul3A_3830 = arith.muli %scan3A_3828, %mul3A_3829 : i32
    %multiple_of3A_3831 = tpu.assume_multiple %mul3A_3830, 16 : i32
    %mul3A_3832 = arith.constant 4 : i32
    %mul3A_3833 = arith.muli %mul3A_3832, %multiple_of3A_3831 : i32
    %get3A_3834 = arith.index_cast %mul3A_3833 : i32 to index
    %get3A_3835 = tpu.vector_load %arg13[%get3A_3834] {strides = array<i32>} : memref<2048xf32, #tpu.memory_space<vmem>>, vector<16xf32>,
    %get3A_3836 = vector.shape_cast %get3A_3835 : vector<16xf32> to vector<16xf32>
    %add3A_3837 = arith.constant 16 : i32
    %add3A_3838 = arith.addi %mul3A_3833, %add3A_3837 : i32
    %get3A_3839 = arith.index_cast %add3A_3838 : i32 to index
    %get3A_3840 = tpu.vector_load %arg13[%get3A_3839] {strides = array<i32>} : memref<2048xf32, #tpu.memory_space<vmem>>, vector<16xf32>,
    %get3A_3841 = vector.shape_cast %get3A_3840 : vector<16xf32> to vector<16xf32>
    %add3A_3842 = arith.constant 32 : i32
    %add3A_3843 = arith.addi %mul3A_3833, %add3A_3842 : i32
    %get3A_3844 = arith.index_cast %add3A_3843 : i32 to index
    %get3A_3845 = tpu.vector_load %arg13[%get3A_3844] {strides = array<i32>} : memref<2048xf32, #tpu.memory_space<vmem>>, vector<16xf32>,
    %get3A_3846 = vector.shape_cast %get3A_3845 : vector<16xf32> to vector<16xf32>
    %add3A_3847 = arith.constant 48 : i32
    %add3A_3848 = arith.addi %mul3A_3833, %add3A_3847 : i32
    %get3A_3849 = arith.index_cast %add3A_3848 : i32 to index
    %get3A_3850 = tpu.vector_load %arg13[%get3A_3849] {strides = array<i32>} : memref<2048xf32, #tpu.memory_space<vmem>>, vector<16xf32>,
    %get3A_3851 = vector.shape_cast %get3A_3850 : vector<16xf32> to vector<16xf32>
    %get3A_3852 = arith.index_cast %multiple_of3A_3831 : i32 to index
    %get3A_3853 = tpu.vector_load %arg8[%get3A_3852] {strides = array<i32>} : memref<512xf32, #tpu.memory_space<vmem>>, vector<16xf32>,
    %get3A_3854 = vector.shape_cast %get3A_3853 : vector<16xf32> to vector<16xf32>
    %get3A_3855 = arith.index_cast %multiple_of3A_3831 : i32 to index
    %get3A_3856 = tpu.vector_load %arg9[%get3A_3855] {strides = array<i32>} : memref<512xf32, #tpu.memory_space<vmem>>, vector<16xf32>,
    %get3A_3857 = vector.shape_cast %get3A_3856 : vector<16xf32> to vector<16xf32>
    %sub3A_3858 = arith.subf %get3A_3841, %get3A_3836 : vector<16xf32>
    %mul3A_3859 = arith.mulf %get3A_3854, %sub3A_3858 : vector<16xf32>
    %add3A_3860 = arith.addf %get3A_3836, %mul3A_3859 : vector<16xf32>
    %sub3A_3861 = arith.subf %get3A_3851, %get3A_3846 : vector<16xf32>
    %mul3A_3862 = arith.mulf %get3A_3854, %sub3A_3861 : vector<16xf32>
    %add3A_3863 = arith.addf %get3A_3846, %mul3A_3862 : vector<16xf32>
    %sub3A_3864 = arith.subf %add3A_3863, %add3A_3860 : vector<16xf32>
    %mul3A_3865 = arith.mulf %get3A_3857, %sub3A_3864 : vector<16xf32>
    %add3A_3866 = arith.addf %add3A_3860, %mul3A_3865 : vector<16xf32>
    %mul3A_3867 = arith.mulf %add3A_3866, %broadcast_in_dim3A : vector<16xf32>
    %add3A_3868 = arith.addf %mul3A_3867, %broadcast_in_dim3A_3062 : vector<16xf32>
    %swap3A_3869 = arith.index_cast %multiple_of3A_3831 : i32 to index
    %swap3A_3870 = tpu.vector_load %arg10[%swap3A_3869] {strides = array<i32>} : memref<512xf32, #tpu.memory_space<vmem>>, vector<16xf32>,
    %swap3A_3871 = vector.shape_cast %swap3A_3870 : vector<16xf32> to vector<16xf32>
    %swap3A_3872 = vector.shape_cast %add3A_3868 : vector<16xf32> to vector<16xf32>
    tpu.vector_store %arg10[%swap3A_3869], %swap3A_3872 {strides = array<i32>} : memref<512xf32, #tpu.memory_space<vmem>>, vector<16xf32>,
    %scan3A_3873 = arith.constant 17 : i32
    %mul3A_3874 = arith.constant 16 : i32
    %mul3A_3875 = arith.muli %scan3A_3873, %mul3A_3874 : i32
    %multiple_of3A_3876 = tpu.assume_multiple %mul3A_3875, 16 : i32
    %mul3A_3877 = arith.constant 4 : i32
    %mul3A_3878 = arith.muli %mul3A_3877, %multiple_of3A_3876 : i32
    %get3A_3879 = arith.index_cast %mul3A_3878 : i32 to index
    %get3A_3880 = tpu.vector_load %arg13[%get3A_3879] {strides = array<i32>} : memref<2048xf32, #tpu.memory_space<vmem>>, vector<16xf32>,
    %get3A_3881 = vector.shape_cast %get3A_3880 : vector<16xf32> to vector<16xf32>
    %add3A_3882 = arith.constant 16 : i32
    %add3A_3883 = arith.addi %mul3A_3878, %add3A_3882 : i32
    %get3A_3884 = arith.index_cast %add3A_3883 : i32 to index
    %get3A_3885 = tpu.vector_load %arg13[%get3A_3884] {strides = array<i32>} : memref<2048xf32, #tpu.memory_space<vmem>>, vector<16xf32>,
    %get3A_3886 = vector.shape_cast %get3A_3885 : vector<16xf32> to vector<16xf32>
    %add3A_3887 = arith.constant 32 : i32
    %add3A_3888 = arith.addi %mul3A_3878, %add3A_3887 : i32
    %get3A_3889 = arith.index_cast %add3A_3888 : i32 to index
    %get3A_3890 = tpu.vector_load %arg13[%get3A_3889] {strides = array<i32>} : memref<2048xf32, #tpu.memory_space<vmem>>, vector<16xf32>,
    %get3A_3891 = vector.shape_cast %get3A_3890 : vector<16xf32> to vector<16xf32>
    %add3A_3892 = arith.constant 48 : i32
    %add3A_3893 = arith.addi %mul3A_3878, %add3A_3892 : i32
    %get3A_3894 = arith.index_cast %add3A_3893 : i32 to index
    %get3A_3895 = tpu.vector_load %arg13[%get3A_3894] {strides = array<i32>} : memref<2048xf32, #tpu.memory_space<vmem>>, vector<16xf32>,
    %get3A_3896 = vector.shape_cast %get3A_3895 : vector<16xf32> to vector<16xf32>
    %get3A_3897 = arith.index_cast %multiple_of3A_3876 : i32 to index
    %get3A_3898 = tpu.vector_load %arg8[%get3A_3897] {strides = array<i32>} : memref<512xf32, #tpu.memory_space<vmem>>, vector<16xf32>,
    %get3A_3899 = vector.shape_cast %get3A_3898 : vector<16xf32> to vector<16xf32>
    %get3A_3900 = arith.index_cast %multiple_of3A_3876 : i32 to index
    %get3A_3901 = tpu.vector_load %arg9[%get3A_3900] {strides = array<i32>} : memref<512xf32, #tpu.memory_space<vmem>>, vector<16xf32>,
    %get3A_3902 = vector.shape_cast %get3A_3901 : vector<16xf32> to vector<16xf32>
    %sub3A_3903 = arith.subf %get3A_3886, %get3A_3881 : vector<16xf32>
    %mul3A_3904 = arith.mulf %get3A_3899, %sub3A_3903 : vector<16xf32>
    %add3A_3905 = arith.addf %get3A_3881, %mul3A_3904 : vector<16xf32>
    %sub3A_3906 = arith.subf %get3A_3896, %get3A_3891 : vector<16xf32>
    %mul3A_3907 = arith.mulf %get3A_3899, %sub3A_3906 : vector<16xf32>
    %add3A_3908 = arith.addf %get3A_3891, %mul3A_3907 : vector<16xf32>
    %sub3A_3909 = arith.subf %add3A_3908, %add3A_3905 : vector<16xf32>
    %mul3A_3910 = arith.mulf %get3A_3902, %sub3A_3909 : vector<16xf32>
    %add3A_3911 = arith.addf %add3A_3905, %mul3A_3910 : vector<16xf32>
    %mul3A_3912 = arith.mulf %add3A_3911, %broadcast_in_dim3A : vector<16xf32>
    %add3A_3913 = arith.addf %mul3A_3912, %broadcast_in_dim3A_3062 : vector<16xf32>
    %swap3A_3914 = arith.index_cast %multiple_of3A_3876 : i32 to index
    %swap3A_3915 = tpu.vector_load %arg10[%swap3A_3914] {strides = array<i32>} : memref<512xf32, #tpu.memory_space<vmem>>, vector<16xf32>,
    %swap3A_3916 = vector.shape_cast %swap3A_3915 : vector<16xf32> to vector<16xf32>
    %swap3A_3917 = vector.shape_cast %add3A_3913 : vector<16xf32> to vector<16xf32>
    tpu.vector_store %arg10[%swap3A_3914], %swap3A_3917 {strides = array<i32>} : memref<512xf32, #tpu.memory_space<vmem>>, vector<16xf32>,
    %scan3A_3918 = arith.constant 18 : i32
    %mul3A_3919 = arith.constant 16 : i32
    %mul3A_3920 = arith.muli %scan3A_3918, %mul3A_3919 : i32
    %multiple_of3A_3921 = tpu.assume_multiple %mul3A_3920, 16 : i32
    %mul3A_3922 = arith.constant 4 : i32
    %mul3A_3923 = arith.muli %mul3A_3922, %multiple_of3A_3921 : i32
    %get3A_3924 = arith.index_cast %mul3A_3923 : i32 to index
    %get3A_3925 = tpu.vector_load %arg13[%get3A_3924] {strides = array<i32>} : memref<2048xf32, #tpu.memory_space<vmem>>, vector<16xf32>,
    %get3A_3926 = vector.shape_cast %get3A_3925 : vector<16xf32> to vector<16xf32>
    %add3A_3927 = arith.constant 16 : i32
    %add3A_3928 = arith.addi %mul3A_3923, %add3A_3927 : i32
    %get3A_3929 = arith.index_cast %add3A_3928 : i32 to index
    %get3A_3930 = tpu.vector_load %arg13[%get3A_3929] {strides = array<i32>} : memref<2048xf32, #tpu.memory_space<vmem>>, vector<16xf32>,
    %get3A_3931 = vector.shape_cast %get3A_3930 : vector<16xf32> to vector<16xf32>
    %add3A_3932 = arith.constant 32 : i32
    %add3A_3933 = arith.addi %mul3A_3923, %add3A_3932 : i32
    %get3A_3934 = arith.index_cast %add3A_3933 : i32 to index
    %get3A_3935 = tpu.vector_load %arg13[%get3A_3934] {strides = array<i32>} : memref<2048xf32, #tpu.memory_space<vmem>>, vector<16xf32>,
    %get3A_3936 = vector.shape_cast %get3A_3935 : vector<16xf32> to vector<16xf32>
    %add3A_3937 = arith.constant 48 : i32
    %add3A_3938 = arith.addi %mul3A_3923, %add3A_3937 : i32
    %get3A_3939 = arith.index_cast %add3A_3938 : i32 to index
    %get3A_3940 = tpu.vector_load %arg13[%get3A_3939] {strides = array<i32>} : memref<2048xf32, #tpu.memory_space<vmem>>, vector<16xf32>,
    %get3A_3941 = vector.shape_cast %get3A_3940 : vector<16xf32> to vector<16xf32>
    %get3A_3942 = arith.index_cast %multiple_of3A_3921 : i32 to index
    %get3A_3943 = tpu.vector_load %arg8[%get3A_3942] {strides = array<i32>} : memref<512xf32, #tpu.memory_space<vmem>>, vector<16xf32>,
    %get3A_3944 = vector.shape_cast %get3A_3943 : vector<16xf32> to vector<16xf32>
    %get3A_3945 = arith.index_cast %multiple_of3A_3921 : i32 to index
    %get3A_3946 = tpu.vector_load %arg9[%get3A_3945] {strides = array<i32>} : memref<512xf32, #tpu.memory_space<vmem>>, vector<16xf32>,
    %get3A_3947 = vector.shape_cast %get3A_3946 : vector<16xf32> to vector<16xf32>
    %sub3A_3948 = arith.subf %get3A_3931, %get3A_3926 : vector<16xf32>
    %mul3A_3949 = arith.mulf %get3A_3944, %sub3A_3948 : vector<16xf32>
    %add3A_3950 = arith.addf %get3A_3926, %mul3A_3949 : vector<16xf32>
    %sub3A_3951 = arith.subf %get3A_3941, %get3A_3936 : vector<16xf32>
    %mul3A_3952 = arith.mulf %get3A_3944, %sub3A_3951 : vector<16xf32>
    %add3A_3953 = arith.addf %get3A_3936, %mul3A_3952 : vector<16xf32>
    %sub3A_3954 = arith.subf %add3A_3953, %add3A_3950 : vector<16xf32>
    %mul3A_3955 = arith.mulf %get3A_3947, %sub3A_3954 : vector<16xf32>
    %add3A_3956 = arith.addf %add3A_3950, %mul3A_3955 : vector<16xf32>
    %mul3A_3957 = arith.mulf %add3A_3956, %broadcast_in_dim3A : vector<16xf32>
    %add3A_3958 = arith.addf %mul3A_3957, %broadcast_in_dim3A_3062 : vector<16xf32>
    %swap3A_3959 = arith.index_cast %multiple_of3A_3921 : i32 to index
    %swap3A_3960 = tpu.vector_load %arg10[%swap3A_3959] {strides = array<i32>} : memref<512xf32, #tpu.memory_space<vmem>>, vector<16xf32>,
    %swap3A_3961 = vector.shape_cast %swap3A_3960 : vector<16xf32> to vector<16xf32>
    %swap3A_3962 = vector.shape_cast %add3A_3958 : vector<16xf32> to vector<16xf32>
    tpu.vector_store %arg10[%swap3A_3959], %swap3A_3962 {strides = array<i32>} : memref<512xf32, #tpu.memory_space<vmem>>, vector<16xf32>,
    %scan3A_3963 = arith.constant 19 : i32
    %mul3A_3964 = arith.constant 16 : i32
    %mul3A_3965 = arith.muli %scan3A_3963, %mul3A_3964 : i32
    %multiple_of3A_3966 = tpu.assume_multiple %mul3A_3965, 16 : i32
    %mul3A_3967 = arith.constant 4 : i32
    %mul3A_3968 = arith.muli %mul3A_3967, %multiple_of3A_3966 : i32
    %get3A_3969 = arith.index_cast %mul3A_3968 : i32 to index
    %get3A_3970 = tpu.vector_load %arg13[%get3A_3969] {strides = array<i32>} : memref<2048xf32, #tpu.memory_space<vmem>>, vector<16xf32>,
    %get3A_3971 = vector.shape_cast %get3A_3970 : vector<16xf32> to vector<16xf32>
    %add3A_3972 = arith.constant 16 : i32
    %add3A_3973 = arith.addi %mul3A_3968, %add3A_3972 : i32
    %get3A_3974 = arith.index_cast %add3A_3973 : i32 to index
    %get3A_3975 = tpu.vector_load %arg13[%get3A_3974] {strides = array<i32>} : memref<2048xf32, #tpu.memory_space<vmem>>, vector<16xf32>,
    %get3A_3976 = vector.shape_cast %get3A_3975 : vector<16xf32> to vector<16xf32>
    %add3A_3977 = arith.constant 32 : i32
    %add3A_3978 = arith.addi %mul3A_3968, %add3A_3977 : i32
    %get3A_3979 = arith.index_cast %add3A_3978 : i32 to index
    %get3A_3980 = tpu.vector_load %arg13[%get3A_3979] {strides = array<i32>} : memref<2048xf32, #tpu.memory_space<vmem>>, vector<16xf32>,
    %get3A_3981 = vector.shape_cast %get3A_3980 : vector<16xf32> to vector<16xf32>
    %add3A_3982 = arith.constant 48 : i32
    %add3A_3983 = arith.addi %mul3A_3968, %add3A_3982 : i32
    %get3A_3984 = arith.index_cast %add3A_3983 : i32 to index
    %get3A_3985 = tpu.vector_load %arg13[%get3A_3984] {strides = array<i32>} : memref<2048xf32, #tpu.memory_space<vmem>>, vector<16xf32>,
    %get3A_3986 = vector.shape_cast %get3A_3985 : vector<16xf32> to vector<16xf32>
    %get3A_3987 = arith.index_cast %multiple_of3A_3966 : i32 to index
    %get3A_3988 = tpu.vector_load %arg8[%get3A_3987] {strides = array<i32>} : memref<512xf32, #tpu.memory_space<vmem>>, vector<16xf32>,
    %get3A_3989 = vector.shape_cast %get3A_3988 : vector<16xf32> to vector<16xf32>
    %get3A_3990 = arith.index_cast %multiple_of3A_3966 : i32 to index
    %get3A_3991 = tpu.vector_load %arg9[%get3A_3990] {strides = array<i32>} : memref<512xf32, #tpu.memory_space<vmem>>, vector<16xf32>,
    %get3A_3992 = vector.shape_cast %get3A_3991 : vector<16xf32> to vector<16xf32>
    %sub3A_3993 = arith.subf %get3A_3976, %get3A_3971 : vector<16xf32>
    %mul3A_3994 = arith.mulf %get3A_3989, %sub3A_3993 : vector<16xf32>
    %add3A_3995 = arith.addf %get3A_3971, %mul3A_3994 : vector<16xf32>
    %sub3A_3996 = arith.subf %get3A_3986, %get3A_3981 : vector<16xf32>
    %mul3A_3997 = arith.mulf %get3A_3989, %sub3A_3996 : vector<16xf32>
    %add3A_3998 = arith.addf %get3A_3981, %mul3A_3997 : vector<16xf32>
    %sub3A_3999 = arith.subf %add3A_3998, %add3A_3995 : vector<16xf32>
    %mul3A_4000 = arith.mulf %get3A_3992, %sub3A_3999 : vector<16xf32>
    %add3A_4001 = arith.addf %add3A_3995, %mul3A_4000 : vector<16xf32>
    %mul3A_4002 = arith.mulf %add3A_4001, %broadcast_in_dim3A : vector<16xf32>
    %add3A_4003 = arith.addf %mul3A_4002, %broadcast_in_dim3A_3062 : vector<16xf32>
    %swap3A_4004 = arith.index_cast %multiple_of3A_3966 : i32 to index
    %swap3A_4005 = tpu.vector_load %arg10[%swap3A_4004] {strides = array<i32>} : memref<512xf32, #tpu.memory_space<vmem>>, vector<16xf32>,
    %swap3A_4006 = vector.shape_cast %swap3A_4005 : vector<16xf32> to vector<16xf32>
    %swap3A_4007 = vector.shape_cast %add3A_4003 : vector<16xf32> to vector<16xf32>
    tpu.vector_store %arg10[%swap3A_4004], %swap3A_4007 {strides = array<i32>} : memref<512xf32, #tpu.memory_space<vmem>>, vector<16xf32>,
    %scan3A_4008 = arith.constant 4 : i32
    %dma_wait3A_4009 = arith.constant 1280 : i32
    %dma_wait3A_4010 = tpu.memref_slice %arg13[%dma_wait3A_4009] : memref<2048xf32, #tpu.memory_space<vmem>> -> memref<256xf32, #tpu.memory_space<vmem>>
    %dma_wait3A_4011 = arith.constant 1280 : i32
    %dma_wait3A_4012 = tpu.memref_slice %arg12[%dma_wait3A_4011] : memref<2048xi32, #tpu.memory_space<vmem>> -> memref<256xi32, #tpu.memory_space<vmem>>
    %dma_wait3A_4013 = arith.constant 0 : i32
    %dma_wait3A_4014 = tpu.memref_slice %arg3[%dma_wait3A_4013] : memref<1048576xf32, #tpu.memory_space<hbm>> -> memref<1048576xf32, #tpu.memory_space<hbm>>
    tpu.wait_indirect_dma semaphore(%arg16 : memref<!tpu.dma_semaphore, #tpu.memory_space<semaphore_mem>>) src(%dma_wait3A_4014 : memref<1048576xf32, #tpu.memory_space<hbm>>) dst(%dma_wait3A_4010 : memref<256xf32, #tpu.memory_space<vmem>>)
    %scan3A_4015 = arith.constant 0 : i32
    %scan3A_4016 = arith.constant 20 : i32
    %mul3A_4017 = arith.constant 16 : i32
    %mul3A_4018 = arith.muli %scan3A_4016, %mul3A_4017 : i32
    %multiple_of3A_4019 = tpu.assume_multiple %mul3A_4018, 16 : i32
    %mul3A_4020 = arith.constant 4 : i32
    %mul3A_4021 = arith.muli %mul3A_4020, %multiple_of3A_4019 : i32
    %get3A_4022 = arith.index_cast %mul3A_4021 : i32 to index
    %get3A_4023 = tpu.vector_load %arg13[%get3A_4022] {strides = array<i32>} : memref<2048xf32, #tpu.memory_space<vmem>>, vector<16xf32>,
    %get3A_4024 = vector.shape_cast %get3A_4023 : vector<16xf32> to vector<16xf32>
    %add3A_4025 = arith.constant 16 : i32
    %add3A_4026 = arith.addi %mul3A_4021, %add3A_4025 : i32
    %get3A_4027 = arith.index_cast %add3A_4026 : i32 to index
    %get3A_4028 = tpu.vector_load %arg13[%get3A_4027] {strides = array<i32>} : memref<2048xf32, #tpu.memory_space<vmem>>, vector<16xf32>,
    %get3A_4029 = vector.shape_cast %get3A_4028 : vector<16xf32> to vector<16xf32>
    %add3A_4030 = arith.constant 32 : i32
    %add3A_4031 = arith.addi %mul3A_4021, %add3A_4030 : i32
    %get3A_4032 = arith.index_cast %add3A_4031 : i32 to index
    %get3A_4033 = tpu.vector_load %arg13[%get3A_4032] {strides = array<i32>} : memref<2048xf32, #tpu.memory_space<vmem>>, vector<16xf32>,
    %get3A_4034 = vector.shape_cast %get3A_4033 : vector<16xf32> to vector<16xf32>
    %add3A_4035 = arith.constant 48 : i32
    %add3A_4036 = arith.addi %mul3A_4021, %add3A_4035 : i32
    %get3A_4037 = arith.index_cast %add3A_4036 : i32 to index
    %get3A_4038 = tpu.vector_load %arg13[%get3A_4037] {strides = array<i32>} : memref<2048xf32, #tpu.memory_space<vmem>>, vector<16xf32>,
    %get3A_4039 = vector.shape_cast %get3A_4038 : vector<16xf32> to vector<16xf32>
    %get3A_4040 = arith.index_cast %multiple_of3A_4019 : i32 to index
    %get3A_4041 = tpu.vector_load %arg8[%get3A_4040] {strides = array<i32>} : memref<512xf32, #tpu.memory_space<vmem>>, vector<16xf32>,
    %get3A_4042 = vector.shape_cast %get3A_4041 : vector<16xf32> to vector<16xf32>
    %get3A_4043 = arith.index_cast %multiple_of3A_4019 : i32 to index
    %get3A_4044 = tpu.vector_load %arg9[%get3A_4043] {strides = array<i32>} : memref<512xf32, #tpu.memory_space<vmem>>, vector<16xf32>,
    %get3A_4045 = vector.shape_cast %get3A_4044 : vector<16xf32> to vector<16xf32>
    %sub3A_4046 = arith.subf %get3A_4029, %get3A_4024 : vector<16xf32>
    %mul3A_4047 = arith.mulf %get3A_4042, %sub3A_4046 : vector<16xf32>
    %add3A_4048 = arith.addf %get3A_4024, %mul3A_4047 : vector<16xf32>
    %sub3A_4049 = arith.subf %get3A_4039, %get3A_4034 : vector<16xf32>
    %mul3A_4050 = arith.mulf %get3A_4042, %sub3A_4049 : vector<16xf32>
    %add3A_4051 = arith.addf %get3A_4034, %mul3A_4050 : vector<16xf32>
    %sub3A_4052 = arith.subf %add3A_4051, %add3A_4048 : vector<16xf32>
    %mul3A_4053 = arith.mulf %get3A_4045, %sub3A_4052 : vector<16xf32>
    %add3A_4054 = arith.addf %add3A_4048, %mul3A_4053 : vector<16xf32>
    %mul3A_4055 = arith.mulf %add3A_4054, %broadcast_in_dim3A : vector<16xf32>
    %add3A_4056 = arith.addf %mul3A_4055, %broadcast_in_dim3A_3062 : vector<16xf32>
    %swap3A_4057 = arith.index_cast %multiple_of3A_4019 : i32 to index
    %swap3A_4058 = tpu.vector_load %arg10[%swap3A_4057] {strides = array<i32>} : memref<512xf32, #tpu.memory_space<vmem>>, vector<16xf32>,
    %swap3A_4059 = vector.shape_cast %swap3A_4058 : vector<16xf32> to vector<16xf32>
    %swap3A_4060 = vector.shape_cast %add3A_4056 : vector<16xf32> to vector<16xf32>
    tpu.vector_store %arg10[%swap3A_4057], %swap3A_4060 {strides = array<i32>} : memref<512xf32, #tpu.memory_space<vmem>>, vector<16xf32>,
    %scan3A_4061 = arith.constant 21 : i32
    %mul3A_4062 = arith.constant 16 : i32
    %mul3A_4063 = arith.muli %scan3A_4061, %mul3A_4062 : i32
    %multiple_of3A_4064 = tpu.assume_multiple %mul3A_4063, 16 : i32
    %mul3A_4065 = arith.constant 4 : i32
    %mul3A_4066 = arith.muli %mul3A_4065, %multiple_of3A_4064 : i32
    %get3A_4067 = arith.index_cast %mul3A_4066 : i32 to index
    %get3A_4068 = tpu.vector_load %arg13[%get3A_4067] {strides = array<i32>} : memref<2048xf32, #tpu.memory_space<vmem>>, vector<16xf32>,
    %get3A_4069 = vector.shape_cast %get3A_4068 : vector<16xf32> to vector<16xf32>
    %add3A_4070 = arith.constant 16 : i32
    %add3A_4071 = arith.addi %mul3A_4066, %add3A_4070 : i32
    %get3A_4072 = arith.index_cast %add3A_4071 : i32 to index
    %get3A_4073 = tpu.vector_load %arg13[%get3A_4072] {strides = array<i32>} : memref<2048xf32, #tpu.memory_space<vmem>>, vector<16xf32>,
    %get3A_4074 = vector.shape_cast %get3A_4073 : vector<16xf32> to vector<16xf32>
    %add3A_4075 = arith.constant 32 : i32
    %add3A_4076 = arith.addi %mul3A_4066, %add3A_4075 : i32
    %get3A_4077 = arith.index_cast %add3A_4076 : i32 to index
    %get3A_4078 = tpu.vector_load %arg13[%get3A_4077] {strides = array<i32>} : memref<2048xf32, #tpu.memory_space<vmem>>, vector<16xf32>,
    %get3A_4079 = vector.shape_cast %get3A_4078 : vector<16xf32> to vector<16xf32>
    %add3A_4080 = arith.constant 48 : i32
    %add3A_4081 = arith.addi %mul3A_4066, %add3A_4080 : i32
    %get3A_4082 = arith.index_cast %add3A_4081 : i32 to index
    %get3A_4083 = tpu.vector_load %arg13[%get3A_4082] {strides = array<i32>} : memref<2048xf32, #tpu.memory_space<vmem>>, vector<16xf32>,
    %get3A_4084 = vector.shape_cast %get3A_4083 : vector<16xf32> to vector<16xf32>
    %get3A_4085 = arith.index_cast %multiple_of3A_4064 : i32 to index
    %get3A_4086 = tpu.vector_load %arg8[%get3A_4085] {strides = array<i32>} : memref<512xf32, #tpu.memory_space<vmem>>, vector<16xf32>,
    %get3A_4087 = vector.shape_cast %get3A_4086 : vector<16xf32> to vector<16xf32>
    %get3A_4088 = arith.index_cast %multiple_of3A_4064 : i32 to index
    %get3A_4089 = tpu.vector_load %arg9[%get3A_4088] {strides = array<i32>} : memref<512xf32, #tpu.memory_space<vmem>>, vector<16xf32>,
    %get3A_4090 = vector.shape_cast %get3A_4089 : vector<16xf32> to vector<16xf32>
    %sub3A_4091 = arith.subf %get3A_4074, %get3A_4069 : vector<16xf32>
    %mul3A_4092 = arith.mulf %get3A_4087, %sub3A_4091 : vector<16xf32>
    %add3A_4093 = arith.addf %get3A_4069, %mul3A_4092 : vector<16xf32>
    %sub3A_4094 = arith.subf %get3A_4084, %get3A_4079 : vector<16xf32>
    %mul3A_4095 = arith.mulf %get3A_4087, %sub3A_4094 : vector<16xf32>
    %add3A_4096 = arith.addf %get3A_4079, %mul3A_4095 : vector<16xf32>
    %sub3A_4097 = arith.subf %add3A_4096, %add3A_4093 : vector<16xf32>
    %mul3A_4098 = arith.mulf %get3A_4090, %sub3A_4097 : vector<16xf32>
    %add3A_4099 = arith.addf %add3A_4093, %mul3A_4098 : vector<16xf32>
    %mul3A_4100 = arith.mulf %add3A_4099, %broadcast_in_dim3A : vector<16xf32>
    %add3A_4101 = arith.addf %mul3A_4100, %broadcast_in_dim3A_3062 : vector<16xf32>
    %swap3A_4102 = arith.index_cast %multiple_of3A_4064 : i32 to index
    %swap3A_4103 = tpu.vector_load %arg10[%swap3A_4102] {strides = array<i32>} : memref<512xf32, #tpu.memory_space<vmem>>, vector<16xf32>,
    %swap3A_4104 = vector.shape_cast %swap3A_4103 : vector<16xf32> to vector<16xf32>
    %swap3A_4105 = vector.shape_cast %add3A_4101 : vector<16xf32> to vector<16xf32>
    tpu.vector_store %arg10[%swap3A_4102], %swap3A_4105 {strides = array<i32>} : memref<512xf32, #tpu.memory_space<vmem>>, vector<16xf32>,
    %scan3A_4106 = arith.constant 22 : i32
    %mul3A_4107 = arith.constant 16 : i32
    %mul3A_4108 = arith.muli %scan3A_4106, %mul3A_4107 : i32
    %multiple_of3A_4109 = tpu.assume_multiple %mul3A_4108, 16 : i32
    %mul3A_4110 = arith.constant 4 : i32
    %mul3A_4111 = arith.muli %mul3A_4110, %multiple_of3A_4109 : i32
    %get3A_4112 = arith.index_cast %mul3A_4111 : i32 to index
    %get3A_4113 = tpu.vector_load %arg13[%get3A_4112] {strides = array<i32>} : memref<2048xf32, #tpu.memory_space<vmem>>, vector<16xf32>,
    %get3A_4114 = vector.shape_cast %get3A_4113 : vector<16xf32> to vector<16xf32>
    %add3A_4115 = arith.constant 16 : i32
    %add3A_4116 = arith.addi %mul3A_4111, %add3A_4115 : i32
    %get3A_4117 = arith.index_cast %add3A_4116 : i32 to index
    %get3A_4118 = tpu.vector_load %arg13[%get3A_4117] {strides = array<i32>} : memref<2048xf32, #tpu.memory_space<vmem>>, vector<16xf32>,
    %get3A_4119 = vector.shape_cast %get3A_4118 : vector<16xf32> to vector<16xf32>
    %add3A_4120 = arith.constant 32 : i32
    %add3A_4121 = arith.addi %mul3A_4111, %add3A_4120 : i32
    %get3A_4122 = arith.index_cast %add3A_4121 : i32 to index
    %get3A_4123 = tpu.vector_load %arg13[%get3A_4122] {strides = array<i32>} : memref<2048xf32, #tpu.memory_space<vmem>>, vector<16xf32>,
    %get3A_4124 = vector.shape_cast %get3A_4123 : vector<16xf32> to vector<16xf32>
    %add3A_4125 = arith.constant 48 : i32
    %add3A_4126 = arith.addi %mul3A_4111, %add3A_4125 : i32
    %get3A_4127 = arith.index_cast %add3A_4126 : i32 to index
    %get3A_4128 = tpu.vector_load %arg13[%get3A_4127] {strides = array<i32>} : memref<2048xf32, #tpu.memory_space<vmem>>, vector<16xf32>,
    %get3A_4129 = vector.shape_cast %get3A_4128 : vector<16xf32> to vector<16xf32>
    %get3A_4130 = arith.index_cast %multiple_of3A_4109 : i32 to index
    %get3A_4131 = tpu.vector_load %arg8[%get3A_4130] {strides = array<i32>} : memref<512xf32, #tpu.memory_space<vmem>>, vector<16xf32>,
    %get3A_4132 = vector.shape_cast %get3A_4131 : vector<16xf32> to vector<16xf32>
    %get3A_4133 = arith.index_cast %multiple_of3A_4109 : i32 to index
    %get3A_4134 = tpu.vector_load %arg9[%get3A_4133] {strides = array<i32>} : memref<512xf32, #tpu.memory_space<vmem>>, vector<16xf32>,
    %get3A_4135 = vector.shape_cast %get3A_4134 : vector<16xf32> to vector<16xf32>
    %sub3A_4136 = arith.subf %get3A_4119, %get3A_4114 : vector<16xf32>
    %mul3A_4137 = arith.mulf %get3A_4132, %sub3A_4136 : vector<16xf32>
    %add3A_4138 = arith.addf %get3A_4114, %mul3A_4137 : vector<16xf32>
    %sub3A_4139 = arith.subf %get3A_4129, %get3A_4124 : vector<16xf32>
    %mul3A_4140 = arith.mulf %get3A_4132, %sub3A_4139 : vector<16xf32>
    %add3A_4141 = arith.addf %get3A_4124, %mul3A_4140 : vector<16xf32>
    %sub3A_4142 = arith.subf %add3A_4141, %add3A_4138 : vector<16xf32>
    %mul3A_4143 = arith.mulf %get3A_4135, %sub3A_4142 : vector<16xf32>
    %add3A_4144 = arith.addf %add3A_4138, %mul3A_4143 : vector<16xf32>
    %mul3A_4145 = arith.mulf %add3A_4144, %broadcast_in_dim3A : vector<16xf32>
    %add3A_4146 = arith.addf %mul3A_4145, %broadcast_in_dim3A_3062 : vector<16xf32>
    %swap3A_4147 = arith.index_cast %multiple_of3A_4109 : i32 to index
    %swap3A_4148 = tpu.vector_load %arg10[%swap3A_4147] {strides = array<i32>} : memref<512xf32, #tpu.memory_space<vmem>>, vector<16xf32>,
    %swap3A_4149 = vector.shape_cast %swap3A_4148 : vector<16xf32> to vector<16xf32>
    %swap3A_4150 = vector.shape_cast %add3A_4146 : vector<16xf32> to vector<16xf32>
    tpu.vector_store %arg10[%swap3A_4147], %swap3A_4150 {strides = array<i32>} : memref<512xf32, #tpu.memory_space<vmem>>, vector<16xf32>,
    %scan3A_4151 = arith.constant 23 : i32
    %mul3A_4152 = arith.constant 16 : i32
    %mul3A_4153 = arith.muli %scan3A_4151, %mul3A_4152 : i32
    %multiple_of3A_4154 = tpu.assume_multiple %mul3A_4153, 16 : i32
    %mul3A_4155 = arith.constant 4 : i32
    %mul3A_4156 = arith.muli %mul3A_4155, %multiple_of3A_4154 : i32
    %get3A_4157 = arith.index_cast %mul3A_4156 : i32 to index
    %get3A_4158 = tpu.vector_load %arg13[%get3A_4157] {strides = array<i32>} : memref<2048xf32, #tpu.memory_space<vmem>>, vector<16xf32>,
    %get3A_4159 = vector.shape_cast %get3A_4158 : vector<16xf32> to vector<16xf32>
    %add3A_4160 = arith.constant 16 : i32
    %add3A_4161 = arith.addi %mul3A_4156, %add3A_4160 : i32
    %get3A_4162 = arith.index_cast %add3A_4161 : i32 to index
    %get3A_4163 = tpu.vector_load %arg13[%get3A_4162] {strides = array<i32>} : memref<2048xf32, #tpu.memory_space<vmem>>, vector<16xf32>,
    %get3A_4164 = vector.shape_cast %get3A_4163 : vector<16xf32> to vector<16xf32>
    %add3A_4165 = arith.constant 32 : i32
    %add3A_4166 = arith.addi %mul3A_4156, %add3A_4165 : i32
    %get3A_4167 = arith.index_cast %add3A_4166 : i32 to index
    %get3A_4168 = tpu.vector_load %arg13[%get3A_4167] {strides = array<i32>} : memref<2048xf32, #tpu.memory_space<vmem>>, vector<16xf32>,
    %get3A_4169 = vector.shape_cast %get3A_4168 : vector<16xf32> to vector<16xf32>
    %add3A_4170 = arith.constant 48 : i32
    %add3A_4171 = arith.addi %mul3A_4156, %add3A_4170 : i32
    %get3A_4172 = arith.index_cast %add3A_4171 : i32 to index
    %get3A_4173 = tpu.vector_load %arg13[%get3A_4172] {strides = array<i32>} : memref<2048xf32, #tpu.memory_space<vmem>>, vector<16xf32>,
    %get3A_4174 = vector.shape_cast %get3A_4173 : vector<16xf32> to vector<16xf32>
    %get3A_4175 = arith.index_cast %multiple_of3A_4154 : i32 to index
    %get3A_4176 = tpu.vector_load %arg8[%get3A_4175] {strides = array<i32>} : memref<512xf32, #tpu.memory_space<vmem>>, vector<16xf32>,
    %get3A_4177 = vector.shape_cast %get3A_4176 : vector<16xf32> to vector<16xf32>
    %get3A_4178 = arith.index_cast %multiple_of3A_4154 : i32 to index
    %get3A_4179 = tpu.vector_load %arg9[%get3A_4178] {strides = array<i32>} : memref<512xf32, #tpu.memory_space<vmem>>, vector<16xf32>,
    %get3A_4180 = vector.shape_cast %get3A_4179 : vector<16xf32> to vector<16xf32>
    %sub3A_4181 = arith.subf %get3A_4164, %get3A_4159 : vector<16xf32>
    %mul3A_4182 = arith.mulf %get3A_4177, %sub3A_4181 : vector<16xf32>
    %add3A_4183 = arith.addf %get3A_4159, %mul3A_4182 : vector<16xf32>
    %sub3A_4184 = arith.subf %get3A_4174, %get3A_4169 : vector<16xf32>
    %mul3A_4185 = arith.mulf %get3A_4177, %sub3A_4184 : vector<16xf32>
    %add3A_4186 = arith.addf %get3A_4169, %mul3A_4185 : vector<16xf32>
    %sub3A_4187 = arith.subf %add3A_4186, %add3A_4183 : vector<16xf32>
    %mul3A_4188 = arith.mulf %get3A_4180, %sub3A_4187 : vector<16xf32>
    %add3A_4189 = arith.addf %add3A_4183, %mul3A_4188 : vector<16xf32>
    %mul3A_4190 = arith.mulf %add3A_4189, %broadcast_in_dim3A : vector<16xf32>
    %add3A_4191 = arith.addf %mul3A_4190, %broadcast_in_dim3A_3062 : vector<16xf32>
    %swap3A_4192 = arith.index_cast %multiple_of3A_4154 : i32 to index
    %swap3A_4193 = tpu.vector_load %arg10[%swap3A_4192] {strides = array<i32>} : memref<512xf32, #tpu.memory_space<vmem>>, vector<16xf32>,
    %swap3A_4194 = vector.shape_cast %swap3A_4193 : vector<16xf32> to vector<16xf32>
    %swap3A_4195 = vector.shape_cast %add3A_4191 : vector<16xf32> to vector<16xf32>
    tpu.vector_store %arg10[%swap3A_4192], %swap3A_4195 {strides = array<i32>} : memref<512xf32, #tpu.memory_space<vmem>>, vector<16xf32>,
    %scan3A_4196 = arith.constant 4 : i32
    %dma_wait3A_4197 = arith.constant 1536 : i32
    %dma_wait3A_4198 = tpu.memref_slice %arg13[%dma_wait3A_4197] : memref<2048xf32, #tpu.memory_space<vmem>> -> memref<256xf32, #tpu.memory_space<vmem>>
    %dma_wait3A_4199 = arith.constant 1536 : i32
    %dma_wait3A_4200 = tpu.memref_slice %arg12[%dma_wait3A_4199] : memref<2048xi32, #tpu.memory_space<vmem>> -> memref<256xi32, #tpu.memory_space<vmem>>
    %dma_wait3A_4201 = arith.constant 0 : i32
    %dma_wait3A_4202 = tpu.memref_slice %arg3[%dma_wait3A_4201] : memref<1048576xf32, #tpu.memory_space<hbm>> -> memref<1048576xf32, #tpu.memory_space<hbm>>
    tpu.wait_indirect_dma semaphore(%arg15 : memref<!tpu.dma_semaphore, #tpu.memory_space<semaphore_mem>>) src(%dma_wait3A_4202 : memref<1048576xf32, #tpu.memory_space<hbm>>) dst(%dma_wait3A_4198 : memref<256xf32, #tpu.memory_space<vmem>>)
    %scan3A_4203 = arith.constant 0 : i32
    %scan3A_4204 = arith.constant 24 : i32
    %mul3A_4205 = arith.constant 16 : i32
    %mul3A_4206 = arith.muli %scan3A_4204, %mul3A_4205 : i32
    %multiple_of3A_4207 = tpu.assume_multiple %mul3A_4206, 16 : i32
    %mul3A_4208 = arith.constant 4 : i32
    %mul3A_4209 = arith.muli %mul3A_4208, %multiple_of3A_4207 : i32
    %get3A_4210 = arith.index_cast %mul3A_4209 : i32 to index
    %get3A_4211 = tpu.vector_load %arg13[%get3A_4210] {strides = array<i32>} : memref<2048xf32, #tpu.memory_space<vmem>>, vector<16xf32>,
    %get3A_4212 = vector.shape_cast %get3A_4211 : vector<16xf32> to vector<16xf32>
    %add3A_4213 = arith.constant 16 : i32
    %add3A_4214 = arith.addi %mul3A_4209, %add3A_4213 : i32
    %get3A_4215 = arith.index_cast %add3A_4214 : i32 to index
    %get3A_4216 = tpu.vector_load %arg13[%get3A_4215] {strides = array<i32>} : memref<2048xf32, #tpu.memory_space<vmem>>, vector<16xf32>,
    %get3A_4217 = vector.shape_cast %get3A_4216 : vector<16xf32> to vector<16xf32>
    %add3A_4218 = arith.constant 32 : i32
    %add3A_4219 = arith.addi %mul3A_4209, %add3A_4218 : i32
    %get3A_4220 = arith.index_cast %add3A_4219 : i32 to index
    %get3A_4221 = tpu.vector_load %arg13[%get3A_4220] {strides = array<i32>} : memref<2048xf32, #tpu.memory_space<vmem>>, vector<16xf32>,
    %get3A_4222 = vector.shape_cast %get3A_4221 : vector<16xf32> to vector<16xf32>
    %add3A_4223 = arith.constant 48 : i32
    %add3A_4224 = arith.addi %mul3A_4209, %add3A_4223 : i32
    %get3A_4225 = arith.index_cast %add3A_4224 : i32 to index
    %get3A_4226 = tpu.vector_load %arg13[%get3A_4225] {strides = array<i32>} : memref<2048xf32, #tpu.memory_space<vmem>>, vector<16xf32>,
    %get3A_4227 = vector.shape_cast %get3A_4226 : vector<16xf32> to vector<16xf32>
    %get3A_4228 = arith.index_cast %multiple_of3A_4207 : i32 to index
    %get3A_4229 = tpu.vector_load %arg8[%get3A_4228] {strides = array<i32>} : memref<512xf32, #tpu.memory_space<vmem>>, vector<16xf32>,
    %get3A_4230 = vector.shape_cast %get3A_4229 : vector<16xf32> to vector<16xf32>
    %get3A_4231 = arith.index_cast %multiple_of3A_4207 : i32 to index
    %get3A_4232 = tpu.vector_load %arg9[%get3A_4231] {strides = array<i32>} : memref<512xf32, #tpu.memory_space<vmem>>, vector<16xf32>,
    %get3A_4233 = vector.shape_cast %get3A_4232 : vector<16xf32> to vector<16xf32>
    %sub3A_4234 = arith.subf %get3A_4217, %get3A_4212 : vector<16xf32>
    %mul3A_4235 = arith.mulf %get3A_4230, %sub3A_4234 : vector<16xf32>
    %add3A_4236 = arith.addf %get3A_4212, %mul3A_4235 : vector<16xf32>
    %sub3A_4237 = arith.subf %get3A_4227, %get3A_4222 : vector<16xf32>
    %mul3A_4238 = arith.mulf %get3A_4230, %sub3A_4237 : vector<16xf32>
    %add3A_4239 = arith.addf %get3A_4222, %mul3A_4238 : vector<16xf32>
    %sub3A_4240 = arith.subf %add3A_4239, %add3A_4236 : vector<16xf32>
    %mul3A_4241 = arith.mulf %get3A_4233, %sub3A_4240 : vector<16xf32>
    %add3A_4242 = arith.addf %add3A_4236, %mul3A_4241 : vector<16xf32>
    %mul3A_4243 = arith.mulf %add3A_4242, %broadcast_in_dim3A : vector<16xf32>
    %add3A_4244 = arith.addf %mul3A_4243, %broadcast_in_dim3A_3062 : vector<16xf32>
    %swap3A_4245 = arith.index_cast %multiple_of3A_4207 : i32 to index
    %swap3A_4246 = tpu.vector_load %arg10[%swap3A_4245] {strides = array<i32>} : memref<512xf32, #tpu.memory_space<vmem>>, vector<16xf32>,
    %swap3A_4247 = vector.shape_cast %swap3A_4246 : vector<16xf32> to vector<16xf32>
    %swap3A_4248 = vector.shape_cast %add3A_4244 : vector<16xf32> to vector<16xf32>
    tpu.vector_store %arg10[%swap3A_4245], %swap3A_4248 {strides = array<i32>} : memref<512xf32, #tpu.memory_space<vmem>>, vector<16xf32>,
    %scan3A_4249 = arith.constant 25 : i32
    %mul3A_4250 = arith.constant 16 : i32
    %mul3A_4251 = arith.muli %scan3A_4249, %mul3A_4250 : i32
    %multiple_of3A_4252 = tpu.assume_multiple %mul3A_4251, 16 : i32
    %mul3A_4253 = arith.constant 4 : i32
    %mul3A_4254 = arith.muli %mul3A_4253, %multiple_of3A_4252 : i32
    %get3A_4255 = arith.index_cast %mul3A_4254 : i32 to index
    %get3A_4256 = tpu.vector_load %arg13[%get3A_4255] {strides = array<i32>} : memref<2048xf32, #tpu.memory_space<vmem>>, vector<16xf32>,
    %get3A_4257 = vector.shape_cast %get3A_4256 : vector<16xf32> to vector<16xf32>
    %add3A_4258 = arith.constant 16 : i32
    %add3A_4259 = arith.addi %mul3A_4254, %add3A_4258 : i32
    %get3A_4260 = arith.index_cast %add3A_4259 : i32 to index
    %get3A_4261 = tpu.vector_load %arg13[%get3A_4260] {strides = array<i32>} : memref<2048xf32, #tpu.memory_space<vmem>>, vector<16xf32>,
    %get3A_4262 = vector.shape_cast %get3A_4261 : vector<16xf32> to vector<16xf32>
    %add3A_4263 = arith.constant 32 : i32
    %add3A_4264 = arith.addi %mul3A_4254, %add3A_4263 : i32
    %get3A_4265 = arith.index_cast %add3A_4264 : i32 to index
    %get3A_4266 = tpu.vector_load %arg13[%get3A_4265] {strides = array<i32>} : memref<2048xf32, #tpu.memory_space<vmem>>, vector<16xf32>,
    %get3A_4267 = vector.shape_cast %get3A_4266 : vector<16xf32> to vector<16xf32>
    %add3A_4268 = arith.constant 48 : i32
    %add3A_4269 = arith.addi %mul3A_4254, %add3A_4268 : i32
    %get3A_4270 = arith.index_cast %add3A_4269 : i32 to index
    %get3A_4271 = tpu.vector_load %arg13[%get3A_4270] {strides = array<i32>} : memref<2048xf32, #tpu.memory_space<vmem>>, vector<16xf32>,
    %get3A_4272 = vector.shape_cast %get3A_4271 : vector<16xf32> to vector<16xf32>
    %get3A_4273 = arith.index_cast %multiple_of3A_4252 : i32 to index
    %get3A_4274 = tpu.vector_load %arg8[%get3A_4273] {strides = array<i32>} : memref<512xf32, #tpu.memory_space<vmem>>, vector<16xf32>,
    %get3A_4275 = vector.shape_cast %get3A_4274 : vector<16xf32> to vector<16xf32>
    %get3A_4276 = arith.index_cast %multiple_of3A_4252 : i32 to index
    %get3A_4277 = tpu.vector_load %arg9[%get3A_4276] {strides = array<i32>} : memref<512xf32, #tpu.memory_space<vmem>>, vector<16xf32>,
    %get3A_4278 = vector.shape_cast %get3A_4277 : vector<16xf32> to vector<16xf32>
    %sub3A_4279 = arith.subf %get3A_4262, %get3A_4257 : vector<16xf32>
    %mul3A_4280 = arith.mulf %get3A_4275, %sub3A_4279 : vector<16xf32>
    %add3A_4281 = arith.addf %get3A_4257, %mul3A_4280 : vector<16xf32>
    %sub3A_4282 = arith.subf %get3A_4272, %get3A_4267 : vector<16xf32>
    %mul3A_4283 = arith.mulf %get3A_4275, %sub3A_4282 : vector<16xf32>
    %add3A_4284 = arith.addf %get3A_4267, %mul3A_4283 : vector<16xf32>
    %sub3A_4285 = arith.subf %add3A_4284, %add3A_4281 : vector<16xf32>
    %mul3A_4286 = arith.mulf %get3A_4278, %sub3A_4285 : vector<16xf32>
    %add3A_4287 = arith.addf %add3A_4281, %mul3A_4286 : vector<16xf32>
    %mul3A_4288 = arith.mulf %add3A_4287, %broadcast_in_dim3A : vector<16xf32>
    %add3A_4289 = arith.addf %mul3A_4288, %broadcast_in_dim3A_3062 : vector<16xf32>
    %swap3A_4290 = arith.index_cast %multiple_of3A_4252 : i32 to index
    %swap3A_4291 = tpu.vector_load %arg10[%swap3A_4290] {strides = array<i32>} : memref<512xf32, #tpu.memory_space<vmem>>, vector<16xf32>,
    %swap3A_4292 = vector.shape_cast %swap3A_4291 : vector<16xf32> to vector<16xf32>
    %swap3A_4293 = vector.shape_cast %add3A_4289 : vector<16xf32> to vector<16xf32>
    tpu.vector_store %arg10[%swap3A_4290], %swap3A_4293 {strides = array<i32>} : memref<512xf32, #tpu.memory_space<vmem>>, vector<16xf32>,
    %scan3A_4294 = arith.constant 26 : i32
    %mul3A_4295 = arith.constant 16 : i32
    %mul3A_4296 = arith.muli %scan3A_4294, %mul3A_4295 : i32
    %multiple_of3A_4297 = tpu.assume_multiple %mul3A_4296, 16 : i32
    %mul3A_4298 = arith.constant 4 : i32
    %mul3A_4299 = arith.muli %mul3A_4298, %multiple_of3A_4297 : i32
    %get3A_4300 = arith.index_cast %mul3A_4299 : i32 to index
    %get3A_4301 = tpu.vector_load %arg13[%get3A_4300] {strides = array<i32>} : memref<2048xf32, #tpu.memory_space<vmem>>, vector<16xf32>,
    %get3A_4302 = vector.shape_cast %get3A_4301 : vector<16xf32> to vector<16xf32>
    %add3A_4303 = arith.constant 16 : i32
    %add3A_4304 = arith.addi %mul3A_4299, %add3A_4303 : i32
    %get3A_4305 = arith.index_cast %add3A_4304 : i32 to index
    %get3A_4306 = tpu.vector_load %arg13[%get3A_4305] {strides = array<i32>} : memref<2048xf32, #tpu.memory_space<vmem>>, vector<16xf32>,
    %get3A_4307 = vector.shape_cast %get3A_4306 : vector<16xf32> to vector<16xf32>
    %add3A_4308 = arith.constant 32 : i32
    %add3A_4309 = arith.addi %mul3A_4299, %add3A_4308 : i32
    %get3A_4310 = arith.index_cast %add3A_4309 : i32 to index
    %get3A_4311 = tpu.vector_load %arg13[%get3A_4310] {strides = array<i32>} : memref<2048xf32, #tpu.memory_space<vmem>>, vector<16xf32>,
    %get3A_4312 = vector.shape_cast %get3A_4311 : vector<16xf32> to vector<16xf32>
    %add3A_4313 = arith.constant 48 : i32
    %add3A_4314 = arith.addi %mul3A_4299, %add3A_4313 : i32
    %get3A_4315 = arith.index_cast %add3A_4314 : i32 to index
    %get3A_4316 = tpu.vector_load %arg13[%get3A_4315] {strides = array<i32>} : memref<2048xf32, #tpu.memory_space<vmem>>, vector<16xf32>,
    %get3A_4317 = vector.shape_cast %get3A_4316 : vector<16xf32> to vector<16xf32>
    %get3A_4318 = arith.index_cast %multiple_of3A_4297 : i32 to index
    %get3A_4319 = tpu.vector_load %arg8[%get3A_4318] {strides = array<i32>} : memref<512xf32, #tpu.memory_space<vmem>>, vector<16xf32>,
    %get3A_4320 = vector.shape_cast %get3A_4319 : vector<16xf32> to vector<16xf32>
    %get3A_4321 = arith.index_cast %multiple_of3A_4297 : i32 to index
    %get3A_4322 = tpu.vector_load %arg9[%get3A_4321] {strides = array<i32>} : memref<512xf32, #tpu.memory_space<vmem>>, vector<16xf32>,
    %get3A_4323 = vector.shape_cast %get3A_4322 : vector<16xf32> to vector<16xf32>
    %sub3A_4324 = arith.subf %get3A_4307, %get3A_4302 : vector<16xf32>
    %mul3A_4325 = arith.mulf %get3A_4320, %sub3A_4324 : vector<16xf32>
    %add3A_4326 = arith.addf %get3A_4302, %mul3A_4325 : vector<16xf32>
    %sub3A_4327 = arith.subf %get3A_4317, %get3A_4312 : vector<16xf32>
    %mul3A_4328 = arith.mulf %get3A_4320, %sub3A_4327 : vector<16xf32>
    %add3A_4329 = arith.addf %get3A_4312, %mul3A_4328 : vector<16xf32>
    %sub3A_4330 = arith.subf %add3A_4329, %add3A_4326 : vector<16xf32>
    %mul3A_4331 = arith.mulf %get3A_4323, %sub3A_4330 : vector<16xf32>
    %add3A_4332 = arith.addf %add3A_4326, %mul3A_4331 : vector<16xf32>
    %mul3A_4333 = arith.mulf %add3A_4332, %broadcast_in_dim3A : vector<16xf32>
    %add3A_4334 = arith.addf %mul3A_4333, %broadcast_in_dim3A_3062 : vector<16xf32>
    %swap3A_4335 = arith.index_cast %multiple_of3A_4297 : i32 to index
    %swap3A_4336 = tpu.vector_load %arg10[%swap3A_4335] {strides = array<i32>} : memref<512xf32, #tpu.memory_space<vmem>>, vector<16xf32>,
    %swap3A_4337 = vector.shape_cast %swap3A_4336 : vector<16xf32> to vector<16xf32>
    %swap3A_4338 = vector.shape_cast %add3A_4334 : vector<16xf32> to vector<16xf32>
    tpu.vector_store %arg10[%swap3A_4335], %swap3A_4338 {strides = array<i32>} : memref<512xf32, #tpu.memory_space<vmem>>, vector<16xf32>,
    %scan3A_4339 = arith.constant 27 : i32
    %mul3A_4340 = arith.constant 16 : i32
    %mul3A_4341 = arith.muli %scan3A_4339, %mul3A_4340 : i32
    %multiple_of3A_4342 = tpu.assume_multiple %mul3A_4341, 16 : i32
    %mul3A_4343 = arith.constant 4 : i32
    %mul3A_4344 = arith.muli %mul3A_4343, %multiple_of3A_4342 : i32
    %get3A_4345 = arith.index_cast %mul3A_4344 : i32 to index
    %get3A_4346 = tpu.vector_load %arg13[%get3A_4345] {strides = array<i32>} : memref<2048xf32, #tpu.memory_space<vmem>>, vector<16xf32>,
    %get3A_4347 = vector.shape_cast %get3A_4346 : vector<16xf32> to vector<16xf32>
    %add3A_4348 = arith.constant 16 : i32
    %add3A_4349 = arith.addi %mul3A_4344, %add3A_4348 : i32
    %get3A_4350 = arith.index_cast %add3A_4349 : i32 to index
    %get3A_4351 = tpu.vector_load %arg13[%get3A_4350] {strides = array<i32>} : memref<2048xf32, #tpu.memory_space<vmem>>, vector<16xf32>,
    %get3A_4352 = vector.shape_cast %get3A_4351 : vector<16xf32> to vector<16xf32>
    %add3A_4353 = arith.constant 32 : i32
    %add3A_4354 = arith.addi %mul3A_4344, %add3A_4353 : i32
    %get3A_4355 = arith.index_cast %add3A_4354 : i32 to index
    %get3A_4356 = tpu.vector_load %arg13[%get3A_4355] {strides = array<i32>} : memref<2048xf32, #tpu.memory_space<vmem>>, vector<16xf32>,
    %get3A_4357 = vector.shape_cast %get3A_4356 : vector<16xf32> to vector<16xf32>
    %add3A_4358 = arith.constant 48 : i32
    %add3A_4359 = arith.addi %mul3A_4344, %add3A_4358 : i32
    %get3A_4360 = arith.index_cast %add3A_4359 : i32 to index
    %get3A_4361 = tpu.vector_load %arg13[%get3A_4360] {strides = array<i32>} : memref<2048xf32, #tpu.memory_space<vmem>>, vector<16xf32>,
    %get3A_4362 = vector.shape_cast %get3A_4361 : vector<16xf32> to vector<16xf32>
    %get3A_4363 = arith.index_cast %multiple_of3A_4342 : i32 to index
    %get3A_4364 = tpu.vector_load %arg8[%get3A_4363] {strides = array<i32>} : memref<512xf32, #tpu.memory_space<vmem>>, vector<16xf32>,
    %get3A_4365 = vector.shape_cast %get3A_4364 : vector<16xf32> to vector<16xf32>
    %get3A_4366 = arith.index_cast %multiple_of3A_4342 : i32 to index
    %get3A_4367 = tpu.vector_load %arg9[%get3A_4366] {strides = array<i32>} : memref<512xf32, #tpu.memory_space<vmem>>, vector<16xf32>,
    %get3A_4368 = vector.shape_cast %get3A_4367 : vector<16xf32> to vector<16xf32>
    %sub3A_4369 = arith.subf %get3A_4352, %get3A_4347 : vector<16xf32>
    %mul3A_4370 = arith.mulf %get3A_4365, %sub3A_4369 : vector<16xf32>
    %add3A_4371 = arith.addf %get3A_4347, %mul3A_4370 : vector<16xf32>
    %sub3A_4372 = arith.subf %get3A_4362, %get3A_4357 : vector<16xf32>
    %mul3A_4373 = arith.mulf %get3A_4365, %sub3A_4372 : vector<16xf32>
    %add3A_4374 = arith.addf %get3A_4357, %mul3A_4373 : vector<16xf32>
    %sub3A_4375 = arith.subf %add3A_4374, %add3A_4371 : vector<16xf32>
    %mul3A_4376 = arith.mulf %get3A_4368, %sub3A_4375 : vector<16xf32>
    %add3A_4377 = arith.addf %add3A_4371, %mul3A_4376 : vector<16xf32>
    %mul3A_4378 = arith.mulf %add3A_4377, %broadcast_in_dim3A : vector<16xf32>
    %add3A_4379 = arith.addf %mul3A_4378, %broadcast_in_dim3A_3062 : vector<16xf32>
    %swap3A_4380 = arith.index_cast %multiple_of3A_4342 : i32 to index
    %swap3A_4381 = tpu.vector_load %arg10[%swap3A_4380] {strides = array<i32>} : memref<512xf32, #tpu.memory_space<vmem>>, vector<16xf32>,
    %swap3A_4382 = vector.shape_cast %swap3A_4381 : vector<16xf32> to vector<16xf32>
    %swap3A_4383 = vector.shape_cast %add3A_4379 : vector<16xf32> to vector<16xf32>
    tpu.vector_store %arg10[%swap3A_4380], %swap3A_4383 {strides = array<i32>} : memref<512xf32, #tpu.memory_space<vmem>>, vector<16xf32>,
    %scan3A_4384 = arith.constant 4 : i32
    %dma_wait3A_4385 = arith.constant 1792 : i32
    %dma_wait3A_4386 = tpu.memref_slice %arg13[%dma_wait3A_4385] : memref<2048xf32, #tpu.memory_space<vmem>> -> memref<256xf32, #tpu.memory_space<vmem>>
    %dma_wait3A_4387 = arith.constant 1792 : i32
    %dma_wait3A_4388 = tpu.memref_slice %arg12[%dma_wait3A_4387] : memref<2048xi32, #tpu.memory_space<vmem>> -> memref<256xi32, #tpu.memory_space<vmem>>
    %dma_wait3A_4389 = arith.constant 0 : i32
    %dma_wait3A_4390 = tpu.memref_slice %arg3[%dma_wait3A_4389] : memref<1048576xf32, #tpu.memory_space<hbm>> -> memref<1048576xf32, #tpu.memory_space<hbm>>
    tpu.wait_indirect_dma semaphore(%arg16 : memref<!tpu.dma_semaphore, #tpu.memory_space<semaphore_mem>>) src(%dma_wait3A_4390 : memref<1048576xf32, #tpu.memory_space<hbm>>) dst(%dma_wait3A_4386 : memref<256xf32, #tpu.memory_space<vmem>>)
    %scan3A_4391 = arith.constant 0 : i32
    %scan3A_4392 = arith.constant 28 : i32
    %mul3A_4393 = arith.constant 16 : i32
    %mul3A_4394 = arith.muli %scan3A_4392, %mul3A_4393 : i32
    %multiple_of3A_4395 = tpu.assume_multiple %mul3A_4394, 16 : i32
    %mul3A_4396 = arith.constant 4 : i32
    %mul3A_4397 = arith.muli %mul3A_4396, %multiple_of3A_4395 : i32
    %get3A_4398 = arith.index_cast %mul3A_4397 : i32 to index
    %get3A_4399 = tpu.vector_load %arg13[%get3A_4398] {strides = array<i32>} : memref<2048xf32, #tpu.memory_space<vmem>>, vector<16xf32>,
    %get3A_4400 = vector.shape_cast %get3A_4399 : vector<16xf32> to vector<16xf32>
    %add3A_4401 = arith.constant 16 : i32
    %add3A_4402 = arith.addi %mul3A_4397, %add3A_4401 : i32
    %get3A_4403 = arith.index_cast %add3A_4402 : i32 to index
    %get3A_4404 = tpu.vector_load %arg13[%get3A_4403] {strides = array<i32>} : memref<2048xf32, #tpu.memory_space<vmem>>, vector<16xf32>,
    %get3A_4405 = vector.shape_cast %get3A_4404 : vector<16xf32> to vector<16xf32>
    %add3A_4406 = arith.constant 32 : i32
    %add3A_4407 = arith.addi %mul3A_4397, %add3A_4406 : i32
    %get3A_4408 = arith.index_cast %add3A_4407 : i32 to index
    %get3A_4409 = tpu.vector_load %arg13[%get3A_4408] {strides = array<i32>} : memref<2048xf32, #tpu.memory_space<vmem>>, vector<16xf32>,
    %get3A_4410 = vector.shape_cast %get3A_4409 : vector<16xf32> to vector<16xf32>
    %add3A_4411 = arith.constant 48 : i32
    %add3A_4412 = arith.addi %mul3A_4397, %add3A_4411 : i32
    %get3A_4413 = arith.index_cast %add3A_4412 : i32 to index
    %get3A_4414 = tpu.vector_load %arg13[%get3A_4413] {strides = array<i32>} : memref<2048xf32, #tpu.memory_space<vmem>>, vector<16xf32>,
    %get3A_4415 = vector.shape_cast %get3A_4414 : vector<16xf32> to vector<16xf32>
    %get3A_4416 = arith.index_cast %multiple_of3A_4395 : i32 to index
    %get3A_4417 = tpu.vector_load %arg8[%get3A_4416] {strides = array<i32>} : memref<512xf32, #tpu.memory_space<vmem>>, vector<16xf32>,
    %get3A_4418 = vector.shape_cast %get3A_4417 : vector<16xf32> to vector<16xf32>
    %get3A_4419 = arith.index_cast %multiple_of3A_4395 : i32 to index
    %get3A_4420 = tpu.vector_load %arg9[%get3A_4419] {strides = array<i32>} : memref<512xf32, #tpu.memory_space<vmem>>, vector<16xf32>,
    %get3A_4421 = vector.shape_cast %get3A_4420 : vector<16xf32> to vector<16xf32>
    %sub3A_4422 = arith.subf %get3A_4405, %get3A_4400 : vector<16xf32>
    %mul3A_4423 = arith.mulf %get3A_4418, %sub3A_4422 : vector<16xf32>
    %add3A_4424 = arith.addf %get3A_4400, %mul3A_4423 : vector<16xf32>
    %sub3A_4425 = arith.subf %get3A_4415, %get3A_4410 : vector<16xf32>
    %mul3A_4426 = arith.mulf %get3A_4418, %sub3A_4425 : vector<16xf32>
    %add3A_4427 = arith.addf %get3A_4410, %mul3A_4426 : vector<16xf32>
    %sub3A_4428 = arith.subf %add3A_4427, %add3A_4424 : vector<16xf32>
    %mul3A_4429 = arith.mulf %get3A_4421, %sub3A_4428 : vector<16xf32>
    %add3A_4430 = arith.addf %add3A_4424, %mul3A_4429 : vector<16xf32>
    %mul3A_4431 = arith.mulf %add3A_4430, %broadcast_in_dim3A : vector<16xf32>
    %add3A_4432 = arith.addf %mul3A_4431, %broadcast_in_dim3A_3062 : vector<16xf32>
    %swap3A_4433 = arith.index_cast %multiple_of3A_4395 : i32 to index
    %swap3A_4434 = tpu.vector_load %arg10[%swap3A_4433] {strides = array<i32>} : memref<512xf32, #tpu.memory_space<vmem>>, vector<16xf32>,
    %swap3A_4435 = vector.shape_cast %swap3A_4434 : vector<16xf32> to vector<16xf32>
    %swap3A_4436 = vector.shape_cast %add3A_4432 : vector<16xf32> to vector<16xf32>
    tpu.vector_store %arg10[%swap3A_4433], %swap3A_4436 {strides = array<i32>} : memref<512xf32, #tpu.memory_space<vmem>>, vector<16xf32>,
    %scan3A_4437 = arith.constant 29 : i32
    %mul3A_4438 = arith.constant 16 : i32
    %mul3A_4439 = arith.muli %scan3A_4437, %mul3A_4438 : i32
    %multiple_of3A_4440 = tpu.assume_multiple %mul3A_4439, 16 : i32
    %mul3A_4441 = arith.constant 4 : i32
    %mul3A_4442 = arith.muli %mul3A_4441, %multiple_of3A_4440 : i32
    %get3A_4443 = arith.index_cast %mul3A_4442 : i32 to index
    %get3A_4444 = tpu.vector_load %arg13[%get3A_4443] {strides = array<i32>} : memref<2048xf32, #tpu.memory_space<vmem>>, vector<16xf32>,
    %get3A_4445 = vector.shape_cast %get3A_4444 : vector<16xf32> to vector<16xf32>
    %add3A_4446 = arith.constant 16 : i32
    %add3A_4447 = arith.addi %mul3A_4442, %add3A_4446 : i32
    %get3A_4448 = arith.index_cast %add3A_4447 : i32 to index
    %get3A_4449 = tpu.vector_load %arg13[%get3A_4448] {strides = array<i32>} : memref<2048xf32, #tpu.memory_space<vmem>>, vector<16xf32>,
    %get3A_4450 = vector.shape_cast %get3A_4449 : vector<16xf32> to vector<16xf32>
    %add3A_4451 = arith.constant 32 : i32
    %add3A_4452 = arith.addi %mul3A_4442, %add3A_4451 : i32
    %get3A_4453 = arith.index_cast %add3A_4452 : i32 to index
    %get3A_4454 = tpu.vector_load %arg13[%get3A_4453] {strides = array<i32>} : memref<2048xf32, #tpu.memory_space<vmem>>, vector<16xf32>,
    %get3A_4455 = vector.shape_cast %get3A_4454 : vector<16xf32> to vector<16xf32>
    %add3A_4456 = arith.constant 48 : i32
    %add3A_4457 = arith.addi %mul3A_4442, %add3A_4456 : i32
    %get3A_4458 = arith.index_cast %add3A_4457 : i32 to index
    %get3A_4459 = tpu.vector_load %arg13[%get3A_4458] {strides = array<i32>} : memref<2048xf32, #tpu.memory_space<vmem>>, vector<16xf32>,
    %get3A_4460 = vector.shape_cast %get3A_4459 : vector<16xf32> to vector<16xf32>
    %get3A_4461 = arith.index_cast %multiple_of3A_4440 : i32 to index
    %get3A_4462 = tpu.vector_load %arg8[%get3A_4461] {strides = array<i32>} : memref<512xf32, #tpu.memory_space<vmem>>, vector<16xf32>,
    %get3A_4463 = vector.shape_cast %get3A_4462 : vector<16xf32> to vector<16xf32>
    %get3A_4464 = arith.index_cast %multiple_of3A_4440 : i32 to index
    %get3A_4465 = tpu.vector_load %arg9[%get3A_4464] {strides = array<i32>} : memref<512xf32, #tpu.memory_space<vmem>>, vector<16xf32>,
    %get3A_4466 = vector.shape_cast %get3A_4465 : vector<16xf32> to vector<16xf32>
    %sub3A_4467 = arith.subf %get3A_4450, %get3A_4445 : vector<16xf32>
    %mul3A_4468 = arith.mulf %get3A_4463, %sub3A_4467 : vector<16xf32>
    %add3A_4469 = arith.addf %get3A_4445, %mul3A_4468 : vector<16xf32>
    %sub3A_4470 = arith.subf %get3A_4460, %get3A_4455 : vector<16xf32>
    %mul3A_4471 = arith.mulf %get3A_4463, %sub3A_4470 : vector<16xf32>
    %add3A_4472 = arith.addf %get3A_4455, %mul3A_4471 : vector<16xf32>
    %sub3A_4473 = arith.subf %add3A_4472, %add3A_4469 : vector<16xf32>
    %mul3A_4474 = arith.mulf %get3A_4466, %sub3A_4473 : vector<16xf32>
    %add3A_4475 = arith.addf %add3A_4469, %mul3A_4474 : vector<16xf32>
    %mul3A_4476 = arith.mulf %add3A_4475, %broadcast_in_dim3A : vector<16xf32>
    %add3A_4477 = arith.addf %mul3A_4476, %broadcast_in_dim3A_3062 : vector<16xf32>
    %swap3A_4478 = arith.index_cast %multiple_of3A_4440 : i32 to index
    %swap3A_4479 = tpu.vector_load %arg10[%swap3A_4478] {strides = array<i32>} : memref<512xf32, #tpu.memory_space<vmem>>, vector<16xf32>,
    %swap3A_4480 = vector.shape_cast %swap3A_4479 : vector<16xf32> to vector<16xf32>
    %swap3A_4481 = vector.shape_cast %add3A_4477 : vector<16xf32> to vector<16xf32>
    tpu.vector_store %arg10[%swap3A_4478], %swap3A_4481 {strides = array<i32>} : memref<512xf32, #tpu.memory_space<vmem>>, vector<16xf32>,
    %scan3A_4482 = arith.constant 30 : i32
    %mul3A_4483 = arith.constant 16 : i32
    %mul3A_4484 = arith.muli %scan3A_4482, %mul3A_4483 : i32
    %multiple_of3A_4485 = tpu.assume_multiple %mul3A_4484, 16 : i32
    %mul3A_4486 = arith.constant 4 : i32
    %mul3A_4487 = arith.muli %mul3A_4486, %multiple_of3A_4485 : i32
    %get3A_4488 = arith.index_cast %mul3A_4487 : i32 to index
    %get3A_4489 = tpu.vector_load %arg13[%get3A_4488] {strides = array<i32>} : memref<2048xf32, #tpu.memory_space<vmem>>, vector<16xf32>,
    %get3A_4490 = vector.shape_cast %get3A_4489 : vector<16xf32> to vector<16xf32>
    %add3A_4491 = arith.constant 16 : i32
    %add3A_4492 = arith.addi %mul3A_4487, %add3A_4491 : i32
    %get3A_4493 = arith.index_cast %add3A_4492 : i32 to index
    %get3A_4494 = tpu.vector_load %arg13[%get3A_4493] {strides = array<i32>} : memref<2048xf32, #tpu.memory_space<vmem>>, vector<16xf32>,
    %get3A_4495 = vector.shape_cast %get3A_4494 : vector<16xf32> to vector<16xf32>
    %add3A_4496 = arith.constant 32 : i32
    %add3A_4497 = arith.addi %mul3A_4487, %add3A_4496 : i32
    %get3A_4498 = arith.index_cast %add3A_4497 : i32 to index
    %get3A_4499 = tpu.vector_load %arg13[%get3A_4498] {strides = array<i32>} : memref<2048xf32, #tpu.memory_space<vmem>>, vector<16xf32>,
    %get3A_4500 = vector.shape_cast %get3A_4499 : vector<16xf32> to vector<16xf32>
    %add3A_4501 = arith.constant 48 : i32
    %add3A_4502 = arith.addi %mul3A_4487, %add3A_4501 : i32
    %get3A_4503 = arith.index_cast %add3A_4502 : i32 to index
    %get3A_4504 = tpu.vector_load %arg13[%get3A_4503] {strides = array<i32>} : memref<2048xf32, #tpu.memory_space<vmem>>, vector<16xf32>,
    %get3A_4505 = vector.shape_cast %get3A_4504 : vector<16xf32> to vector<16xf32>
    %get3A_4506 = arith.index_cast %multiple_of3A_4485 : i32 to index
    %get3A_4507 = tpu.vector_load %arg8[%get3A_4506] {strides = array<i32>} : memref<512xf32, #tpu.memory_space<vmem>>, vector<16xf32>,
    %get3A_4508 = vector.shape_cast %get3A_4507 : vector<16xf32> to vector<16xf32>
    %get3A_4509 = arith.index_cast %multiple_of3A_4485 : i32 to index
    %get3A_4510 = tpu.vector_load %arg9[%get3A_4509] {strides = array<i32>} : memref<512xf32, #tpu.memory_space<vmem>>, vector<16xf32>,
    %get3A_4511 = vector.shape_cast %get3A_4510 : vector<16xf32> to vector<16xf32>
    %sub3A_4512 = arith.subf %get3A_4495, %get3A_4490 : vector<16xf32>
    %mul3A_4513 = arith.mulf %get3A_4508, %sub3A_4512 : vector<16xf32>
    %add3A_4514 = arith.addf %get3A_4490, %mul3A_4513 : vector<16xf32>
    %sub3A_4515 = arith.subf %get3A_4505, %get3A_4500 : vector<16xf32>
    %mul3A_4516 = arith.mulf %get3A_4508, %sub3A_4515 : vector<16xf32>
    %add3A_4517 = arith.addf %get3A_4500, %mul3A_4516 : vector<16xf32>
    %sub3A_4518 = arith.subf %add3A_4517, %add3A_4514 : vector<16xf32>
    %mul3A_4519 = arith.mulf %get3A_4511, %sub3A_4518 : vector<16xf32>
    %add3A_4520 = arith.addf %add3A_4514, %mul3A_4519 : vector<16xf32>
    %mul3A_4521 = arith.mulf %add3A_4520, %broadcast_in_dim3A : vector<16xf32>
    %add3A_4522 = arith.addf %mul3A_4521, %broadcast_in_dim3A_3062 : vector<16xf32>
    %swap3A_4523 = arith.index_cast %multiple_of3A_4485 : i32 to index
    %swap3A_4524 = tpu.vector_load %arg10[%swap3A_4523] {strides = array<i32>} : memref<512xf32, #tpu.memory_space<vmem>>, vector<16xf32>,
    %swap3A_4525 = vector.shape_cast %swap3A_4524 : vector<16xf32> to vector<16xf32>
    %swap3A_4526 = vector.shape_cast %add3A_4522 : vector<16xf32> to vector<16xf32>
    tpu.vector_store %arg10[%swap3A_4523], %swap3A_4526 {strides = array<i32>} : memref<512xf32, #tpu.memory_space<vmem>>, vector<16xf32>,
    %scan3A_4527 = arith.constant 31 : i32
    %mul3A_4528 = arith.constant 16 : i32
    %mul3A_4529 = arith.muli %scan3A_4527, %mul3A_4528 : i32
    %multiple_of3A_4530 = tpu.assume_multiple %mul3A_4529, 16 : i32
    %mul3A_4531 = arith.constant 4 : i32
    %mul3A_4532 = arith.muli %mul3A_4531, %multiple_of3A_4530 : i32
    %get3A_4533 = arith.index_cast %mul3A_4532 : i32 to index
    %get3A_4534 = tpu.vector_load %arg13[%get3A_4533] {strides = array<i32>} : memref<2048xf32, #tpu.memory_space<vmem>>, vector<16xf32>,
    %get3A_4535 = vector.shape_cast %get3A_4534 : vector<16xf32> to vector<16xf32>
    %add3A_4536 = arith.constant 16 : i32
    %add3A_4537 = arith.addi %mul3A_4532, %add3A_4536 : i32
    %get3A_4538 = arith.index_cast %add3A_4537 : i32 to index
    %get3A_4539 = tpu.vector_load %arg13[%get3A_4538] {strides = array<i32>} : memref<2048xf32, #tpu.memory_space<vmem>>, vector<16xf32>,
    %get3A_4540 = vector.shape_cast %get3A_4539 : vector<16xf32> to vector<16xf32>
    %add3A_4541 = arith.constant 32 : i32
    %add3A_4542 = arith.addi %mul3A_4532, %add3A_4541 : i32
    %get3A_4543 = arith.index_cast %add3A_4542 : i32 to index
    %get3A_4544 = tpu.vector_load %arg13[%get3A_4543] {strides = array<i32>} : memref<2048xf32, #tpu.memory_space<vmem>>, vector<16xf32>,
    %get3A_4545 = vector.shape_cast %get3A_4544 : vector<16xf32> to vector<16xf32>
    %add3A_4546 = arith.constant 48 : i32
    %add3A_4547 = arith.addi %mul3A_4532, %add3A_4546 : i32
    %get3A_4548 = arith.index_cast %add3A_4547 : i32 to index
    %get3A_4549 = tpu.vector_load %arg13[%get3A_4548] {strides = array<i32>} : memref<2048xf32, #tpu.memory_space<vmem>>, vector<16xf32>,
    %get3A_4550 = vector.shape_cast %get3A_4549 : vector<16xf32> to vector<16xf32>
    %get3A_4551 = arith.index_cast %multiple_of3A_4530 : i32 to index
    %get3A_4552 = tpu.vector_load %arg8[%get3A_4551] {strides = array<i32>} : memref<512xf32, #tpu.memory_space<vmem>>, vector<16xf32>,
    %get3A_4553 = vector.shape_cast %get3A_4552 : vector<16xf32> to vector<16xf32>
    %get3A_4554 = arith.index_cast %multiple_of3A_4530 : i32 to index
    %get3A_4555 = tpu.vector_load %arg9[%get3A_4554] {strides = array<i32>} : memref<512xf32, #tpu.memory_space<vmem>>, vector<16xf32>,
    %get3A_4556 = vector.shape_cast %get3A_4555 : vector<16xf32> to vector<16xf32>
    %sub3A_4557 = arith.subf %get3A_4540, %get3A_4535 : vector<16xf32>
    %mul3A_4558 = arith.mulf %get3A_4553, %sub3A_4557 : vector<16xf32>
    %add3A_4559 = arith.addf %get3A_4535, %mul3A_4558 : vector<16xf32>
    %sub3A_4560 = arith.subf %get3A_4550, %get3A_4545 : vector<16xf32>
    %mul3A_4561 = arith.mulf %get3A_4553, %sub3A_4560 : vector<16xf32>
    %add3A_4562 = arith.addf %get3A_4545, %mul3A_4561 : vector<16xf32>
    %sub3A_4563 = arith.subf %add3A_4562, %add3A_4559 : vector<16xf32>
    %mul3A_4564 = arith.mulf %get3A_4556, %sub3A_4563 : vector<16xf32>
    %add3A_4565 = arith.addf %add3A_4559, %mul3A_4564 : vector<16xf32>
    %mul3A_4566 = arith.mulf %add3A_4565, %broadcast_in_dim3A : vector<16xf32>
    %add3A_4567 = arith.addf %mul3A_4566, %broadcast_in_dim3A_3062 : vector<16xf32>
    %swap3A_4568 = arith.index_cast %multiple_of3A_4530 : i32 to index
    %swap3A_4569 = tpu.vector_load %arg10[%swap3A_4568] {strides = array<i32>} : memref<512xf32, #tpu.memory_space<vmem>>, vector<16xf32>,
    %swap3A_4570 = vector.shape_cast %swap3A_4569 : vector<16xf32> to vector<16xf32>
    %swap3A_4571 = vector.shape_cast %add3A_4567 : vector<16xf32> to vector<16xf32>
    tpu.vector_store %arg10[%swap3A_4568], %swap3A_4571 {strides = array<i32>} : memref<512xf32, #tpu.memory_space<vmem>>, vector<16xf32>,
    %scan3A_4572 = arith.constant 4 : i32
    %dma_wait3A_4573 = arith.constant 0 : i32
    %dma_wait3A_4574 = tpu.memref_slice %arg10[%dma_wait3A_4573] : memref<512xf32, #tpu.memory_space<vmem>> -> memref<256xf32, #tpu.memory_space<vmem>>
    %dma_wait3A_4575 = tpu.memref_slice %arg6[%mul3A_2] : memref<16384xf32, #tpu.memory_space<hbm>> -> memref<256xf32, #tpu.memory_space<hbm>>
    %dma_wait3A_4576 = tpu.memref_slice %arg6[%mul3A_2] : memref<16384xf32, #tpu.memory_space<hbm>> -> memref<256xf32, #tpu.memory_space<hbm>>
    %dma_wait3A_4577 = arith.constant 0 : i32
    %dma_wait3A_4578 = tpu.memref_slice %arg10[%dma_wait3A_4577] : memref<512xf32, #tpu.memory_space<vmem>> -> memref<256xf32, #tpu.memory_space<vmem>>
    tpu.wait_dma2 semaphore(%arg14 : memref<!tpu.dma_semaphore, #tpu.memory_space<semaphore_mem>>) src(%dma_wait3A_4578 : memref<256xf32, #tpu.memory_space<vmem>>) dst(%dma_wait3A_4576 : memref<256xf32, #tpu.memory_space<hbm>>)
    %add3A_4579 = arith.constant 256 : i32
    %add3A_4580 = arith.addi %mul3A_2, %add3A_4579 : i32
    "tpu.region"() ({
      %run_scoped3A = tpu.sem_alloc : memref<!tpu.dma_semaphore, #tpu.memory_space<semaphore_mem>>
      %dma_start3A_4581 = arith.constant 256 : i32
      %dma_start3A_4582 = tpu.memref_slice %arg10[%dma_start3A_4581] : memref<512xf32, #tpu.memory_space<vmem>> -> memref<256xf32, #tpu.memory_space<vmem>>
      %dma_start3A_4583 = tpu.memref_slice %arg6[%add3A_4580] : memref<16384xf32, #tpu.memory_space<hbm>> -> memref<256xf32, #tpu.memory_space<hbm>>
      %dma_start3A_4584 = tpu.memref_slice %arg6[%add3A_4580] : memref<16384xf32, #tpu.memory_space<hbm>> -> memref<256xf32, #tpu.memory_space<hbm>>
      %dma_start3A_4585 = arith.constant 256 : i32
      %dma_start3A_4586 = tpu.memref_slice %arg10[%dma_start3A_4585] : memref<512xf32, #tpu.memory_space<vmem>> -> memref<256xf32, #tpu.memory_space<vmem>>
      tpu.enqueue_dma source(%dma_start3A_4586 : memref<256xf32, #tpu.memory_space<vmem>>) target(%dma_start3A_4584 : memref<256xf32, #tpu.memory_space<hbm>>) target_semaphore(%run_scoped3A : memref<!tpu.dma_semaphore, #tpu.memory_space<semaphore_mem>>)
      %dma_wait3A_4587 = arith.constant 256 : i32
      %dma_wait3A_4588 = tpu.memref_slice %arg10[%dma_wait3A_4587] : memref<512xf32, #tpu.memory_space<vmem>> -> memref<256xf32, #tpu.memory_space<vmem>>
      %dma_wait3A_4589 = tpu.memref_slice %arg6[%add3A_4580] : memref<16384xf32, #tpu.memory_space<hbm>> -> memref<256xf32, #tpu.memory_space<hbm>>
      %dma_wait3A_4590 = tpu.memref_slice %arg6[%add3A_4580] : memref<16384xf32, #tpu.memory_space<hbm>> -> memref<256xf32, #tpu.memory_space<hbm>>
      %dma_wait3A_4591 = arith.constant 256 : i32
      %dma_wait3A_4592 = tpu.memref_slice %arg10[%dma_wait3A_4591] : memref<512xf32, #tpu.memory_space<vmem>> -> memref<256xf32, #tpu.memory_space<vmem>>
      tpu.wait_dma2 semaphore(%run_scoped3A : memref<!tpu.dma_semaphore, #tpu.memory_space<semaphore_mem>>) src(%dma_wait3A_4592 : memref<256xf32, #tpu.memory_space<vmem>>) dst(%dma_wait3A_4590 : memref<256xf32, #tpu.memory_space<hbm>>)
      tpu.yield
    }) : () -> ()
    return
  }
}

</mosaic_0001>

<sc_bundles>
// kernel: kernel.3.cloned.1.call-start
scs
__scs_entry_jumppad:
0x0: {  	(pc) =	sbr.rel $0x88, $3  }
0x1: {  	(tag) =	ssettag $0x0;
	lr =	simm.s32 $0x1  }
0x2: {  	[smem:$0x3F9D] =	sst lr;
	_ =	strace $0xD0000000  }
0x3: {  	_ = 	snop  }
0x4: {  	_ = 	snop  }
0x5: {  	_ = 	snop  }
0x6: {  	_ = 	snop  }
0x7: {  	_ = 	snop  }
__scs_overlays_trampoline_lowered:
0x8: {  	[smem:$0x3FAC] =	sst s0  }
0x9: {  	[smem:$0x3FAD] =	sst s1  }
0xa: {  	[smem:$0x3FAE] =	sst s2  }
0xb: {  	[smem:$0x3FAF] =	sst s3  }
0xc: {  	[smem:$0x3FB0] =	sst s4  }
0xd: {  	[smem:$0x3FB1] =	sst s5  }
0xe: {  	[smem:$0x3FB2] =	sst s6  }
0xf: {  	[smem:$0x3FB3] =	sst s7  }
0x10: {  	[smem:$0x3FB4] =	sst s8  }
0x11: {  	[smem:$0x3FB5] =	sst s9;
	s0 =	simm.s32 @!p0 $0x0  }
0x12: {  	s1 =	sld [smem:$0x3F9B];
	s0 =	simm.s32 @p0 $0x1  }
0x13: {  	[smem:$0x3FB6] =	sst s0;
	s0 =	simm.s32 @!p1 $0x0  }
0x14: {  	s2 =	sld [smem:$0x3F9A];
	s0 =	simm.s32 @p1 $0x1  }
0x15: {  	[smem:$0x3FB7] =	sst s0;
	s0 =	simm.s32 @!p2 $0x0  }
0x16: {  	s3 =	sld [smem:$0x3FDB];
	s0 =	simm.s32 @p2 $0x1  }
0x17: {  	s4 =	simm.s32 $0x1BF5;
	[smem:$0x3FB9] =	sst s0  }
0x18: {  	s0 =	sld [smem:$0x3F9C];
	_ =	swait.ge [sflag:s4], $0x0  }
0x19: {  	s7 =	sld [smem:$0x3F9D]  }
0x1a: {  	s8 =	sadd.s32 $0xFFFFE003, lr  }
0x1b: {  	s9 =	sadd.s32 $0xFFFFFEF7, lr;
	s5 =	simm.s32 $0xFFFFFFFF;
	p2 =	slt.u32 s8, $0xFFFFF086  }
0x1c: {  	p1 =	slt.u32 s9, $0xF7A;
	s5 =	simm.s32 @!p2 $0x0  }
0x1d: {  	s5 =	simm.s32 @p1 $0x1;
	p0 =	seq.s32 s7, s2  }
0x1e: {  	s7 =	smul.u32 @!p0 $0xF7A, s2;
	p2 =	seq.s32 @!p0 s5, $0x0  }
0x1f: {  	s9 =	smul.u32 $0xF7A, s1;
	s8 =	simm.s32 @!p0 $0x1BF5;
	p2 =	por !p2, p0  }
0x20: {  	[sflag:s8] =	ssyncset.s32 @!p0 $0xFFFFF086;
	s6 =	sadd.s32 @!p0 s3, s7;
	s7 =	simm.s32 @!p0 $0x108  }
0x21: {  	s3 =	sadd.s32 s3, s9;
	s6 =	sadd.s32 @!p0 $0x88, s6;
	s7 =	simm.s32 @p2 $0x1082  }
0x22: {  	[simem:s7], [sflag:s8] =	dma.local @!p0 [hbm:s6], $0xF7A  }
0x23: {  	s9 =	sor.u32 $0xD0000000, s2;
	s6 =	simm.s32 $0x108;
	_ =	swait.ge @!p0 [sflag:s8], $0x0  }
0x24: {  	s3 =	sadd.s32 $0x88, s3;
	s6 =	simm.s32 @!p1 $0x1082;
	[sflag:s4] =	ssyncset.s32 $0xFFFFF086  }
0x25: {  	[simem:s6], [sflag:s4] =	dma.local [hbm:s3], $0xF7A  }
0x26: {  	[smem:$0x3F9D] =	sst s1;
	(tag) =	ssettag s2;
	_ =	strace s9  }
0x27: {  	s1 =	sld [smem:$0x3FAD]  }
0x28: {  	s2 =	sld [smem:$0x3FAE]  }
0x29: {  	s4 =	sld [smem:$0x3FB0]  }
0x2a: {  	p0 =	seq.s32 s5, $0x0;
	s5 =	sld [smem:$0x3FB1]  }
0x2b: {  	s6 =	sld [smem:$0x3FB2]  }
0x2c: {  	s7 =	sld [smem:$0x3FB3]  }
0x2d: {  	s3 =	simm.s32 $0x108;
	s8 =	sld [smem:$0x3FB4]  }
0x2e: {  	s3 =	simm.s32 @!p0 $0x1082;
	s9 =	sld [smem:$0x3FB5]  }
0x2f: {  	lr =	sadd.s32 s0, s3;
	s0 =	sld [smem:$0x3FAC]  }
0x30: {  	s3 =	sld [smem:$0x3FAF]  }
0x31: {  	[smem:$0x3FB8] =	sst s10  }
0x32: {  	s10 =	sld [smem:$0x3FB6];
	_ =	sdelay $0x3  }
0x33: {  	p0 =	seq.s32 s10, $0x1;
	s10 =	sld [smem:$0x3FB8];
	_ =	sdelay $0x3  }
0x34: {  	[smem:$0x3FB8] =	sst s10  }
0x35: {  	s10 =	sld [smem:$0x3FB7];
	_ =	sdelay $0x3  }
0x36: {  	p1 =	seq.s32 s10, $0x1;
	s10 =	sld [smem:$0x3FB8];
	_ =	sdelay $0x3  }
0x37: {  	[smem:$0x3FB8] =	sst s10  }
0x38: {  	s10 =	sld [smem:$0x3FB9]  }
0x39: {  	_ = 	snop;
	(pc) =	sbr.ind lr, $3  }
0x3a: {  	_ = 	snop  }
0x3b: {  	_ = 	snop  }
0x3c: {  	p2 =	seq.s32 s10, $0x1;
	s10 =	sld [smem:$0x3FB8]  }
0x3d: {  	_ =	shalt  }
0x3e: {  	_ =	shalt  }
0x3f: {  	_ =	shalt  }
0x40: {  	_ =	shalt  }
0x41: {  	_ =	shalt  }
0x42: {  	_ =	shalt  }
0x43: {  	_ =	shalt  }
0x44: {  	_ =	shalt  }
0x45: {  	_ =	shalt  }
0x46: {  	_ =	shalt  }
0x47: {  	_ =	shalt  }
0x48: {  	_ =	shalt  }
0x49: {  	_ =	shalt  }
0x4a: {  	_ =	shalt  }
0x4b: {  	_ =	shalt  }
0x4c: {  	_ =	shalt  }
0x4d: {  	_ =	shalt  }
0x4e: {  	_ =	shalt  }
0x4f: {  	_ =	shalt  }
0x50: {  	_ =	shalt  }
0x51: {  	_ =	shalt  }
0x52: {  	_ =	shalt  }
0x53: {  	_ =	shalt  }
0x54: {  	_ =	shalt  }
0x55: {  	_ =	shalt  }
0x56: {  	_ =	shalt  }
0x57: {  	_ =	shalt  }
0x58: {  	_ =	shalt  }
0x59: {  	_ =	shalt  }
0x5a: {  	_ =	shalt  }
0x5b: {  	_ =	shalt  }
0x5c: {  	_ =	shalt  }
0x5d: {  	_ =	shalt  }
0x5e: {  	_ =	shalt  }
0x5f: {  	_ =	shalt  }
0x60: {  	_ =	shalt  }
0x61: {  	_ =	shalt  }
0x62: {  	_ =	shalt  }
0x63: {  	_ =	shalt  }
0x64: {  	_ =	shalt  }
0x65: {  	_ =	shalt  }
0x66: {  	_ =	shalt  }
0x67: {  	_ =	shalt  }
0x68: {  	_ =	shalt  }
0x69: {  	_ =	shalt  }
0x6a: {  	_ =	shalt  }
0x6b: {  	_ =	shalt  }
0x6c: {  	_ =	shalt  }
0x6d: {  	_ =	shalt  }
0x6e: {  	_ =	shalt  }
0x6f: {  	_ =	shalt  }
0x70: {  	_ =	shalt  }
0x71: {  	_ =	shalt  }
0x72: {  	_ =	shalt  }
0x73: {  	_ =	shalt  }
0x74: {  	_ =	shalt  }
0x75: {  	_ =	shalt  }
0x76: {  	_ =	shalt  }
0x77: {  	_ =	shalt  }
0x78: {  	_ =	shalt  }
0x79: {  	_ =	shalt  }
0x7a: {  	_ =	shalt  }
0x7b: {  	_ =	shalt  }
0x7c: {  	_ =	shalt  }
0x7d: {  	_ =	shalt  }
0x7e: {  	_ =	shalt  }
0x7f: {  	_ =	shalt  }
0x80: {  	_ =	shalt  }
0x81: {  	_ =	shalt  }
0x82: {  	_ =	shalt  }
0x83: {  	_ =	shalt  }
0x84: {  	_ =	shalt  }
0x85: {  	_ =	shalt  }
0x86: {  	_ =	shalt  }
0x87: {  	_ =	shalt  }
.Lfunc_end0:
.L_simem_size_0:
called_computation_lowered:
.L_overlay_start_0:
0x88: {  	s2 =	sld [smem:$0x3FD9]  }
0x89: {  	s3 =	sld [smem:$0x3FFE];
	_ =	sdelay $0x1  }
0x8a: {  	s1 =	srdreg.scid  }
0x8b: {  	s0 =	sand.u32 $0x1, s1  }
0x8c: {  	s17 =	sshll.u32 s0, $0xA;
	s2 =	sadd.s32 s3, s2  }
0x8d: {  	s2 =	sadd.s32 s2, s17  }
0x8e: {  	[smem:$0x3FC4] =	sst s2  }
0x8f: {  	_ = 	snop  }
0x90: {  	s2 =	sld [smem:$0x3FC9]  }
0x91: {  	s18 =	sld [smem:$0x3FC7]  }
0x92: {  	s4 =	sld [smem:$0x3FC6]  }
0x93: {  	s5 =	sld [smem:$0x3FD0];
	(tm) =	ssettm $0x1  }
0x94: {  	s6 =	sld [smem:$0x3FFB];
	_ =	sdelay $0x3  }
0x95: {  	_ =	strace s6  }
0x96: {  	s6 =	sld [smem:$0x3FFC];
	_ =	sdelay $0x3  }
0x97: {  	_ =	strace s6  }
0x98: {  	s6 =	sld [smem:$0x3FFD];
	_ =	sdelay $0x3  }
0x99: {  	_ =	strace s6  }
0x9a: {  	_ =	strace $0x8FFFFFFF  }
0x9b: {  	s19 =	sld [smem:$0x3FDB];
	_ =	sdelay $0x1  }
0x9c: {  	s7 =	simm.s32 $_scs_section_size  }
0x9d: {  	s8 =	simm.s32 $_size__tile_overlayer_lowered;
	s9 =	simm.s32 $_tile_overlayer_lowered  }
0x9e: {  	s22 =	simm.s32 $0x1BFF;
	s21 =	sshll.u32 s9, $0x1;
	s6 =	sadd.s32 s7, s19  }
0x9f: {  	s10 =	simm.s32 $0x0;
	s20 =	sshll.u32 s8, $0x1;
	s8 =	sadd.s32 s21, s6  }
0xa0: {  	[timem:s10], [sflag:s22] =	dma.local [hbm:s8], s20  }
0xa1: {  	_ =	swait.ge [sflag:s22], s20  }
0xa2: {  	s7 =	ssub.s32 $0x0, s20;
	[sflag:s22] =	ssyncset.done $0x0  }
0xa3: {  	[sflag:s22] =	ssyncadd.s32 s7;
	_ =	sdelay $0x1  }
0xa4: {  	s23 =	simm.s32 $0x1B8B  }
0xa5: {  	_ =	swait.ge [sflag:s23], $0x1  }
0xa6: {  	[sflag:s23] =	ssyncset.done $0x0  }
0xa7: {  	s25 =	simm.s32 $0x1B8E;
	s24 =	sld [smem:$0x3FFE];
	[sflag:s23] =	ssyncadd.s32 $0xFFFFFFFF  }
0xa8: {  	s26 =	simm.s32 $execute0_lowered;
	[smem:$0x3FD2] =	sst s25  }
0xa9: {  	s8 =	sshll.u32 s26, $0x1;
	_ =	strace $0x80000046;
	[dreg:$0x1] =	wrdreg $0xFFFFFFFF  }
0xaa: {  	s28 =	simm.s32 $_size_execute0_lowered;
	s6 =	sadd.s32 s6, s8;
	[dreg:$0x0] =	wrdreg $0x0  }
0xab: {  	s8 =	sshll.u32 s28, $0x1;
	[dreg:$0x2] =	wrdreg s6  }
0xac: {  	[dreg:$0x3] =	wrdreg s8  }
0xad: {  	[dreg:$0x4] =	wrdreg $0xC0  }
0xae: {  	_ =	task [dreg:s10], $0x5FFFF  }
0xaf: {  	[dreg:$0x1] =	wrdreg $0xFFFFFFFF  }
0xb0: {  	[dreg:$0x0] =	wrdreg $0x60  }
0xb1: {  	[dreg:$0x2] =	wrdreg s2  }
0xb2: {  	[dreg:$0x3] =	wrdreg s24  }
0xb3: {  	[dreg:$0x4] =	wrdreg s18  }
0xb4: {  	[dreg:$0x5] =	wrdreg s4  }
0xb5: {  	[dreg:$0x6] =	wrdreg s5  }
0xb6: {  	[dreg:$0x7] =	wrdreg $0x9  }
0xb7: {  	_ =	task.clear_ibuf [dreg:s10], $0x8FFFF;
	_ =	strace $0x90000046  }
0xb8: {  	s29 =	simm.s32 $0x9;
	_ =	strace $0x80000048  }
0xb9: {  	_ =	swait.ge [sflag:s29], $0x1  }
0xba: {  	[sflag:s29] =	ssyncadd.s32 $0xFFFFFFFF  }
0xbb: {  	_ =	strace $0x90000048  }
0xbc: {  	_ =	sfence  }
0xbd: {  	s30 =	sld [smem:$0x0];
	_ =	sdelay $0x2  }
0xbe: {  	s31 =	sshll.u32 s1, $0xD;
	s1 =	sshrl.u32 s1, $0x2  }
0xbf: {  	s3 =	sand.u32 $0x4000, s31;
	s1 =	sadd.s32 s1, s30  }
0xc0: {  	s0 =	sor.u32 s3, s0;
	s1 =	sshll.u32 s1, $0x11  }
0xc1: {  	s0 =	sor.u32 s1, s0  }
0xc2: {  	s0 =	sadd.s32 $0x8F2B, s0  }
0xc3: {  	[sflag:s0] =	ssyncadd.remote.s32 $0x1  }
0xc4: {  	_ =	sfence.sel $0xFFFF  }
0xc5: {  	[dreg:$0x0] =	wrdreg $0xFFFFFFFF;
	(pc) =	sbr.abs _section_cstart, $3  }
0xc6: {  	[dreg:$0x1] =	wrdreg $0xFFFFFFFF  }
0xc7: {  	_ =	task.clear_ibuf [dreg:s10], $0x2FFFF;
	_ =	strace $0x9FFFFFFF  }
0xc8: {  	(tm) =	ssettm $0x7FFFFFFF  }
0xc9: {  	_ =	shalt  }
tec
execute0_lowered:
.L_overlay_start_1:
0x0: {  	(tag) =	ssettag $0x1  }
0x1: {  	s0 =	rddreg [dreg:$0x0]  }
0x2: {  	s3 =	rddreg [dreg:$0x1]  }
0x3: {  	s1 =	rddreg [dreg:$0x2]  }
0x4: {  	s24 =	rddreg [dreg:$0x3]  }
0x5: {  	s4 =	rddreg [dreg:$0x4];
	s5 =	srdreg.scid  }
0x6: {  	s2 =	simm.s32 $0x0;
	s25 =	stileid.u32;
	s9 =	simm.s32 $0x1  }
0x7: {  	s10 =	simm.s32 $0x100;
	s11 =	simm.s32 $0xA80;
	s12 =	simm.s32 $0x1280  }
0x8: {  	s13 =	simm.s32 $0xB80;
	s14 =	simm.s32 $0x1380;
	s15 =	simm.s32 $0xC80  }
0x9: {  	s16 =	simm.s32 $0x1480;
	s17 =	simm.s32 $0xD80;
	s18 =	simm.s32 $0x1580  }
0xa: {  	s19 =	simm.s32 $0xE80;
	s20 =	simm.s32 $0x1680;
	s21 =	simm.s32 $0xF80  }
0xb: {  	s22 =	simm.s32 $0x1780;
	s23 =	simm.s32 $0x1080;
	s28 =	simm.s32 $0x2  }
0xc: {  	s29 =	simm.s32 $0x3;
	s30 =	simm.s32 $0x800;
	[dreg:$0x6] =	wrdreg s1  }
0xd: {  	s31 =	simm.s32 $0x900;
	[dreg:$0x7] =	wrdreg s24;
	s5 =	sand.u32 $0x1, s5  }
0xe: {  	[smem:$0x7FF] =	sst s2;
	s6 =	sshll.u32 s25, $0xA;
	s3 =	sadd.s32 $0x400, s3  }
0xf: {  	s24 =	simm.s32 $0x1880;
	s25 =	simm.s32 $0x1180;
	s7 =	sshll.u32 s5, $0x9  }
0x10: {  	_ =	strace $0x80000047;
	s5 =	ssub.s32 $0x2, s5;
	s6 =	sor.u32 s7, s6  }
0x11: {  	s8 =	sshrl.u32 s5, $0x1;
	s7 =	sshrl.u32 s6, $0x2;
	s6 =	sshrl.u32 s6, $0x3  }
0x12: {  	s26 =	ssub.s32 s5, s8;
	s8 =	simm.s32 $0xA00;
	s0 =	sadd.s32 s0, s7  }
0x13: {  	s4 =	sadd.s32 s4, s6;
	s6 =	smax.u32 s26, $0x1;
	s26 =	simm.s32 $0x1980  }
0x14: {  	[dreg:$0x8] =	wrdreg s0;
	s5 =	sadd.s32 $0x20, s4;
	s0 =	simm.s32 $0x4  }
.LBB2_1:
0x15: {  	s1 =	rddreg [dreg:$0x8]  }
0x16: {  	[tilespmem:s2], [sflag:$0x1] =	stream.linear.gather [hbm4b:s1+s2], $0x400, $0x38;
	[tilespmem:$0x1A80] =	vst v63  }
0x17: {  	s7 =	rddreg [dreg:$0x6]  }
0x18: {  	[tilespmem:s8], [sflag:$0x1] =	stream.linear.gather [hbm4b:s7+s2], $0x1, $0x38;
	[tilespmem:$0x1A80] =	vst v63  }
0x19: {  	s1 =	rddreg [dreg:$0x7];
	s7 =	simm.s32 $0xA08  }
0x1a: {  	[tilespmem:s7], [sflag:$0x1] =	stream.linear.gather [hbm4b:s1+s2], $0x1, $0x38;
	[tilespmem:$0x1A80] =	vst v63  }
0x1b: {  	_ =	swait.ge [sflag:s9], $0x400  }
0x1c: {  	[sflag:s9] =	ssyncset.done $0x0  }
0x1d: {  	[sflag:s9] =	ssyncadd.s32 $0xFFFFFC00  }
0x1e: {  	v0 =	vld [tilespmem:$0x0]  }
0x1f: {  	v1 =	vld [tilespmem:$0x80]  }
0x20: {  	v3 =	vld [tilespmem:$0x10]  }
0x21: {  	v4 =	vld [tilespmem:$0x90];
	_ =	sdelay $0x3  }
0x22: {  	v0 =	vmax.f32 v0, $0.0e+00  }
0x23: {  	v1 =	vmax.f32 v1, $0.0e+00;
	v3 =	vmax.f32 v3, $0.0e+00;
	v4 =	vmax.f32 v4, $0.0e+00  }
0x24: {  	v0 =	vmin.f32 v0, $1.000000000e+00;
	v1 =	vmin.f32 v1, $1.000000000e+00;
	v3 =	vmin.f32 v3, $1.000000000e+00  }
0x25: {  	v4 =	vmin.f32 v4, $1.000000000e+00;
	v0 =	vmul.f32 $1.023000000e+03, v0;
	v1 =	vmul.f32 $1.023000000e+03, v1  }
0x26: {  	v3 =	vmul.f32 $1.023000000e+03, v3;
	v4 =	vmul.f32 $1.023000000e+03, v4  }
0x27: {  	v2 =	vtrunc.f32 v0;
	v5 =	vtrunc.f32 v1  }
0x28: {  	v8 =	vtrunc.f32 v3;
	v34 =	vtrunc.f32 v4  }
0x29: {  	v2 =	vcvt.f32.s32 v2;
	v5 =	vcvt.f32.s32 v5  }
0x2a: {  	v33 =	vcvt.f32.s32 v8;
	v8 =	vcvt.f32.s32 v34  }
0x2b: {  	v6 =	vcvt.s32.f32 v2;
	v30 =	vcvt.s32.f32 v5;
	v32 =	vshll.u32 v5, $0xA  }
0x2c: {  	v7 =	vadd.s32 $0x1, v2;
	v42 =	vshll.u32 v8, $0xA;
	v35 =	vadd.s32 v2, v32  }
0x2d: {  	v5 =	vadd.s32 $0x1, v5;
	v44 =	vadd.s32 v33, v42;
	v0 =	vsub.f32 v0, v6;
	[tilespmem:$0xA80] =	vst v35  }
0x2e: {  	v37 =	vcvt.s32.f32 v33;
	vm0 =	vlt.s32 v7, $0x3FF;
	v1 =	vsub.f32 v1, v30;
	[tilespmem:$0xAC0] =	vst v44  }
0x2f: {  	v40 =	vadd.s32 $0x1, v33;
	vm14 =	vlt.s32 v5, $0x3FF;
	v31 =	vnsel vm0, $0x3FF, v7;
	[tilespmem:$0x400] =	vst v0  }
0x30: {  	vm15 =	vlt.s32 v40, $0x3FF;
	v3 =	vsub.f32 v3, v37;
	v36 =	vadd.s32 v31, v32;
	[tilespmem:$0x600] =	vst v1  }
0x31: {  	v38 =	vcvt.s32.f32 v8;
	v5 =	vnsel vm14, $0x3FF, v5;
	v43 =	vnsel vm15, $0x3FF, v40;
	[tilespmem:$0xA90] =	vst v36  }
0x32: {  	v41 =	vadd.s32 $0x1, v8;
	v5 =	vshll.u32 v5, $0xA;
	v45 =	vadd.s32 v43, v42;
	[tilespmem:$0x410] =	vst v3  }
0x33: {  	vm1 =	vlt.s32 v41, $0x3FF;
	v2 =	vadd.s32 v2, v5;
	[tilespmem:$0xAD0] =	vst v45  }
0x34: {  	v39 =	vadd.s32 v31, v5;
	v1 =	vsub.f32 v4, v38;
	v4 =	vnsel vm1, $0x3FF, v41;
	[tilespmem:$0xAA0] =	vst v2  }
0x35: {  	[tilespmem:$0xAB0] =	vst v39;
	v4 =	vshll.u32 v4, $0xA  }
0x36: {  	[tilespmem:$0x610] =	vst v1;
	v0 =	vadd.s32 v33, v4  }
0x37: {  	v46 =	vadd.s32 v43, v4;
	[tilespmem:$0xAE0] =	vst v0  }
0x38: {  	[tilespmem:$0xAF0] =	vst v46  }
0x39: {  	v0 =	vld [tilespmem:$0x20]  }
0x3a: {  	v47 =	vld [tilespmem:$0xA0]  }
0x3b: {  	v49 =	vld [tilespmem:$0x30]  }
0x3c: {  	v50 =	vld [tilespmem:$0xB0];
	_ =	sdelay $0x3  }
0x3d: {  	v0 =	vmax.f32 v0, $0.0e+00  }
0x3e: {  	v1 =	vmax.f32 v47, $0.0e+00;
	v3 =	vmax.f32 v49, $0.0e+00;
	v4 =	vmax.f32 v50, $0.0e+00  }
0x3f: {  	v0 =	vmin.f32 v0, $1.000000000e+00;
	v1 =	vmin.f32 v1, $1.000000000e+00;
	v3 =	vmin.f32 v3, $1.000000000e+00  }
0x40: {  	v4 =	vmin.f32 v4, $1.000000000e+00;
	v0 =	vmul.f32 $1.023000000e+03, v0;
	v1 =	vmul.f32 $1.023000000e+03, v1  }
0x41: {  	v3 =	vmul.f32 $1.023000000e+03, v3;
	v4 =	vmul.f32 $1.023000000e+03, v4  }
0x42: {  	v48 =	vtrunc.f32 v0;
	v51 =	vtrunc.f32 v1  }
0x43: {  	v57 =	vtrunc.f32 v3;
	v59 =	vtrunc.f32 v4  }
0x44: {  	v2 =	vcvt.f32.s32 v48;
	v5 =	vcvt.f32.s32 v51  }
0x45: {  	v58 =	vcvt.f32.s32 v57;
	v8 =	vcvt.f32.s32 v59  }
0x46: {  	v52 =	vcvt.s32.f32 v2;
	v53 =	vcvt.s32.f32 v5;
	v56 =	vshll.u32 v5, $0xA  }
0x47: {  	v54 =	vadd.s32 $0x1, v2;
	v11 =	vshll.u32 v8, $0xA;
	v60 =	vadd.s32 v2, v56  }
0x48: {  	v5 =	vadd.s32 $0x1, v5;
	v13 =	vadd.s32 v58, v11;
	v0 =	vsub.f32 v0, v52;
	[tilespmem:$0xB00] =	vst v60  }
0x49: {  	v62 =	vcvt.s32.f32 v58;
	vm4 =	vlt.s32 v54, $0x3FF;
	v1 =	vsub.f32 v1, v53;
	[tilespmem:$0xB40] =	vst v13  }
0x4a: {  	v9 =	vadd.s32 $0x1, v58;
	vm5 =	vlt.s32 v5, $0x3FF;
	v55 =	vnsel vm4, $0x3FF, v54;
	[tilespmem:$0x420] =	vst v0  }
0x4b: {  	vm6 =	vlt.s32 v9, $0x3FF;
	v3 =	vsub.f32 v3, v62;
	v61 =	vadd.s32 v55, v56;
	[tilespmem:$0x620] =	vst v1  }
0x4c: {  	v63 =	vcvt.s32.f32 v8;
	v5 =	vnsel vm5, $0x3FF, v5;
	v12 =	vnsel vm6, $0x3FF, v9;
	[tilespmem:$0xB10] =	vst v61  }
0x4d: {  	v10 =	vadd.s32 $0x1, v8;
	v5 =	vshll.u32 v5, $0xA;
	v14 =	vadd.s32 v12, v11;
	[tilespmem:$0x430] =	vst v3  }
0x4e: {  	vm7 =	vlt.s32 v10, $0x3FF;
	v2 =	vadd.s32 v2, v5;
	[tilespmem:$0xB50] =	vst v14  }
0x4f: {  	v6 =	vadd.s32 v55, v5;
	v1 =	vsub.f32 v4, v63;
	v4 =	vnsel vm7, $0x3FF, v10;
	[tilespmem:$0xB20] =	vst v2  }
0x50: {  	[tilespmem:$0xB30] =	vst v6;
	v4 =	vshll.u32 v4, $0xA  }
0x51: {  	[tilespmem:$0x630] =	vst v1;
	v0 =	vadd.s32 v58, v4  }
0x52: {  	v15 =	vadd.s32 v12, v4;
	[tilespmem:$0xB60] =	vst v0  }
0x53: {  	[tilespmem:$0xB70] =	vst v15  }
0x54: {  	[tilespmem:s12], [sflag:$0x2] =	stream.indirect.gather [hbm4b:s3+s10], $0x1, s11, s10, $0xb8;
	[tilespmem:$0x1A80] =	vst v63  }
0x55: {  	v16 =	vld [tilespmem:$0x40]  }
0x56: {  	v17 =	vld [tilespmem:$0xC0]  }
0x57: {  	v18 =	vld [tilespmem:$0x50]  }
0x58: {  	v21 =	vld [tilespmem:$0xD0]  }
0x59: {  	v38 =	vld [tilespmem:$0xF0];
	_ =	sdelay $0x2  }
0x5a: {  	v0 =	vmax.f32 v16, $0.0e+00  }
0x5b: {  	v1 =	vmax.f32 v17, $0.0e+00;
	v2 =	vmax.f32 v18, $0.0e+00;
	v5 =	vmax.f32 v21, $0.0e+00  }
0x5c: {  	v48 =	vmax.f32 v38, $0.0e+00;
	v0 =	vmin.f32 v0, $1.000000000e+00;
	v1 =	vmin.f32 v1, $1.000000000e+00  }
0x5d: {  	v9 =	vld [tilespmem:$0x60];
	v2 =	vmin.f32 v2, $1.000000000e+00;
	v5 =	vmin.f32 v5, $1.000000000e+00;
	v0 =	vmul.f32 $1.023000000e+03, v0  }
0x5e: {  	v11 =	vld [tilespmem:$0xE0];
	v49 =	vmin.f32 v48, $1.000000000e+00;
	v1 =	vmul.f32 $1.023000000e+03, v1;
	v2 =	vmul.f32 $1.023000000e+03, v2  }
0x5f: {  	v36 =	vld [tilespmem:$0x70];
	v5 =	vmul.f32 $1.023000000e+03, v5;
	v51 =	vmul.f32 $1.023000000e+03, v49  }
0x60: {  	v19 =	vtrunc.f32 v0;
	v20 =	vtrunc.f32 v1  }
0x61: {  	v26 =	vtrunc.f32 v2;
	v12 =	vtrunc.f32 v5  }
0x62: {  	v27 =	vmax.f32 v9, $0.0e+00;
	v56 =	vtrunc.f32 v51;
	v3 =	vcvt.f32.s32 v19  }
0x63: {  	v31 =	vmax.f32 v11, $0.0e+00;
	v4 =	vcvt.f32.s32 v20;
	v8 =	vcvt.f32.s32 v26  }
0x64: {  	v46 =	vmax.f32 v36, $0.0e+00;
	v12 =	vcvt.f32.s32 v12;
	v22 =	vcvt.s32.f32 v3  }
0x65: {  	v23 =	vcvt.s32.f32 v4;
	v24 =	vadd.s32 $0x1, v3;
	v25 =	vshll.u32 v4, $0xA  }
0x66: {  	v4 =	vadd.s32 $0x1, v4;
	v13 =	vcvt.s32.f32 v8;
	v28 =	vcvt.s32.f32 v12  }
0x67: {  	v29 =	vadd.s32 $0x1, v8;
	v34 =	vadd.s32 $0x1, v12;
	v37 =	vshll.u32 v12, $0xA  }
0x68: {  	vm8 =	vlt.s32 v24, $0x3FF;
	vm9 =	vlt.s32 v4, $0x3FF;
	v10 =	vadd.s32 v3, v25  }
0x69: {  	vm10 =	vlt.s32 v29, $0x3FF;
	vm11 =	vlt.s32 v34, $0x3FF;
	v39 =	vadd.s32 v8, v37  }
0x6a: {  	v0 =	vsub.f32 v0, v22;
	v1 =	vsub.f32 v1, v23;
	v6 =	vnsel vm8, $0x3FF, v24  }
0x6b: {  	v4 =	vnsel vm9, $0x3FF, v4;
	v2 =	vsub.f32 v2, v13;
	v32 =	vsub.f32 v5, v28;
	[tilespmem:$0xB80] =	vst v10  }
0x6c: {  	v33 =	vnsel vm10, $0x3FF, v29;
	v9 =	vnsel vm11, $0x3FF, v34;
	[tilespmem:$0xBC0] =	vst v39;
	v5 =	vmin.f32 v46, $1.000000000e+00  }
0x6d: {  	v4 =	vshll.u32 v4, $0xA;
	v7 =	vadd.s32 v6, v25;
	v5 =	vmul.f32 $1.023000000e+03, v5;
	[tilespmem:$0x440] =	vst v0  }
0x6e: {  	v3 =	vadd.s32 v3, v4;
	v4 =	vadd.s32 v6, v4;
	v6 =	vmin.f32 v27, $1.000000000e+00;
	[tilespmem:$0x640] =	vst v1  }
0x6f: {  	v41 =	vshll.u32 v9, $0xA;
	[tilespmem:$0xB90] =	vst v7;
	v7 =	vadd.s32 v33, v37;
	v30 =	vmul.f32 $1.023000000e+03, v6  }
0x70: {  	v44 =	vadd.s32 v8, v41;
	[tilespmem:$0xBD0] =	vst v7;
	v54 =	vtrunc.f32 v5;
	v7 =	vcvt.f32.s32 v56  }
0x71: {  	v6 =	vmin.f32 v31, $1.000000000e+00;
	[tilespmem:$0xBB0] =	vst v4;
	v4 =	vadd.s32 v33, v41;
	v55 =	vcvt.f32.s32 v54  }
0x72: {  	[tilespmem:$0x450] =	vst v2;
	v6 =	vmul.f32 $1.023000000e+03, v6;
	v35 =	vtrunc.f32 v30;
	v63 =	vadd.s32 $0x1, v7  }
0x73: {  	[tilespmem:$0x650] =	vst v32;
	v8 =	vshll.u32 v7, $0xA;
	v10 =	vcvt.f32.s32 v35;
	v59 =	vcvt.s32.f32 v55  }
0x74: {  	[tilespmem:$0xBA0] =	vst v3;
	v40 =	vtrunc.f32 v6;
	v62 =	vadd.s32 $0x1, v55;
	vm15 =	vlt.s32 v63, $0x3FF  }
0x75: {  	[tilespmem:$0xBF0] =	vst v4;
	v42 =	vcvt.f32.s32 v40;
	vm14 =	vlt.s32 v62, $0x3FF;
	v4 =	vsub.f32 v5, v59  }
0x76: {  	[tilespmem:$0xBE0] =	vst v44;
	v3 =	vnsel vm15, $0x3FF, v63;
	v43 =	vcvt.s32.f32 v10;
	v9 =	vnsel vm14, $0x3FF, v62  }
0x77: {  	v47 =	vadd.s32 $0x1, v10;
	v3 =	vshll.u32 v3, $0xA;
	v11 =	vadd.s32 v9, v8;
	[tilespmem:$0x470] =	vst v4  }
0x78: {  	v45 =	vcvt.s32.f32 v42;
	v52 =	vshll.u32 v42, $0xA;
	v12 =	vadd.s32 v9, v3;
	[tilespmem:$0xC50] =	vst v11  }
0x79: {  	vm12 =	vlt.s32 v47, $0x3FF;
	v0 =	vsub.f32 v30, v43;
	v57 =	vadd.s32 v10, v52;
	[tilespmem:$0xC70] =	vst v12  }
0x7a: {  	v53 =	vadd.s32 $0x1, v42;
	v50 =	vnsel vm12, $0x3FF, v47;
	[tilespmem:$0xC00] =	vst v57  }
0x7b: {  	vm13 =	vlt.s32 v53, $0x3FF;
	v1 =	vsub.f32 v6, v45;
	v58 =	vadd.s32 v50, v52;
	[tilespmem:$0x460] =	vst v0  }
0x7c: {  	v6 =	vnsel vm13, $0x3FF, v53;
	[tilespmem:$0xC10] =	vst v58  }
0x7d: {  	v6 =	vshll.u32 v6, $0xA;
	v0 =	vadd.s32 v55, v3;
	[tilespmem:$0x660] =	vst v1  }
0x7e: {  	v61 =	vcvt.s32.f32 v7;
	v60 =	vadd.s32 v10, v6;
	[tilespmem:$0xC60] =	vst v0  }
0x7f: {  	v2 =	vadd.s32 v50, v6;
	[tilespmem:$0xC20] =	vst v60  }
0x80: {  	v1 =	vsub.f32 v51, v61;
	v10 =	vadd.s32 v55, v8;
	[tilespmem:$0xC30] =	vst v2  }
0x81: {  	[tilespmem:$0xC40] =	vst v10  }
0x82: {  	[tilespmem:$0x670] =	vst v1  }
0x83: {  	[tilespmem:s14], [sflag:$0x3] =	stream.indirect.gather [hbm4b:s3+s10], $0x1, s13, s10, $0xb8;
	[tilespmem:$0x1A80] =	vst v63  }
0x84: {  	v13 =	vld [tilespmem:$0x100]  }
0x85: {  	v14 =	vld [tilespmem:$0x180]  }
0x86: {  	v15 =	vld [tilespmem:$0x110]  }
0x87: {  	v18 =	vld [tilespmem:$0x190]  }
0x88: {  	v40 =	vld [tilespmem:$0x1B0];
	_ =	sdelay $0x3  }
0x89: {  	v0 =	vmax.f32 v13, $0.0e+00;
	v1 =	vmax.f32 v14, $0.0e+00  }
0x8a: {  	v2 =	vmax.f32 v15, $0.0e+00;
	v5 =	vmax.f32 v18, $0.0e+00;
	v50 =	vmax.f32 v40, $0.0e+00  }
0x8b: {  	v0 =	vmin.f32 v0, $1.000000000e+00;
	v1 =	vmin.f32 v1, $1.000000000e+00;
	v2 =	vmin.f32 v2, $1.000000000e+00  }
0x8c: {  	v24 =	vld [tilespmem:$0x120];
	v5 =	vmin.f32 v5, $1.000000000e+00;
	v0 =	vmul.f32 $1.023000000e+03, v0;
	v1 =	vmul.f32 $1.023000000e+03, v1  }
0x8d: {  	v26 =	vld [tilespmem:$0x1A0];
	v51 =	vmin.f32 v50, $1.000000000e+00;
	v2 =	vmul.f32 $1.023000000e+03, v2;
	v5 =	vmul.f32 $1.023000000e+03, v5  }
0x8e: {  	v38 =	vld [tilespmem:$0x130];
	v53 =	vmul.f32 $1.023000000e+03, v51;
	v16 =	vtrunc.f32 v0  }
0x8f: {  	v17 =	vtrunc.f32 v1;
	v23 =	vtrunc.f32 v2  }
0x90: {  	v27 =	vtrunc.f32 v5;
	v58 =	vtrunc.f32 v53  }
0x91: {  	v29 =	vmax.f32 v24, $0.0e+00;
	v3 =	vcvt.f32.s32 v16;
	v4 =	vcvt.f32.s32 v17  }
0x92: {  	v33 =	vmax.f32 v26, $0.0e+00;
	v8 =	vcvt.f32.s32 v23;
	v12 =	vcvt.f32.s32 v27  }
0x93: {  	v48 =	vmax.f32 v38, $0.0e+00;
	v19 =	vcvt.s32.f32 v3;
	v20 =	vcvt.s32.f32 v4  }
0x94: {  	v21 =	vadd.s32 $0x1, v3;
	v22 =	vshll.u32 v4, $0xA;
	v4 =	vadd.s32 $0x1, v4  }
0x95: {  	v28 =	vcvt.s32.f32 v8;
	v30 =	vcvt.s32.f32 v12;
	v31 =	vadd.s32 $0x1, v8  }
0x96: {  	v36 =	vadd.s32 $0x1, v12;
	v39 =	vshll.u32 v12, $0xA;
	vm4 =	vlt.s32 v21, $0x3FF  }
0x97: {  	vm5 =	vlt.s32 v4, $0x3FF;
	v25 =	vadd.s32 v3, v22;
	vm6 =	vlt.s32 v31, $0x3FF  }
0x98: {  	vm7 =	vlt.s32 v36, $0x3FF;
	v41 =	vadd.s32 v8, v39;
	v0 =	vsub.f32 v0, v19  }
0x99: {  	v1 =	vsub.f32 v1, v20;
	v6 =	vnsel vm4, $0x3FF, v21;
	v4 =	vnsel vm5, $0x3FF, v4;
	[tilespmem:$0xC80] =	vst v25  }
0x9a: {  	v2 =	vsub.f32 v2, v28;
	v34 =	vsub.f32 v5, v30;
	v35 =	vnsel vm6, $0x3FF, v31;
	[tilespmem:$0xCC0] =	vst v41  }
0x9b: {  	v9 =	vnsel vm7, $0x3FF, v36;
	v5 =	vmin.f32 v48, $1.000000000e+00;
	v4 =	vshll.u32 v4, $0xA;
	[tilespmem:$0x480] =	vst v0  }
0x9c: {  	v7 =	vadd.s32 v6, v22;
	v5 =	vmul.f32 $1.023000000e+03, v5;
	v3 =	vadd.s32 v3, v4;
	[tilespmem:$0x680] =	vst v1  }
0x9d: {  	v4 =	vadd.s32 v6, v4;
	v6 =	vmin.f32 v29, $1.000000000e+00;
	[tilespmem:$0xC90] =	vst v7;
	v7 =	vadd.s32 v35, v39  }
0x9e: {  	[tilespmem:$0x490] =	vst v2;
	v32 =	vmul.f32 $1.023000000e+03, v6;
	v6 =	vmin.f32 v33, $1.000000000e+00;
	v56 =	vtrunc.f32 v5  }
0x9f: {  	v43 =	vshll.u32 v9, $0xA;
	[tilespmem:$0xCD0] =	vst v7;
	v7 =	vcvt.f32.s32 v58;
	v6 =	vmul.f32 $1.023000000e+03, v6  }
0xa0: {  	v46 =	vadd.s32 v8, v43;
	[tilespmem:$0x690] =	vst v34;
	v57 =	vcvt.f32.s32 v56;
	v37 =	vtrunc.f32 v32  }
0xa1: {  	[tilespmem:$0xCB0] =	vst v4;
	v4 =	vadd.s32 v35, v43;
	v11 =	vshll.u32 v7, $0xA;
	v10 =	vcvt.f32.s32 v37  }
0xa2: {  	[tilespmem:$0xCA0] =	vst v3;
	v42 =	vtrunc.f32 v6;
	v61 =	vcvt.s32.f32 v57;
	v9 =	vadd.s32 $0x1, v57  }
0xa3: {  	[tilespmem:$0xCE0] =	vst v46;
	v13 =	vadd.s32 v57, v11;
	v44 =	vcvt.f32.s32 v42;
	vm10 =	vlt.s32 v9, $0x3FF  }
0xa4: {  	[tilespmem:$0xCF0] =	vst v4;
	v45 =	vcvt.s32.f32 v10;
	v49 =	vadd.s32 $0x1, v10;
	v4 =	vsub.f32 v5, v61  }
0xa5: {  	[tilespmem:$0xD40] =	vst v13;
	v12 =	vnsel vm10, $0x3FF, v9;
	v47 =	vcvt.s32.f32 v44;
	vm8 =	vlt.s32 v49, $0x3FF  }
0xa6: {  	v54 =	vshll.u32 v44, $0xA;
	v55 =	vadd.s32 $0x1, v44;
	v14 =	vadd.s32 v12, v11;
	[tilespmem:$0x4B0] =	vst v4  }
0xa7: {  	v0 =	vsub.f32 v32, v45;
	vm9 =	vlt.s32 v55, $0x3FF;
	v59 =	vadd.s32 v10, v54;
	[tilespmem:$0xD50] =	vst v14  }
0xa8: {  	v52 =	vnsel vm8, $0x3FF, v49;
	v1 =	vsub.f32 v6, v47;
	v6 =	vnsel vm9, $0x3FF, v55;
	[tilespmem:$0xD00] =	vst v59  }
0xa9: {  	v60 =	vadd.s32 v52, v54;
	[tilespmem:$0x4A0] =	vst v0;
	v6 =	vshll.u32 v6, $0xA  }
0xaa: {  	v63 =	vcvt.s32.f32 v7;
	[tilespmem:$0xD10] =	vst v60;
	v62 =	vadd.s32 v10, v6;
	v10 =	vadd.s32 $0x1, v7  }
0xab: {  	[tilespmem:$0x6A0] =	vst v1;
	vm11 =	vlt.s32 v10, $0x3FF  }
0xac: {  	v2 =	vadd.s32 v52, v6;
	v1 =	vsub.f32 v53, v63;
	[tilespmem:$0xD20] =	vst v62;
	v3 =	vnsel vm11, $0x3FF, v10  }
0xad: {  	[tilespmem:$0xD30] =	vst v2;
	v3 =	vshll.u32 v3, $0xA  }
0xae: {  	[tilespmem:$0x6B0] =	vst v1;
	v0 =	vadd.s32 v57, v3  }
0xaf: {  	v15 =	vadd.s32 v12, v3;
	[tilespmem:$0xD60] =	vst v0  }
0xb0: {  	[tilespmem:$0xD70] =	vst v15  }
0xb1: {  	[tilespmem:s16], [sflag:$0x2] =	stream.indirect.gather [hbm4b:s3+s10], $0x1, s15, s10, $0xb8;
	[tilespmem:$0x1A80] =	vst v63  }
0xb2: {  	v16 =	vld [tilespmem:$0x140]  }
0xb3: {  	v17 =	vld [tilespmem:$0x1C0]  }
0xb4: {  	v18 =	vld [tilespmem:$0x150]  }
0xb5: {  	v21 =	vld [tilespmem:$0x1D0]  }
0xb6: {  	v43 =	vld [tilespmem:$0x1F0];
	_ =	sdelay $0x3  }
0xb7: {  	v0 =	vmax.f32 v16, $0.0e+00;
	v1 =	vmax.f32 v17, $0.0e+00  }
0xb8: {  	v2 =	vmax.f32 v18, $0.0e+00;
	v5 =	vmax.f32 v21, $0.0e+00;
	v53 =	vmax.f32 v43, $0.0e+00  }
0xb9: {  	v0 =	vmin.f32 v0, $1.000000000e+00;
	v1 =	vmin.f32 v1, $1.000000000e+00;
	v2 =	vmin.f32 v2, $1.000000000e+00  }
0xba: {  	v27 =	vld [tilespmem:$0x160];
	v5 =	vmin.f32 v5, $1.000000000e+00;
	v0 =	vmul.f32 $1.023000000e+03, v0;
	v1 =	vmul.f32 $1.023000000e+03, v1  }
0xbb: {  	v29 =	vld [tilespmem:$0x1E0];
	v54 =	vmin.f32 v53, $1.000000000e+00;
	v2 =	vmul.f32 $1.023000000e+03, v2;
	v5 =	vmul.f32 $1.023000000e+03, v5  }
0xbc: {  	v41 =	vld [tilespmem:$0x170];
	v56 =	vmul.f32 $1.023000000e+03, v54;
	v19 =	vtrunc.f32 v0  }
0xbd: {  	v20 =	vtrunc.f32 v1;
	v26 =	vtrunc.f32 v2  }
0xbe: {  	v30 =	vtrunc.f32 v5;
	v61 =	vtrunc.f32 v56  }
0xbf: {  	v32 =	vmax.f32 v27, $0.0e+00;
	v3 =	vcvt.f32.s32 v19;
	v4 =	vcvt.f32.s32 v20  }
0xc0: {  	v36 =	vmax.f32 v29, $0.0e+00;
	v8 =	vcvt.f32.s32 v26;
	v12 =	vcvt.f32.s32 v30  }
0xc1: {  	v51 =	vmax.f32 v41, $0.0e+00;
	v22 =	vcvt.s32.f32 v3;
	v23 =	vcvt.s32.f32 v4  }
0xc2: {  	v24 =	vadd.s32 $0x1, v3;
	v25 =	vshll.u32 v4, $0xA;
	v4 =	vadd.s32 $0x1, v4  }
0xc3: {  	v31 =	vcvt.s32.f32 v8;
	v33 =	vcvt.s32.f32 v12;
	v34 =	vadd.s32 $0x1, v8  }
0xc4: {  	v39 =	vadd.s32 $0x1, v12;
	v42 =	vshll.u32 v12, $0xA;
	vm12 =	vlt.s32 v24, $0x3FF  }
0xc5: {  	vm13 =	vlt.s32 v4, $0x3FF;
	v28 =	vadd.s32 v3, v25;
	vm14 =	vlt.s32 v34, $0x3FF  }
0xc6: {  	vm15 =	vlt.s32 v39, $0x3FF;
	v44 =	vadd.s32 v8, v42;
	v0 =	vsub.f32 v0, v22  }
0xc7: {  	v1 =	vsub.f32 v1, v23;
	v6 =	vnsel vm12, $0x3FF, v24;
	v4 =	vnsel vm13, $0x3FF, v4;
	[tilespmem:$0xD80] =	vst v28  }
0xc8: {  	v2 =	vsub.f32 v2, v31;
	v37 =	vsub.f32 v5, v33;
	v38 =	vnsel vm14, $0x3FF, v34;
	[tilespmem:$0xDC0] =	vst v44  }
0xc9: {  	v9 =	vnsel vm15, $0x3FF, v39;
	v5 =	vmin.f32 v51, $1.000000000e+00;
	v4 =	vshll.u32 v4, $0xA;
	[tilespmem:$0x4C0] =	vst v0  }
0xca: {  	v7 =	vadd.s32 v6, v25;
	v5 =	vmul.f32 $1.023000000e+03, v5;
	v3 =	vadd.s32 v3, v4;
	[tilespmem:$0x6C0] =	vst v1  }
0xcb: {  	v4 =	vadd.s32 v6, v4;
	v6 =	vmin.f32 v32, $1.000000000e+00;
	[tilespmem:$0xD90] =	vst v7;
	v7 =	vadd.s32 v38, v42  }
0xcc: {  	[tilespmem:$0x4D0] =	vst v2;
	v35 =	vmul.f32 $1.023000000e+03, v6;
	v6 =	vmin.f32 v36, $1.000000000e+00;
	v59 =	vtrunc.f32 v5  }
0xcd: {  	v46 =	vshll.u32 v9, $0xA;
	[tilespmem:$0xDD0] =	vst v7;
	v7 =	vcvt.f32.s32 v61;
	v6 =	vmul.f32 $1.023000000e+03, v6  }
0xce: {  	v49 =	vadd.s32 v8, v46;
	[tilespmem:$0x6D0] =	vst v37;
	v60 =	vcvt.f32.s32 v59;
	v40 =	vtrunc.f32 v35  }
0xcf: {  	[tilespmem:$0xDB0] =	vst v4;
	v4 =	vadd.s32 v38, v46;
	v16 =	vadd.s32 $0x1, v7;
	v10 =	vcvt.f32.s32 v40  }
0xd0: {  	[tilespmem:$0xDA0] =	vst v3;
	v17 =	vshll.u32 v7, $0xA;
	v45 =	vtrunc.f32 v6;
	v12 =	vcvt.s32.f32 v60  }
0xd1: {  	[tilespmem:$0xDE0] =	vst v49;
	v15 =	vadd.s32 $0x1, v60;
	vm7 =	vlt.s32 v16, $0x3FF;
	v19 =	vadd.s32 v60, v17  }
0xd2: {  	[tilespmem:$0xDF0] =	vst v4;
	v47 =	vcvt.f32.s32 v45;
	vm6 =	vlt.s32 v15, $0x3FF;
	v4 =	vsub.f32 v5, v12  }
0xd3: {  	v3 =	vnsel vm7, $0x3FF, v16;
	[tilespmem:$0xE40] =	vst v19;
	v48 =	vcvt.s32.f32 v10;
	v18 =	vnsel vm6, $0x3FF, v15  }
0xd4: {  	v52 =	vadd.s32 $0x1, v10;
	v3 =	vshll.u32 v3, $0xA;
	v20 =	vadd.s32 v18, v17;
	[tilespmem:$0x4F0] =	vst v4  }
0xd5: {  	v50 =	vcvt.s32.f32 v47;
	v57 =	vshll.u32 v47, $0xA;
	v21 =	vadd.s32 v18, v3;
	[tilespmem:$0xE50] =	vst v20  }
0xd6: {  	vm4 =	vlt.s32 v52, $0x3FF;
	v0 =	vsub.f32 v35, v48;
	v62 =	vadd.s32 v10, v57;
	[tilespmem:$0xE70] =	vst v21  }
0xd7: {  	v58 =	vadd.s32 $0x1, v47;
	v55 =	vnsel vm4, $0x3FF, v52;
	[tilespmem:$0xE00] =	vst v62  }
0xd8: {  	vm5 =	vlt.s32 v58, $0x3FF;
	v1 =	vsub.f32 v6, v50;
	v63 =	vadd.s32 v55, v57;
	[tilespmem:$0x4E0] =	vst v0  }
0xd9: {  	v6 =	vnsel vm5, $0x3FF, v58;
	[tilespmem:$0xE10] =	vst v63  }
0xda: {  	v14 =	vcvt.s32.f32 v7;
	v6 =	vshll.u32 v6, $0xA;
	v0 =	vadd.s32 v60, v3;
	[tilespmem:$0x6E0] =	vst v1  }
0xdb: {  	v13 =	vadd.s32 v10, v6;
	[tilespmem:$0xE60] =	vst v0  }
0xdc: {  	v2 =	vadd.s32 v55, v6;
	v1 =	vsub.f32 v56, v14;
	[tilespmem:$0xE20] =	vst v13  }
0xdd: {  	[tilespmem:$0xE30] =	vst v2  }
0xde: {  	[tilespmem:$0x6F0] =	vst v1  }
0xdf: {  	[tilespmem:s18], [sflag:$0x3] =	stream.indirect.gather [hbm4b:s3+s10], $0x1, s17, s10, $0xb8;
	[tilespmem:$0x1A80] =	vst v63  }
0xe0: {  	v22 =	vld [tilespmem:$0x200]  }
0xe1: {  	v23 =	vld [tilespmem:$0x280]  }
0xe2: {  	v24 =	vld [tilespmem:$0x210]  }
0xe3: {  	v27 =	vld [tilespmem:$0x290]  }
0xe4: {  	v49 =	vld [tilespmem:$0x2B0];
	_ =	sdelay $0x3  }
0xe5: {  	v0 =	vmax.f32 v22, $0.0e+00;
	v1 =	vmax.f32 v23, $0.0e+00  }
0xe6: {  	v2 =	vmax.f32 v24, $0.0e+00;
	v5 =	vmax.f32 v27, $0.0e+00;
	v59 =	vmax.f32 v49, $0.0e+00  }
0xe7: {  	v0 =	vmin.f32 v0, $1.000000000e+00;
	v1 =	vmin.f32 v1, $1.000000000e+00;
	v2 =	vmin.f32 v2, $1.000000000e+00  }
0xe8: {  	v33 =	vld [tilespmem:$0x220];
	v5 =	vmin.f32 v5, $1.000000000e+00;
	v0 =	vmul.f32 $1.023000000e+03, v0;
	v1 =	vmul.f32 $1.023000000e+03, v1  }
0xe9: {  	v35 =	vld [tilespmem:$0x2A0];
	v60 =	vmin.f32 v59, $1.000000000e+00;
	v2 =	vmul.f32 $1.023000000e+03, v2;
	v5 =	vmul.f32 $1.023000000e+03, v5  }
0xea: {  	v47 =	vld [tilespmem:$0x230];
	v62 =	vmul.f32 $1.023000000e+03, v60;
	v25 =	vtrunc.f32 v0  }
0xeb: {  	v26 =	vtrunc.f32 v1;
	v32 =	vtrunc.f32 v2  }
0xec: {  	v36 =	vtrunc.f32 v5;
	v13 =	vtrunc.f32 v62  }
0xed: {  	v38 =	vmax.f32 v33, $0.0e+00;
	v3 =	vcvt.f32.s32 v25;
	v4 =	vcvt.f32.s32 v26  }
0xee: {  	v42 =	vmax.f32 v35, $0.0e+00;
	v8 =	vcvt.f32.s32 v32;
	v12 =	vcvt.f32.s32 v36  }
0xef: {  	v57 =	vmax.f32 v47, $0.0e+00;
	v28 =	vcvt.s32.f32 v3;
	v29 =	vcvt.s32.f32 v4  }
0xf0: {  	v30 =	vadd.s32 $0x1, v3;
	v31 =	vshll.u32 v4, $0xA;
	v4 =	vadd.s32 $0x1, v4  }
0xf1: {  	v37 =	vcvt.s32.f32 v8;
	v39 =	vcvt.s32.f32 v12;
	v40 =	vadd.s32 $0x1, v8  }
0xf2: {  	v45 =	vadd.s32 $0x1, v12;
	v48 =	vshll.u32 v12, $0xA;
	vm8 =	vlt.s32 v30, $0x3FF  }
0xf3: {  	vm9 =	vlt.s32 v4, $0x3FF;
	v34 =	vadd.s32 v3, v31;
	vm10 =	vlt.s32 v40, $0x3FF  }
0xf4: {  	vm11 =	vlt.s32 v45, $0x3FF;
	v50 =	vadd.s32 v8, v48;
	v0 =	vsub.f32 v0, v28  }
0xf5: {  	v1 =	vsub.f32 v1, v29;
	v6 =	vnsel vm8, $0x3FF, v30;
	v4 =	vnsel vm9, $0x3FF, v4;
	[tilespmem:$0xE80] =	vst v34  }
0xf6: {  	v2 =	vsub.f32 v2, v37;
	v43 =	vsub.f32 v5, v39;
	v44 =	vnsel vm10, $0x3FF, v40;
	[tilespmem:$0xEC0] =	vst v50  }
0xf7: {  	v9 =	vnsel vm11, $0x3FF, v45;
	v5 =	vmin.f32 v57, $1.000000000e+00;
	v4 =	vshll.u32 v4, $0xA;
	[tilespmem:$0x500] =	vst v0  }
0xf8: {  	v7 =	vadd.s32 v6, v31;
	v5 =	vmul.f32 $1.023000000e+03, v5;
	v3 =	vadd.s32 v3, v4;
	[tilespmem:$0x700] =	vst v1  }
0xf9: {  	v4 =	vadd.s32 v6, v4;
	v6 =	vmin.f32 v38, $1.000000000e+00;
	[tilespmem:$0xE90] =	vst v7;
	v7 =	vadd.s32 v44, v48  }
0xfa: {  	[tilespmem:$0x510] =	vst v2;
	v41 =	vmul.f32 $1.023000000e+03, v6;
	v6 =	vmin.f32 v42, $1.000000000e+00;
	v11 =	vtrunc.f32 v5  }
0xfb: {  	v52 =	vshll.u32 v9, $0xA;
	[tilespmem:$0xED0] =	vst v7;
	v7 =	vcvt.f32.s32 v13;
	v6 =	vmul.f32 $1.023000000e+03, v6  }
0xfc: {  	v55 =	vadd.s32 v8, v52;
	[tilespmem:$0x710] =	vst v43;
	v12 =	vcvt.f32.s32 v11;
	v46 =	vtrunc.f32 v41  }
0xfd: {  	[tilespmem:$0xEB0] =	vst v4;
	v4 =	vadd.s32 v44, v52;
	v20 =	vadd.s32 $0x1, v7;
	v10 =	vcvt.f32.s32 v46  }
0xfe: {  	[tilespmem:$0xEA0] =	vst v3;
	v21 =	vshll.u32 v7, $0xA;
	v51 =	vtrunc.f32 v6;
	v16 =	vcvt.s32.f32 v12  }
0xff: {  	[tilespmem:$0xEE0] =	vst v55;
	v19 =	vadd.s32 $0x1, v12;
	vm15 =	vlt.s32 v20, $0x3FF;
	v23 =	vadd.s32 v12, v21  }
0x100: {  	[tilespmem:$0xEF0] =	vst v4;
	v53 =	vcvt.f32.s32 v51;
	vm14 =	vlt.s32 v19, $0x3FF;
	v4 =	vsub.f32 v5, v16  }
0x101: {  	v3 =	vnsel vm15, $0x3FF, v20;
	[tilespmem:$0xF40] =	vst v23;
	v54 =	vcvt.s32.f32 v10;
	v22 =	vnsel vm14, $0x3FF, v19  }
0x102: {  	v58 =	vadd.s32 $0x1, v10;
	v3 =	vshll.u32 v3, $0xA;
	v24 =	vadd.s32 v22, v21;
	[tilespmem:$0x530] =	vst v4  }
0x103: {  	v56 =	vcvt.s32.f32 v53;
	v63 =	vshll.u32 v53, $0xA;
	v25 =	vadd.s32 v22, v3;
	[tilespmem:$0xF50] =	vst v24  }
0x104: {  	vm12 =	vlt.s32 v58, $0x3FF;
	v0 =	vsub.f32 v41, v54;
	v14 =	vadd.s32 v10, v63;
	[tilespmem:$0xF70] =	vst v25  }
0x105: {  	v9 =	vadd.s32 $0x1, v53;
	v61 =	vnsel vm12, $0x3FF, v58;
	[tilespmem:$0xF00] =	vst v14  }
0x106: {  	vm13 =	vlt.s32 v9, $0x3FF;
	v1 =	vsub.f32 v6, v56;
	v15 =	vadd.s32 v61, v63;
	[tilespmem:$0x520] =	vst v0  }
0x107: {  	v6 =	vnsel vm13, $0x3FF, v9;
	[tilespmem:$0xF10] =	vst v15  }
0x108: {  	v18 =	vcvt.s32.f32 v7;
	v6 =	vshll.u32 v6, $0xA;
	v0 =	vadd.s32 v12, v3;
	[tilespmem:$0x720] =	vst v1  }
0x109: {  	v17 =	vadd.s32 v10, v6;
	[tilespmem:$0xF60] =	vst v0  }
0x10a: {  	v2 =	vadd.s32 v61, v6;
	v1 =	vsub.f32 v62, v18;
	[tilespmem:$0xF20] =	vst v17  }
0x10b: {  	[tilespmem:$0xF30] =	vst v2  }
0x10c: {  	[tilespmem:$0x730] =	vst v1  }
0x10d: {  	[tilespmem:s20], [sflag:$0x2] =	stream.indirect.gather [hbm4b:s3+s10], $0x1, s19, s10, $0xb8;
	[tilespmem:$0x1A80] =	vst v63  }
0x10e: {  	v26 =	vld [tilespmem:$0x240]  }
0x10f: {  	v27 =	vld [tilespmem:$0x2C0]  }
0x110: {  	v28 =	vld [tilespmem:$0x250]  }
0x111: {  	v31 =	vld [tilespmem:$0x2D0]  }
0x112: {  	v53 =	vld [tilespmem:$0x2F0];
	_ =	sdelay $0x3  }
0x113: {  	v0 =	vmax.f32 v26, $0.0e+00;
	v1 =	vmax.f32 v27, $0.0e+00  }
0x114: {  	v2 =	vmax.f32 v28, $0.0e+00;
	v5 =	vmax.f32 v31, $0.0e+00;
	v63 =	vmax.f32 v53, $0.0e+00  }
0x115: {  	v0 =	vmin.f32 v0, $1.000000000e+00;
	v1 =	vmin.f32 v1, $1.000000000e+00;
	v2 =	vmin.f32 v2, $1.000000000e+00  }
0x116: {  	v37 =	vld [tilespmem:$0x260];
	v5 =	vmin.f32 v5, $1.000000000e+00;
	v0 =	vmul.f32 $1.023000000e+03, v0;
	v1 =	vmul.f32 $1.023000000e+03, v1  }
0x117: {  	v39 =	vld [tilespmem:$0x2E0];
	v11 =	vmin.f32 v63, $1.000000000e+00;
	v2 =	vmul.f32 $1.023000000e+03, v2;
	v5 =	vmul.f32 $1.023000000e+03, v5  }
0x118: {  	v51 =	vld [tilespmem:$0x270];
	v13 =	vmul.f32 $1.023000000e+03, v11;
	v29 =	vtrunc.f32 v0  }
0x119: {  	v30 =	vtrunc.f32 v1;
	v36 =	vtrunc.f32 v2  }
0x11a: {  	v40 =	vtrunc.f32 v5;
	v18 =	vtrunc.f32 v13  }
0x11b: {  	v42 =	vmax.f32 v37, $0.0e+00;
	v3 =	vcvt.f32.s32 v29;
	v4 =	vcvt.f32.s32 v30  }
0x11c: {  	v46 =	vmax.f32 v39, $0.0e+00;
	v8 =	vcvt.f32.s32 v36;
	v12 =	vcvt.f32.s32 v40  }
0x11d: {  	v61 =	vmax.f32 v51, $0.0e+00;
	v32 =	vcvt.s32.f32 v3;
	v33 =	vcvt.s32.f32 v4  }
0x11e: {  	v34 =	vadd.s32 $0x1, v3;
	v35 =	vshll.u32 v4, $0xA;
	v4 =	vadd.s32 $0x1, v4  }
0x11f: {  	v41 =	vcvt.s32.f32 v8;
	v43 =	vcvt.s32.f32 v12;
	v44 =	vadd.s32 $0x1, v8  }
0x120: {  	v49 =	vadd.s32 $0x1, v12;
	v52 =	vshll.u32 v12, $0xA;
	vm4 =	vlt.s32 v34, $0x3FF  }
0x121: {  	vm5 =	vlt.s32 v4, $0x3FF;
	v38 =	vadd.s32 v3, v35;
	vm6 =	vlt.s32 v44, $0x3FF  }
0x122: {  	vm7 =	vlt.s32 v49, $0x3FF;
	v54 =	vadd.s32 v8, v52;
	v0 =	vsub.f32 v0, v32  }
0x123: {  	v1 =	vsub.f32 v1, v33;
	v6 =	vnsel vm4, $0x3FF, v34;
	v4 =	vnsel vm5, $0x3FF, v4;
	[tilespmem:$0xF80] =	vst v38  }
0x124: {  	v2 =	vsub.f32 v2, v41;
	v47 =	vsub.f32 v5, v43;
	v48 =	vnsel vm6, $0x3FF, v44;
	[tilespmem:$0xFC0] =	vst v54  }
0x125: {  	v9 =	vnsel vm7, $0x3FF, v49;
	v5 =	vmin.f32 v61, $1.000000000e+00;
	v4 =	vshll.u32 v4, $0xA;
	[tilespmem:$0x540] =	vst v0  }
0x126: {  	v7 =	vadd.s32 v6, v35;
	v5 =	vmul.f32 $1.023000000e+03, v5;
	v3 =	vadd.s32 v3, v4;
	[tilespmem:$0x740] =	vst v1  }
0x127: {  	v4 =	vadd.s32 v6, v4;
	v6 =	vmin.f32 v42, $1.000000000e+00;
	[tilespmem:$0xF90] =	vst v7;
	v7 =	vadd.s32 v48, v52  }
0x128: {  	[tilespmem:$0x550] =	vst v2;
	v45 =	vmul.f32 $1.023000000e+03, v6;
	v6 =	vmin.f32 v46, $1.000000000e+00;
	v16 =	vtrunc.f32 v5  }
0x129: {  	v56 =	vshll.u32 v9, $0xA;
	[tilespmem:$0xFD0] =	vst v7;
	v7 =	vcvt.f32.s32 v18;
	v6 =	vmul.f32 $1.023000000e+03, v6  }
0x12a: {  	v59 =	vadd.s32 v8, v56;
	[tilespmem:$0x750] =	vst v47;
	v17 =	vcvt.f32.s32 v16;
	v50 =	vtrunc.f32 v45  }
0x12b: {  	[tilespmem:$0xFB0] =	vst v4;
	v4 =	vadd.s32 v48, v56;
	v25 =	vadd.s32 $0x1, v7;
	v10 =	vcvt.f32.s32 v50  }
0x12c: {  	[tilespmem:$0xFA0] =	vst v3;
	v26 =	vshll.u32 v7, $0xA;
	v55 =	vtrunc.f32 v6;
	v21 =	vcvt.s32.f32 v17  }
0x12d: {  	[tilespmem:$0xFE0] =	vst v59;
	v24 =	vadd.s32 $0x1, v17;
	vm11 =	vlt.s32 v25, $0x3FF;
	v28 =	vadd.s32 v17, v26  }
0x12e: {  	[tilespmem:$0xFF0] =	vst v4;
	v57 =	vcvt.f32.s32 v55;
	vm10 =	vlt.s32 v24, $0x3FF;
	v4 =	vsub.f32 v5, v21  }
0x12f: {  	v3 =	vnsel vm11, $0x3FF, v25;
	[tilespmem:$0x1040] =	vst v28;
	v58 =	vcvt.s32.f32 v10;
	v27 =	vnsel vm10, $0x3FF, v24  }
0x130: {  	v62 =	vadd.s32 $0x1, v10;
	v3 =	vshll.u32 v3, $0xA;
	v29 =	vadd.s32 v27, v26;
	[tilespmem:$0x570] =	vst v4  }
0x131: {  	v60 =	vcvt.s32.f32 v57;
	v14 =	vshll.u32 v57, $0xA;
	v30 =	vadd.s32 v27, v3;
	[tilespmem:$0x1050] =	vst v29  }
0x132: {  	vm8 =	vlt.s32 v62, $0x3FF;
	v0 =	vsub.f32 v45, v58;
	v19 =	vadd.s32 v10, v14;
	[tilespmem:$0x1070] =	vst v30  }
0x133: {  	v15 =	vadd.s32 $0x1, v57;
	v12 =	vnsel vm8, $0x3FF, v62;
	[tilespmem:$0x1000] =	vst v19  }
0x134: {  	vm9 =	vlt.s32 v15, $0x3FF;
	v1 =	vsub.f32 v6, v60;
	v20 =	vadd.s32 v12, v14;
	[tilespmem:$0x560] =	vst v0  }
0x135: {  	v6 =	vnsel vm9, $0x3FF, v15;
	[tilespmem:$0x1010] =	vst v20  }
0x136: {  	v23 =	vcvt.s32.f32 v7;
	v6 =	vshll.u32 v6, $0xA;
	v0 =	vadd.s32 v17, v3;
	[tilespmem:$0x760] =	vst v1  }
0x137: {  	v22 =	vadd.s32 v10, v6;
	[tilespmem:$0x1060] =	vst v0  }
0x138: {  	v2 =	vadd.s32 v12, v6;
	v1 =	vsub.f32 v13, v23;
	[tilespmem:$0x1020] =	vst v22  }
0x139: {  	[tilespmem:$0x1030] =	vst v2  }
0x13a: {  	[tilespmem:$0x770] =	vst v1  }
0x13b: {  	[tilespmem:s22], [sflag:$0x3] =	stream.indirect.gather [hbm4b:s3+s10], $0x1, s21, s10, $0xb8;
	[tilespmem:$0x1A80] =	vst v63  }
0x13c: {  	v31 =	vld [tilespmem:$0x300]  }
0x13d: {  	v32 =	vld [tilespmem:$0x380]  }
0x13e: {  	v33 =	vld [tilespmem:$0x310]  }
0x13f: {  	v36 =	vld [tilespmem:$0x390]  }
0x140: {  	v58 =	vld [tilespmem:$0x3B0];
	_ =	sdelay $0x3  }
0x141: {  	v0 =	vmax.f32 v31, $0.0e+00;
	v1 =	vmax.f32 v32, $0.0e+00  }
0x142: {  	v2 =	vmax.f32 v33, $0.0e+00;
	v5 =	vmax.f32 v36, $0.0e+00;
	v19 =	vmax.f32 v58, $0.0e+00  }
0x143: {  	v0 =	vmin.f32 v0, $1.000000000e+00;
	v1 =	vmin.f32 v1, $1.000000000e+00;
	v2 =	vmin.f32 v2, $1.000000000e+00  }
0x144: {  	v42 =	vld [tilespmem:$0x320];
	v5 =	vmin.f32 v5, $1.000000000e+00;
	v0 =	vmul.f32 $1.023000000e+03, v0;
	v1 =	vmul.f32 $1.023000000e+03, v1  }
0x145: {  	v44 =	vld [tilespmem:$0x3A0];
	v20 =	vmin.f32 v19, $1.000000000e+00;
	v2 =	vmul.f32 $1.023000000e+03, v2;
	v5 =	vmul.f32 $1.023000000e+03, v5  }
0x146: {  	v56 =	vld [tilespmem:$0x330];
	v22 =	vmul.f32 $1.023000000e+03, v20;
	v34 =	vtrunc.f32 v0  }
0x147: {  	v35 =	vtrunc.f32 v1;
	v41 =	vtrunc.f32 v2  }
0x148: {  	v45 =	vtrunc.f32 v5;
	v27 =	vtrunc.f32 v22  }
0x149: {  	v47 =	vmax.f32 v42, $0.0e+00;
	v3 =	vcvt.f32.s32 v34;
	v4 =	vcvt.f32.s32 v35  }
0x14a: {  	v51 =	vmax.f32 v44, $0.0e+00;
	v8 =	vcvt.f32.s32 v41;
	v12 =	vcvt.f32.s32 v45  }
0x14b: {  	v17 =	vmax.f32 v56, $0.0e+00;
	v37 =	vcvt.s32.f32 v3;
	v38 =	vcvt.s32.f32 v4  }
0x14c: {  	v39 =	vadd.s32 $0x1, v3;
	v40 =	vshll.u32 v4, $0xA;
	v4 =	vadd.s32 $0x1, v4  }
0x14d: {  	v46 =	vcvt.s32.f32 v8;
	v48 =	vcvt.s32.f32 v12;
	v49 =	vadd.s32 $0x1, v8  }
0x14e: {  	v54 =	vadd.s32 $0x1, v12;
	v57 =	vshll.u32 v12, $0xA;
	vm12 =	vlt.s32 v39, $0x3FF  }
0x14f: {  	vm13 =	vlt.s32 v4, $0x3FF;
	v43 =	vadd.s32 v3, v40;
	vm14 =	vlt.s32 v49, $0x3FF  }
0x150: {  	vm15 =	vlt.s32 v54, $0x3FF;
	v59 =	vadd.s32 v8, v57;
	v0 =	vsub.f32 v0, v37  }
0x151: {  	v1 =	vsub.f32 v1, v38;
	v6 =	vnsel vm12, $0x3FF, v39;
	v4 =	vnsel vm13, $0x3FF, v4;
	[tilespmem:$0x1080] =	vst v43  }
0x152: {  	v2 =	vsub.f32 v2, v46;
	v52 =	vsub.f32 v5, v48;
	v53 =	vnsel vm14, $0x3FF, v49;
	[tilespmem:$0x10C0] =	vst v59  }
0x153: {  	v9 =	vnsel vm15, $0x3FF, v54;
	v5 =	vmin.f32 v17, $1.000000000e+00;
	v4 =	vshll.u32 v4, $0xA;
	[tilespmem:$0x580] =	vst v0  }
0x154: {  	v7 =	vadd.s32 v6, v40;
	v5 =	vmul.f32 $1.023000000e+03, v5;
	v3 =	vadd.s32 v3, v4;
	[tilespmem:$0x780] =	vst v1  }
0x155: {  	v4 =	vadd.s32 v6, v4;
	v6 =	vmin.f32 v47, $1.000000000e+00;
	[tilespmem:$0x1090] =	vst v7;
	v7 =	vadd.s32 v53, v57  }
0x156: {  	[tilespmem:$0x590] =	vst v2;
	v50 =	vmul.f32 $1.023000000e+03, v6;
	v6 =	vmin.f32 v51, $1.000000000e+00;
	v25 =	vtrunc.f32 v5  }
0x157: {  	v61 =	vshll.u32 v9, $0xA;
	[tilespmem:$0x10D0] =	vst v7;
	v7 =	vcvt.f32.s32 v27;
	v6 =	vmul.f32 $1.023000000e+03, v6  }
0x158: {  	v15 =	vadd.s32 v8, v61;
	[tilespmem:$0x790] =	vst v52;
	v26 =	vcvt.f32.s32 v25;
	v55 =	vtrunc.f32 v50  }
0x159: {  	[tilespmem:$0x10B0] =	vst v4;
	v4 =	vadd.s32 v53, v61;
	v34 =	vadd.s32 $0x1, v7;
	v10 =	vcvt.f32.s32 v55  }
0x15a: {  	[tilespmem:$0x10A0] =	vst v3;
	v35 =	vshll.u32 v7, $0xA;
	v60 =	vtrunc.f32 v6;
	v30 =	vcvt.s32.f32 v26  }
0x15b: {  	[tilespmem:$0x10E0] =	vst v15;
	v33 =	vadd.s32 $0x1, v26;
	vm7 =	vlt.s32 v34, $0x3FF;
	v37 =	vadd.s32 v26, v35  }
0x15c: {  	[tilespmem:$0x10F0] =	vst v4;
	v62 =	vcvt.f32.s32 v60;
	vm6 =	vlt.s32 v33, $0x3FF;
	v4 =	vsub.f32 v5, v30  }
0x15d: {  	v3 =	vnsel vm7, $0x3FF, v34;
	[tilespmem:$0x1140] =	vst v37;
	v63 =	vcvt.s32.f32 v10;
	v36 =	vnsel vm6, $0x3FF, v33  }
0x15e: {  	v18 =	vadd.s32 $0x1, v10;
	v3 =	vshll.u32 v3, $0xA;
	v38 =	vadd.s32 v36, v35;
	[tilespmem:$0x5B0] =	vst v4  }
0x15f: {  	v16 =	vcvt.s32.f32 v62;
	v23 =	vshll.u32 v62, $0xA;
	v39 =	vadd.s32 v36, v3;
	[tilespmem:$0x1150] =	vst v38  }
0x160: {  	vm4 =	vlt.s32 v18, $0x3FF;
	v0 =	vsub.f32 v50, v63;
	v28 =	vadd.s32 v10, v23;
	[tilespmem:$0x1170] =	vst v39  }
0x161: {  	v24 =	vadd.s32 $0x1, v62;
	v21 =	vnsel vm4, $0x3FF, v18;
	[tilespmem:$0x1100] =	vst v28  }
0x162: {  	vm5 =	vlt.s32 v24, $0x3FF;
	v1 =	vsub.f32 v6, v16;
	v29 =	vadd.s32 v21, v23;
	[tilespmem:$0x5A0] =	vst v0  }
0x163: {  	v6 =	vnsel vm5, $0x3FF, v24;
	[tilespmem:$0x1110] =	vst v29  }
0x164: {  	v32 =	vcvt.s32.f32 v7;
	v6 =	vshll.u32 v6, $0xA;
	v0 =	vadd.s32 v26, v3;
	[tilespmem:$0x7A0] =	vst v1  }
0x165: {  	v31 =	vadd.s32 v10, v6;
	[tilespmem:$0x1160] =	vst v0  }
0x166: {  	v2 =	vadd.s32 v21, v6;
	v1 =	vsub.f32 v22, v32;
	[tilespmem:$0x1120] =	vst v31  }
0x167: {  	[tilespmem:$0x1130] =	vst v2  }
0x168: {  	[tilespmem:$0x7B0] =	vst v1  }
0x169: {  	[tilespmem:s24], [sflag:$0x2] =	stream.indirect.gather [hbm4b:s3+s10], $0x1, s23, s10, $0xb8;
	[tilespmem:$0x1A80] =	vst v63  }
0x16a: {  	v40 =	vld [tilespmem:$0x340]  }
0x16b: {  	v41 =	vld [tilespmem:$0x3C0]  }
0x16c: {  	v42 =	vld [tilespmem:$0x350]  }
0x16d: {  	v45 =	vld [tilespmem:$0x3D0]  }
0x16e: {  	v19 =	vld [tilespmem:$0x3F0];
	_ =	sdelay $0x2  }
0x16f: {  	v0 =	vmax.f32 v40, $0.0e+00  }
0x170: {  	v1 =	vmax.f32 v41, $0.0e+00;
	v2 =	vmax.f32 v42, $0.0e+00;
	v5 =	vmax.f32 v45, $0.0e+00  }
0x171: {  	v29 =	vmax.f32 v19, $0.0e+00;
	v0 =	vmin.f32 v0, $1.000000000e+00;
	v1 =	vmin.f32 v1, $1.000000000e+00  }
0x172: {  	v51 =	vld [tilespmem:$0x360];
	v2 =	vmin.f32 v2, $1.000000000e+00;
	v5 =	vmin.f32 v5, $1.000000000e+00;
	v0 =	vmul.f32 $1.023000000e+03, v0  }
0x173: {  	v53 =	vld [tilespmem:$0x3E0];
	v30 =	vmin.f32 v29, $1.000000000e+00;
	v1 =	vmul.f32 $1.023000000e+03, v1;
	v2 =	vmul.f32 $1.023000000e+03, v2  }
0x174: {  	v17 =	vld [tilespmem:$0x370];
	v5 =	vmul.f32 $1.023000000e+03, v5;
	v32 =	vmul.f32 $1.023000000e+03, v30  }
0x175: {  	v43 =	vtrunc.f32 v0;
	v44 =	vtrunc.f32 v1  }
0x176: {  	v50 =	vtrunc.f32 v2;
	v54 =	vtrunc.f32 v5  }
0x177: {  	v56 =	vmax.f32 v51, $0.0e+00;
	v37 =	vtrunc.f32 v32;
	v3 =	vcvt.f32.s32 v43  }
0x178: {  	v60 =	vmax.f32 v53, $0.0e+00;
	v4 =	vcvt.f32.s32 v44;
	v8 =	vcvt.f32.s32 v50  }
0x179: {  	v27 =	vmax.f32 v17, $0.0e+00;
	v12 =	vcvt.f32.s32 v54;
	v46 =	vcvt.s32.f32 v3  }
0x17a: {  	v47 =	vcvt.s32.f32 v4;
	v48 =	vadd.s32 $0x1, v3;
	v49 =	vshll.u32 v4, $0xA  }
0x17b: {  	v4 =	vadd.s32 $0x1, v4;
	v55 =	vcvt.s32.f32 v8;
	v57 =	vcvt.s32.f32 v12  }
0x17c: {  	v58 =	vadd.s32 $0x1, v8;
	v63 =	vadd.s32 $0x1, v12;
	v18 =	vshll.u32 v12, $0xA  }
0x17d: {  	vm8 =	vlt.s32 v48, $0x3FF;
	vm9 =	vlt.s32 v4, $0x3FF;
	v52 =	vadd.s32 v3, v49  }
0x17e: {  	vm10 =	vlt.s32 v58, $0x3FF;
	vm11 =	vlt.s32 v63, $0x3FF;
	v20 =	vadd.s32 v8, v18  }
0x17f: {  	v0 =	vsub.f32 v0, v46;
	v1 =	vsub.f32 v1, v47;
	v6 =	vnsel vm8, $0x3FF, v48;
	[tilespmem:$0x1180] =	vst v52  }
0x180: {  	v4 =	vnsel vm9, $0x3FF, v4;
	v2 =	vsub.f32 v2, v55;
	v61 =	vsub.f32 v5, v57;
	[tilespmem:$0x11C0] =	vst v20  }
0x181: {  	v62 =	vnsel vm10, $0x3FF, v58;
	v5 =	vmin.f32 v27, $1.000000000e+00;
	v4 =	vshll.u32 v4, $0xA;
	[tilespmem:$0x5C0] =	vst v0  }
0x182: {  	v7 =	vadd.s32 v6, v49;
	v5 =	vmul.f32 $1.023000000e+03, v5;
	v3 =	vadd.s32 v3, v4;
	[tilespmem:$0x7C0] =	vst v1  }
0x183: {  	v4 =	vadd.s32 v6, v4;
	v6 =	vmin.f32 v56, $1.000000000e+00;
	[tilespmem:$0x1190] =	vst v7;
	v7 =	vadd.s32 v62, v18  }
0x184: {  	[tilespmem:$0x5D0] =	vst v2;
	v59 =	vmul.f32 $1.023000000e+03, v6;
	v6 =	vmin.f32 v60, $1.000000000e+00;
	v35 =	vtrunc.f32 v5  }
0x185: {  	v9 =	vnsel vm11, $0x3FF, v63;
	[tilespmem:$0x11D0] =	vst v7;
	v7 =	vcvt.f32.s32 v37;
	v6 =	vmul.f32 $1.023000000e+03, v6  }
0x186: {  	v22 =	vshll.u32 v9, $0xA;
	[tilespmem:$0x7D0] =	vst v61;
	v36 =	vcvt.f32.s32 v35;
	v16 =	vtrunc.f32 v59  }
0x187: {  	v25 =	vadd.s32 v8, v22;
	[tilespmem:$0x11B0] =	vst v4;
	v4 =	vadd.s32 v62, v22;
	v10 =	vcvt.f32.s32 v16  }
0x188: {  	[tilespmem:$0x11A0] =	vst v3;
	v44 =	vadd.s32 $0x1, v7;
	v21 =	vtrunc.f32 v6;
	v40 =	vcvt.s32.f32 v36  }
0x189: {  	[tilespmem:$0x11E0] =	vst v25;
	v45 =	vshll.u32 v7, $0xA;
	vm15 =	vlt.s32 v44, $0x3FF;
	v23 =	vcvt.f32.s32 v21  }
0x18a: {  	[tilespmem:$0x11F0] =	vst v4;
	v46 =	vadd.s32 v36, v45;
	v24 =	vcvt.s32.f32 v10;
	v4 =	vsub.f32 v5, v40  }
0x18b: {  	[tilespmem:$0x1240] =	vst v46;
	v28 =	vadd.s32 $0x1, v10;
	v26 =	vcvt.s32.f32 v23;
	v33 =	vshll.u32 v23, $0xA  }
0x18c: {  	vm12 =	vlt.s32 v28, $0x3FF;
	v0 =	vsub.f32 v59, v24;
	v38 =	vadd.s32 v10, v33;
	[tilespmem:$0x5F0] =	vst v4  }
0x18d: {  	v3 =	vnsel vm15, $0x3FF, v44;
	v34 =	vadd.s32 $0x1, v23;
	v31 =	vnsel vm12, $0x3FF, v28;
	[tilespmem:$0x1200] =	vst v38  }
0x18e: {  	vm13 =	vlt.s32 v34, $0x3FF;
	v1 =	vsub.f32 v6, v26;
	v39 =	vadd.s32 v31, v33;
	[tilespmem:$0x5E0] =	vst v0  }
0x18f: {  	v3 =	vshll.u32 v3, $0xA;
	v6 =	vnsel vm13, $0x3FF, v34;
	[tilespmem:$0x1210] =	vst v39  }
0x190: {  	v42 =	vcvt.s32.f32 v7;
	v6 =	vshll.u32 v6, $0xA;
	v0 =	vadd.s32 v36, v3;
	[tilespmem:$0x7E0] =	vst v1  }
0x191: {  	v43 =	vadd.s32 $0x1, v36;
	v41 =	vadd.s32 v10, v6;
	[tilespmem:$0x1260] =	vst v0  }
0x192: {  	vm14 =	vlt.s32 v43, $0x3FF;
	v2 =	vadd.s32 v31, v6;
	v1 =	vsub.f32 v32, v42;
	[tilespmem:$0x1220] =	vst v41  }
0x193: {  	[tilespmem:$0x1230] =	vst v2;
	v2 =	vnsel vm14, $0x3FF, v43  }
0x194: {  	[tilespmem:$0x7F0] =	vst v1;
	v47 =	vadd.s32 v2, v45  }
0x195: {  	v48 =	vadd.s32 v2, v3;
	[tilespmem:$0x1250] =	vst v47  }
0x196: {  	[tilespmem:$0x1270] =	vst v48  }
0x197: {  	[tilespmem:s26], [sflag:$0x3] =	stream.indirect.gather [hbm4b:s3+s10], $0x1, s25, s10, $0xb8;
	[tilespmem:$0x1A80] =	vst v63  }
0x198: {  	_ =	swait.ge [sflag:s9], $0x1  }
0x199: {  	[sflag:s9] =	ssyncset.done $0x0  }
0x19a: {  	[sflag:s9] =	ssyncadd.s32 $0xFFFFFFFF  }
0x19b: {  	_ =	swait.ge [sflag:s9], $0x1  }
0x19c: {  	[sflag:s9] =	ssyncset.done $0x0  }
0x19d: {  	[sflag:s9] =	ssyncadd.s32 $0xFFFFFFFF  }
0x19e: {  	v49 =	vld [tilespmem:$0xA00];
	_ =	swait.ge [sflag:s28], $0x100  }
0x19f: {  	[sflag:s28] =	ssyncset.done $0x0  }
0x1a0: {  	[sflag:s28] =	ssyncadd.s32 $0xFFFFFF00  }
0x1a1: {  	v50 =	vld [tilespmem:$0x1280]  }
0x1a2: {  	v51 =	vld [tilespmem:$0x1290]  }
0x1a3: {  	v52 =	vld [tilespmem:$0x12A0]  }
0x1a4: {  	v53 =	vld [tilespmem:$0x12B0]  }
0x1a5: {  	v54 =	vld [tilespmem:$0x400]  }
0x1a6: {  	v55 =	vld [tilespmem:$0x12C0]  }
0x1a7: {  	v56 =	vld [tilespmem:$0x12D0]  }
0x1a8: {  	v57 =	vld [tilespmem:$0x12E0]  }
0x1a9: {  	v58 =	vld [tilespmem:$0x12F0]  }
0x1aa: {  	v59 =	vld [tilespmem:$0x410]  }
0x1ab: {  	v60 =	vld [tilespmem:$0x1300]  }
0x1ac: {  	v61 =	vld [tilespmem:$0x1310]  }
0x1ad: {  	v62 =	vld [tilespmem:$0x1320]  }
0x1ae: {  	v14 =	vld [tilespmem:$0x1330]  }
0x1af: {  	v15 =	vld [tilespmem:$0x1340]  }
0x1b0: {  	v16 =	vld [tilespmem:$0x1350]  }
0x1b1: {  	v17 =	vld [tilespmem:$0x1360]  }
0x1b2: {  	v63 =	vld [tilespmem:$0x1370]  }
0x1b3: {  	v18 =	vld [tilespmem:$0x420]  }
0x1b4: {  	v20 =	vld [tilespmem:$0x430];
	v2 =	vsub.f32 v51, v50;
	v4 =	vsub.f32 v53, v52  }
0x1b5: {  	v7 =	vsub.f32 v56, v55;
	v9 =	vsub.f32 v58, v57  }
0x1b6: {  	v23 =	vsub.f32 v61, v60;
	v24 =	vsub.f32 v14, v62;
	v2 =	vmul.f32 v54, v2  }
0x1b7: {  	v26 =	vsub.f32 v16, v15;
	v4 =	vmul.f32 v4, v54;
	v7 =	vmul.f32 v59, v7  }
0x1b8: {  	v5 =	vsub.f32 v63, v17;
	v9 =	vmul.f32 v9, v59;
	v8 =	vmul.f32 v24, v18  }
0x1b9: {  	v25 =	vld [tilespmem:$0x600];
	v12 =	vmul.f32 v20, v26;
	v2 =	vadd.f32 v2, v50;
	v19 =	vadd.f32 v4, v52  }
0x1ba: {  	v27 =	vld [tilespmem:$0x610];
	v3 =	vmul.f32 v5, v20;
	v21 =	vadd.f32 v7, v55;
	v22 =	vadd.f32 v9, v57  }
0x1bb: {  	v31 =	vld [tilespmem:$0x630];
	v7 =	vmul.f32 v18, v23;
	v30 =	vadd.f32 v8, v62;
	v32 =	vadd.f32 v12, v15  }
0x1bc: {  	v28 =	vld [tilespmem:$0x620];
	v3 =	vadd.f32 v3, v17;
	v0 =	vsub.f32 v19, v2  }
0x1bd: {  	v6 =	vsub.f32 v22, v21;
	v29 =	vadd.f32 v7, v60  }
0x1be: {  	v3 =	vsub.f32 v3, v32;
	v9 =	vmul.f32 v0, v25  }
0x1bf: {  	v7 =	vsub.f32 v30, v29;
	v6 =	vmul.f32 v6, v27  }
0x1c0: {  	v0 =	vbroadcast v49, $0x0;
	v3 =	vmul.f32 v3, v31;
	v2 =	vadd.f32 v9, v2  }
0x1c1: {  	v7 =	vmul.f32 v7, v28;
	v4 =	vadd.f32 v6, v21  }
0x1c2: {  	v1 =	vbroadcast v49, $0x8;
	v3 =	vadd.f32 v3, v32;
	v2 =	vmul.f32 v2, v0  }
0x1c3: {  	v5 =	vadd.f32 v7, v29;
	v4 =	vmul.f32 v4, v0  }
0x1c4: {  	v3 =	vmul.f32 v3, v0;
	v2 =	vadd.f32 v2, v1  }
0x1c5: {  	v5 =	vmul.f32 v5, v0;
	v4 =	vadd.f32 v4, v1  }
0x1c6: {  	v3 =	vadd.f32 v3, v1;
	[tilespmem:$0x800] =	vst v2  }
0x1c7: {  	v33 =	vadd.f32 v5, v1;
	[tilespmem:$0x810] =	vst v4  }
0x1c8: {  	[tilespmem:$0x830] =	vst v3  }
0x1c9: {  	[tilespmem:$0x820] =	vst v33  }
0x1ca: {  	_ =	swait.ge [sflag:s29], $0x100  }
0x1cb: {  	[sflag:s29] =	ssyncset.done $0x0  }
0x1cc: {  	[sflag:s29] =	ssyncadd.s32 $0xFFFFFF00  }
0x1cd: {  	v34 =	vld [tilespmem:$0x1380]  }
0x1ce: {  	v35 =	vld [tilespmem:$0x1390]  }
0x1cf: {  	v36 =	vld [tilespmem:$0x13A0]  }
0x1d0: {  	v37 =	vld [tilespmem:$0x13B0]  }
0x1d1: {  	v38 =	vld [tilespmem:$0x440]  }
0x1d2: {  	v39 =	vld [tilespmem:$0x13C0]  }
0x1d3: {  	v40 =	vld [tilespmem:$0x13D0]  }
0x1d4: {  	v41 =	vld [tilespmem:$0x13E0]  }
0x1d5: {  	v42 =	vld [tilespmem:$0x13F0]  }
0x1d6: {  	v43 =	vld [tilespmem:$0x450]  }
0x1d7: {  	v44 =	vld [tilespmem:$0x1400]  }
0x1d8: {  	v45 =	vld [tilespmem:$0x1410]  }
0x1d9: {  	v46 =	vld [tilespmem:$0x1420]  }
0x1da: {  	v47 =	vld [tilespmem:$0x1430]  }
0x1db: {  	v48 =	vld [tilespmem:$0x1440]  }
0x1dc: {  	v49 =	vld [tilespmem:$0x1450]  }
0x1dd: {  	v18 =	vld [tilespmem:$0x1460]  }
0x1de: {  	v50 =	vld [tilespmem:$0x1470]  }
0x1df: {  	v51 =	vld [tilespmem:$0x460]  }
0x1e0: {  	v53 =	vld [tilespmem:$0x470];
	v3 =	vsub.f32 v35, v34;
	v5 =	vsub.f32 v37, v36  }
0x1e1: {  	v8 =	vsub.f32 v40, v39;
	v10 =	vsub.f32 v42, v41  }
0x1e2: {  	v56 =	vsub.f32 v45, v44;
	v57 =	vsub.f32 v47, v46;
	v3 =	vmul.f32 v38, v3  }
0x1e3: {  	v59 =	vsub.f32 v49, v48;
	v5 =	vmul.f32 v5, v38;
	v8 =	vmul.f32 v43, v8  }
0x1e4: {  	v6 =	vsub.f32 v50, v18;
	v10 =	vmul.f32 v10, v43;
	v9 =	vmul.f32 v57, v51  }
0x1e5: {  	v58 =	vld [tilespmem:$0x640];
	v13 =	vmul.f32 v53, v59;
	v2 =	vadd.f32 v3, v34;
	v52 =	vadd.f32 v5, v36  }
0x1e6: {  	v60 =	vld [tilespmem:$0x650];
	v4 =	vmul.f32 v6, v53;
	v54 =	vadd.f32 v8, v39;
	v55 =	vadd.f32 v10, v41  }
0x1e7: {  	v17 =	vld [tilespmem:$0x670];
	v8 =	vmul.f32 v51, v56;
	v63 =	vadd.f32 v9, v46;
	v19 =	vadd.f32 v13, v48  }
0x1e8: {  	v61 =	vld [tilespmem:$0x660];
	v4 =	vadd.f32 v4, v18;
	v3 =	vsub.f32 v52, v2  }
0x1e9: {  	v7 =	vsub.f32 v55, v54;
	v62 =	vadd.f32 v8, v44  }
0x1ea: {  	v4 =	vsub.f32 v4, v19;
	v3 =	vmul.f32 v3, v58  }
0x1eb: {  	v8 =	vsub.f32 v63, v62;
	v7 =	vmul.f32 v7, v60  }
0x1ec: {  	v4 =	vmul.f32 v4, v17;
	v2 =	vadd.f32 v3, v2  }
0x1ed: {  	v20 =	vmul.f32 v8, v61;
	v5 =	vadd.f32 v7, v54  }
0x1ee: {  	v4 =	vadd.f32 v4, v19;
	v2 =	vmul.f32 v2, v0  }
0x1ef: {  	v3 =	vadd.f32 v20, v62;
	v5 =	vmul.f32 v5, v0  }
0x1f0: {  	v4 =	vmul.f32 v4, v0;
	v2 =	vadd.f32 v2, v1  }
0x1f1: {  	v3 =	vmul.f32 v3, v0;
	v5 =	vadd.f32 v5, v1  }
0x1f2: {  	v22 =	vadd.f32 v4, v1;
	[tilespmem:$0x840] =	vst v2  }
0x1f3: {  	v21 =	vadd.f32 v3, v1;
	[tilespmem:$0x850] =	vst v5  }
0x1f4: {  	[tilespmem:$0x870] =	vst v22  }
0x1f5: {  	[tilespmem:$0x860] =	vst v21  }
0x1f6: {  	_ =	swait.ge [sflag:s28], $0x100  }
0x1f7: {  	[sflag:s28] =	ssyncset.done $0x0  }
0x1f8: {  	[sflag:s28] =	ssyncadd.s32 $0xFFFFFF00  }
0x1f9: {  	v23 =	vld [tilespmem:$0x1480]  }
0x1fa: {  	v24 =	vld [tilespmem:$0x1490]  }
0x1fb: {  	v25 =	vld [tilespmem:$0x14A0]  }
0x1fc: {  	v26 =	vld [tilespmem:$0x14B0]  }
0x1fd: {  	v27 =	vld [tilespmem:$0x480]  }
0x1fe: {  	v28 =	vld [tilespmem:$0x14C0]  }
0x1ff: {  	v29 =	vld [tilespmem:$0x14D0]  }
0x200: {  	v30 =	vld [tilespmem:$0x14E0]  }
0x201: {  	v31 =	vld [tilespmem:$0x14F0]  }
0x202: {  	v32 =	vld [tilespmem:$0x490]  }
0x203: {  	v33 =	vld [tilespmem:$0x1500]  }
0x204: {  	v34 =	vld [tilespmem:$0x1510]  }
0x205: {  	v35 =	vld [tilespmem:$0x1520]  }
0x206: {  	v36 =	vld [tilespmem:$0x1530]  }
0x207: {  	v37 =	vld [tilespmem:$0x1540]  }
0x208: {  	v38 =	vld [tilespmem:$0x1550]  }
0x209: {  	v39 =	vld [tilespmem:$0x1560]  }
0x20a: {  	v40 =	vld [tilespmem:$0x1570]  }
0x20b: {  	v41 =	vld [tilespmem:$0x4A0]  }
0x20c: {  	v43 =	vld [tilespmem:$0x4B0];
	v3 =	vsub.f32 v24, v23;
	v5 =	vsub.f32 v26, v25  }
0x20d: {  	v8 =	vsub.f32 v29, v28;
	v10 =	vsub.f32 v31, v30  }
0x20e: {  	v46 =	vsub.f32 v34, v33;
	v47 =	vsub.f32 v36, v35;
	v3 =	vmul.f32 v27, v3  }
0x20f: {  	v49 =	vsub.f32 v38, v37;
	v5 =	vmul.f32 v5, v27;
	v8 =	vmul.f32 v32, v8  }
0x210: {  	v6 =	vsub.f32 v40, v39;
	v10 =	vmul.f32 v10, v32;
	v9 =	vmul.f32 v47, v41  }
0x211: {  	v48 =	vld [tilespmem:$0x680];
	v13 =	vmul.f32 v43, v49;
	v2 =	vadd.f32 v3, v23;
	v42 =	vadd.f32 v5, v25  }
0x212: {  	v50 =	vld [tilespmem:$0x690];
	v4 =	vmul.f32 v6, v43;
	v44 =	vadd.f32 v8, v28;
	v45 =	vadd.f32 v10, v30  }
0x213: {  	v54 =	vld [tilespmem:$0x6B0];
	v8 =	vmul.f32 v41, v46;
	v53 =	vadd.f32 v9, v35;
	v55 =	vadd.f32 v13, v37  }
0x214: {  	v51 =	vld [tilespmem:$0x6A0];
	v4 =	vadd.f32 v4, v39;
	v3 =	vsub.f32 v42, v2  }
0x215: {  	v7 =	vsub.f32 v45, v44;
	v52 =	vadd.f32 v8, v33  }
0x216: {  	v4 =	vsub.f32 v4, v55;
	v3 =	vmul.f32 v3, v48  }
0x217: {  	v8 =	vsub.f32 v53, v52;
	v7 =	vmul.f32 v7, v50  }
0x218: {  	v4 =	vmul.f32 v4, v54;
	v2 =	vadd.f32 v3, v2  }
0x219: {  	v56 =	vmul.f32 v8, v51;
	v5 =	vadd.f32 v7, v44  }
0x21a: {  	v4 =	vadd.f32 v4, v55;
	v2 =	vmul.f32 v2, v0  }
0x21b: {  	v3 =	vadd.f32 v56, v52;
	v5 =	vmul.f32 v5, v0  }
0x21c: {  	v4 =	vmul.f32 v4, v0;
	v2 =	vadd.f32 v2, v1  }
0x21d: {  	v3 =	vmul.f32 v3, v0;
	v5 =	vadd.f32 v5, v1  }
0x21e: {  	v58 =	vadd.f32 v4, v1;
	[tilespmem:$0x880] =	vst v2  }
0x21f: {  	v57 =	vadd.f32 v3, v1;
	[tilespmem:$0x890] =	vst v5  }
0x220: {  	[tilespmem:$0x8B0] =	vst v58  }
0x221: {  	[tilespmem:$0x8A0] =	vst v57  }
0x222: {  	_ =	swait.ge [sflag:s29], $0x100  }
0x223: {  	[sflag:s29] =	ssyncset.done $0x0  }
0x224: {  	[sflag:s29] =	ssyncadd.s32 $0xFFFFFF00  }
0x225: {  	v59 =	vld [tilespmem:$0x1580]  }
0x226: {  	v60 =	vld [tilespmem:$0x1590]  }
0x227: {  	v61 =	vld [tilespmem:$0x15A0]  }
0x228: {  	v62 =	vld [tilespmem:$0x15B0]  }
0x229: {  	v63 =	vld [tilespmem:$0x4C0]  }
0x22a: {  	v21 =	vld [tilespmem:$0x15C0]  }
0x22b: {  	v22 =	vld [tilespmem:$0x15D0]  }
0x22c: {  	v23 =	vld [tilespmem:$0x15E0]  }
0x22d: {  	v24 =	vld [tilespmem:$0x15F0]  }
0x22e: {  	v25 =	vld [tilespmem:$0x4D0]  }
0x22f: {  	v26 =	vld [tilespmem:$0x1600]  }
0x230: {  	v27 =	vld [tilespmem:$0x1610]  }
0x231: {  	v28 =	vld [tilespmem:$0x1620]  }
0x232: {  	v29 =	vld [tilespmem:$0x1630]  }
0x233: {  	v30 =	vld [tilespmem:$0x1640]  }
0x234: {  	v31 =	vld [tilespmem:$0x1650]  }
0x235: {  	v32 =	vld [tilespmem:$0x1660]  }
0x236: {  	v33 =	vld [tilespmem:$0x1670]  }
0x237: {  	v34 =	vld [tilespmem:$0x4E0]  }
0x238: {  	v36 =	vld [tilespmem:$0x4F0];
	v3 =	vsub.f32 v60, v59;
	v5 =	vsub.f32 v62, v61  }
0x239: {  	v8 =	vsub.f32 v22, v21;
	v10 =	vsub.f32 v24, v23  }
0x23a: {  	v39 =	vsub.f32 v27, v26;
	v40 =	vsub.f32 v29, v28;
	v3 =	vmul.f32 v63, v3  }
0x23b: {  	v42 =	vsub.f32 v31, v30;
	v5 =	vmul.f32 v5, v63;
	v8 =	vmul.f32 v25, v8  }
0x23c: {  	v6 =	vsub.f32 v33, v32;
	v10 =	vmul.f32 v10, v25;
	v9 =	vmul.f32 v40, v34  }
0x23d: {  	v41 =	vld [tilespmem:$0x6C0];
	v13 =	vmul.f32 v36, v42;
	v2 =	vadd.f32 v3, v59;
	v35 =	vadd.f32 v5, v61  }
0x23e: {  	v43 =	vld [tilespmem:$0x6D0];
	v4 =	vmul.f32 v6, v36;
	v37 =	vadd.f32 v8, v21;
	v38 =	vadd.f32 v10, v23  }
0x23f: {  	v47 =	vld [tilespmem:$0x6F0];
	v8 =	vmul.f32 v34, v39;
	v46 =	vadd.f32 v9, v28;
	v48 =	vadd.f32 v13, v30  }
0x240: {  	v44 =	vld [tilespmem:$0x6E0];
	v4 =	vadd.f32 v4, v32;
	v3 =	vsub.f32 v35, v2  }
0x241: {  	v7 =	vsub.f32 v38, v37;
	v45 =	vadd.f32 v8, v26  }
0x242: {  	v4 =	vsub.f32 v4, v48;
	v3 =	vmul.f32 v3, v41  }
0x243: {  	v8 =	vsub.f32 v46, v45;
	v7 =	vmul.f32 v7, v43  }
0x244: {  	v4 =	vmul.f32 v4, v47;
	v2 =	vadd.f32 v3, v2  }
0x245: {  	v49 =	vmul.f32 v8, v44;
	v5 =	vadd.f32 v7, v37  }
0x246: {  	v4 =	vadd.f32 v4, v48;
	v2 =	vmul.f32 v2, v0  }
0x247: {  	v3 =	vadd.f32 v49, v45;
	v5 =	vmul.f32 v5, v0  }
0x248: {  	v4 =	vmul.f32 v4, v0;
	v2 =	vadd.f32 v2, v1  }
0x249: {  	v3 =	vmul.f32 v3, v0;
	v5 =	vadd.f32 v5, v1  }
0x24a: {  	v51 =	vadd.f32 v4, v1;
	[tilespmem:$0x8C0] =	vst v2  }
0x24b: {  	v50 =	vadd.f32 v3, v1;
	[tilespmem:$0x8D0] =	vst v5  }
0x24c: {  	[tilespmem:$0x8F0] =	vst v51  }
0x24d: {  	[tilespmem:$0x8E0] =	vst v50  }
0x24e: {  	[hbm4b:s4+s2] =	stream.linear.scatter [tilespmem:s30], [sflag:$0x1], $0x100, $0x38;
	[tilespmem:$0x1A80] =	vst v63  }
0x24f: {  	_ =	swait.ge [sflag:s28], $0x100  }
0x250: {  	[sflag:s28] =	ssyncset.done $0x0  }
0x251: {  	[sflag:s28] =	ssyncadd.s32 $0xFFFFFF00  }
0x252: {  	v52 =	vld [tilespmem:$0x1680]  }
0x253: {  	v53 =	vld [tilespmem:$0x1690]  }
0x254: {  	v54 =	vld [tilespmem:$0x16A0]  }
0x255: {  	v55 =	vld [tilespmem:$0x16B0]  }
0x256: {  	v56 =	vld [tilespmem:$0x500]  }
0x257: {  	v57 =	vld [tilespmem:$0x16C0]  }
0x258: {  	v58 =	vld [tilespmem:$0x16D0]  }
0x259: {  	v59 =	vld [tilespmem:$0x16E0]  }
0x25a: {  	v60 =	vld [tilespmem:$0x16F0]  }
0x25b: {  	v61 =	vld [tilespmem:$0x510]  }
0x25c: {  	v62 =	vld [tilespmem:$0x1700]  }
0x25d: {  	v63 =	vld [tilespmem:$0x1710]  }
0x25e: {  	v21 =	vld [tilespmem:$0x1720]  }
0x25f: {  	v22 =	vld [tilespmem:$0x1730]  }
0x260: {  	v23 =	vld [tilespmem:$0x1740]  }
0x261: {  	v24 =	vld [tilespmem:$0x1750]  }
0x262: {  	v25 =	vld [tilespmem:$0x1760]  }
0x263: {  	v26 =	vld [tilespmem:$0x1770]  }
0x264: {  	v27 =	vld [tilespmem:$0x520]  }
0x265: {  	v29 =	vld [tilespmem:$0x530];
	v3 =	vsub.f32 v53, v52;
	v5 =	vsub.f32 v55, v54  }
0x266: {  	v8 =	vsub.f32 v58, v57;
	v10 =	vsub.f32 v60, v59  }
0x267: {  	v32 =	vsub.f32 v63, v62;
	v33 =	vsub.f32 v22, v21;
	v3 =	vmul.f32 v56, v3  }
0x268: {  	v35 =	vsub.f32 v24, v23;
	v5 =	vmul.f32 v5, v56;
	v8 =	vmul.f32 v61, v8  }
0x269: {  	v6 =	vsub.f32 v26, v25;
	v10 =	vmul.f32 v10, v61;
	v9 =	vmul.f32 v33, v27  }
0x26a: {  	v34 =	vld [tilespmem:$0x700];
	v13 =	vmul.f32 v29, v35;
	v2 =	vadd.f32 v3, v52;
	v28 =	vadd.f32 v5, v54  }
0x26b: {  	v36 =	vld [tilespmem:$0x710];
	v4 =	vmul.f32 v6, v29;
	v30 =	vadd.f32 v8, v57;
	v31 =	vadd.f32 v10, v59  }
0x26c: {  	v40 =	vld [tilespmem:$0x730];
	v8 =	vmul.f32 v27, v32;
	v39 =	vadd.f32 v9, v21;
	v41 =	vadd.f32 v13, v23  }
0x26d: {  	v37 =	vld [tilespmem:$0x720];
	v4 =	vadd.f32 v4, v25;
	v3 =	vsub.f32 v28, v2  }
0x26e: {  	v7 =	vsub.f32 v31, v30;
	v38 =	vadd.f32 v8, v62  }
0x26f: {  	v4 =	vsub.f32 v4, v41;
	v3 =	vmul.f32 v3, v34  }
0x270: {  	v8 =	vsub.f32 v39, v38;
	v7 =	vmul.f32 v7, v36  }
0x271: {  	v4 =	vmul.f32 v4, v40;
	v2 =	vadd.f32 v3, v2  }
0x272: {  	v42 =	vmul.f32 v8, v37;
	v5 =	vadd.f32 v7, v30  }
0x273: {  	v4 =	vadd.f32 v4, v41;
	v2 =	vmul.f32 v2, v0  }
0x274: {  	v3 =	vadd.f32 v42, v38;
	v5 =	vmul.f32 v5, v0  }
0x275: {  	v4 =	vmul.f32 v4, v0;
	v2 =	vadd.f32 v2, v1  }
0x276: {  	v3 =	vmul.f32 v3, v0;
	v5 =	vadd.f32 v5, v1  }
0x277: {  	v44 =	vadd.f32 v4, v1;
	[tilespmem:$0x900] =	vst v2  }
0x278: {  	v43 =	vadd.f32 v3, v1;
	[tilespmem:$0x910] =	vst v5  }
0x279: {  	[tilespmem:$0x930] =	vst v44  }
0x27a: {  	[tilespmem:$0x920] =	vst v43  }
0x27b: {  	_ =	swait.ge [sflag:s29], $0x100  }
0x27c: {  	[sflag:s29] =	ssyncset.done $0x0  }
0x27d: {  	[sflag:s29] =	ssyncadd.s32 $0xFFFFFF00  }
0x27e: {  	v45 =	vld [tilespmem:$0x1780]  }
0x27f: {  	v46 =	vld [tilespmem:$0x1790]  }
0x280: {  	v47 =	vld [tilespmem:$0x17A0]  }
0x281: {  	v48 =	vld [tilespmem:$0x17B0]  }
0x282: {  	v49 =	vld [tilespmem:$0x540]  }
0x283: {  	v50 =	vld [tilespmem:$0x17C0]  }
0x284: {  	v51 =	vld [tilespmem:$0x17D0]  }
0x285: {  	v52 =	vld [tilespmem:$0x17E0]  }
0x286: {  	v53 =	vld [tilespmem:$0x17F0]  }
0x287: {  	v54 =	vld [tilespmem:$0x550]  }
0x288: {  	v55 =	vld [tilespmem:$0x1800]  }
0x289: {  	v56 =	vld [tilespmem:$0x1810]  }
0x28a: {  	v57 =	vld [tilespmem:$0x1820]  }
0x28b: {  	v58 =	vld [tilespmem:$0x1830]  }
0x28c: {  	v59 =	vld [tilespmem:$0x1840]  }
0x28d: {  	v60 =	vld [tilespmem:$0x1850]  }
0x28e: {  	v61 =	vld [tilespmem:$0x1860]  }
0x28f: {  	v62 =	vld [tilespmem:$0x1870]  }
0x290: {  	v63 =	vld [tilespmem:$0x560]  }
0x291: {  	v20 =	vld [tilespmem:$0x570];
	v3 =	vsub.f32 v46, v45;
	v5 =	vsub.f32 v48, v47  }
0x292: {  	v8 =	vsub.f32 v51, v50;
	v10 =	vsub.f32 v53, v52  }
0x293: {  	v23 =	vsub.f32 v56, v55;
	v24 =	vsub.f32 v58, v57;
	v3 =	vmul.f32 v49, v3  }
0x294: {  	v26 =	vsub.f32 v60, v59;
	v5 =	vmul.f32 v5, v49;
	v8 =	vmul.f32 v54, v8  }
0x295: {  	v6 =	vsub.f32 v62, v61;
	v10 =	vmul.f32 v10, v54;
	v9 =	vmul.f32 v24, v63  }
0x296: {  	v25 =	vld [tilespmem:$0x740];
	v13 =	vmul.f32 v20, v26;
	v2 =	vadd.f32 v3, v45;
	v19 =	vadd.f32 v5, v47  }
0x297: {  	v27 =	vld [tilespmem:$0x750];
	v4 =	vmul.f32 v6, v20;
	v21 =	vadd.f32 v8, v50;
	v22 =	vadd.f32 v10, v52  }
0x298: {  	v31 =	vld [tilespmem:$0x770];
	v8 =	vmul.f32 v63, v23;
	v30 =	vadd.f32 v9, v57;
	v32 =	vadd.f32 v13, v59  }
0x299: {  	v28 =	vld [tilespmem:$0x760];
	v4 =	vadd.f32 v4, v61;
	v3 =	vsub.f32 v19, v2  }
0x29a: {  	v7 =	vsub.f32 v22, v21;
	v29 =	vadd.f32 v8, v55  }
0x29b: {  	v4 =	vsub.f32 v4, v32;
	v3 =	vmul.f32 v3, v25  }
0x29c: {  	v8 =	vsub.f32 v30, v29;
	v7 =	vmul.f32 v7, v27  }
0x29d: {  	v4 =	vmul.f32 v4, v31;
	v2 =	vadd.f32 v3, v2  }
0x29e: {  	v33 =	vmul.f32 v8, v28;
	v5 =	vadd.f32 v7, v21  }
0x29f: {  	v4 =	vadd.f32 v4, v32;
	v2 =	vmul.f32 v2, v0  }
0x2a0: {  	v3 =	vadd.f32 v33, v29;
	v5 =	vmul.f32 v5, v0  }
0x2a1: {  	v4 =	vmul.f32 v4, v0;
	v2 =	vadd.f32 v2, v1  }
0x2a2: {  	v3 =	vmul.f32 v3, v0;
	v5 =	vadd.f32 v5, v1  }
0x2a3: {  	v35 =	vadd.f32 v4, v1;
	[tilespmem:$0x940] =	vst v2  }
0x2a4: {  	v34 =	vadd.f32 v3, v1;
	[tilespmem:$0x950] =	vst v5  }
0x2a5: {  	[tilespmem:$0x970] =	vst v35  }
0x2a6: {  	[tilespmem:$0x960] =	vst v34  }
0x2a7: {  	_ =	swait.ge [sflag:s28], $0x100  }
0x2a8: {  	[sflag:s28] =	ssyncset.done $0x0  }
0x2a9: {  	[sflag:s28] =	ssyncadd.s32 $0xFFFFFF00  }
0x2aa: {  	v36 =	vld [tilespmem:$0x1880]  }
0x2ab: {  	v37 =	vld [tilespmem:$0x1890]  }
0x2ac: {  	v38 =	vld [tilespmem:$0x18A0]  }
0x2ad: {  	v39 =	vld [tilespmem:$0x18B0]  }
0x2ae: {  	v40 =	vld [tilespmem:$0x580]  }
0x2af: {  	v41 =	vld [tilespmem:$0x18C0]  }
0x2b0: {  	v42 =	vld [tilespmem:$0x18D0]  }
0x2b1: {  	v43 =	vld [tilespmem:$0x18E0]  }
0x2b2: {  	v44 =	vld [tilespmem:$0x18F0]  }
0x2b3: {  	v45 =	vld [tilespmem:$0x590]  }
0x2b4: {  	v46 =	vld [tilespmem:$0x1900]  }
0x2b5: {  	v47 =	vld [tilespmem:$0x1910]  }
0x2b6: {  	v48 =	vld [tilespmem:$0x1920]  }
0x2b7: {  	v49 =	vld [tilespmem:$0x1930]  }
0x2b8: {  	v50 =	vld [tilespmem:$0x1940]  }
0x2b9: {  	v51 =	vld [tilespmem:$0x1950]  }
0x2ba: {  	v52 =	vld [tilespmem:$0x1960]  }
0x2bb: {  	v53 =	vld [tilespmem:$0x1970]  }
0x2bc: {  	v54 =	vld [tilespmem:$0x5A0]  }
0x2bd: {  	v56 =	vld [tilespmem:$0x5B0];
	v3 =	vsub.f32 v37, v36;
	v5 =	vsub.f32 v39, v38  }
0x2be: {  	v8 =	vsub.f32 v42, v41;
	v10 =	vsub.f32 v44, v43  }
0x2bf: {  	v59 =	vsub.f32 v47, v46;
	v60 =	vsub.f32 v49, v48;
	v3 =	vmul.f32 v40, v3  }
0x2c0: {  	v62 =	vsub.f32 v51, v50;
	v5 =	vmul.f32 v5, v40;
	v8 =	vmul.f32 v45, v8  }
0x2c1: {  	v6 =	vsub.f32 v53, v52;
	v10 =	vmul.f32 v10, v45;
	v9 =	vmul.f32 v60, v54  }
0x2c2: {  	v61 =	vld [tilespmem:$0x780];
	v13 =	vmul.f32 v56, v62;
	v2 =	vadd.f32 v3, v36;
	v55 =	vadd.f32 v5, v38  }
0x2c3: {  	v63 =	vld [tilespmem:$0x790];
	v4 =	vmul.f32 v6, v56;
	v57 =	vadd.f32 v8, v41;
	v58 =	vadd.f32 v10, v43  }
0x2c4: {  	v22 =	vld [tilespmem:$0x7B0];
	v8 =	vmul.f32 v54, v59;
	v21 =	vadd.f32 v9, v48;
	v23 =	vadd.f32 v13, v50  }
0x2c5: {  	v19 =	vld [tilespmem:$0x7A0];
	v4 =	vadd.f32 v4, v52;
	v3 =	vsub.f32 v55, v2  }
0x2c6: {  	v7 =	vsub.f32 v58, v57;
	v20 =	vadd.f32 v8, v46  }
0x2c7: {  	v4 =	vsub.f32 v4, v23;
	v3 =	vmul.f32 v3, v61  }
0x2c8: {  	v8 =	vsub.f32 v21, v20;
	v7 =	vmul.f32 v7, v63  }
0x2c9: {  	v4 =	vmul.f32 v4, v22;
	v2 =	vadd.f32 v3, v2  }
0x2ca: {  	v24 =	vmul.f32 v8, v19;
	v5 =	vadd.f32 v7, v57  }
0x2cb: {  	v4 =	vadd.f32 v4, v23;
	v2 =	vmul.f32 v2, v0  }
0x2cc: {  	v3 =	vadd.f32 v24, v20;
	v5 =	vmul.f32 v5, v0  }
0x2cd: {  	v4 =	vmul.f32 v4, v0;
	v2 =	vadd.f32 v2, v1  }
0x2ce: {  	v3 =	vmul.f32 v3, v0;
	v5 =	vadd.f32 v5, v1  }
0x2cf: {  	v26 =	vadd.f32 v4, v1;
	[tilespmem:$0x980] =	vst v2  }
0x2d0: {  	v25 =	vadd.f32 v3, v1;
	[tilespmem:$0x990] =	vst v5  }
0x2d1: {  	[tilespmem:$0x9B0] =	vst v26  }
0x2d2: {  	[tilespmem:$0x9A0] =	vst v25  }
0x2d3: {  	_ =	swait.ge [sflag:s29], $0x100  }
0x2d4: {  	[sflag:s29] =	ssyncset.done $0x0  }
0x2d5: {  	[sflag:s29] =	ssyncadd.s32 $0xFFFFFF00  }
0x2d6: {  	v27 =	vld [tilespmem:$0x1980]  }
0x2d7: {  	v28 =	vld [tilespmem:$0x1990]  }
0x2d8: {  	v29 =	vld [tilespmem:$0x19A0]  }
0x2d9: {  	v30 =	vld [tilespmem:$0x19B0]  }
0x2da: {  	v31 =	vld [tilespmem:$0x5C0]  }
0x2db: {  	v32 =	vld [tilespmem:$0x19C0]  }
0x2dc: {  	v33 =	vld [tilespmem:$0x19D0]  }
0x2dd: {  	v34 =	vld [tilespmem:$0x19E0]  }
0x2de: {  	v35 =	vld [tilespmem:$0x19F0]  }
0x2df: {  	v36 =	vld [tilespmem:$0x5D0]  }
0x2e0: {  	v37 =	vld [tilespmem:$0x1A00]  }
0x2e1: {  	v38 =	vld [tilespmem:$0x1A10]  }
0x2e2: {  	v39 =	vld [tilespmem:$0x1A20]  }
0x2e3: {  	v40 =	vld [tilespmem:$0x1A30]  }
0x2e4: {  	v41 =	vld [tilespmem:$0x5E0]  }
0x2e5: {  	v42 =	vld [tilespmem:$0x1A40]  }
0x2e6: {  	v43 =	vld [tilespmem:$0x1A50]  }
0x2e7: {  	v44 =	vld [tilespmem:$0x1A60]  }
0x2e8: {  	v19 =	vld [tilespmem:$0x1A70]  }
0x2e9: {  	v46 =	vld [tilespmem:$0x5F0];
	v3 =	vsub.f32 v28, v27;
	v5 =	vsub.f32 v30, v29  }
0x2ea: {  	v47 =	vsub.f32 v33, v32;
	v48 =	vsub.f32 v35, v34  }
0x2eb: {  	v49 =	vsub.f32 v38, v37;
	v50 =	vsub.f32 v40, v39;
	v3 =	vmul.f32 v31, v3  }
0x2ec: {  	v51 =	vsub.f32 v43, v42;
	v5 =	vmul.f32 v5, v31;
	v8 =	vmul.f32 v48, v36  }
0x2ed: {  	v53 =	vsub.f32 v19, v44;
	v10 =	vmul.f32 v41, v49;
	v13 =	vmul.f32 v50, v41  }
0x2ee: {  	v52 =	vld [tilespmem:$0x7C0];
	v56 =	vmul.f32 v46, v51;
	v2 =	vadd.f32 v3, v27;
	v45 =	vadd.f32 v5, v29  }
0x2ef: {  	v58 =	vld [tilespmem:$0x7E0];
	v5 =	vmul.f32 v36, v47;
	v54 =	vadd.f32 v8, v34;
	v10 =	vadd.f32 v10, v37  }
0x2f0: {  	v55 =	vld [tilespmem:$0x7D0];
	v4 =	vmul.f32 v53, v46;
	v57 =	vadd.f32 v13, v39;
	v9 =	vadd.f32 v56, v42  }
0x2f1: {  	v59 =	vld [tilespmem:$0x7F0];
	v5 =	vadd.f32 v5, v32;
	v3 =	vsub.f32 v45, v2  }
0x2f2: {  	v4 =	vadd.f32 v4, v44;
	v61 =	vsub.f32 v57, v10  }
0x2f3: {  	v60 =	vsub.f32 v54, v5;
	v3 =	vmul.f32 v3, v52  }
0x2f4: {  	v4 =	vsub.f32 v4, v9;
	v62 =	vmul.f32 v61, v58  }
0x2f5: {  	v6 =	vmul.f32 v60, v55;
	v2 =	vadd.f32 v3, v2  }
0x2f6: {  	v4 =	vmul.f32 v4, v59;
	v3 =	vadd.f32 v62, v10  }
0x2f7: {  	v5 =	vadd.f32 v6, v5;
	v2 =	vmul.f32 v2, v0  }
0x2f8: {  	v4 =	vadd.f32 v4, v9;
	v3 =	vmul.f32 v3, v0  }
0x2f9: {  	v5 =	vmul.f32 v5, v0;
	v2 =	vadd.f32 v2, v1  }
0x2fa: {  	v0 =	vmul.f32 v4, v0;
	v63 =	vadd.f32 v3, v1  }
0x2fb: {  	v5 =	vadd.f32 v5, v1;
	[tilespmem:$0x9C0] =	vst v2  }
0x2fc: {  	v0 =	vadd.f32 v0, v1;
	[tilespmem:$0x9E0] =	vst v63  }
0x2fd: {  	[tilespmem:$0x9D0] =	vst v5  }
0x2fe: {  	[tilespmem:$0x9F0] =	vst v0  }
0x2ff: {  	_ =	swait.ge [sflag:s9], $0x100  }
0x300: {  	p0 =	sne.s32 s6, $0x1;
	[sflag:s9] =	ssyncset.done $0x0  }
.Ltmp0:
0x301: {  	[sflag:s9] =	ssyncadd.s32 $0xFFFFFF00;
	(pc) =	sbr.rel @p0 .LBB2_1-.Ltmp0, $4  }
0x302: {  	[hbm4b:s5+s2] =	stream.linear.scatter [tilespmem:s31], [sflag:$0x4], $0x100, $0x38;
	[tilespmem:$0x1A80] =	vst v63  }
0x303: {  	_ =	swait.ge [sflag:s0], $0x100  }
0x304: {  	[sflag:s0] =	ssyncset.done $0x0  }
0x305: {  	s6 =	sadd.s32 $0xFFFFFFFF, s6;
	[sflag:s0] =	ssyncadd.s32 $0xFFFFFF00  }
0x306: {  	_ =	sfence.sel $0x180000  }
0x307: {  	[bflag:$0x0] =	sbarrier.arrive $0xFFFF  }
0x308: {  	_ =	strace $0x90000047  }
0x309: {  	s0 =	stileid.u32;
	[bflag:$0x2] =	sbarrier.arrive $0xFFFF  }
0x30a: {  	p0 =	sne.s32 s0, $0x0;
	s0 =	rddreg [dreg:$0x5]  }
0x30b: {  	s0 =	sadd.s32 @!p0 $0x100000, s0  }
0x30c: {  	[sflag:s0] =	ssyncadd.tile.s32 @!p0 $0x1;
	_ =	shalt  }
.Lfunc_end2:
_tile_overlayer_lowered:
.L_overlay_start_2:
0x30d: {  	(tag) =	ssettag $0x2  }
0x30e: {  	s0 =	rddreg [dreg:$0x0];
	s2 =	stileid.u32  }
0x30f: {  	s1 =	rddreg [dreg:$0x1];
	p0 =	sne.s32 s2, $0x0  }
0x310: {  	s3 =	rddreg [dreg:$0x2];
	[bflag:$0x3] =	sbarrier.arrive $0xFFFF;
	s2 =	simm.s32 @!p0 $0x1C04  }
0x311: {  	[timem:s3], [sflag:s2] =	dma.local @!p0 [hbm:s0], s1  }
0x312: {  	s0 =	simm.s32 @!p0 $0x4  }
0x313: {  	_ =	swait.ge @!p0 [sflag:s0], s1  }
0x314: {  	s1 =	ssub.s32 @!p0 $0x0, s1;
	[sflag:s0] =	ssyncset.done @!p0 $0x0  }
0x315: {  	[sflag:s0] =	ssyncadd.s32 @!p0 s1  }
0x316: {  	[bflag:$0x3] =	sbarrier.arrive $0xFFFF  }
0x317: {  	_ =	shalt  }

</sc_bundles>
